<compile_context>
chip_gen: v7x
topology: tpu7x:2x2x1
jax: 0.10.2.dev20260603
libtpu: 0.0.44.dev20260713+nightly
codegen_flags: <defaults>
</compile_context>

<pallas_src>
import functools

import jax
import jax.numpy as jnp
import numpy as np
from jax import lax
from jax.experimental import pallas as pl
from jax.experimental.pallas import tpu as pltpu
from jax.experimental.pallas import tpu_sc as plsc

_N = 8192
_M = 256
_K = 256
_R = 0.4
_C = 64
_D = 128
_L = 16
_NSUB = 32
_CPW = _M // _NSUB


def _sq_radius_threshold() -> float:
    r = np.float32(_R)
    t = r * r
    while np.sqrt(np.float32(t)) <= r:
        t = np.nextafter(t, np.float32(np.inf), dtype=np.float32)
    while np.sqrt(np.float32(t)) > r:
        t = np.nextafter(t, -np.float32(np.inf), dtype=np.float32)
    return float(t)


_T = _sq_radius_threshold()


def _fps_centroids(coords, key):
    n = coords.shape[0]
    first = jax.random.randint(jax.random.fold_in(key, 0), (), 0, n)
    first = first.astype(jnp.int32)
    sampled = jnp.zeros((_M,), jnp.int32).at[0].set(first)
    dists = jnp.full((n,), jnp.inf, dtype=jnp.float32)
    us = jax.vmap(
        lambda i: jax.random.uniform(jax.random.fold_in(key, i), (),
                                     dtype=jnp.float32)
    )(jnp.arange(1, _M))

    def body(i, state):
        dists, sampled, last = state
        d = jnp.linalg.norm(coords - coords[last], axis=1)
        dists = jnp.minimum(dists, d)
        dsq = dists ** 2
        p_cuml = jnp.cumsum(dsq / jnp.sum(dsq))
        r = p_cuml[-1] * (1 - us[i - 1])
        sel = jnp.sum(p_cuml < r).astype(jnp.int32)
        sampled = sampled.at[i].set(sel)
        return (dists, sampled, sel)

    _, sampled, _ = jax.lax.fori_loop(1, _M, body, (dists, sampled, first),
                                      unroll=8)
    return sampled



def _sc_group_body(px_h, py_h, pz_h, cx_h, cy_h, cz_h, ci_h, tab_h, g_h,
                   pxv, pyv, pzv, cxv, cyv, czv, civ, idxf, idxb, rows0,
                   rows1, sem, osem):
    wid = lax.axis_index("s") * 2 + lax.axis_index("c")
    pltpu.sync_copy(px_h, pxv)
    pltpu.sync_copy(py_h, pyv)
    pltpu.sync_copy(pz_h, pzv)
    pltpu.sync_copy(cx_h, cxv)
    pltpu.sync_copy(cy_h, cyv)
    pltpu.sync_copy(cz_h, czv)
    pltpu.sync_copy(ci_h, civ)
    lanes = lax.iota(jnp.int32, _L)
    rows_bufs = (rows0, rows1)
    out_cps = []

    for k in range(_CPW):
        rows = rows_bufs[k % 2]
        c = wid * _CPW + k
        cvec = jnp.full((_L,), c, jnp.int32)
        cx = plsc.load_gather(cxv, [cvec])
        cy = plsc.load_gather(cyv, [cvec])
        cz = plsc.load_gather(czv, [cvec])
        ci = plsc.load_gather(civ, [cvec])
        for j in range(288 // _L):
            idxf[pl.ds(j * _L, _L)] = ci

        def step(j, off):
            base = j * _L
            px = pxv[pl.ds(base, _L)]
            py = pyv[pl.ds(base, _L)]
            pz = pzv[pl.ds(base, _L)]
            dx = px - cx
            dy = py - cy
            dz = pz - cz
            s = (dx * dx + dy * dy) + dz * dz
            m = s <= _T
            offc = jnp.minimum(off, _K)
            plsc.store_compressed(idxf.at[pl.ds(offc, _L)], base + lanes,
                                  mask=m)
            return off + plsc.all_reduce_population_count(m)[0]

        lax.fori_loop(0, _N // _L, step, jnp.int32(0), unroll=4)
        for t in range(2):
            for j in range(128 // _L):
                idxb[t, pl.ds(j * _L, _L)] = idxf[pl.ds(t * 128 + j * _L, _L)]
        if k >= 2:
            out_cps[k - 2].wait()
        cp0 = pltpu.async_copy(tab_h.at[idxb.at[0]], rows.at[pl.ds(0, 128)], sem)
        cp1 = pltpu.async_copy(tab_h.at[idxb.at[1]], rows.at[pl.ds(128, 128)], sem)
        cp0.wait()
        cp1.wait()
        out_cps.append(
            pltpu.async_copy(rows, g_h.at[pl.ds(c * _K, _K)], osem))
    out_cps[_CPW - 2].wait()
    out_cps[_CPW - 1].wait()


@functools.cache
def _sc_group():
    mesh = plsc.VectorSubcoreMesh(core_axis_name="c", subcore_axis_name="s",
                                  num_cores=2, num_subcores=16)
    return pl.kernel(
        _sc_group_body,
        out_type=jax.ShapeDtypeStruct((_M * _K, _D), jnp.float32),
        mesh=mesh,
        compiler_params=pltpu.CompilerParams(needs_layout_passes=False),
        scratch_types=[
            pltpu.VMEM((_N,), jnp.float32),
            pltpu.VMEM((_N,), jnp.float32),
            pltpu.VMEM((_N,), jnp.float32),
            pltpu.VMEM((_M,), jnp.float32),
            pltpu.VMEM((_M,), jnp.float32),
            pltpu.VMEM((_M,), jnp.float32),
            pltpu.VMEM((_M,), jnp.int32),
            pltpu.VMEM((288,), jnp.int32),
            pltpu.VMEM((2, 128), jnp.int32),
            pltpu.VMEM((_K, _D), jnp.float32),
            pltpu.VMEM((_K, _D), jnp.float32),
            pltpu.SemaphoreType.DMA,
            pltpu.SemaphoreType.DMA,
        ],
    )



_GB = 8


def _mlp_body(g_ref, cent_ref, w1_ref, w1h_ref, b1_ref, w2_ref, b2_ref,
              w3_ref, b3_ref, out_ref):
    f32 = jnp.float32
    hi = None

    def mm(a, b):
        return lax.dot_general(a, b, (((1,), (0,)), ((), ())),
                               precision=hi, preferred_element_type=f32)

    g = g_ref[...]
    x1 = mm(g, w1_ref[...]) + b1_ref[0:1, :]
    cadj = mm(cent_ref[...], w1h_ref[...])
    cfull = jnp.concatenate(
        [jnp.broadcast_to(cadj[k:k + 1, :], (_K, 128)) for k in range(_GB)],
        axis=0)
    h1 = jnp.maximum(x1 - cfull, 0.0)
    h2 = jnp.maximum(mm(h1, w2_ref[...]) + b2_ref[0:1, :], 0.0)
    h3 = jnp.maximum(mm(h2, w3_ref[...]) + b3_ref[0:1, :], 0.0)
    for k in range(_GB):
        out_ref[pl.ds(k, 1), :] = jnp.max(
            h3[k * _K:(k + 1) * _K, :], axis=0, keepdims=True)


def _mlp_pool(gm, centpad, w1p, w1h, b1, w2, b2, w3, b3):
    grid = (_M // _GB,)
    full = lambda shape: pl.BlockSpec(shape, lambda i: (0, 0))
    return pl.pallas_call(
        _mlp_body,
        grid=grid,
        in_specs=[
            pl.BlockSpec((_GB * _K, _D), lambda i: (i, 0)),
            pl.BlockSpec((_GB, 128), lambda i: (i, 0)),
            full((_D, 128)),
            full((128, 128)),
            full((8, 128)),
            full((128, 128)),
            full((8, 128)),
            full((128, 256)),
            full((8, 256)),
        ],
        out_specs=pl.BlockSpec((_GB, 256), lambda i: (i, 0)),
        out_shape=jax.ShapeDtypeStruct((_M, 256), jnp.float32),
    )(gm, centpad, w1p, w1h, b1, w2, b2, w3, b3)


def kernel(coordinates, features, W1, b1, W2, b2, W3, b3):
    key = jax.random.key(42)
    cidx = _fps_centroids(coordinates, key)
    cent = coordinates[cidx]

    tab = jnp.concatenate(
        [coordinates, features, jnp.zeros((_N, _D - 3 - _C), jnp.float32)],
        axis=1)
    gm = _sc_group()(coordinates[:, 0], coordinates[:, 1], coordinates[:, 2],
                     cent[:, 0], cent[:, 1], cent[:, 2],
                     cidx.astype(jnp.int32), tab)

    centpad = jnp.zeros((_M, 128), jnp.float32).at[:, :3].set(cent)
    w1p = jnp.zeros((_D, 128), jnp.float32).at[:3 + _C].set(W1)
    w1h = jnp.zeros((128, 128), jnp.float32).at[:3].set(W1[:3])
    bb = lambda b: jnp.broadcast_to(b[None, :], (8, b.shape[0]))
    pooled = _mlp_pool(gm, centpad, w1p, w1h, bb(b1), W2, bb(b2), W3, bb(b3))
    return jnp.concatenate([cent, pooled], axis=1)

# --- scband reference (transcript-rebuilt; emitter-appended) ---
"""Pipeline reference for scband-set-abstraction-9998683865703 (READ-ONLY COPY).

The authoritative reference and input builder live on the scoring server;
editing this copy changes nothing except your own understanding.
"""

import jax, jax.numpy as jnp
import numpy as np

N_POINTS = 8192
NUM_CENTROIDS = 256
K = 256
R = 0.4
C = 64
LAYERS = [128, 128, 256]


def sample_centroids(coords, key):
    # Probabilistic farthest-point-style sampling (matches custom_sampling_layer):
    # iteratively sample the next centroid with prob proportional to squared
    # min-distance to the already-selected set. Already-selected points get
    # min-dist 0, hence probability 0 (equivalent to deleting them).
    n = coords.shape[0]
    first = jax.random.randint(jax.random.fold_in(key, 0), (), 0, n)
    sampled = jnp.zeros((NUM_CENTROIDS,), jnp.int32).at[0].set(first.astype(jnp.int32))
    dists = jnp.full((n,), jnp.inf, dtype=jnp.float32)

    def body(i, state):
        dists, sampled = state
        last = sampled[i - 1]
        d = jnp.linalg.norm(coords - coords[last], axis=1)
        dists = jnp.minimum(dists, d)
        probs = dists ** 2 / jnp.sum(dists ** 2)
        sel = jax.random.choice(jax.random.fold_in(key, i), n, p=probs)
        sampled = sampled.at[i].set(sel.astype(jnp.int32))
        return (dists, sampled)

    dists, sampled = jax.lax.fori_loop(1, NUM_CENTROIDS, body, (dists, sampled))
    return sampled


def ball_group(coords, centroid_coords):
    # For each centroid: indices of the first K points within radius R
    # (matches ball_query's boolean-mask-then-[:K] semantics), plus validity mask.
    n = coords.shape[0]

    def one(c):
        d = jnp.linalg.norm(coords - c, axis=1)
        valid = d <= R
        score = jnp.where(valid, jnp.arange(n, dtype=jnp.int32), jnp.int32(n))
        neg_vals, _ = jax.lax.top_k(-score, K)
        pidx = -neg_vals
        mask = pidx < n
        pidx = jnp.minimum(pidx, n - 1)
        return pidx, mask

    return jax.vmap(one)(centroid_coords)


def setup_inputs(seed: int = 0) -> dict:
    key = jax.random.key(seed)
    ks = jax.random.split(key, 8)
    coordinates = jax.random.normal(ks[0], (N_POINTS, 3), dtype=jnp.float32)
    features = jax.random.normal(ks[1], (N_POINTS, C), dtype=jnp.float32)
    dims = [3 + C] + LAYERS
    params = {}
    for i in range(3):
        fan_in = dims[i]
        params['W%d' % (i + 1)] = jax.random.normal(ks[2 + 2 * i], (dims[i], dims[i + 1]), dtype=jnp.float32) / np.sqrt(fan_in)
        params['b%d' % (i + 1)] = jnp.zeros((dims[i + 1],), dtype=jnp.float32)
    out = {'coordinates': coordinates, 'features': features}
    out.update(params)
    return out


def reference(coordinates, features, W1, b1, W2, b2, W3, b3):
    key = jax.random.key(42)
    cidx = sample_centroids(coordinates, key)
    cent = coordinates[cidx]
    pidx, mask = ball_group(coordinates, cent)
    # region coords are re-centered on the centroid (transform step)
    gc = coordinates[pidx] - cent[:, None, :]
    gf = features[pidx]
    g = jnp.concatenate([gc, gf], axis=-1)
    h = jax.nn.relu(g @ W1 + b1)
    h = jax.nn.relu(h @ W2 + b2)
    h = jax.nn.relu(h @ W3 + b3)
    h = jnp.where(mask[:, :, None], h, -jnp.inf)
    pooled = jnp.max(h, axis=1)
    return jnp.concatenate([cent, pooled], axis=1)

if __name__ == "__main__":
    import jax
    _d = setup_inputs()
    print(jax.jit(kernel)(*tuple(_d.values())))

</pallas_src>

<mosaic_0001>
#map = affine_map<(d0, d1) -> (0)>
#map1 = affine_map<(d0, d1) -> (0, 0)>
module attributes {stable_mosaic.version = 14 : i64} {
  func.func @_sc_group_body(%arg0: i32, %arg1: i32, %arg2: memref<8192xf32, #tpu.memory_space<hbm>>, %arg3: memref<8192xf32, #tpu.memory_space<hbm>>, %arg4: memref<8192xf32, #tpu.memory_space<hbm>>, %arg5: memref<256xf32, #tpu.memory_space<hbm>>, %arg6: memref<256xf32, #tpu.memory_space<hbm>>, %arg7: memref<256xf32, #tpu.memory_space<hbm>>, %arg8: memref<256xi32, #tpu.memory_space<hbm>>, %arg9: memref<8192x128xf32, #tpu.memory_space<hbm>>, %arg10: memref<65536x128xf32, #tpu.memory_space<hbm>>, %arg11: memref<8192xf32, #tpu.memory_space<vmem>>, %arg12: memref<8192xf32, #tpu.memory_space<vmem>>, %arg13: memref<8192xf32, #tpu.memory_space<vmem>>, %arg14: memref<256xf32, #tpu.memory_space<vmem>>, %arg15: memref<256xf32, #tpu.memory_space<vmem>>, %arg16: memref<256xf32, #tpu.memory_space<vmem>>, %arg17: memref<256xi32, #tpu.memory_space<vmem>>, %arg18: memref<288xi32, #tpu.memory_space<vmem>>, %arg19: memref<2x128xi32, #tpu.memory_space<vmem>>, %arg20: memref<256x128xf32, #tpu.memory_space<vmem>>, %arg21: memref<256x128xf32, #tpu.memory_space<vmem>>, %arg22: memref<!tpu.dma_semaphore, #tpu.memory_space<semaphore_mem>>, %arg23: memref<!tpu.dma_semaphore, #tpu.memory_space<semaphore_mem>>) attributes {dimension_semantics = [#tpu.dimension_semantics<core_parallel>, #tpu.dimension_semantics<subcore_parallel>], iteration_bounds = array<i64: 2, 16>, scalar_prefetch = 0 : i64, scratch_operands = 13 : i64, tpu.core_type = #tpu.core_type<sc_vector_subcore>, window_params = [{transform_indices = #map}, {transform_indices = #map}, {transform_indices = #map}, {transform_indices = #map}, {transform_indices = #map}, {transform_indices = #map}, {transform_indices = #map}, {transform_indices = #map1}, {transform_indices = #map1}]} {
    %mul3A = arith.constant 2 : i32
    %mul3A_0 = arith.muli %arg1, %mul3A : i32
    %add3A = arith.addi %mul3A_0, %arg0 : i32
    "tpu.region"() ({
      %run_scoped3A = tpu.sem_alloc : memref<!tpu.dma_semaphore, #tpu.memory_space<semaphore_mem>>
      tpu.enqueue_dma source(%arg2 : memref<8192xf32, #tpu.memory_space<hbm>>) target(%arg11 : memref<8192xf32, #tpu.memory_space<vmem>>) target_semaphore(%run_scoped3A : memref<!tpu.dma_semaphore, #tpu.memory_space<semaphore_mem>>)
      tpu.wait_dma2 semaphore(%run_scoped3A : memref<!tpu.dma_semaphore, #tpu.memory_space<semaphore_mem>>) src(%arg2 : memref<8192xf32, #tpu.memory_space<hbm>>) dst(%arg11 : memref<8192xf32, #tpu.memory_space<vmem>>)
      tpu.yield
    }) : () -> ()
    "tpu.region"() ({
      %run_scoped3A = tpu.sem_alloc : memref<!tpu.dma_semaphore, #tpu.memory_space<semaphore_mem>>
      tpu.enqueue_dma source(%arg3 : memref<8192xf32, #tpu.memory_space<hbm>>) target(%arg12 : memref<8192xf32, #tpu.memory_space<vmem>>) target_semaphore(%run_scoped3A : memref<!tpu.dma_semaphore, #tpu.memory_space<semaphore_mem>>)
      tpu.wait_dma2 semaphore(%run_scoped3A : memref<!tpu.dma_semaphore, #tpu.memory_space<semaphore_mem>>) src(%arg3 : memref<8192xf32, #tpu.memory_space<hbm>>) dst(%arg12 : memref<8192xf32, #tpu.memory_space<vmem>>)
      tpu.yield
    }) : () -> ()
    "tpu.region"() ({
      %run_scoped3A = tpu.sem_alloc : memref<!tpu.dma_semaphore, #tpu.memory_space<semaphore_mem>>
      tpu.enqueue_dma source(%arg4 : memref<8192xf32, #tpu.memory_space<hbm>>) target(%arg13 : memref<8192xf32, #tpu.memory_space<vmem>>) target_semaphore(%run_scoped3A : memref<!tpu.dma_semaphore, #tpu.memory_space<semaphore_mem>>)
      tpu.wait_dma2 semaphore(%run_scoped3A : memref<!tpu.dma_semaphore, #tpu.memory_space<semaphore_mem>>) src(%arg4 : memref<8192xf32, #tpu.memory_space<hbm>>) dst(%arg13 : memref<8192xf32, #tpu.memory_space<vmem>>)
      tpu.yield
    }) : () -> ()
    "tpu.region"() ({
      %run_scoped3A = tpu.sem_alloc : memref<!tpu.dma_semaphore, #tpu.memory_space<semaphore_mem>>
      tpu.enqueue_dma source(%arg5 : memref<256xf32, #tpu.memory_space<hbm>>) target(%arg14 : memref<256xf32, #tpu.memory_space<vmem>>) target_semaphore(%run_scoped3A : memref<!tpu.dma_semaphore, #tpu.memory_space<semaphore_mem>>)
      tpu.wait_dma2 semaphore(%run_scoped3A : memref<!tpu.dma_semaphore, #tpu.memory_space<semaphore_mem>>) src(%arg5 : memref<256xf32, #tpu.memory_space<hbm>>) dst(%arg14 : memref<256xf32, #tpu.memory_space<vmem>>)
      tpu.yield
    }) : () -> ()
    "tpu.region"() ({
      %run_scoped3A = tpu.sem_alloc : memref<!tpu.dma_semaphore, #tpu.memory_space<semaphore_mem>>
      tpu.enqueue_dma source(%arg6 : memref<256xf32, #tpu.memory_space<hbm>>) target(%arg15 : memref<256xf32, #tpu.memory_space<vmem>>) target_semaphore(%run_scoped3A : memref<!tpu.dma_semaphore, #tpu.memory_space<semaphore_mem>>)
      tpu.wait_dma2 semaphore(%run_scoped3A : memref<!tpu.dma_semaphore, #tpu.memory_space<semaphore_mem>>) src(%arg6 : memref<256xf32, #tpu.memory_space<hbm>>) dst(%arg15 : memref<256xf32, #tpu.memory_space<vmem>>)
      tpu.yield
    }) : () -> ()
    "tpu.region"() ({
      %run_scoped3A = tpu.sem_alloc : memref<!tpu.dma_semaphore, #tpu.memory_space<semaphore_mem>>
      tpu.enqueue_dma source(%arg7 : memref<256xf32, #tpu.memory_space<hbm>>) target(%arg16 : memref<256xf32, #tpu.memory_space<vmem>>) target_semaphore(%run_scoped3A : memref<!tpu.dma_semaphore, #tpu.memory_space<semaphore_mem>>)
      tpu.wait_dma2 semaphore(%run_scoped3A : memref<!tpu.dma_semaphore, #tpu.memory_space<semaphore_mem>>) src(%arg7 : memref<256xf32, #tpu.memory_space<hbm>>) dst(%arg16 : memref<256xf32, #tpu.memory_space<vmem>>)
      tpu.yield
    }) : () -> ()
    "tpu.region"() ({
      %run_scoped3A = tpu.sem_alloc : memref<!tpu.dma_semaphore, #tpu.memory_space<semaphore_mem>>
      tpu.enqueue_dma source(%arg8 : memref<256xi32, #tpu.memory_space<hbm>>) target(%arg17 : memref<256xi32, #tpu.memory_space<vmem>>) target_semaphore(%run_scoped3A : memref<!tpu.dma_semaphore, #tpu.memory_space<semaphore_mem>>)
      tpu.wait_dma2 semaphore(%run_scoped3A : memref<!tpu.dma_semaphore, #tpu.memory_space<semaphore_mem>>) src(%arg8 : memref<256xi32, #tpu.memory_space<hbm>>) dst(%arg17 : memref<256xi32, #tpu.memory_space<vmem>>)
      tpu.yield
    }) : () -> ()
    %iota3A = tpu.iota {dimensions = array<i32: 0>} : vector<16xi32>
    %mul3A_1 = arith.constant 8 : i32
    %mul3A_2 = arith.muli %add3A, %mul3A_1 : i32
    %add3A_3 = arith.constant 0 : i32
    %add3A_4 = arith.addi %mul3A_2, %add3A_3 : i32
    %broadcast_in_dim3A = vector.broadcast %add3A_4 : i32 to vector<16xi32>
    %gather3A = tpu.vector_load_idx %arg14[%broadcast_in_dim3A] : memref<256xf32, #tpu.memory_space<vmem>>[vector<16xi32>], vector<16xf32>,
    %gather3A_5 = tpu.vector_load_idx %arg15[%broadcast_in_dim3A] : memref<256xf32, #tpu.memory_space<vmem>>[vector<16xi32>], vector<16xf32>,
    %gather3A_6 = tpu.vector_load_idx %arg16[%broadcast_in_dim3A] : memref<256xf32, #tpu.memory_space<vmem>>[vector<16xi32>], vector<16xf32>,
    %gather3A_7 = tpu.vector_load_idx %arg17[%broadcast_in_dim3A] : memref<256xi32, #tpu.memory_space<vmem>>[vector<16xi32>], vector<16xi32>,
    %swap3A = arith.constant 0 : index
    %swap3A_8 = tpu.vector_load %arg18[%swap3A] {strides = array<i32>} : memref<288xi32, #tpu.memory_space<vmem>>, vector<16xi32>,
    tpu.vector_store %arg18[%swap3A], %gather3A_7 {strides = array<i32>} : memref<288xi32, #tpu.memory_space<vmem>>, vector<16xi32>,
    %swap3A_9 = arith.constant 16 : index
    %swap3A_10 = tpu.vector_load %arg18[%swap3A_9] {strides = array<i32>} : memref<288xi32, #tpu.memory_space<vmem>>, vector<16xi32>,
    tpu.vector_store %arg18[%swap3A_9], %gather3A_7 {strides = array<i32>} : memref<288xi32, #tpu.memory_space<vmem>>, vector<16xi32>,
    %swap3A_11 = arith.constant 32 : index
    %swap3A_12 = tpu.vector_load %arg18[%swap3A_11] {strides = array<i32>} : memref<288xi32, #tpu.memory_space<vmem>>, vector<16xi32>,
    tpu.vector_store %arg18[%swap3A_11], %gather3A_7 {strides = array<i32>} : memref<288xi32, #tpu.memory_space<vmem>>, vector<16xi32>,
    %swap3A_13 = arith.constant 48 : index
    %swap3A_14 = tpu.vector_load %arg18[%swap3A_13] {strides = array<i32>} : memref<288xi32, #tpu.memory_space<vmem>>, vector<16xi32>,
    tpu.vector_store %arg18[%swap3A_13], %gather3A_7 {strides = array<i32>} : memref<288xi32, #tpu.memory_space<vmem>>, vector<16xi32>,
    %swap3A_15 = arith.constant 64 : index
    %swap3A_16 = tpu.vector_load %arg18[%swap3A_15] {strides = array<i32>} : memref<288xi32, #tpu.memory_space<vmem>>, vector<16xi32>,
    tpu.vector_store %arg18[%swap3A_15], %gather3A_7 {strides = array<i32>} : memref<288xi32, #tpu.memory_space<vmem>>, vector<16xi32>,
    %swap3A_17 = arith.constant 80 : index
    %swap3A_18 = tpu.vector_load %arg18[%swap3A_17] {strides = array<i32>} : memref<288xi32, #tpu.memory_space<vmem>>, vector<16xi32>,
    tpu.vector_store %arg18[%swap3A_17], %gather3A_7 {strides = array<i32>} : memref<288xi32, #tpu.memory_space<vmem>>, vector<16xi32>,
    %swap3A_19 = arith.constant 96 : index
    %swap3A_20 = tpu.vector_load %arg18[%swap3A_19] {strides = array<i32>} : memref<288xi32, #tpu.memory_space<vmem>>, vector<16xi32>,
    tpu.vector_store %arg18[%swap3A_19], %gather3A_7 {strides = array<i32>} : memref<288xi32, #tpu.memory_space<vmem>>, vector<16xi32>,
    %swap3A_21 = arith.constant 112 : index
    %swap3A_22 = tpu.vector_load %arg18[%swap3A_21] {strides = array<i32>} : memref<288xi32, #tpu.memory_space<vmem>>, vector<16xi32>,
    tpu.vector_store %arg18[%swap3A_21], %gather3A_7 {strides = array<i32>} : memref<288xi32, #tpu.memory_space<vmem>>, vector<16xi32>,
    %swap3A_23 = arith.constant 128 : index
    %swap3A_24 = tpu.vector_load %arg18[%swap3A_23] {strides = array<i32>} : memref<288xi32, #tpu.memory_space<vmem>>, vector<16xi32>,
    tpu.vector_store %arg18[%swap3A_23], %gather3A_7 {strides = array<i32>} : memref<288xi32, #tpu.memory_space<vmem>>, vector<16xi32>,
    %swap3A_25 = arith.constant 144 : index
    %swap3A_26 = tpu.vector_load %arg18[%swap3A_25] {strides = array<i32>} : memref<288xi32, #tpu.memory_space<vmem>>, vector<16xi32>,
    tpu.vector_store %arg18[%swap3A_25], %gather3A_7 {strides = array<i32>} : memref<288xi32, #tpu.memory_space<vmem>>, vector<16xi32>,
    %swap3A_27 = arith.constant 160 : index
    %swap3A_28 = tpu.vector_load %arg18[%swap3A_27] {strides = array<i32>} : memref<288xi32, #tpu.memory_space<vmem>>, vector<16xi32>,
    tpu.vector_store %arg18[%swap3A_27], %gather3A_7 {strides = array<i32>} : memref<288xi32, #tpu.memory_space<vmem>>, vector<16xi32>,
    %swap3A_29 = arith.constant 176 : index
    %swap3A_30 = tpu.vector_load %arg18[%swap3A_29] {strides = array<i32>} : memref<288xi32, #tpu.memory_space<vmem>>, vector<16xi32>,
    tpu.vector_store %arg18[%swap3A_29], %gather3A_7 {strides = array<i32>} : memref<288xi32, #tpu.memory_space<vmem>>, vector<16xi32>,
    %swap3A_31 = arith.constant 192 : index
    %swap3A_32 = tpu.vector_load %arg18[%swap3A_31] {strides = array<i32>} : memref<288xi32, #tpu.memory_space<vmem>>, vector<16xi32>,
    tpu.vector_store %arg18[%swap3A_31], %gather3A_7 {strides = array<i32>} : memref<288xi32, #tpu.memory_space<vmem>>, vector<16xi32>,
    %swap3A_33 = arith.constant 208 : index
    %swap3A_34 = tpu.vector_load %arg18[%swap3A_33] {strides = array<i32>} : memref<288xi32, #tpu.memory_space<vmem>>, vector<16xi32>,
    tpu.vector_store %arg18[%swap3A_33], %gather3A_7 {strides = array<i32>} : memref<288xi32, #tpu.memory_space<vmem>>, vector<16xi32>,
    %swap3A_35 = arith.constant 224 : index
    %swap3A_36 = tpu.vector_load %arg18[%swap3A_35] {strides = array<i32>} : memref<288xi32, #tpu.memory_space<vmem>>, vector<16xi32>,
    tpu.vector_store %arg18[%swap3A_35], %gather3A_7 {strides = array<i32>} : memref<288xi32, #tpu.memory_space<vmem>>, vector<16xi32>,
    %swap3A_37 = arith.constant 240 : index
    %swap3A_38 = tpu.vector_load %arg18[%swap3A_37] {strides = array<i32>} : memref<288xi32, #tpu.memory_space<vmem>>, vector<16xi32>,
    tpu.vector_store %arg18[%swap3A_37], %gather3A_7 {strides = array<i32>} : memref<288xi32, #tpu.memory_space<vmem>>, vector<16xi32>,
    %swap3A_39 = arith.constant 256 : index
    %swap3A_40 = tpu.vector_load %arg18[%swap3A_39] {strides = array<i32>} : memref<288xi32, #tpu.memory_space<vmem>>, vector<16xi32>,
    tpu.vector_store %arg18[%swap3A_39], %gather3A_7 {strides = array<i32>} : memref<288xi32, #tpu.memory_space<vmem>>, vector<16xi32>,
    %swap3A_41 = arith.constant 272 : index
    %swap3A_42 = tpu.vector_load %arg18[%swap3A_41] {strides = array<i32>} : memref<288xi32, #tpu.memory_space<vmem>>, vector<16xi32>,
    tpu.vector_store %arg18[%swap3A_41], %gather3A_7 {strides = array<i32>} : memref<288xi32, #tpu.memory_space<vmem>>, vector<16xi32>,
    %scan3A = arith.constant 0 : i32
    %scan3A_43 = arith.constant 0 : i32
    %scan3A_44 = arith.constant 512 : i32
    %scan3A_45 = arith.addi %scan3A_43, %scan3A_44 : i32
    %scan3A_46 = arith.constant 4 : i32
    %scan3A_47 = scf.for %scan3A_1578 = %scan3A_43 to %scan3A_45 step %scan3A_46 iter_args(%scan3A_1579 = %scan3A) -> (i32)  : i32 {
      %mul3A_1580 = arith.constant 16 : i32
      %mul3A_1581 = arith.muli %scan3A_1578, %mul3A_1580 : i32
      %get3A_1582 = arith.index_cast %mul3A_1581 : i32 to index
      %get3A_1583 = tpu.vector_load %arg11[%get3A_1582] {strides = array<i32>} : memref<8192xf32, #tpu.memory_space<vmem>>, vector<16xf32>,
      %get3A_1584 = arith.index_cast %mul3A_1581 : i32 to index
      %get3A_1585 = tpu.vector_load %arg12[%get3A_1584] {strides = array<i32>} : memref<8192xf32, #tpu.memory_space<vmem>>, vector<16xf32>,
      %get3A_1586 = arith.index_cast %mul3A_1581 : i32 to index
      %get3A_1587 = tpu.vector_load %arg13[%get3A_1586] {strides = array<i32>} : memref<8192xf32, #tpu.memory_space<vmem>>, vector<16xf32>,
      %sub3A = arith.subf %get3A_1583, %gather3A : vector<16xf32>
      %sub3A_1588 = arith.subf %get3A_1585, %gather3A_5 : vector<16xf32>
      %sub3A_1589 = arith.subf %get3A_1587, %gather3A_6 : vector<16xf32>
      %mul3A_1590 = arith.mulf %sub3A, %sub3A : vector<16xf32>
      %mul3A_1591 = arith.mulf %sub3A_1588, %sub3A_1588 : vector<16xf32>
      %add3A_1592 = arith.addf %mul3A_1590, %mul3A_1591 : vector<16xf32>
      %mul3A_1593 = arith.mulf %sub3A_1589, %sub3A_1589 : vector<16xf32>
      %add3A_1594 = arith.addf %add3A_1592, %mul3A_1593 : vector<16xf32>
      %le3A = arith.constant 0.160000011 : f32
      %le3A_1595 = vector.broadcast %le3A : f32 to vector<16xf32>
      %le3A_1596 = arith.cmpf ole, %add3A_1594, %le3A_1595 : vector<16xf32>
      %min3A = arith.constant 256 : i32
      %min3A_1597 = arith.minsi %scan3A_1579, %min3A : i32
      %add3A_1598 = vector.broadcast %mul3A_1581 : i32 to vector<16xi32>
      %add3A_1599 = arith.addi %add3A_1598, %iota3A : vector<16xi32>
      %swap3A_1600 = arith.index_cast %min3A_1597 : i32 to index
      %swap3A_1601 = tpu.vector_load %arg18[%swap3A_1600] masked %le3A_1596 {strides = array<i32>} : memref<288xi32, #tpu.memory_space<vmem>>, vector<16xi32>, vector<16xi1>
      tpu.vector_store %arg18[%swap3A_1600], %add3A_1599 masked %le3A_1596 {strides = array<i32>} : memref<288xi32, #tpu.memory_space<vmem>>, vector<16xi32>, vector<16xi1>
      %all_reduce_population_count3A = tpu.all_reduce %le3A_1596 {dim = 0 : i64, kind = #tpu.reduction_kind<sum>} : vector<16xi1> -> vector<16xi32>
      %slice3A = vector.extract_strided_slice %all_reduce_population_count3A {offsets = [0], sizes = [1], strides = [1]} : vector<16xi32> to vector<1xi32>
      %squeeze3A = vector.extract %slice3A[0] : i32 from vector<1xi32>
      %add3A_1602 = arith.addi %scan3A_1579, %squeeze3A : i32
      %scan3A_1603 = arith.constant 1 : i32
      %scan3A_1604 = arith.addi %scan3A_1578, %scan3A_1603 : i32
      %mul3A_1605 = arith.constant 16 : i32
      %mul3A_1606 = arith.muli %scan3A_1604, %mul3A_1605 : i32
      %get3A_1607 = arith.index_cast %mul3A_1606 : i32 to index
      %get3A_1608 = tpu.vector_load %arg11[%get3A_1607] {strides = array<i32>} : memref<8192xf32, #tpu.memory_space<vmem>>, vector<16xf32>,
      %get3A_1609 = arith.index_cast %mul3A_1606 : i32 to index
      %get3A_1610 = tpu.vector_load %arg12[%get3A_1609] {strides = array<i32>} : memref<8192xf32, #tpu.memory_space<vmem>>, vector<16xf32>,
      %get3A_1611 = arith.index_cast %mul3A_1606 : i32 to index
      %get3A_1612 = tpu.vector_load %arg13[%get3A_1611] {strides = array<i32>} : memref<8192xf32, #tpu.memory_space<vmem>>, vector<16xf32>,
      %sub3A_1613 = arith.subf %get3A_1608, %gather3A : vector<16xf32>
      %sub3A_1614 = arith.subf %get3A_1610, %gather3A_5 : vector<16xf32>
      %sub3A_1615 = arith.subf %get3A_1612, %gather3A_6 : vector<16xf32>
      %mul3A_1616 = arith.mulf %sub3A_1613, %sub3A_1613 : vector<16xf32>
      %mul3A_1617 = arith.mulf %sub3A_1614, %sub3A_1614 : vector<16xf32>
      %add3A_1618 = arith.addf %mul3A_1616, %mul3A_1617 : vector<16xf32>
      %mul3A_1619 = arith.mulf %sub3A_1615, %sub3A_1615 : vector<16xf32>
      %add3A_1620 = arith.addf %add3A_1618, %mul3A_1619 : vector<16xf32>
      %le3A_1621 = arith.constant 0.160000011 : f32
      %le3A_1622 = vector.broadcast %le3A_1621 : f32 to vector<16xf32>
      %le3A_1623 = arith.cmpf ole, %add3A_1620, %le3A_1622 : vector<16xf32>
      %min3A_1624 = arith.constant 256 : i32
      %min3A_1625 = arith.minsi %add3A_1602, %min3A_1624 : i32
      %add3A_1626 = vector.broadcast %mul3A_1606 : i32 to vector<16xi32>
      %add3A_1627 = arith.addi %add3A_1626, %iota3A : vector<16xi32>
      %swap3A_1628 = arith.index_cast %min3A_1625 : i32 to index
      %swap3A_1629 = tpu.vector_load %arg18[%swap3A_1628] masked %le3A_1623 {strides = array<i32>} : memref<288xi32, #tpu.memory_space<vmem>>, vector<16xi32>, vector<16xi1>
      tpu.vector_store %arg18[%swap3A_1628], %add3A_1627 masked %le3A_1623 {strides = array<i32>} : memref<288xi32, #tpu.memory_space<vmem>>, vector<16xi32>, vector<16xi1>
      %all_reduce_population_count3A_1630 = tpu.all_reduce %le3A_1623 {dim = 0 : i64, kind = #tpu.reduction_kind<sum>} : vector<16xi1> -> vector<16xi32>
      %slice3A_1631 = vector.extract_strided_slice %all_reduce_population_count3A_1630 {offsets = [0], sizes = [1], strides = [1]} : vector<16xi32> to vector<1xi32>
      %squeeze3A_1632 = vector.extract %slice3A_1631[0] : i32 from vector<1xi32>
      %add3A_1633 = arith.addi %add3A_1602, %squeeze3A_1632 : i32
      %scan3A_1634 = arith.constant 2 : i32
      %scan3A_1635 = arith.addi %scan3A_1578, %scan3A_1634 : i32
      %mul3A_1636 = arith.constant 16 : i32
      %mul3A_1637 = arith.muli %scan3A_1635, %mul3A_1636 : i32
      %get3A_1638 = arith.index_cast %mul3A_1637 : i32 to index
      %get3A_1639 = tpu.vector_load %arg11[%get3A_1638] {strides = array<i32>} : memref<8192xf32, #tpu.memory_space<vmem>>, vector<16xf32>,
      %get3A_1640 = arith.index_cast %mul3A_1637 : i32 to index
      %get3A_1641 = tpu.vector_load %arg12[%get3A_1640] {strides = array<i32>} : memref<8192xf32, #tpu.memory_space<vmem>>, vector<16xf32>,
      %get3A_1642 = arith.index_cast %mul3A_1637 : i32 to index
      %get3A_1643 = tpu.vector_load %arg13[%get3A_1642] {strides = array<i32>} : memref<8192xf32, #tpu.memory_space<vmem>>, vector<16xf32>,
      %sub3A_1644 = arith.subf %get3A_1639, %gather3A : vector<16xf32>
      %sub3A_1645 = arith.subf %get3A_1641, %gather3A_5 : vector<16xf32>
      %sub3A_1646 = arith.subf %get3A_1643, %gather3A_6 : vector<16xf32>
      %mul3A_1647 = arith.mulf %sub3A_1644, %sub3A_1644 : vector<16xf32>
      %mul3A_1648 = arith.mulf %sub3A_1645, %sub3A_1645 : vector<16xf32>
      %add3A_1649 = arith.addf %mul3A_1647, %mul3A_1648 : vector<16xf32>
      %mul3A_1650 = arith.mulf %sub3A_1646, %sub3A_1646 : vector<16xf32>
      %add3A_1651 = arith.addf %add3A_1649, %mul3A_1650 : vector<16xf32>
      %le3A_1652 = arith.constant 0.160000011 : f32
      %le3A_1653 = vector.broadcast %le3A_1652 : f32 to vector<16xf32>
      %le3A_1654 = arith.cmpf ole, %add3A_1651, %le3A_1653 : vector<16xf32>
      %min3A_1655 = arith.constant 256 : i32
      %min3A_1656 = arith.minsi %add3A_1633, %min3A_1655 : i32
      %add3A_1657 = vector.broadcast %mul3A_1637 : i32 to vector<16xi32>
      %add3A_1658 = arith.addi %add3A_1657, %iota3A : vector<16xi32>
      %swap3A_1659 = arith.index_cast %min3A_1656 : i32 to index
      %swap3A_1660 = tpu.vector_load %arg18[%swap3A_1659] masked %le3A_1654 {strides = array<i32>} : memref<288xi32, #tpu.memory_space<vmem>>, vector<16xi32>, vector<16xi1>
      tpu.vector_store %arg18[%swap3A_1659], %add3A_1658 masked %le3A_1654 {strides = array<i32>} : memref<288xi32, #tpu.memory_space<vmem>>, vector<16xi32>, vector<16xi1>
      %all_reduce_population_count3A_1661 = tpu.all_reduce %le3A_1654 {dim = 0 : i64, kind = #tpu.reduction_kind<sum>} : vector<16xi1> -> vector<16xi32>
      %slice3A_1662 = vector.extract_strided_slice %all_reduce_population_count3A_1661 {offsets = [0], sizes = [1], strides = [1]} : vector<16xi32> to vector<1xi32>
      %squeeze3A_1663 = vector.extract %slice3A_1662[0] : i32 from vector<1xi32>
      %add3A_1664 = arith.addi %add3A_1633, %squeeze3A_1663 : i32
      %scan3A_1665 = arith.constant 3 : i32
      %scan3A_1666 = arith.addi %scan3A_1578, %scan3A_1665 : i32
      %mul3A_1667 = arith.constant 16 : i32
      %mul3A_1668 = arith.muli %scan3A_1666, %mul3A_1667 : i32
      %get3A_1669 = arith.index_cast %mul3A_1668 : i32 to index
      %get3A_1670 = tpu.vector_load %arg11[%get3A_1669] {strides = array<i32>} : memref<8192xf32, #tpu.memory_space<vmem>>, vector<16xf32>,
      %get3A_1671 = arith.index_cast %mul3A_1668 : i32 to index
      %get3A_1672 = tpu.vector_load %arg12[%get3A_1671] {strides = array<i32>} : memref<8192xf32, #tpu.memory_space<vmem>>, vector<16xf32>,
      %get3A_1673 = arith.index_cast %mul3A_1668 : i32 to index
      %get3A_1674 = tpu.vector_load %arg13[%get3A_1673] {strides = array<i32>} : memref<8192xf32, #tpu.memory_space<vmem>>, vector<16xf32>,
      %sub3A_1675 = arith.subf %get3A_1670, %gather3A : vector<16xf32>
      %sub3A_1676 = arith.subf %get3A_1672, %gather3A_5 : vector<16xf32>
      %sub3A_1677 = arith.subf %get3A_1674, %gather3A_6 : vector<16xf32>
      %mul3A_1678 = arith.mulf %sub3A_1675, %sub3A_1675 : vector<16xf32>
      %mul3A_1679 = arith.mulf %sub3A_1676, %sub3A_1676 : vector<16xf32>
      %add3A_1680 = arith.addf %mul3A_1678, %mul3A_1679 : vector<16xf32>
      %mul3A_1681 = arith.mulf %sub3A_1677, %sub3A_1677 : vector<16xf32>
      %add3A_1682 = arith.addf %add3A_1680, %mul3A_1681 : vector<16xf32>
      %le3A_1683 = arith.constant 0.160000011 : f32
      %le3A_1684 = vector.broadcast %le3A_1683 : f32 to vector<16xf32>
      %le3A_1685 = arith.cmpf ole, %add3A_1682, %le3A_1684 : vector<16xf32>
      %min3A_1686 = arith.constant 256 : i32
      %min3A_1687 = arith.minsi %add3A_1664, %min3A_1686 : i32
      %add3A_1688 = vector.broadcast %mul3A_1668 : i32 to vector<16xi32>
      %add3A_1689 = arith.addi %add3A_1688, %iota3A : vector<16xi32>
      %swap3A_1690 = arith.index_cast %min3A_1687 : i32 to index
      %swap3A_1691 = tpu.vector_load %arg18[%swap3A_1690] masked %le3A_1685 {strides = array<i32>} : memref<288xi32, #tpu.memory_space<vmem>>, vector<16xi32>, vector<16xi1>
      tpu.vector_store %arg18[%swap3A_1690], %add3A_1689 masked %le3A_1685 {strides = array<i32>} : memref<288xi32, #tpu.memory_space<vmem>>, vector<16xi32>, vector<16xi1>
      %all_reduce_population_count3A_1692 = tpu.all_reduce %le3A_1685 {dim = 0 : i64, kind = #tpu.reduction_kind<sum>} : vector<16xi1> -> vector<16xi32>
      %slice3A_1693 = vector.extract_strided_slice %all_reduce_population_count3A_1692 {offsets = [0], sizes = [1], strides = [1]} : vector<16xi32> to vector<1xi32>
      %squeeze3A_1694 = vector.extract %slice3A_1693[0] : i32 from vector<1xi32>
      %add3A_1695 = arith.addi %add3A_1664, %squeeze3A_1694 : i32
      scf.yield %add3A_1695 : i32
    }
    %scan3A_48 = arith.constant 512 : i32
    %get3A = arith.constant 0 : index
    %get3A_49 = tpu.vector_load %arg18[%get3A] {strides = array<i32>} : memref<288xi32, #tpu.memory_space<vmem>>, vector<16xi32>,
    %swap3A_50 = arith.constant 0 : i32
    %swap3A_51 = arith.index_cast %swap3A_50 : i32 to index
    %swap3A_52 = arith.constant 0 : index
    %swap3A_53 = tpu.vector_load %arg19[%swap3A_51, %swap3A_52] {strides = array<i32>} : memref<2x128xi32, #tpu.memory_space<vmem>>, vector<16xi32>,
    tpu.vector_store %arg19[%swap3A_51, %swap3A_52], %get3A_49 {strides = array<i32>} : memref<2x128xi32, #tpu.memory_space<vmem>>, vector<16xi32>,
    %get3A_54 = arith.constant 16 : index
    %get3A_55 = tpu.vector_load %arg18[%get3A_54] {strides = array<i32>} : memref<288xi32, #tpu.memory_space<vmem>>, vector<16xi32>,
    %swap3A_56 = arith.constant 0 : i32
    %swap3A_57 = arith.index_cast %swap3A_56 : i32 to index
    %swap3A_58 = arith.constant 16 : index
    %swap3A_59 = tpu.vector_load %arg19[%swap3A_57, %swap3A_58] {strides = array<i32>} : memref<2x128xi32, #tpu.memory_space<vmem>>, vector<16xi32>,
    tpu.vector_store %arg19[%swap3A_57, %swap3A_58], %get3A_55 {strides = array<i32>} : memref<2x128xi32, #tpu.memory_space<vmem>>, vector<16xi32>,
    %get3A_60 = arith.constant 32 : index
    %get3A_61 = tpu.vector_load %arg18[%get3A_60] {strides = array<i32>} : memref<288xi32, #tpu.memory_space<vmem>>, vector<16xi32>,
    %swap3A_62 = arith.constant 0 : i32
    %swap3A_63 = arith.index_cast %swap3A_62 : i32 to index
    %swap3A_64 = arith.constant 32 : index
    %swap3A_65 = tpu.vector_load %arg19[%swap3A_63, %swap3A_64] {strides = array<i32>} : memref<2x128xi32, #tpu.memory_space<vmem>>, vector<16xi32>,
    tpu.vector_store %arg19[%swap3A_63, %swap3A_64], %get3A_61 {strides = array<i32>} : memref<2x128xi32, #tpu.memory_space<vmem>>, vector<16xi32>,
    %get3A_66 = arith.constant 48 : index
    %get3A_67 = tpu.vector_load %arg18[%get3A_66] {strides = array<i32>} : memref<288xi32, #tpu.memory_space<vmem>>, vector<16xi32>,
    %swap3A_68 = arith.constant 0 : i32
    %swap3A_69 = arith.index_cast %swap3A_68 : i32 to index
    %swap3A_70 = arith.constant 48 : index
    %swap3A_71 = tpu.vector_load %arg19[%swap3A_69, %swap3A_70] {strides = array<i32>} : memref<2x128xi32, #tpu.memory_space<vmem>>, vector<16xi32>,
    tpu.vector_store %arg19[%swap3A_69, %swap3A_70], %get3A_67 {strides = array<i32>} : memref<2x128xi32, #tpu.memory_space<vmem>>, vector<16xi32>,
    %get3A_72 = arith.constant 64 : index
    %get3A_73 = tpu.vector_load %arg18[%get3A_72] {strides = array<i32>} : memref<288xi32, #tpu.memory_space<vmem>>, vector<16xi32>,
    %swap3A_74 = arith.constant 0 : i32
    %swap3A_75 = arith.index_cast %swap3A_74 : i32 to index
    %swap3A_76 = arith.constant 64 : index
    %swap3A_77 = tpu.vector_load %arg19[%swap3A_75, %swap3A_76] {strides = array<i32>} : memref<2x128xi32, #tpu.memory_space<vmem>>, vector<16xi32>,
    tpu.vector_store %arg19[%swap3A_75, %swap3A_76], %get3A_73 {strides = array<i32>} : memref<2x128xi32, #tpu.memory_space<vmem>>, vector<16xi32>,
    %get3A_78 = arith.constant 80 : index
    %get3A_79 = tpu.vector_load %arg18[%get3A_78] {strides = array<i32>} : memref<288xi32, #tpu.memory_space<vmem>>, vector<16xi32>,
    %swap3A_80 = arith.constant 0 : i32
    %swap3A_81 = arith.index_cast %swap3A_80 : i32 to index
    %swap3A_82 = arith.constant 80 : index
    %swap3A_83 = tpu.vector_load %arg19[%swap3A_81, %swap3A_82] {strides = array<i32>} : memref<2x128xi32, #tpu.memory_space<vmem>>, vector<16xi32>,
    tpu.vector_store %arg19[%swap3A_81, %swap3A_82], %get3A_79 {strides = array<i32>} : memref<2x128xi32, #tpu.memory_space<vmem>>, vector<16xi32>,
    %get3A_84 = arith.constant 96 : index
    %get3A_85 = tpu.vector_load %arg18[%get3A_84] {strides = array<i32>} : memref<288xi32, #tpu.memory_space<vmem>>, vector<16xi32>,
    %swap3A_86 = arith.constant 0 : i32
    %swap3A_87 = arith.index_cast %swap3A_86 : i32 to index
    %swap3A_88 = arith.constant 96 : index
    %swap3A_89 = tpu.vector_load %arg19[%swap3A_87, %swap3A_88] {strides = array<i32>} : memref<2x128xi32, #tpu.memory_space<vmem>>, vector<16xi32>,
    tpu.vector_store %arg19[%swap3A_87, %swap3A_88], %get3A_85 {strides = array<i32>} : memref<2x128xi32, #tpu.memory_space<vmem>>, vector<16xi32>,
    %get3A_90 = arith.constant 112 : index
    %get3A_91 = tpu.vector_load %arg18[%get3A_90] {strides = array<i32>} : memref<288xi32, #tpu.memory_space<vmem>>, vector<16xi32>,
    %swap3A_92 = arith.constant 0 : i32
    %swap3A_93 = arith.index_cast %swap3A_92 : i32 to index
    %swap3A_94 = arith.constant 112 : index
    %swap3A_95 = tpu.vector_load %arg19[%swap3A_93, %swap3A_94] {strides = array<i32>} : memref<2x128xi32, #tpu.memory_space<vmem>>, vector<16xi32>,
    tpu.vector_store %arg19[%swap3A_93, %swap3A_94], %get3A_91 {strides = array<i32>} : memref<2x128xi32, #tpu.memory_space<vmem>>, vector<16xi32>,
    %get3A_96 = arith.constant 128 : index
    %get3A_97 = tpu.vector_load %arg18[%get3A_96] {strides = array<i32>} : memref<288xi32, #tpu.memory_space<vmem>>, vector<16xi32>,
    %swap3A_98 = arith.constant 1 : i32
    %swap3A_99 = arith.index_cast %swap3A_98 : i32 to index
    %swap3A_100 = arith.constant 0 : index
    %swap3A_101 = tpu.vector_load %arg19[%swap3A_99, %swap3A_100] {strides = array<i32>} : memref<2x128xi32, #tpu.memory_space<vmem>>, vector<16xi32>,
    tpu.vector_store %arg19[%swap3A_99, %swap3A_100], %get3A_97 {strides = array<i32>} : memref<2x128xi32, #tpu.memory_space<vmem>>, vector<16xi32>,
    %get3A_102 = arith.constant 144 : index
    %get3A_103 = tpu.vector_load %arg18[%get3A_102] {strides = array<i32>} : memref<288xi32, #tpu.memory_space<vmem>>, vector<16xi32>,
    %swap3A_104 = arith.constant 1 : i32
    %swap3A_105 = arith.index_cast %swap3A_104 : i32 to index
    %swap3A_106 = arith.constant 16 : index
    %swap3A_107 = tpu.vector_load %arg19[%swap3A_105, %swap3A_106] {strides = array<i32>} : memref<2x128xi32, #tpu.memory_space<vmem>>, vector<16xi32>,
    tpu.vector_store %arg19[%swap3A_105, %swap3A_106], %get3A_103 {strides = array<i32>} : memref<2x128xi32, #tpu.memory_space<vmem>>, vector<16xi32>,
    %get3A_108 = arith.constant 160 : index
    %get3A_109 = tpu.vector_load %arg18[%get3A_108] {strides = array<i32>} : memref<288xi32, #tpu.memory_space<vmem>>, vector<16xi32>,
    %swap3A_110 = arith.constant 1 : i32
    %swap3A_111 = arith.index_cast %swap3A_110 : i32 to index
    %swap3A_112 = arith.constant 32 : index
    %swap3A_113 = tpu.vector_load %arg19[%swap3A_111, %swap3A_112] {strides = array<i32>} : memref<2x128xi32, #tpu.memory_space<vmem>>, vector<16xi32>,
    tpu.vector_store %arg19[%swap3A_111, %swap3A_112], %get3A_109 {strides = array<i32>} : memref<2x128xi32, #tpu.memory_space<vmem>>, vector<16xi32>,
    %get3A_114 = arith.constant 176 : index
    %get3A_115 = tpu.vector_load %arg18[%get3A_114] {strides = array<i32>} : memref<288xi32, #tpu.memory_space<vmem>>, vector<16xi32>,
    %swap3A_116 = arith.constant 1 : i32
    %swap3A_117 = arith.index_cast %swap3A_116 : i32 to index
    %swap3A_118 = arith.constant 48 : index
    %swap3A_119 = tpu.vector_load %arg19[%swap3A_117, %swap3A_118] {strides = array<i32>} : memref<2x128xi32, #tpu.memory_space<vmem>>, vector<16xi32>,
    tpu.vector_store %arg19[%swap3A_117, %swap3A_118], %get3A_115 {strides = array<i32>} : memref<2x128xi32, #tpu.memory_space<vmem>>, vector<16xi32>,
    %get3A_120 = arith.constant 192 : index
    %get3A_121 = tpu.vector_load %arg18[%get3A_120] {strides = array<i32>} : memref<288xi32, #tpu.memory_space<vmem>>, vector<16xi32>,
    %swap3A_122 = arith.constant 1 : i32
    %swap3A_123 = arith.index_cast %swap3A_122 : i32 to index
    %swap3A_124 = arith.constant 64 : index
    %swap3A_125 = tpu.vector_load %arg19[%swap3A_123, %swap3A_124] {strides = array<i32>} : memref<2x128xi32, #tpu.memory_space<vmem>>, vector<16xi32>,
    tpu.vector_store %arg19[%swap3A_123, %swap3A_124], %get3A_121 {strides = array<i32>} : memref<2x128xi32, #tpu.memory_space<vmem>>, vector<16xi32>,
    %get3A_126 = arith.constant 208 : index
    %get3A_127 = tpu.vector_load %arg18[%get3A_126] {strides = array<i32>} : memref<288xi32, #tpu.memory_space<vmem>>, vector<16xi32>,
    %swap3A_128 = arith.constant 1 : i32
    %swap3A_129 = arith.index_cast %swap3A_128 : i32 to index
    %swap3A_130 = arith.constant 80 : index
    %swap3A_131 = tpu.vector_load %arg19[%swap3A_129, %swap3A_130] {strides = array<i32>} : memref<2x128xi32, #tpu.memory_space<vmem>>, vector<16xi32>,
    tpu.vector_store %arg19[%swap3A_129, %swap3A_130], %get3A_127 {strides = array<i32>} : memref<2x128xi32, #tpu.memory_space<vmem>>, vector<16xi32>,
    %get3A_132 = arith.constant 224 : index
    %get3A_133 = tpu.vector_load %arg18[%get3A_132] {strides = array<i32>} : memref<288xi32, #tpu.memory_space<vmem>>, vector<16xi32>,
    %swap3A_134 = arith.constant 1 : i32
    %swap3A_135 = arith.index_cast %swap3A_134 : i32 to index
    %swap3A_136 = arith.constant 96 : index
    %swap3A_137 = tpu.vector_load %arg19[%swap3A_135, %swap3A_136] {strides = array<i32>} : memref<2x128xi32, #tpu.memory_space<vmem>>, vector<16xi32>,
    tpu.vector_store %arg19[%swap3A_135, %swap3A_136], %get3A_133 {strides = array<i32>} : memref<2x128xi32, #tpu.memory_space<vmem>>, vector<16xi32>,
    %get3A_138 = arith.constant 240 : index
    %get3A_139 = tpu.vector_load %arg18[%get3A_138] {strides = array<i32>} : memref<288xi32, #tpu.memory_space<vmem>>, vector<16xi32>,
    %swap3A_140 = arith.constant 1 : i32
    %swap3A_141 = arith.index_cast %swap3A_140 : i32 to index
    %swap3A_142 = arith.constant 112 : index
    %swap3A_143 = tpu.vector_load %arg19[%swap3A_141, %swap3A_142] {strides = array<i32>} : memref<2x128xi32, #tpu.memory_space<vmem>>, vector<16xi32>,
    tpu.vector_store %arg19[%swap3A_141, %swap3A_142], %get3A_139 {strides = array<i32>} : memref<2x128xi32, #tpu.memory_space<vmem>>, vector<16xi32>,
    %dma_start3A = arith.constant 0 : i32
    %dma_start3A_144 = arith.constant 0 : i32
    %dma_start3A_145 = arith.constant 0 : i32
    %dma_start3A_146 = tpu.memref_slice %arg20[%dma_start3A_144, %dma_start3A_145] : memref<256x128xf32, #tpu.memory_space<vmem>> -> memref<128x128xf32, #tpu.memory_space<vmem>>
    %dma_start3A_147 = arith.constant 0 : i32
    %dma_start3A_148 = tpu.memref_slice %arg19[%dma_start3A, %dma_start3A_147] : memref<2x128xi32, #tpu.memory_space<vmem>> -> memref<1x128xi32, #tpu.memory_space<vmem>>
    %dma_start3A_149 = tpu.memref_squeeze %dma_start3A_148 : memref<1x128xi32, #tpu.memory_space<vmem>> -> memref<128xi32, #tpu.memory_space<vmem>>
    %dma_start3A_150 = arith.constant 0 : i32
    %dma_start3A_151 = arith.constant 0 : i32
    %dma_start3A_152 = tpu.memref_slice %arg9[%dma_start3A_150, %dma_start3A_151] : memref<8192x128xf32, #tpu.memory_space<hbm>> -> memref<8192x128xf32, #tpu.memory_space<hbm>>
    tpu.enqueue_indirect_dma source(%dma_start3A_152 : memref<8192x128xf32, #tpu.memory_space<hbm>>) target(%dma_start3A_146 : memref<128x128xf32, #tpu.memory_space<vmem>>) offsets(%dma_start3A_149 : memref<128xi32, #tpu.memory_space<vmem>>) semaphore(%arg22 : memref<!tpu.dma_semaphore, #tpu.memory_space<semaphore_mem>>)
    %dma_start3A_153 = arith.constant 1 : i32
    %dma_start3A_154 = arith.constant 128 : i32
    %dma_start3A_155 = arith.constant 0 : i32
    %dma_start3A_156 = tpu.memref_slice %arg20[%dma_start3A_154, %dma_start3A_155] : memref<256x128xf32, #tpu.memory_space<vmem>> -> memref<128x128xf32, #tpu.memory_space<vmem>>
    %dma_start3A_157 = arith.constant 0 : i32
    %dma_start3A_158 = tpu.memref_slice %arg19[%dma_start3A_153, %dma_start3A_157] : memref<2x128xi32, #tpu.memory_space<vmem>> -> memref<1x128xi32, #tpu.memory_space<vmem>>
    %dma_start3A_159 = tpu.memref_squeeze %dma_start3A_158 : memref<1x128xi32, #tpu.memory_space<vmem>> -> memref<128xi32, #tpu.memory_space<vmem>>
    %dma_start3A_160 = arith.constant 0 : i32
    %dma_start3A_161 = arith.constant 0 : i32
    %dma_start3A_162 = tpu.memref_slice %arg9[%dma_start3A_160, %dma_start3A_161] : memref<8192x128xf32, #tpu.memory_space<hbm>> -> memref<8192x128xf32, #tpu.memory_space<hbm>>
    tpu.enqueue_indirect_dma source(%dma_start3A_162 : memref<8192x128xf32, #tpu.memory_space<hbm>>) target(%dma_start3A_156 : memref<128x128xf32, #tpu.memory_space<vmem>>) offsets(%dma_start3A_159 : memref<128xi32, #tpu.memory_space<vmem>>) semaphore(%arg22 : memref<!tpu.dma_semaphore, #tpu.memory_space<semaphore_mem>>)
    %dma_wait3A = arith.constant 0 : i32
    %dma_wait3A_163 = arith.constant 0 : i32
    %dma_wait3A_164 = arith.constant 0 : i32
    %dma_wait3A_165 = tpu.memref_slice %arg20[%dma_wait3A_163, %dma_wait3A_164] : memref<256x128xf32, #tpu.memory_space<vmem>> -> memref<128x128xf32, #tpu.memory_space<vmem>>
    %dma_wait3A_166 = arith.constant 0 : i32
    %dma_wait3A_167 = tpu.memref_slice %arg19[%dma_wait3A, %dma_wait3A_166] : memref<2x128xi32, #tpu.memory_space<vmem>> -> memref<1x128xi32, #tpu.memory_space<vmem>>
    %dma_wait3A_168 = tpu.memref_squeeze %dma_wait3A_167 : memref<1x128xi32, #tpu.memory_space<vmem>> -> memref<128xi32, #tpu.memory_space<vmem>>
    %dma_wait3A_169 = arith.constant 0 : i32
    %dma_wait3A_170 = arith.constant 0 : i32
    %dma_wait3A_171 = tpu.memref_slice %arg9[%dma_wait3A_169, %dma_wait3A_170] : memref<8192x128xf32, #tpu.memory_space<hbm>> -> memref<8192x128xf32, #tpu.memory_space<hbm>>
    tpu.wait_indirect_dma semaphore(%arg22 : memref<!tpu.dma_semaphore, #tpu.memory_space<semaphore_mem>>) src(%dma_wait3A_171 : memref<8192x128xf32, #tpu.memory_space<hbm>>) dst(%dma_wait3A_165 : memref<128x128xf32, #tpu.memory_space<vmem>>)
    %dma_wait3A_172 = arith.constant 1 : i32
    %dma_wait3A_173 = arith.constant 128 : i32
    %dma_wait3A_174 = arith.constant 0 : i32
    %dma_wait3A_175 = tpu.memref_slice %arg20[%dma_wait3A_173, %dma_wait3A_174] : memref<256x128xf32, #tpu.memory_space<vmem>> -> memref<128x128xf32, #tpu.memory_space<vmem>>
    %dma_wait3A_176 = arith.constant 0 : i32
    %dma_wait3A_177 = tpu.memref_slice %arg19[%dma_wait3A_172, %dma_wait3A_176] : memref<2x128xi32, #tpu.memory_space<vmem>> -> memref<1x128xi32, #tpu.memory_space<vmem>>
    %dma_wait3A_178 = tpu.memref_squeeze %dma_wait3A_177 : memref<1x128xi32, #tpu.memory_space<vmem>> -> memref<128xi32, #tpu.memory_space<vmem>>
    %dma_wait3A_179 = arith.constant 0 : i32
    %dma_wait3A_180 = arith.constant 0 : i32
    %dma_wait3A_181 = tpu.memref_slice %arg9[%dma_wait3A_179, %dma_wait3A_180] : memref<8192x128xf32, #tpu.memory_space<hbm>> -> memref<8192x128xf32, #tpu.memory_space<hbm>>
    tpu.wait_indirect_dma semaphore(%arg22 : memref<!tpu.dma_semaphore, #tpu.memory_space<semaphore_mem>>) src(%dma_wait3A_181 : memref<8192x128xf32, #tpu.memory_space<hbm>>) dst(%dma_wait3A_175 : memref<128x128xf32, #tpu.memory_space<vmem>>)
    %mul3A_182 = arith.constant 256 : i32
    %mul3A_183 = arith.muli %add3A_4, %mul3A_182 : i32
    %dma_start3A_184 = arith.constant 0 : i32
    %dma_start3A_185 = tpu.memref_slice %arg10[%mul3A_183, %dma_start3A_184] : memref<65536x128xf32, #tpu.memory_space<hbm>> -> memref<256x128xf32, #tpu.memory_space<hbm>>
    %dma_start3A_186 = arith.constant 0 : i32
    %dma_start3A_187 = tpu.memref_slice %arg10[%mul3A_183, %dma_start3A_186] : memref<65536x128xf32, #tpu.memory_space<hbm>> -> memref<256x128xf32, #tpu.memory_space<hbm>>
    tpu.enqueue_dma source(%arg20 : memref<256x128xf32, #tpu.memory_space<vmem>>) target(%dma_start3A_187 : memref<256x128xf32, #tpu.memory_space<hbm>>) target_semaphore(%arg23 : memref<!tpu.dma_semaphore, #tpu.memory_space<semaphore_mem>>)
    %mul3A_188 = arith.constant 8 : i32
    %mul3A_189 = arith.muli %add3A, %mul3A_188 : i32
    %add3A_190 = arith.constant 1 : i32
    %add3A_191 = arith.addi %mul3A_189, %add3A_190 : i32
    %broadcast_in_dim3A_192 = vector.broadcast %add3A_191 : i32 to vector<16xi32>
    %gather3A_193 = tpu.vector_load_idx %arg14[%broadcast_in_dim3A_192] : memref<256xf32, #tpu.memory_space<vmem>>[vector<16xi32>], vector<16xf32>,
    %gather3A_194 = tpu.vector_load_idx %arg15[%broadcast_in_dim3A_192] : memref<256xf32, #tpu.memory_space<vmem>>[vector<16xi32>], vector<16xf32>,
    %gather3A_195 = tpu.vector_load_idx %arg16[%broadcast_in_dim3A_192] : memref<256xf32, #tpu.memory_space<vmem>>[vector<16xi32>], vector<16xf32>,
    %gather3A_196 = tpu.vector_load_idx %arg17[%broadcast_in_dim3A_192] : memref<256xi32, #tpu.memory_space<vmem>>[vector<16xi32>], vector<16xi32>,
    %swap3A_197 = arith.constant 0 : index
    %swap3A_198 = tpu.vector_load %arg18[%swap3A_197] {strides = array<i32>} : memref<288xi32, #tpu.memory_space<vmem>>, vector<16xi32>,
    tpu.vector_store %arg18[%swap3A_197], %gather3A_196 {strides = array<i32>} : memref<288xi32, #tpu.memory_space<vmem>>, vector<16xi32>,
    %swap3A_199 = arith.constant 16 : index
    %swap3A_200 = tpu.vector_load %arg18[%swap3A_199] {strides = array<i32>} : memref<288xi32, #tpu.memory_space<vmem>>, vector<16xi32>,
    tpu.vector_store %arg18[%swap3A_199], %gather3A_196 {strides = array<i32>} : memref<288xi32, #tpu.memory_space<vmem>>, vector<16xi32>,
    %swap3A_201 = arith.constant 32 : index
    %swap3A_202 = tpu.vector_load %arg18[%swap3A_201] {strides = array<i32>} : memref<288xi32, #tpu.memory_space<vmem>>, vector<16xi32>,
    tpu.vector_store %arg18[%swap3A_201], %gather3A_196 {strides = array<i32>} : memref<288xi32, #tpu.memory_space<vmem>>, vector<16xi32>,
    %swap3A_203 = arith.constant 48 : index
    %swap3A_204 = tpu.vector_load %arg18[%swap3A_203] {strides = array<i32>} : memref<288xi32, #tpu.memory_space<vmem>>, vector<16xi32>,
    tpu.vector_store %arg18[%swap3A_203], %gather3A_196 {strides = array<i32>} : memref<288xi32, #tpu.memory_space<vmem>>, vector<16xi32>,
    %swap3A_205 = arith.constant 64 : index
    %swap3A_206 = tpu.vector_load %arg18[%swap3A_205] {strides = array<i32>} : memref<288xi32, #tpu.memory_space<vmem>>, vector<16xi32>,
    tpu.vector_store %arg18[%swap3A_205], %gather3A_196 {strides = array<i32>} : memref<288xi32, #tpu.memory_space<vmem>>, vector<16xi32>,
    %swap3A_207 = arith.constant 80 : index
    %swap3A_208 = tpu.vector_load %arg18[%swap3A_207] {strides = array<i32>} : memref<288xi32, #tpu.memory_space<vmem>>, vector<16xi32>,
    tpu.vector_store %arg18[%swap3A_207], %gather3A_196 {strides = array<i32>} : memref<288xi32, #tpu.memory_space<vmem>>, vector<16xi32>,
    %swap3A_209 = arith.constant 96 : index
    %swap3A_210 = tpu.vector_load %arg18[%swap3A_209] {strides = array<i32>} : memref<288xi32, #tpu.memory_space<vmem>>, vector<16xi32>,
    tpu.vector_store %arg18[%swap3A_209], %gather3A_196 {strides = array<i32>} : memref<288xi32, #tpu.memory_space<vmem>>, vector<16xi32>,
    %swap3A_211 = arith.constant 112 : index
    %swap3A_212 = tpu.vector_load %arg18[%swap3A_211] {strides = array<i32>} : memref<288xi32, #tpu.memory_space<vmem>>, vector<16xi32>,
    tpu.vector_store %arg18[%swap3A_211], %gather3A_196 {strides = array<i32>} : memref<288xi32, #tpu.memory_space<vmem>>, vector<16xi32>,
    %swap3A_213 = arith.constant 128 : index
    %swap3A_214 = tpu.vector_load %arg18[%swap3A_213] {strides = array<i32>} : memref<288xi32, #tpu.memory_space<vmem>>, vector<16xi32>,
    tpu.vector_store %arg18[%swap3A_213], %gather3A_196 {strides = array<i32>} : memref<288xi32, #tpu.memory_space<vmem>>, vector<16xi32>,
    %swap3A_215 = arith.constant 144 : index
    %swap3A_216 = tpu.vector_load %arg18[%swap3A_215] {strides = array<i32>} : memref<288xi32, #tpu.memory_space<vmem>>, vector<16xi32>,
    tpu.vector_store %arg18[%swap3A_215], %gather3A_196 {strides = array<i32>} : memref<288xi32, #tpu.memory_space<vmem>>, vector<16xi32>,
    %swap3A_217 = arith.constant 160 : index
    %swap3A_218 = tpu.vector_load %arg18[%swap3A_217] {strides = array<i32>} : memref<288xi32, #tpu.memory_space<vmem>>, vector<16xi32>,
    tpu.vector_store %arg18[%swap3A_217], %gather3A_196 {strides = array<i32>} : memref<288xi32, #tpu.memory_space<vmem>>, vector<16xi32>,
    %swap3A_219 = arith.constant 176 : index
    %swap3A_220 = tpu.vector_load %arg18[%swap3A_219] {strides = array<i32>} : memref<288xi32, #tpu.memory_space<vmem>>, vector<16xi32>,
    tpu.vector_store %arg18[%swap3A_219], %gather3A_196 {strides = array<i32>} : memref<288xi32, #tpu.memory_space<vmem>>, vector<16xi32>,
    %swap3A_221 = arith.constant 192 : index
    %swap3A_222 = tpu.vector_load %arg18[%swap3A_221] {strides = array<i32>} : memref<288xi32, #tpu.memory_space<vmem>>, vector<16xi32>,
    tpu.vector_store %arg18[%swap3A_221], %gather3A_196 {strides = array<i32>} : memref<288xi32, #tpu.memory_space<vmem>>, vector<16xi32>,
    %swap3A_223 = arith.constant 208 : index
    %swap3A_224 = tpu.vector_load %arg18[%swap3A_223] {strides = array<i32>} : memref<288xi32, #tpu.memory_space<vmem>>, vector<16xi32>,
    tpu.vector_store %arg18[%swap3A_223], %gather3A_196 {strides = array<i32>} : memref<288xi32, #tpu.memory_space<vmem>>, vector<16xi32>,
    %swap3A_225 = arith.constant 224 : index
    %swap3A_226 = tpu.vector_load %arg18[%swap3A_225] {strides = array<i32>} : memref<288xi32, #tpu.memory_space<vmem>>, vector<16xi32>,
    tpu.vector_store %arg18[%swap3A_225], %gather3A_196 {strides = array<i32>} : memref<288xi32, #tpu.memory_space<vmem>>, vector<16xi32>,
    %swap3A_227 = arith.constant 240 : index
    %swap3A_228 = tpu.vector_load %arg18[%swap3A_227] {strides = array<i32>} : memref<288xi32, #tpu.memory_space<vmem>>, vector<16xi32>,
    tpu.vector_store %arg18[%swap3A_227], %gather3A_196 {strides = array<i32>} : memref<288xi32, #tpu.memory_space<vmem>>, vector<16xi32>,
    %swap3A_229 = arith.constant 256 : index
    %swap3A_230 = tpu.vector_load %arg18[%swap3A_229] {strides = array<i32>} : memref<288xi32, #tpu.memory_space<vmem>>, vector<16xi32>,
    tpu.vector_store %arg18[%swap3A_229], %gather3A_196 {strides = array<i32>} : memref<288xi32, #tpu.memory_space<vmem>>, vector<16xi32>,
    %swap3A_231 = arith.constant 272 : index
    %swap3A_232 = tpu.vector_load %arg18[%swap3A_231] {strides = array<i32>} : memref<288xi32, #tpu.memory_space<vmem>>, vector<16xi32>,
    tpu.vector_store %arg18[%swap3A_231], %gather3A_196 {strides = array<i32>} : memref<288xi32, #tpu.memory_space<vmem>>, vector<16xi32>,
    %scan3A_233 = arith.constant 0 : i32
    %scan3A_234 = arith.constant 0 : i32
    %scan3A_235 = arith.constant 512 : i32
    %scan3A_236 = arith.addi %scan3A_234, %scan3A_235 : i32
    %scan3A_237 = arith.constant 4 : i32
    %scan3A_238 = scf.for %scan3A_1578 = %scan3A_234 to %scan3A_236 step %scan3A_237 iter_args(%scan3A_1579 = %scan3A_233) -> (i32)  : i32 {
      %mul3A_1580 = arith.constant 16 : i32
      %mul3A_1581 = arith.muli %scan3A_1578, %mul3A_1580 : i32
      %get3A_1582 = arith.index_cast %mul3A_1581 : i32 to index
      %get3A_1583 = tpu.vector_load %arg11[%get3A_1582] {strides = array<i32>} : memref<8192xf32, #tpu.memory_space<vmem>>, vector<16xf32>,
      %get3A_1584 = arith.index_cast %mul3A_1581 : i32 to index
      %get3A_1585 = tpu.vector_load %arg12[%get3A_1584] {strides = array<i32>} : memref<8192xf32, #tpu.memory_space<vmem>>, vector<16xf32>,
      %get3A_1586 = arith.index_cast %mul3A_1581 : i32 to index
      %get3A_1587 = tpu.vector_load %arg13[%get3A_1586] {strides = array<i32>} : memref<8192xf32, #tpu.memory_space<vmem>>, vector<16xf32>,
      %sub3A = arith.subf %get3A_1583, %gather3A_193 : vector<16xf32>
      %sub3A_1588 = arith.subf %get3A_1585, %gather3A_194 : vector<16xf32>
      %sub3A_1589 = arith.subf %get3A_1587, %gather3A_195 : vector<16xf32>
      %mul3A_1590 = arith.mulf %sub3A, %sub3A : vector<16xf32>
      %mul3A_1591 = arith.mulf %sub3A_1588, %sub3A_1588 : vector<16xf32>
      %add3A_1592 = arith.addf %mul3A_1590, %mul3A_1591 : vector<16xf32>
      %mul3A_1593 = arith.mulf %sub3A_1589, %sub3A_1589 : vector<16xf32>
      %add3A_1594 = arith.addf %add3A_1592, %mul3A_1593 : vector<16xf32>
      %le3A = arith.constant 0.160000011 : f32
      %le3A_1595 = vector.broadcast %le3A : f32 to vector<16xf32>
      %le3A_1596 = arith.cmpf ole, %add3A_1594, %le3A_1595 : vector<16xf32>
      %min3A = arith.constant 256 : i32
      %min3A_1597 = arith.minsi %scan3A_1579, %min3A : i32
      %add3A_1598 = vector.broadcast %mul3A_1581 : i32 to vector<16xi32>
      %add3A_1599 = arith.addi %add3A_1598, %iota3A : vector<16xi32>
      %swap3A_1600 = arith.index_cast %min3A_1597 : i32 to index
      %swap3A_1601 = tpu.vector_load %arg18[%swap3A_1600] masked %le3A_1596 {strides = array<i32>} : memref<288xi32, #tpu.memory_space<vmem>>, vector<16xi32>, vector<16xi1>
      tpu.vector_store %arg18[%swap3A_1600], %add3A_1599 masked %le3A_1596 {strides = array<i32>} : memref<288xi32, #tpu.memory_space<vmem>>, vector<16xi32>, vector<16xi1>
      %all_reduce_population_count3A = tpu.all_reduce %le3A_1596 {dim = 0 : i64, kind = #tpu.reduction_kind<sum>} : vector<16xi1> -> vector<16xi32>
      %slice3A = vector.extract_strided_slice %all_reduce_population_count3A {offsets = [0], sizes = [1], strides = [1]} : vector<16xi32> to vector<1xi32>
      %squeeze3A = vector.extract %slice3A[0] : i32 from vector<1xi32>
      %add3A_1602 = arith.addi %scan3A_1579, %squeeze3A : i32
      %scan3A_1603 = arith.constant 1 : i32
      %scan3A_1604 = arith.addi %scan3A_1578, %scan3A_1603 : i32
      %mul3A_1605 = arith.constant 16 : i32
      %mul3A_1606 = arith.muli %scan3A_1604, %mul3A_1605 : i32
      %get3A_1607 = arith.index_cast %mul3A_1606 : i32 to index
      %get3A_1608 = tpu.vector_load %arg11[%get3A_1607] {strides = array<i32>} : memref<8192xf32, #tpu.memory_space<vmem>>, vector<16xf32>,
      %get3A_1609 = arith.index_cast %mul3A_1606 : i32 to index
      %get3A_1610 = tpu.vector_load %arg12[%get3A_1609] {strides = array<i32>} : memref<8192xf32, #tpu.memory_space<vmem>>, vector<16xf32>,
      %get3A_1611 = arith.index_cast %mul3A_1606 : i32 to index
      %get3A_1612 = tpu.vector_load %arg13[%get3A_1611] {strides = array<i32>} : memref<8192xf32, #tpu.memory_space<vmem>>, vector<16xf32>,
      %sub3A_1613 = arith.subf %get3A_1608, %gather3A_193 : vector<16xf32>
      %sub3A_1614 = arith.subf %get3A_1610, %gather3A_194 : vector<16xf32>
      %sub3A_1615 = arith.subf %get3A_1612, %gather3A_195 : vector<16xf32>
      %mul3A_1616 = arith.mulf %sub3A_1613, %sub3A_1613 : vector<16xf32>
      %mul3A_1617 = arith.mulf %sub3A_1614, %sub3A_1614 : vector<16xf32>
      %add3A_1618 = arith.addf %mul3A_1616, %mul3A_1617 : vector<16xf32>
      %mul3A_1619 = arith.mulf %sub3A_1615, %sub3A_1615 : vector<16xf32>
      %add3A_1620 = arith.addf %add3A_1618, %mul3A_1619 : vector<16xf32>
      %le3A_1621 = arith.constant 0.160000011 : f32
      %le3A_1622 = vector.broadcast %le3A_1621 : f32 to vector<16xf32>
      %le3A_1623 = arith.cmpf ole, %add3A_1620, %le3A_1622 : vector<16xf32>
      %min3A_1624 = arith.constant 256 : i32
      %min3A_1625 = arith.minsi %add3A_1602, %min3A_1624 : i32
      %add3A_1626 = vector.broadcast %mul3A_1606 : i32 to vector<16xi32>
      %add3A_1627 = arith.addi %add3A_1626, %iota3A : vector<16xi32>
      %swap3A_1628 = arith.index_cast %min3A_1625 : i32 to index
      %swap3A_1629 = tpu.vector_load %arg18[%swap3A_1628] masked %le3A_1623 {strides = array<i32>} : memref<288xi32, #tpu.memory_space<vmem>>, vector<16xi32>, vector<16xi1>
      tpu.vector_store %arg18[%swap3A_1628], %add3A_1627 masked %le3A_1623 {strides = array<i32>} : memref<288xi32, #tpu.memory_space<vmem>>, vector<16xi32>, vector<16xi1>
      %all_reduce_population_count3A_1630 = tpu.all_reduce %le3A_1623 {dim = 0 : i64, kind = #tpu.reduction_kind<sum>} : vector<16xi1> -> vector<16xi32>
      %slice3A_1631 = vector.extract_strided_slice %all_reduce_population_count3A_1630 {offsets = [0], sizes = [1], strides = [1]} : vector<16xi32> to vector<1xi32>
      %squeeze3A_1632 = vector.extract %slice3A_1631[0] : i32 from vector<1xi32>
      %add3A_1633 = arith.addi %add3A_1602, %squeeze3A_1632 : i32
      %scan3A_1634 = arith.constant 2 : i32
      %scan3A_1635 = arith.addi %scan3A_1578, %scan3A_1634 : i32
      %mul3A_1636 = arith.constant 16 : i32
      %mul3A_1637 = arith.muli %scan3A_1635, %mul3A_1636 : i32
      %get3A_1638 = arith.index_cast %mul3A_1637 : i32 to index
      %get3A_1639 = tpu.vector_load %arg11[%get3A_1638] {strides = array<i32>} : memref<8192xf32, #tpu.memory_space<vmem>>, vector<16xf32>,
      %get3A_1640 = arith.index_cast %mul3A_1637 : i32 to index
      %get3A_1641 = tpu.vector_load %arg12[%get3A_1640] {strides = array<i32>} : memref<8192xf32, #tpu.memory_space<vmem>>, vector<16xf32>,
      %get3A_1642 = arith.index_cast %mul3A_1637 : i32 to index
      %get3A_1643 = tpu.vector_load %arg13[%get3A_1642] {strides = array<i32>} : memref<8192xf32, #tpu.memory_space<vmem>>, vector<16xf32>,
      %sub3A_1644 = arith.subf %get3A_1639, %gather3A_193 : vector<16xf32>
      %sub3A_1645 = arith.subf %get3A_1641, %gather3A_194 : vector<16xf32>
      %sub3A_1646 = arith.subf %get3A_1643, %gather3A_195 : vector<16xf32>
      %mul3A_1647 = arith.mulf %sub3A_1644, %sub3A_1644 : vector<16xf32>
      %mul3A_1648 = arith.mulf %sub3A_1645, %sub3A_1645 : vector<16xf32>
      %add3A_1649 = arith.addf %mul3A_1647, %mul3A_1648 : vector<16xf32>
      %mul3A_1650 = arith.mulf %sub3A_1646, %sub3A_1646 : vector<16xf32>
      %add3A_1651 = arith.addf %add3A_1649, %mul3A_1650 : vector<16xf32>
      %le3A_1652 = arith.constant 0.160000011 : f32
      %le3A_1653 = vector.broadcast %le3A_1652 : f32 to vector<16xf32>
      %le3A_1654 = arith.cmpf ole, %add3A_1651, %le3A_1653 : vector<16xf32>
      %min3A_1655 = arith.constant 256 : i32
      %min3A_1656 = arith.minsi %add3A_1633, %min3A_1655 : i32
      %add3A_1657 = vector.broadcast %mul3A_1637 : i32 to vector<16xi32>
      %add3A_1658 = arith.addi %add3A_1657, %iota3A : vector<16xi32>
      %swap3A_1659 = arith.index_cast %min3A_1656 : i32 to index
      %swap3A_1660 = tpu.vector_load %arg18[%swap3A_1659] masked %le3A_1654 {strides = array<i32>} : memref<288xi32, #tpu.memory_space<vmem>>, vector<16xi32>, vector<16xi1>
      tpu.vector_store %arg18[%swap3A_1659], %add3A_1658 masked %le3A_1654 {strides = array<i32>} : memref<288xi32, #tpu.memory_space<vmem>>, vector<16xi32>, vector<16xi1>
      %all_reduce_population_count3A_1661 = tpu.all_reduce %le3A_1654 {dim = 0 : i64, kind = #tpu.reduction_kind<sum>} : vector<16xi1> -> vector<16xi32>
      %slice3A_1662 = vector.extract_strided_slice %all_reduce_population_count3A_1661 {offsets = [0], sizes = [1], strides = [1]} : vector<16xi32> to vector<1xi32>
      %squeeze3A_1663 = vector.extract %slice3A_1662[0] : i32 from vector<1xi32>
      %add3A_1664 = arith.addi %add3A_1633, %squeeze3A_1663 : i32
      %scan3A_1665 = arith.constant 3 : i32
      %scan3A_1666 = arith.addi %scan3A_1578, %scan3A_1665 : i32
      %mul3A_1667 = arith.constant 16 : i32
      %mul3A_1668 = arith.muli %scan3A_1666, %mul3A_1667 : i32
      %get3A_1669 = arith.index_cast %mul3A_1668 : i32 to index
      %get3A_1670 = tpu.vector_load %arg11[%get3A_1669] {strides = array<i32>} : memref<8192xf32, #tpu.memory_space<vmem>>, vector<16xf32>,
      %get3A_1671 = arith.index_cast %mul3A_1668 : i32 to index
      %get3A_1672 = tpu.vector_load %arg12[%get3A_1671] {strides = array<i32>} : memref<8192xf32, #tpu.memory_space<vmem>>, vector<16xf32>,
      %get3A_1673 = arith.index_cast %mul3A_1668 : i32 to index
      %get3A_1674 = tpu.vector_load %arg13[%get3A_1673] {strides = array<i32>} : memref<8192xf32, #tpu.memory_space<vmem>>, vector<16xf32>,
      %sub3A_1675 = arith.subf %get3A_1670, %gather3A_193 : vector<16xf32>
      %sub3A_1676 = arith.subf %get3A_1672, %gather3A_194 : vector<16xf32>
      %sub3A_1677 = arith.subf %get3A_1674, %gather3A_195 : vector<16xf32>
      %mul3A_1678 = arith.mulf %sub3A_1675, %sub3A_1675 : vector<16xf32>
      %mul3A_1679 = arith.mulf %sub3A_1676, %sub3A_1676 : vector<16xf32>
      %add3A_1680 = arith.addf %mul3A_1678, %mul3A_1679 : vector<16xf32>
      %mul3A_1681 = arith.mulf %sub3A_1677, %sub3A_1677 : vector<16xf32>
      %add3A_1682 = arith.addf %add3A_1680, %mul3A_1681 : vector<16xf32>
      %le3A_1683 = arith.constant 0.160000011 : f32
      %le3A_1684 = vector.broadcast %le3A_1683 : f32 to vector<16xf32>
      %le3A_1685 = arith.cmpf ole, %add3A_1682, %le3A_1684 : vector<16xf32>
      %min3A_1686 = arith.constant 256 : i32
      %min3A_1687 = arith.minsi %add3A_1664, %min3A_1686 : i32
      %add3A_1688 = vector.broadcast %mul3A_1668 : i32 to vector<16xi32>
      %add3A_1689 = arith.addi %add3A_1688, %iota3A : vector<16xi32>
      %swap3A_1690 = arith.index_cast %min3A_1687 : i32 to index
      %swap3A_1691 = tpu.vector_load %arg18[%swap3A_1690] masked %le3A_1685 {strides = array<i32>} : memref<288xi32, #tpu.memory_space<vmem>>, vector<16xi32>, vector<16xi1>
      tpu.vector_store %arg18[%swap3A_1690], %add3A_1689 masked %le3A_1685 {strides = array<i32>} : memref<288xi32, #tpu.memory_space<vmem>>, vector<16xi32>, vector<16xi1>
      %all_reduce_population_count3A_1692 = tpu.all_reduce %le3A_1685 {dim = 0 : i64, kind = #tpu.reduction_kind<sum>} : vector<16xi1> -> vector<16xi32>
      %slice3A_1693 = vector.extract_strided_slice %all_reduce_population_count3A_1692 {offsets = [0], sizes = [1], strides = [1]} : vector<16xi32> to vector<1xi32>
      %squeeze3A_1694 = vector.extract %slice3A_1693[0] : i32 from vector<1xi32>
      %add3A_1695 = arith.addi %add3A_1664, %squeeze3A_1694 : i32
      scf.yield %add3A_1695 : i32
    }
    %scan3A_239 = arith.constant 512 : i32
    %get3A_240 = arith.constant 0 : index
    %get3A_241 = tpu.vector_load %arg18[%get3A_240] {strides = array<i32>} : memref<288xi32, #tpu.memory_space<vmem>>, vector<16xi32>,
    %swap3A_242 = arith.constant 0 : i32
    %swap3A_243 = arith.index_cast %swap3A_242 : i32 to index
    %swap3A_244 = arith.constant 0 : index
    %swap3A_245 = tpu.vector_load %arg19[%swap3A_243, %swap3A_244] {strides = array<i32>} : memref<2x128xi32, #tpu.memory_space<vmem>>, vector<16xi32>,
    tpu.vector_store %arg19[%swap3A_243, %swap3A_244], %get3A_241 {strides = array<i32>} : memref<2x128xi32, #tpu.memory_space<vmem>>, vector<16xi32>,
    %get3A_246 = arith.constant 16 : index
    %get3A_247 = tpu.vector_load %arg18[%get3A_246] {strides = array<i32>} : memref<288xi32, #tpu.memory_space<vmem>>, vector<16xi32>,
    %swap3A_248 = arith.constant 0 : i32
    %swap3A_249 = arith.index_cast %swap3A_248 : i32 to index
    %swap3A_250 = arith.constant 16 : index
    %swap3A_251 = tpu.vector_load %arg19[%swap3A_249, %swap3A_250] {strides = array<i32>} : memref<2x128xi32, #tpu.memory_space<vmem>>, vector<16xi32>,
    tpu.vector_store %arg19[%swap3A_249, %swap3A_250], %get3A_247 {strides = array<i32>} : memref<2x128xi32, #tpu.memory_space<vmem>>, vector<16xi32>,
    %get3A_252 = arith.constant 32 : index
    %get3A_253 = tpu.vector_load %arg18[%get3A_252] {strides = array<i32>} : memref<288xi32, #tpu.memory_space<vmem>>, vector<16xi32>,
    %swap3A_254 = arith.constant 0 : i32
    %swap3A_255 = arith.index_cast %swap3A_254 : i32 to index
    %swap3A_256 = arith.constant 32 : index
    %swap3A_257 = tpu.vector_load %arg19[%swap3A_255, %swap3A_256] {strides = array<i32>} : memref<2x128xi32, #tpu.memory_space<vmem>>, vector<16xi32>,
    tpu.vector_store %arg19[%swap3A_255, %swap3A_256], %get3A_253 {strides = array<i32>} : memref<2x128xi32, #tpu.memory_space<vmem>>, vector<16xi32>,
    %get3A_258 = arith.constant 48 : index
    %get3A_259 = tpu.vector_load %arg18[%get3A_258] {strides = array<i32>} : memref<288xi32, #tpu.memory_space<vmem>>, vector<16xi32>,
    %swap3A_260 = arith.constant 0 : i32
    %swap3A_261 = arith.index_cast %swap3A_260 : i32 to index
    %swap3A_262 = arith.constant 48 : index
    %swap3A_263 = tpu.vector_load %arg19[%swap3A_261, %swap3A_262] {strides = array<i32>} : memref<2x128xi32, #tpu.memory_space<vmem>>, vector<16xi32>,
    tpu.vector_store %arg19[%swap3A_261, %swap3A_262], %get3A_259 {strides = array<i32>} : memref<2x128xi32, #tpu.memory_space<vmem>>, vector<16xi32>,
    %get3A_264 = arith.constant 64 : index
    %get3A_265 = tpu.vector_load %arg18[%get3A_264] {strides = array<i32>} : memref<288xi32, #tpu.memory_space<vmem>>, vector<16xi32>,
    %swap3A_266 = arith.constant 0 : i32
    %swap3A_267 = arith.index_cast %swap3A_266 : i32 to index
    %swap3A_268 = arith.constant 64 : index
    %swap3A_269 = tpu.vector_load %arg19[%swap3A_267, %swap3A_268] {strides = array<i32>} : memref<2x128xi32, #tpu.memory_space<vmem>>, vector<16xi32>,
    tpu.vector_store %arg19[%swap3A_267, %swap3A_268], %get3A_265 {strides = array<i32>} : memref<2x128xi32, #tpu.memory_space<vmem>>, vector<16xi32>,
    %get3A_270 = arith.constant 80 : index
    %get3A_271 = tpu.vector_load %arg18[%get3A_270] {strides = array<i32>} : memref<288xi32, #tpu.memory_space<vmem>>, vector<16xi32>,
    %swap3A_272 = arith.constant 0 : i32
    %swap3A_273 = arith.index_cast %swap3A_272 : i32 to index
    %swap3A_274 = arith.constant 80 : index
    %swap3A_275 = tpu.vector_load %arg19[%swap3A_273, %swap3A_274] {strides = array<i32>} : memref<2x128xi32, #tpu.memory_space<vmem>>, vector<16xi32>,
    tpu.vector_store %arg19[%swap3A_273, %swap3A_274], %get3A_271 {strides = array<i32>} : memref<2x128xi32, #tpu.memory_space<vmem>>, vector<16xi32>,
    %get3A_276 = arith.constant 96 : index
    %get3A_277 = tpu.vector_load %arg18[%get3A_276] {strides = array<i32>} : memref<288xi32, #tpu.memory_space<vmem>>, vector<16xi32>,
    %swap3A_278 = arith.constant 0 : i32
    %swap3A_279 = arith.index_cast %swap3A_278 : i32 to index
    %swap3A_280 = arith.constant 96 : index
    %swap3A_281 = tpu.vector_load %arg19[%swap3A_279, %swap3A_280] {strides = array<i32>} : memref<2x128xi32, #tpu.memory_space<vmem>>, vector<16xi32>,
    tpu.vector_store %arg19[%swap3A_279, %swap3A_280], %get3A_277 {strides = array<i32>} : memref<2x128xi32, #tpu.memory_space<vmem>>, vector<16xi32>,
    %get3A_282 = arith.constant 112 : index
    %get3A_283 = tpu.vector_load %arg18[%get3A_282] {strides = array<i32>} : memref<288xi32, #tpu.memory_space<vmem>>, vector<16xi32>,
    %swap3A_284 = arith.constant 0 : i32
    %swap3A_285 = arith.index_cast %swap3A_284 : i32 to index
    %swap3A_286 = arith.constant 112 : index
    %swap3A_287 = tpu.vector_load %arg19[%swap3A_285, %swap3A_286] {strides = array<i32>} : memref<2x128xi32, #tpu.memory_space<vmem>>, vector<16xi32>,
    tpu.vector_store %arg19[%swap3A_285, %swap3A_286], %get3A_283 {strides = array<i32>} : memref<2x128xi32, #tpu.memory_space<vmem>>, vector<16xi32>,
    %get3A_288 = arith.constant 128 : index
    %get3A_289 = tpu.vector_load %arg18[%get3A_288] {strides = array<i32>} : memref<288xi32, #tpu.memory_space<vmem>>, vector<16xi32>,
    %swap3A_290 = arith.constant 1 : i32
    %swap3A_291 = arith.index_cast %swap3A_290 : i32 to index
    %swap3A_292 = arith.constant 0 : index
    %swap3A_293 = tpu.vector_load %arg19[%swap3A_291, %swap3A_292] {strides = array<i32>} : memref<2x128xi32, #tpu.memory_space<vmem>>, vector<16xi32>,
    tpu.vector_store %arg19[%swap3A_291, %swap3A_292], %get3A_289 {strides = array<i32>} : memref<2x128xi32, #tpu.memory_space<vmem>>, vector<16xi32>,
    %get3A_294 = arith.constant 144 : index
    %get3A_295 = tpu.vector_load %arg18[%get3A_294] {strides = array<i32>} : memref<288xi32, #tpu.memory_space<vmem>>, vector<16xi32>,
    %swap3A_296 = arith.constant 1 : i32
    %swap3A_297 = arith.index_cast %swap3A_296 : i32 to index
    %swap3A_298 = arith.constant 16 : index
    %swap3A_299 = tpu.vector_load %arg19[%swap3A_297, %swap3A_298] {strides = array<i32>} : memref<2x128xi32, #tpu.memory_space<vmem>>, vector<16xi32>,
    tpu.vector_store %arg19[%swap3A_297, %swap3A_298], %get3A_295 {strides = array<i32>} : memref<2x128xi32, #tpu.memory_space<vmem>>, vector<16xi32>,
    %get3A_300 = arith.constant 160 : index
    %get3A_301 = tpu.vector_load %arg18[%get3A_300] {strides = array<i32>} : memref<288xi32, #tpu.memory_space<vmem>>, vector<16xi32>,
    %swap3A_302 = arith.constant 1 : i32
    %swap3A_303 = arith.index_cast %swap3A_302 : i32 to index
    %swap3A_304 = arith.constant 32 : index
    %swap3A_305 = tpu.vector_load %arg19[%swap3A_303, %swap3A_304] {strides = array<i32>} : memref<2x128xi32, #tpu.memory_space<vmem>>, vector<16xi32>,
    tpu.vector_store %arg19[%swap3A_303, %swap3A_304], %get3A_301 {strides = array<i32>} : memref<2x128xi32, #tpu.memory_space<vmem>>, vector<16xi32>,
    %get3A_306 = arith.constant 176 : index
    %get3A_307 = tpu.vector_load %arg18[%get3A_306] {strides = array<i32>} : memref<288xi32, #tpu.memory_space<vmem>>, vector<16xi32>,
    %swap3A_308 = arith.constant 1 : i32
    %swap3A_309 = arith.index_cast %swap3A_308 : i32 to index
    %swap3A_310 = arith.constant 48 : index
    %swap3A_311 = tpu.vector_load %arg19[%swap3A_309, %swap3A_310] {strides = array<i32>} : memref<2x128xi32, #tpu.memory_space<vmem>>, vector<16xi32>,
    tpu.vector_store %arg19[%swap3A_309, %swap3A_310], %get3A_307 {strides = array<i32>} : memref<2x128xi32, #tpu.memory_space<vmem>>, vector<16xi32>,
    %get3A_312 = arith.constant 192 : index
    %get3A_313 = tpu.vector_load %arg18[%get3A_312] {strides = array<i32>} : memref<288xi32, #tpu.memory_space<vmem>>, vector<16xi32>,
    %swap3A_314 = arith.constant 1 : i32
    %swap3A_315 = arith.index_cast %swap3A_314 : i32 to index
    %swap3A_316 = arith.constant 64 : index
    %swap3A_317 = tpu.vector_load %arg19[%swap3A_315, %swap3A_316] {strides = array<i32>} : memref<2x128xi32, #tpu.memory_space<vmem>>, vector<16xi32>,
    tpu.vector_store %arg19[%swap3A_315, %swap3A_316], %get3A_313 {strides = array<i32>} : memref<2x128xi32, #tpu.memory_space<vmem>>, vector<16xi32>,
    %get3A_318 = arith.constant 208 : index
    %get3A_319 = tpu.vector_load %arg18[%get3A_318] {strides = array<i32>} : memref<288xi32, #tpu.memory_space<vmem>>, vector<16xi32>,
    %swap3A_320 = arith.constant 1 : i32
    %swap3A_321 = arith.index_cast %swap3A_320 : i32 to index
    %swap3A_322 = arith.constant 80 : index
    %swap3A_323 = tpu.vector_load %arg19[%swap3A_321, %swap3A_322] {strides = array<i32>} : memref<2x128xi32, #tpu.memory_space<vmem>>, vector<16xi32>,
    tpu.vector_store %arg19[%swap3A_321, %swap3A_322], %get3A_319 {strides = array<i32>} : memref<2x128xi32, #tpu.memory_space<vmem>>, vector<16xi32>,
    %get3A_324 = arith.constant 224 : index
    %get3A_325 = tpu.vector_load %arg18[%get3A_324] {strides = array<i32>} : memref<288xi32, #tpu.memory_space<vmem>>, vector<16xi32>,
    %swap3A_326 = arith.constant 1 : i32
    %swap3A_327 = arith.index_cast %swap3A_326 : i32 to index
    %swap3A_328 = arith.constant 96 : index
    %swap3A_329 = tpu.vector_load %arg19[%swap3A_327, %swap3A_328] {strides = array<i32>} : memref<2x128xi32, #tpu.memory_space<vmem>>, vector<16xi32>,
    tpu.vector_store %arg19[%swap3A_327, %swap3A_328], %get3A_325 {strides = array<i32>} : memref<2x128xi32, #tpu.memory_space<vmem>>, vector<16xi32>,
    %get3A_330 = arith.constant 240 : index
    %get3A_331 = tpu.vector_load %arg18[%get3A_330] {strides = array<i32>} : memref<288xi32, #tpu.memory_space<vmem>>, vector<16xi32>,
    %swap3A_332 = arith.constant 1 : i32
    %swap3A_333 = arith.index_cast %swap3A_332 : i32 to index
    %swap3A_334 = arith.constant 112 : index
    %swap3A_335 = tpu.vector_load %arg19[%swap3A_333, %swap3A_334] {strides = array<i32>} : memref<2x128xi32, #tpu.memory_space<vmem>>, vector<16xi32>,
    tpu.vector_store %arg19[%swap3A_333, %swap3A_334], %get3A_331 {strides = array<i32>} : memref<2x128xi32, #tpu.memory_space<vmem>>, vector<16xi32>,
    %dma_start3A_336 = arith.constant 0 : i32
    %dma_start3A_337 = arith.constant 0 : i32
    %dma_start3A_338 = arith.constant 0 : i32
    %dma_start3A_339 = tpu.memref_slice %arg21[%dma_start3A_337, %dma_start3A_338] : memref<256x128xf32, #tpu.memory_space<vmem>> -> memref<128x128xf32, #tpu.memory_space<vmem>>
    %dma_start3A_340 = arith.constant 0 : i32
    %dma_start3A_341 = tpu.memref_slice %arg19[%dma_start3A_336, %dma_start3A_340] : memref<2x128xi32, #tpu.memory_space<vmem>> -> memref<1x128xi32, #tpu.memory_space<vmem>>
    %dma_start3A_342 = tpu.memref_squeeze %dma_start3A_341 : memref<1x128xi32, #tpu.memory_space<vmem>> -> memref<128xi32, #tpu.memory_space<vmem>>
    %dma_start3A_343 = arith.constant 0 : i32
    %dma_start3A_344 = arith.constant 0 : i32
    %dma_start3A_345 = tpu.memref_slice %arg9[%dma_start3A_343, %dma_start3A_344] : memref<8192x128xf32, #tpu.memory_space<hbm>> -> memref<8192x128xf32, #tpu.memory_space<hbm>>
    tpu.enqueue_indirect_dma source(%dma_start3A_345 : memref<8192x128xf32, #tpu.memory_space<hbm>>) target(%dma_start3A_339 : memref<128x128xf32, #tpu.memory_space<vmem>>) offsets(%dma_start3A_342 : memref<128xi32, #tpu.memory_space<vmem>>) semaphore(%arg22 : memref<!tpu.dma_semaphore, #tpu.memory_space<semaphore_mem>>)
    %dma_start3A_346 = arith.constant 1 : i32
    %dma_start3A_347 = arith.constant 128 : i32
    %dma_start3A_348 = arith.constant 0 : i32
    %dma_start3A_349 = tpu.memref_slice %arg21[%dma_start3A_347, %dma_start3A_348] : memref<256x128xf32, #tpu.memory_space<vmem>> -> memref<128x128xf32, #tpu.memory_space<vmem>>
    %dma_start3A_350 = arith.constant 0 : i32
    %dma_start3A_351 = tpu.memref_slice %arg19[%dma_start3A_346, %dma_start3A_350] : memref<2x128xi32, #tpu.memory_space<vmem>> -> memref<1x128xi32, #tpu.memory_space<vmem>>
    %dma_start3A_352 = tpu.memref_squeeze %dma_start3A_351 : memref<1x128xi32, #tpu.memory_space<vmem>> -> memref<128xi32, #tpu.memory_space<vmem>>
    %dma_start3A_353 = arith.constant 0 : i32
    %dma_start3A_354 = arith.constant 0 : i32
    %dma_start3A_355 = tpu.memref_slice %arg9[%dma_start3A_353, %dma_start3A_354] : memref<8192x128xf32, #tpu.memory_space<hbm>> -> memref<8192x128xf32, #tpu.memory_space<hbm>>
    tpu.enqueue_indirect_dma source(%dma_start3A_355 : memref<8192x128xf32, #tpu.memory_space<hbm>>) target(%dma_start3A_349 : memref<128x128xf32, #tpu.memory_space<vmem>>) offsets(%dma_start3A_352 : memref<128xi32, #tpu.memory_space<vmem>>) semaphore(%arg22 : memref<!tpu.dma_semaphore, #tpu.memory_space<semaphore_mem>>)
    %dma_wait3A_356 = arith.constant 0 : i32
    %dma_wait3A_357 = arith.constant 0 : i32
    %dma_wait3A_358 = arith.constant 0 : i32
    %dma_wait3A_359 = tpu.memref_slice %arg21[%dma_wait3A_357, %dma_wait3A_358] : memref<256x128xf32, #tpu.memory_space<vmem>> -> memref<128x128xf32, #tpu.memory_space<vmem>>
    %dma_wait3A_360 = arith.constant 0 : i32
    %dma_wait3A_361 = tpu.memref_slice %arg19[%dma_wait3A_356, %dma_wait3A_360] : memref<2x128xi32, #tpu.memory_space<vmem>> -> memref<1x128xi32, #tpu.memory_space<vmem>>
    %dma_wait3A_362 = tpu.memref_squeeze %dma_wait3A_361 : memref<1x128xi32, #tpu.memory_space<vmem>> -> memref<128xi32, #tpu.memory_space<vmem>>
    %dma_wait3A_363 = arith.constant 0 : i32
    %dma_wait3A_364 = arith.constant 0 : i32
    %dma_wait3A_365 = tpu.memref_slice %arg9[%dma_wait3A_363, %dma_wait3A_364] : memref<8192x128xf32, #tpu.memory_space<hbm>> -> memref<8192x128xf32, #tpu.memory_space<hbm>>
    tpu.wait_indirect_dma semaphore(%arg22 : memref<!tpu.dma_semaphore, #tpu.memory_space<semaphore_mem>>) src(%dma_wait3A_365 : memref<8192x128xf32, #tpu.memory_space<hbm>>) dst(%dma_wait3A_359 : memref<128x128xf32, #tpu.memory_space<vmem>>)
    %dma_wait3A_366 = arith.constant 1 : i32
    %dma_wait3A_367 = arith.constant 128 : i32
    %dma_wait3A_368 = arith.constant 0 : i32
    %dma_wait3A_369 = tpu.memref_slice %arg21[%dma_wait3A_367, %dma_wait3A_368] : memref<256x128xf32, #tpu.memory_space<vmem>> -> memref<128x128xf32, #tpu.memory_space<vmem>>
    %dma_wait3A_370 = arith.constant 0 : i32
    %dma_wait3A_371 = tpu.memref_slice %arg19[%dma_wait3A_366, %dma_wait3A_370] : memref<2x128xi32, #tpu.memory_space<vmem>> -> memref<1x128xi32, #tpu.memory_space<vmem>>
    %dma_wait3A_372 = tpu.memref_squeeze %dma_wait3A_371 : memref<1x128xi32, #tpu.memory_space<vmem>> -> memref<128xi32, #tpu.memory_space<vmem>>
    %dma_wait3A_373 = arith.constant 0 : i32
    %dma_wait3A_374 = arith.constant 0 : i32
    %dma_wait3A_375 = tpu.memref_slice %arg9[%dma_wait3A_373, %dma_wait3A_374] : memref<8192x128xf32, #tpu.memory_space<hbm>> -> memref<8192x128xf32, #tpu.memory_space<hbm>>
    tpu.wait_indirect_dma semaphore(%arg22 : memref<!tpu.dma_semaphore, #tpu.memory_space<semaphore_mem>>) src(%dma_wait3A_375 : memref<8192x128xf32, #tpu.memory_space<hbm>>) dst(%dma_wait3A_369 : memref<128x128xf32, #tpu.memory_space<vmem>>)
    %mul3A_376 = arith.constant 256 : i32
    %mul3A_377 = arith.muli %add3A_191, %mul3A_376 : i32
    %dma_start3A_378 = arith.constant 0 : i32
    %dma_start3A_379 = tpu.memref_slice %arg10[%mul3A_377, %dma_start3A_378] : memref<65536x128xf32, #tpu.memory_space<hbm>> -> memref<256x128xf32, #tpu.memory_space<hbm>>
    %dma_start3A_380 = arith.constant 0 : i32
    %dma_start3A_381 = tpu.memref_slice %arg10[%mul3A_377, %dma_start3A_380] : memref<65536x128xf32, #tpu.memory_space<hbm>> -> memref<256x128xf32, #tpu.memory_space<hbm>>
    tpu.enqueue_dma source(%arg21 : memref<256x128xf32, #tpu.memory_space<vmem>>) target(%dma_start3A_381 : memref<256x128xf32, #tpu.memory_space<hbm>>) target_semaphore(%arg23 : memref<!tpu.dma_semaphore, #tpu.memory_space<semaphore_mem>>)
    %mul3A_382 = arith.constant 8 : i32
    %mul3A_383 = arith.muli %add3A, %mul3A_382 : i32
    %add3A_384 = arith.constant 2 : i32
    %add3A_385 = arith.addi %mul3A_383, %add3A_384 : i32
    %broadcast_in_dim3A_386 = vector.broadcast %add3A_385 : i32 to vector<16xi32>
    %gather3A_387 = tpu.vector_load_idx %arg14[%broadcast_in_dim3A_386] : memref<256xf32, #tpu.memory_space<vmem>>[vector<16xi32>], vector<16xf32>,
    %gather3A_388 = tpu.vector_load_idx %arg15[%broadcast_in_dim3A_386] : memref<256xf32, #tpu.memory_space<vmem>>[vector<16xi32>], vector<16xf32>,
    %gather3A_389 = tpu.vector_load_idx %arg16[%broadcast_in_dim3A_386] : memref<256xf32, #tpu.memory_space<vmem>>[vector<16xi32>], vector<16xf32>,
    %gather3A_390 = tpu.vector_load_idx %arg17[%broadcast_in_dim3A_386] : memref<256xi32, #tpu.memory_space<vmem>>[vector<16xi32>], vector<16xi32>,
    %swap3A_391 = arith.constant 0 : index
    %swap3A_392 = tpu.vector_load %arg18[%swap3A_391] {strides = array<i32>} : memref<288xi32, #tpu.memory_space<vmem>>, vector<16xi32>,
    tpu.vector_store %arg18[%swap3A_391], %gather3A_390 {strides = array<i32>} : memref<288xi32, #tpu.memory_space<vmem>>, vector<16xi32>,
    %swap3A_393 = arith.constant 16 : index
    %swap3A_394 = tpu.vector_load %arg18[%swap3A_393] {strides = array<i32>} : memref<288xi32, #tpu.memory_space<vmem>>, vector<16xi32>,
    tpu.vector_store %arg18[%swap3A_393], %gather3A_390 {strides = array<i32>} : memref<288xi32, #tpu.memory_space<vmem>>, vector<16xi32>,
    %swap3A_395 = arith.constant 32 : index
    %swap3A_396 = tpu.vector_load %arg18[%swap3A_395] {strides = array<i32>} : memref<288xi32, #tpu.memory_space<vmem>>, vector<16xi32>,
    tpu.vector_store %arg18[%swap3A_395], %gather3A_390 {strides = array<i32>} : memref<288xi32, #tpu.memory_space<vmem>>, vector<16xi32>,
    %swap3A_397 = arith.constant 48 : index
    %swap3A_398 = tpu.vector_load %arg18[%swap3A_397] {strides = array<i32>} : memref<288xi32, #tpu.memory_space<vmem>>, vector<16xi32>,
    tpu.vector_store %arg18[%swap3A_397], %gather3A_390 {strides = array<i32>} : memref<288xi32, #tpu.memory_space<vmem>>, vector<16xi32>,
    %swap3A_399 = arith.constant 64 : index
    %swap3A_400 = tpu.vector_load %arg18[%swap3A_399] {strides = array<i32>} : memref<288xi32, #tpu.memory_space<vmem>>, vector<16xi32>,
    tpu.vector_store %arg18[%swap3A_399], %gather3A_390 {strides = array<i32>} : memref<288xi32, #tpu.memory_space<vmem>>, vector<16xi32>,
    %swap3A_401 = arith.constant 80 : index
    %swap3A_402 = tpu.vector_load %arg18[%swap3A_401] {strides = array<i32>} : memref<288xi32, #tpu.memory_space<vmem>>, vector<16xi32>,
    tpu.vector_store %arg18[%swap3A_401], %gather3A_390 {strides = array<i32>} : memref<288xi32, #tpu.memory_space<vmem>>, vector<16xi32>,
    %swap3A_403 = arith.constant 96 : index
    %swap3A_404 = tpu.vector_load %arg18[%swap3A_403] {strides = array<i32>} : memref<288xi32, #tpu.memory_space<vmem>>, vector<16xi32>,
    tpu.vector_store %arg18[%swap3A_403], %gather3A_390 {strides = array<i32>} : memref<288xi32, #tpu.memory_space<vmem>>, vector<16xi32>,
    %swap3A_405 = arith.constant 112 : index
    %swap3A_406 = tpu.vector_load %arg18[%swap3A_405] {strides = array<i32>} : memref<288xi32, #tpu.memory_space<vmem>>, vector<16xi32>,
    tpu.vector_store %arg18[%swap3A_405], %gather3A_390 {strides = array<i32>} : memref<288xi32, #tpu.memory_space<vmem>>, vector<16xi32>,
    %swap3A_407 = arith.constant 128 : index
    %swap3A_408 = tpu.vector_load %arg18[%swap3A_407] {strides = array<i32>} : memref<288xi32, #tpu.memory_space<vmem>>, vector<16xi32>,
    tpu.vector_store %arg18[%swap3A_407], %gather3A_390 {strides = array<i32>} : memref<288xi32, #tpu.memory_space<vmem>>, vector<16xi32>,
    %swap3A_409 = arith.constant 144 : index
    %swap3A_410 = tpu.vector_load %arg18[%swap3A_409] {strides = array<i32>} : memref<288xi32, #tpu.memory_space<vmem>>, vector<16xi32>,
    tpu.vector_store %arg18[%swap3A_409], %gather3A_390 {strides = array<i32>} : memref<288xi32, #tpu.memory_space<vmem>>, vector<16xi32>,
    %swap3A_411 = arith.constant 160 : index
    %swap3A_412 = tpu.vector_load %arg18[%swap3A_411] {strides = array<i32>} : memref<288xi32, #tpu.memory_space<vmem>>, vector<16xi32>,
    tpu.vector_store %arg18[%swap3A_411], %gather3A_390 {strides = array<i32>} : memref<288xi32, #tpu.memory_space<vmem>>, vector<16xi32>,
    %swap3A_413 = arith.constant 176 : index
    %swap3A_414 = tpu.vector_load %arg18[%swap3A_413] {strides = array<i32>} : memref<288xi32, #tpu.memory_space<vmem>>, vector<16xi32>,
    tpu.vector_store %arg18[%swap3A_413], %gather3A_390 {strides = array<i32>} : memref<288xi32, #tpu.memory_space<vmem>>, vector<16xi32>,
    %swap3A_415 = arith.constant 192 : index
    %swap3A_416 = tpu.vector_load %arg18[%swap3A_415] {strides = array<i32>} : memref<288xi32, #tpu.memory_space<vmem>>, vector<16xi32>,
    tpu.vector_store %arg18[%swap3A_415], %gather3A_390 {strides = array<i32>} : memref<288xi32, #tpu.memory_space<vmem>>, vector<16xi32>,
    %swap3A_417 = arith.constant 208 : index
    %swap3A_418 = tpu.vector_load %arg18[%swap3A_417] {strides = array<i32>} : memref<288xi32, #tpu.memory_space<vmem>>, vector<16xi32>,
    tpu.vector_store %arg18[%swap3A_417], %gather3A_390 {strides = array<i32>} : memref<288xi32, #tpu.memory_space<vmem>>, vector<16xi32>,
    %swap3A_419 = arith.constant 224 : index
    %swap3A_420 = tpu.vector_load %arg18[%swap3A_419] {strides = array<i32>} : memref<288xi32, #tpu.memory_space<vmem>>, vector<16xi32>,
    tpu.vector_store %arg18[%swap3A_419], %gather3A_390 {strides = array<i32>} : memref<288xi32, #tpu.memory_space<vmem>>, vector<16xi32>,
    %swap3A_421 = arith.constant 240 : index
    %swap3A_422 = tpu.vector_load %arg18[%swap3A_421] {strides = array<i32>} : memref<288xi32, #tpu.memory_space<vmem>>, vector<16xi32>,
    tpu.vector_store %arg18[%swap3A_421], %gather3A_390 {strides = array<i32>} : memref<288xi32, #tpu.memory_space<vmem>>, vector<16xi32>,
    %swap3A_423 = arith.constant 256 : index
    %swap3A_424 = tpu.vector_load %arg18[%swap3A_423] {strides = array<i32>} : memref<288xi32, #tpu.memory_space<vmem>>, vector<16xi32>,
    tpu.vector_store %arg18[%swap3A_423], %gather3A_390 {strides = array<i32>} : memref<288xi32, #tpu.memory_space<vmem>>, vector<16xi32>,
    %swap3A_425 = arith.constant 272 : index
    %swap3A_426 = tpu.vector_load %arg18[%swap3A_425] {strides = array<i32>} : memref<288xi32, #tpu.memory_space<vmem>>, vector<16xi32>,
    tpu.vector_store %arg18[%swap3A_425], %gather3A_390 {strides = array<i32>} : memref<288xi32, #tpu.memory_space<vmem>>, vector<16xi32>,
    %scan3A_427 = arith.constant 0 : i32
    %scan3A_428 = arith.constant 0 : i32
    %scan3A_429 = arith.constant 512 : i32
    %scan3A_430 = arith.addi %scan3A_428, %scan3A_429 : i32
    %scan3A_431 = arith.constant 4 : i32
    %scan3A_432 = scf.for %scan3A_1578 = %scan3A_428 to %scan3A_430 step %scan3A_431 iter_args(%scan3A_1579 = %scan3A_427) -> (i32)  : i32 {
      %mul3A_1580 = arith.constant 16 : i32
      %mul3A_1581 = arith.muli %scan3A_1578, %mul3A_1580 : i32
      %get3A_1582 = arith.index_cast %mul3A_1581 : i32 to index
      %get3A_1583 = tpu.vector_load %arg11[%get3A_1582] {strides = array<i32>} : memref<8192xf32, #tpu.memory_space<vmem>>, vector<16xf32>,
      %get3A_1584 = arith.index_cast %mul3A_1581 : i32 to index
      %get3A_1585 = tpu.vector_load %arg12[%get3A_1584] {strides = array<i32>} : memref<8192xf32, #tpu.memory_space<vmem>>, vector<16xf32>,
      %get3A_1586 = arith.index_cast %mul3A_1581 : i32 to index
      %get3A_1587 = tpu.vector_load %arg13[%get3A_1586] {strides = array<i32>} : memref<8192xf32, #tpu.memory_space<vmem>>, vector<16xf32>,
      %sub3A = arith.subf %get3A_1583, %gather3A_387 : vector<16xf32>
      %sub3A_1588 = arith.subf %get3A_1585, %gather3A_388 : vector<16xf32>
      %sub3A_1589 = arith.subf %get3A_1587, %gather3A_389 : vector<16xf32>
      %mul3A_1590 = arith.mulf %sub3A, %sub3A : vector<16xf32>
      %mul3A_1591 = arith.mulf %sub3A_1588, %sub3A_1588 : vector<16xf32>
      %add3A_1592 = arith.addf %mul3A_1590, %mul3A_1591 : vector<16xf32>
      %mul3A_1593 = arith.mulf %sub3A_1589, %sub3A_1589 : vector<16xf32>
      %add3A_1594 = arith.addf %add3A_1592, %mul3A_1593 : vector<16xf32>
      %le3A = arith.constant 0.160000011 : f32
      %le3A_1595 = vector.broadcast %le3A : f32 to vector<16xf32>
      %le3A_1596 = arith.cmpf ole, %add3A_1594, %le3A_1595 : vector<16xf32>
      %min3A = arith.constant 256 : i32
      %min3A_1597 = arith.minsi %scan3A_1579, %min3A : i32
      %add3A_1598 = vector.broadcast %mul3A_1581 : i32 to vector<16xi32>
      %add3A_1599 = arith.addi %add3A_1598, %iota3A : vector<16xi32>
      %swap3A_1600 = arith.index_cast %min3A_1597 : i32 to index
      %swap3A_1601 = tpu.vector_load %arg18[%swap3A_1600] masked %le3A_1596 {strides = array<i32>} : memref<288xi32, #tpu.memory_space<vmem>>, vector<16xi32>, vector<16xi1>
      tpu.vector_store %arg18[%swap3A_1600], %add3A_1599 masked %le3A_1596 {strides = array<i32>} : memref<288xi32, #tpu.memory_space<vmem>>, vector<16xi32>, vector<16xi1>
      %all_reduce_population_count3A = tpu.all_reduce %le3A_1596 {dim = 0 : i64, kind = #tpu.reduction_kind<sum>} : vector<16xi1> -> vector<16xi32>
      %slice3A = vector.extract_strided_slice %all_reduce_population_count3A {offsets = [0], sizes = [1], strides = [1]} : vector<16xi32> to vector<1xi32>
      %squeeze3A = vector.extract %slice3A[0] : i32 from vector<1xi32>
      %add3A_1602 = arith.addi %scan3A_1579, %squeeze3A : i32
      %scan3A_1603 = arith.constant 1 : i32
      %scan3A_1604 = arith.addi %scan3A_1578, %scan3A_1603 : i32
      %mul3A_1605 = arith.constant 16 : i32
      %mul3A_1606 = arith.muli %scan3A_1604, %mul3A_1605 : i32
      %get3A_1607 = arith.index_cast %mul3A_1606 : i32 to index
      %get3A_1608 = tpu.vector_load %arg11[%get3A_1607] {strides = array<i32>} : memref<8192xf32, #tpu.memory_space<vmem>>, vector<16xf32>,
      %get3A_1609 = arith.index_cast %mul3A_1606 : i32 to index
      %get3A_1610 = tpu.vector_load %arg12[%get3A_1609] {strides = array<i32>} : memref<8192xf32, #tpu.memory_space<vmem>>, vector<16xf32>,
      %get3A_1611 = arith.index_cast %mul3A_1606 : i32 to index
      %get3A_1612 = tpu.vector_load %arg13[%get3A_1611] {strides = array<i32>} : memref<8192xf32, #tpu.memory_space<vmem>>, vector<16xf32>,
      %sub3A_1613 = arith.subf %get3A_1608, %gather3A_387 : vector<16xf32>
      %sub3A_1614 = arith.subf %get3A_1610, %gather3A_388 : vector<16xf32>
      %sub3A_1615 = arith.subf %get3A_1612, %gather3A_389 : vector<16xf32>
      %mul3A_1616 = arith.mulf %sub3A_1613, %sub3A_1613 : vector<16xf32>
      %mul3A_1617 = arith.mulf %sub3A_1614, %sub3A_1614 : vector<16xf32>
      %add3A_1618 = arith.addf %mul3A_1616, %mul3A_1617 : vector<16xf32>
      %mul3A_1619 = arith.mulf %sub3A_1615, %sub3A_1615 : vector<16xf32>
      %add3A_1620 = arith.addf %add3A_1618, %mul3A_1619 : vector<16xf32>
      %le3A_1621 = arith.constant 0.160000011 : f32
      %le3A_1622 = vector.broadcast %le3A_1621 : f32 to vector<16xf32>
      %le3A_1623 = arith.cmpf ole, %add3A_1620, %le3A_1622 : vector<16xf32>
      %min3A_1624 = arith.constant 256 : i32
      %min3A_1625 = arith.minsi %add3A_1602, %min3A_1624 : i32
      %add3A_1626 = vector.broadcast %mul3A_1606 : i32 to vector<16xi32>
      %add3A_1627 = arith.addi %add3A_1626, %iota3A : vector<16xi32>
      %swap3A_1628 = arith.index_cast %min3A_1625 : i32 to index
      %swap3A_1629 = tpu.vector_load %arg18[%swap3A_1628] masked %le3A_1623 {strides = array<i32>} : memref<288xi32, #tpu.memory_space<vmem>>, vector<16xi32>, vector<16xi1>
      tpu.vector_store %arg18[%swap3A_1628], %add3A_1627 masked %le3A_1623 {strides = array<i32>} : memref<288xi32, #tpu.memory_space<vmem>>, vector<16xi32>, vector<16xi1>
      %all_reduce_population_count3A_1630 = tpu.all_reduce %le3A_1623 {dim = 0 : i64, kind = #tpu.reduction_kind<sum>} : vector<16xi1> -> vector<16xi32>
      %slice3A_1631 = vector.extract_strided_slice %all_reduce_population_count3A_1630 {offsets = [0], sizes = [1], strides = [1]} : vector<16xi32> to vector<1xi32>
      %squeeze3A_1632 = vector.extract %slice3A_1631[0] : i32 from vector<1xi32>
      %add3A_1633 = arith.addi %add3A_1602, %squeeze3A_1632 : i32
      %scan3A_1634 = arith.constant 2 : i32
      %scan3A_1635 = arith.addi %scan3A_1578, %scan3A_1634 : i32
      %mul3A_1636 = arith.constant 16 : i32
      %mul3A_1637 = arith.muli %scan3A_1635, %mul3A_1636 : i32
      %get3A_1638 = arith.index_cast %mul3A_1637 : i32 to index
      %get3A_1639 = tpu.vector_load %arg11[%get3A_1638] {strides = array<i32>} : memref<8192xf32, #tpu.memory_space<vmem>>, vector<16xf32>,
      %get3A_1640 = arith.index_cast %mul3A_1637 : i32 to index
      %get3A_1641 = tpu.vector_load %arg12[%get3A_1640] {strides = array<i32>} : memref<8192xf32, #tpu.memory_space<vmem>>, vector<16xf32>,
      %get3A_1642 = arith.index_cast %mul3A_1637 : i32 to index
      %get3A_1643 = tpu.vector_load %arg13[%get3A_1642] {strides = array<i32>} : memref<8192xf32, #tpu.memory_space<vmem>>, vector<16xf32>,
      %sub3A_1644 = arith.subf %get3A_1639, %gather3A_387 : vector<16xf32>
      %sub3A_1645 = arith.subf %get3A_1641, %gather3A_388 : vector<16xf32>
      %sub3A_1646 = arith.subf %get3A_1643, %gather3A_389 : vector<16xf32>
      %mul3A_1647 = arith.mulf %sub3A_1644, %sub3A_1644 : vector<16xf32>
      %mul3A_1648 = arith.mulf %sub3A_1645, %sub3A_1645 : vector<16xf32>
      %add3A_1649 = arith.addf %mul3A_1647, %mul3A_1648 : vector<16xf32>
      %mul3A_1650 = arith.mulf %sub3A_1646, %sub3A_1646 : vector<16xf32>
      %add3A_1651 = arith.addf %add3A_1649, %mul3A_1650 : vector<16xf32>
      %le3A_1652 = arith.constant 0.160000011 : f32
      %le3A_1653 = vector.broadcast %le3A_1652 : f32 to vector<16xf32>
      %le3A_1654 = arith.cmpf ole, %add3A_1651, %le3A_1653 : vector<16xf32>
      %min3A_1655 = arith.constant 256 : i32
      %min3A_1656 = arith.minsi %add3A_1633, %min3A_1655 : i32
      %add3A_1657 = vector.broadcast %mul3A_1637 : i32 to vector<16xi32>
      %add3A_1658 = arith.addi %add3A_1657, %iota3A : vector<16xi32>
      %swap3A_1659 = arith.index_cast %min3A_1656 : i32 to index
      %swap3A_1660 = tpu.vector_load %arg18[%swap3A_1659] masked %le3A_1654 {strides = array<i32>} : memref<288xi32, #tpu.memory_space<vmem>>, vector<16xi32>, vector<16xi1>
      tpu.vector_store %arg18[%swap3A_1659], %add3A_1658 masked %le3A_1654 {strides = array<i32>} : memref<288xi32, #tpu.memory_space<vmem>>, vector<16xi32>, vector<16xi1>
      %all_reduce_population_count3A_1661 = tpu.all_reduce %le3A_1654 {dim = 0 : i64, kind = #tpu.reduction_kind<sum>} : vector<16xi1> -> vector<16xi32>
      %slice3A_1662 = vector.extract_strided_slice %all_reduce_population_count3A_1661 {offsets = [0], sizes = [1], strides = [1]} : vector<16xi32> to vector<1xi32>
      %squeeze3A_1663 = vector.extract %slice3A_1662[0] : i32 from vector<1xi32>
      %add3A_1664 = arith.addi %add3A_1633, %squeeze3A_1663 : i32
      %scan3A_1665 = arith.constant 3 : i32
      %scan3A_1666 = arith.addi %scan3A_1578, %scan3A_1665 : i32
      %mul3A_1667 = arith.constant 16 : i32
      %mul3A_1668 = arith.muli %scan3A_1666, %mul3A_1667 : i32
      %get3A_1669 = arith.index_cast %mul3A_1668 : i32 to index
      %get3A_1670 = tpu.vector_load %arg11[%get3A_1669] {strides = array<i32>} : memref<8192xf32, #tpu.memory_space<vmem>>, vector<16xf32>,
      %get3A_1671 = arith.index_cast %mul3A_1668 : i32 to index
      %get3A_1672 = tpu.vector_load %arg12[%get3A_1671] {strides = array<i32>} : memref<8192xf32, #tpu.memory_space<vmem>>, vector<16xf32>,
      %get3A_1673 = arith.index_cast %mul3A_1668 : i32 to index
      %get3A_1674 = tpu.vector_load %arg13[%get3A_1673] {strides = array<i32>} : memref<8192xf32, #tpu.memory_space<vmem>>, vector<16xf32>,
      %sub3A_1675 = arith.subf %get3A_1670, %gather3A_387 : vector<16xf32>
      %sub3A_1676 = arith.subf %get3A_1672, %gather3A_388 : vector<16xf32>
      %sub3A_1677 = arith.subf %get3A_1674, %gather3A_389 : vector<16xf32>
      %mul3A_1678 = arith.mulf %sub3A_1675, %sub3A_1675 : vector<16xf32>
      %mul3A_1679 = arith.mulf %sub3A_1676, %sub3A_1676 : vector<16xf32>
      %add3A_1680 = arith.addf %mul3A_1678, %mul3A_1679 : vector<16xf32>
      %mul3A_1681 = arith.mulf %sub3A_1677, %sub3A_1677 : vector<16xf32>
      %add3A_1682 = arith.addf %add3A_1680, %mul3A_1681 : vector<16xf32>
      %le3A_1683 = arith.constant 0.160000011 : f32
      %le3A_1684 = vector.broadcast %le3A_1683 : f32 to vector<16xf32>
      %le3A_1685 = arith.cmpf ole, %add3A_1682, %le3A_1684 : vector<16xf32>
      %min3A_1686 = arith.constant 256 : i32
      %min3A_1687 = arith.minsi %add3A_1664, %min3A_1686 : i32
      %add3A_1688 = vector.broadcast %mul3A_1668 : i32 to vector<16xi32>
      %add3A_1689 = arith.addi %add3A_1688, %iota3A : vector<16xi32>
      %swap3A_1690 = arith.index_cast %min3A_1687 : i32 to index
      %swap3A_1691 = tpu.vector_load %arg18[%swap3A_1690] masked %le3A_1685 {strides = array<i32>} : memref<288xi32, #tpu.memory_space<vmem>>, vector<16xi32>, vector<16xi1>
      tpu.vector_store %arg18[%swap3A_1690], %add3A_1689 masked %le3A_1685 {strides = array<i32>} : memref<288xi32, #tpu.memory_space<vmem>>, vector<16xi32>, vector<16xi1>
      %all_reduce_population_count3A_1692 = tpu.all_reduce %le3A_1685 {dim = 0 : i64, kind = #tpu.reduction_kind<sum>} : vector<16xi1> -> vector<16xi32>
      %slice3A_1693 = vector.extract_strided_slice %all_reduce_population_count3A_1692 {offsets = [0], sizes = [1], strides = [1]} : vector<16xi32> to vector<1xi32>
      %squeeze3A_1694 = vector.extract %slice3A_1693[0] : i32 from vector<1xi32>
      %add3A_1695 = arith.addi %add3A_1664, %squeeze3A_1694 : i32
      scf.yield %add3A_1695 : i32
    }
    %scan3A_433 = arith.constant 512 : i32
    %get3A_434 = arith.constant 0 : index
    %get3A_435 = tpu.vector_load %arg18[%get3A_434] {strides = array<i32>} : memref<288xi32, #tpu.memory_space<vmem>>, vector<16xi32>,
    %swap3A_436 = arith.constant 0 : i32
    %swap3A_437 = arith.index_cast %swap3A_436 : i32 to index
    %swap3A_438 = arith.constant 0 : index
    %swap3A_439 = tpu.vector_load %arg19[%swap3A_437, %swap3A_438] {strides = array<i32>} : memref<2x128xi32, #tpu.memory_space<vmem>>, vector<16xi32>,
    tpu.vector_store %arg19[%swap3A_437, %swap3A_438], %get3A_435 {strides = array<i32>} : memref<2x128xi32, #tpu.memory_space<vmem>>, vector<16xi32>,
    %get3A_440 = arith.constant 16 : index
    %get3A_441 = tpu.vector_load %arg18[%get3A_440] {strides = array<i32>} : memref<288xi32, #tpu.memory_space<vmem>>, vector<16xi32>,
    %swap3A_442 = arith.constant 0 : i32
    %swap3A_443 = arith.index_cast %swap3A_442 : i32 to index
    %swap3A_444 = arith.constant 16 : index
    %swap3A_445 = tpu.vector_load %arg19[%swap3A_443, %swap3A_444] {strides = array<i32>} : memref<2x128xi32, #tpu.memory_space<vmem>>, vector<16xi32>,
    tpu.vector_store %arg19[%swap3A_443, %swap3A_444], %get3A_441 {strides = array<i32>} : memref<2x128xi32, #tpu.memory_space<vmem>>, vector<16xi32>,
    %get3A_446 = arith.constant 32 : index
    %get3A_447 = tpu.vector_load %arg18[%get3A_446] {strides = array<i32>} : memref<288xi32, #tpu.memory_space<vmem>>, vector<16xi32>,
    %swap3A_448 = arith.constant 0 : i32
    %swap3A_449 = arith.index_cast %swap3A_448 : i32 to index
    %swap3A_450 = arith.constant 32 : index
    %swap3A_451 = tpu.vector_load %arg19[%swap3A_449, %swap3A_450] {strides = array<i32>} : memref<2x128xi32, #tpu.memory_space<vmem>>, vector<16xi32>,
    tpu.vector_store %arg19[%swap3A_449, %swap3A_450], %get3A_447 {strides = array<i32>} : memref<2x128xi32, #tpu.memory_space<vmem>>, vector<16xi32>,
    %get3A_452 = arith.constant 48 : index
    %get3A_453 = tpu.vector_load %arg18[%get3A_452] {strides = array<i32>} : memref<288xi32, #tpu.memory_space<vmem>>, vector<16xi32>,
    %swap3A_454 = arith.constant 0 : i32
    %swap3A_455 = arith.index_cast %swap3A_454 : i32 to index
    %swap3A_456 = arith.constant 48 : index
    %swap3A_457 = tpu.vector_load %arg19[%swap3A_455, %swap3A_456] {strides = array<i32>} : memref<2x128xi32, #tpu.memory_space<vmem>>, vector<16xi32>,
    tpu.vector_store %arg19[%swap3A_455, %swap3A_456], %get3A_453 {strides = array<i32>} : memref<2x128xi32, #tpu.memory_space<vmem>>, vector<16xi32>,
    %get3A_458 = arith.constant 64 : index
    %get3A_459 = tpu.vector_load %arg18[%get3A_458] {strides = array<i32>} : memref<288xi32, #tpu.memory_space<vmem>>, vector<16xi32>,
    %swap3A_460 = arith.constant 0 : i32
    %swap3A_461 = arith.index_cast %swap3A_460 : i32 to index
    %swap3A_462 = arith.constant 64 : index
    %swap3A_463 = tpu.vector_load %arg19[%swap3A_461, %swap3A_462] {strides = array<i32>} : memref<2x128xi32, #tpu.memory_space<vmem>>, vector<16xi32>,
    tpu.vector_store %arg19[%swap3A_461, %swap3A_462], %get3A_459 {strides = array<i32>} : memref<2x128xi32, #tpu.memory_space<vmem>>, vector<16xi32>,
    %get3A_464 = arith.constant 80 : index
    %get3A_465 = tpu.vector_load %arg18[%get3A_464] {strides = array<i32>} : memref<288xi32, #tpu.memory_space<vmem>>, vector<16xi32>,
    %swap3A_466 = arith.constant 0 : i32
    %swap3A_467 = arith.index_cast %swap3A_466 : i32 to index
    %swap3A_468 = arith.constant 80 : index
    %swap3A_469 = tpu.vector_load %arg19[%swap3A_467, %swap3A_468] {strides = array<i32>} : memref<2x128xi32, #tpu.memory_space<vmem>>, vector<16xi32>,
    tpu.vector_store %arg19[%swap3A_467, %swap3A_468], %get3A_465 {strides = array<i32>} : memref<2x128xi32, #tpu.memory_space<vmem>>, vector<16xi32>,
    %get3A_470 = arith.constant 96 : index
    %get3A_471 = tpu.vector_load %arg18[%get3A_470] {strides = array<i32>} : memref<288xi32, #tpu.memory_space<vmem>>, vector<16xi32>,
    %swap3A_472 = arith.constant 0 : i32
    %swap3A_473 = arith.index_cast %swap3A_472 : i32 to index
    %swap3A_474 = arith.constant 96 : index
    %swap3A_475 = tpu.vector_load %arg19[%swap3A_473, %swap3A_474] {strides = array<i32>} : memref<2x128xi32, #tpu.memory_space<vmem>>, vector<16xi32>,
    tpu.vector_store %arg19[%swap3A_473, %swap3A_474], %get3A_471 {strides = array<i32>} : memref<2x128xi32, #tpu.memory_space<vmem>>, vector<16xi32>,
    %get3A_476 = arith.constant 112 : index
    %get3A_477 = tpu.vector_load %arg18[%get3A_476] {strides = array<i32>} : memref<288xi32, #tpu.memory_space<vmem>>, vector<16xi32>,
    %swap3A_478 = arith.constant 0 : i32
    %swap3A_479 = arith.index_cast %swap3A_478 : i32 to index
    %swap3A_480 = arith.constant 112 : index
    %swap3A_481 = tpu.vector_load %arg19[%swap3A_479, %swap3A_480] {strides = array<i32>} : memref<2x128xi32, #tpu.memory_space<vmem>>, vector<16xi32>,
    tpu.vector_store %arg19[%swap3A_479, %swap3A_480], %get3A_477 {strides = array<i32>} : memref<2x128xi32, #tpu.memory_space<vmem>>, vector<16xi32>,
    %get3A_482 = arith.constant 128 : index
    %get3A_483 = tpu.vector_load %arg18[%get3A_482] {strides = array<i32>} : memref<288xi32, #tpu.memory_space<vmem>>, vector<16xi32>,
    %swap3A_484 = arith.constant 1 : i32
    %swap3A_485 = arith.index_cast %swap3A_484 : i32 to index
    %swap3A_486 = arith.constant 0 : index
    %swap3A_487 = tpu.vector_load %arg19[%swap3A_485, %swap3A_486] {strides = array<i32>} : memref<2x128xi32, #tpu.memory_space<vmem>>, vector<16xi32>,
    tpu.vector_store %arg19[%swap3A_485, %swap3A_486], %get3A_483 {strides = array<i32>} : memref<2x128xi32, #tpu.memory_space<vmem>>, vector<16xi32>,
    %get3A_488 = arith.constant 144 : index
    %get3A_489 = tpu.vector_load %arg18[%get3A_488] {strides = array<i32>} : memref<288xi32, #tpu.memory_space<vmem>>, vector<16xi32>,
    %swap3A_490 = arith.constant 1 : i32
    %swap3A_491 = arith.index_cast %swap3A_490 : i32 to index
    %swap3A_492 = arith.constant 16 : index
    %swap3A_493 = tpu.vector_load %arg19[%swap3A_491, %swap3A_492] {strides = array<i32>} : memref<2x128xi32, #tpu.memory_space<vmem>>, vector<16xi32>,
    tpu.vector_store %arg19[%swap3A_491, %swap3A_492], %get3A_489 {strides = array<i32>} : memref<2x128xi32, #tpu.memory_space<vmem>>, vector<16xi32>,
    %get3A_494 = arith.constant 160 : index
    %get3A_495 = tpu.vector_load %arg18[%get3A_494] {strides = array<i32>} : memref<288xi32, #tpu.memory_space<vmem>>, vector<16xi32>,
    %swap3A_496 = arith.constant 1 : i32
    %swap3A_497 = arith.index_cast %swap3A_496 : i32 to index
    %swap3A_498 = arith.constant 32 : index
    %swap3A_499 = tpu.vector_load %arg19[%swap3A_497, %swap3A_498] {strides = array<i32>} : memref<2x128xi32, #tpu.memory_space<vmem>>, vector<16xi32>,
    tpu.vector_store %arg19[%swap3A_497, %swap3A_498], %get3A_495 {strides = array<i32>} : memref<2x128xi32, #tpu.memory_space<vmem>>, vector<16xi32>,
    %get3A_500 = arith.constant 176 : index
    %get3A_501 = tpu.vector_load %arg18[%get3A_500] {strides = array<i32>} : memref<288xi32, #tpu.memory_space<vmem>>, vector<16xi32>,
    %swap3A_502 = arith.constant 1 : i32
    %swap3A_503 = arith.index_cast %swap3A_502 : i32 to index
    %swap3A_504 = arith.constant 48 : index
    %swap3A_505 = tpu.vector_load %arg19[%swap3A_503, %swap3A_504] {strides = array<i32>} : memref<2x128xi32, #tpu.memory_space<vmem>>, vector<16xi32>,
    tpu.vector_store %arg19[%swap3A_503, %swap3A_504], %get3A_501 {strides = array<i32>} : memref<2x128xi32, #tpu.memory_space<vmem>>, vector<16xi32>,
    %get3A_506 = arith.constant 192 : index
    %get3A_507 = tpu.vector_load %arg18[%get3A_506] {strides = array<i32>} : memref<288xi32, #tpu.memory_space<vmem>>, vector<16xi32>,
    %swap3A_508 = arith.constant 1 : i32
    %swap3A_509 = arith.index_cast %swap3A_508 : i32 to index
    %swap3A_510 = arith.constant 64 : index
    %swap3A_511 = tpu.vector_load %arg19[%swap3A_509, %swap3A_510] {strides = array<i32>} : memref<2x128xi32, #tpu.memory_space<vmem>>, vector<16xi32>,
    tpu.vector_store %arg19[%swap3A_509, %swap3A_510], %get3A_507 {strides = array<i32>} : memref<2x128xi32, #tpu.memory_space<vmem>>, vector<16xi32>,
    %get3A_512 = arith.constant 208 : index
    %get3A_513 = tpu.vector_load %arg18[%get3A_512] {strides = array<i32>} : memref<288xi32, #tpu.memory_space<vmem>>, vector<16xi32>,
    %swap3A_514 = arith.constant 1 : i32
    %swap3A_515 = arith.index_cast %swap3A_514 : i32 to index
    %swap3A_516 = arith.constant 80 : index
    %swap3A_517 = tpu.vector_load %arg19[%swap3A_515, %swap3A_516] {strides = array<i32>} : memref<2x128xi32, #tpu.memory_space<vmem>>, vector<16xi32>,
    tpu.vector_store %arg19[%swap3A_515, %swap3A_516], %get3A_513 {strides = array<i32>} : memref<2x128xi32, #tpu.memory_space<vmem>>, vector<16xi32>,
    %get3A_518 = arith.constant 224 : index
    %get3A_519 = tpu.vector_load %arg18[%get3A_518] {strides = array<i32>} : memref<288xi32, #tpu.memory_space<vmem>>, vector<16xi32>,
    %swap3A_520 = arith.constant 1 : i32
    %swap3A_521 = arith.index_cast %swap3A_520 : i32 to index
    %swap3A_522 = arith.constant 96 : index
    %swap3A_523 = tpu.vector_load %arg19[%swap3A_521, %swap3A_522] {strides = array<i32>} : memref<2x128xi32, #tpu.memory_space<vmem>>, vector<16xi32>,
    tpu.vector_store %arg19[%swap3A_521, %swap3A_522], %get3A_519 {strides = array<i32>} : memref<2x128xi32, #tpu.memory_space<vmem>>, vector<16xi32>,
    %get3A_524 = arith.constant 240 : index
    %get3A_525 = tpu.vector_load %arg18[%get3A_524] {strides = array<i32>} : memref<288xi32, #tpu.memory_space<vmem>>, vector<16xi32>,
    %swap3A_526 = arith.constant 1 : i32
    %swap3A_527 = arith.index_cast %swap3A_526 : i32 to index
    %swap3A_528 = arith.constant 112 : index
    %swap3A_529 = tpu.vector_load %arg19[%swap3A_527, %swap3A_528] {strides = array<i32>} : memref<2x128xi32, #tpu.memory_space<vmem>>, vector<16xi32>,
    tpu.vector_store %arg19[%swap3A_527, %swap3A_528], %get3A_525 {strides = array<i32>} : memref<2x128xi32, #tpu.memory_space<vmem>>, vector<16xi32>,
    %dma_wait3A_530 = arith.constant 0 : i32
    %dma_wait3A_531 = tpu.memref_slice %arg10[%mul3A_183, %dma_wait3A_530] : memref<65536x128xf32, #tpu.memory_space<hbm>> -> memref<256x128xf32, #tpu.memory_space<hbm>>
    %dma_wait3A_532 = arith.constant 0 : i32
    %dma_wait3A_533 = tpu.memref_slice %arg10[%mul3A_183, %dma_wait3A_532] : memref<65536x128xf32, #tpu.memory_space<hbm>> -> memref<256x128xf32, #tpu.memory_space<hbm>>
    tpu.wait_dma2 semaphore(%arg23 : memref<!tpu.dma_semaphore, #tpu.memory_space<semaphore_mem>>) src(%arg20 : memref<256x128xf32, #tpu.memory_space<vmem>>) dst(%dma_wait3A_533 : memref<256x128xf32, #tpu.memory_space<hbm>>)
    %dma_start3A_534 = arith.constant 0 : i32
    %dma_start3A_535 = arith.constant 0 : i32
    %dma_start3A_536 = arith.constant 0 : i32
    %dma_start3A_537 = tpu.memref_slice %arg20[%dma_start3A_535, %dma_start3A_536] : memref<256x128xf32, #tpu.memory_space<vmem>> -> memref<128x128xf32, #tpu.memory_space<vmem>>
    %dma_start3A_538 = arith.constant 0 : i32
    %dma_start3A_539 = tpu.memref_slice %arg19[%dma_start3A_534, %dma_start3A_538] : memref<2x128xi32, #tpu.memory_space<vmem>> -> memref<1x128xi32, #tpu.memory_space<vmem>>
    %dma_start3A_540 = tpu.memref_squeeze %dma_start3A_539 : memref<1x128xi32, #tpu.memory_space<vmem>> -> memref<128xi32, #tpu.memory_space<vmem>>
    %dma_start3A_541 = arith.constant 0 : i32
    %dma_start3A_542 = arith.constant 0 : i32
    %dma_start3A_543 = tpu.memref_slice %arg9[%dma_start3A_541, %dma_start3A_542] : memref<8192x128xf32, #tpu.memory_space<hbm>> -> memref<8192x128xf32, #tpu.memory_space<hbm>>
    tpu.enqueue_indirect_dma source(%dma_start3A_543 : memref<8192x128xf32, #tpu.memory_space<hbm>>) target(%dma_start3A_537 : memref<128x128xf32, #tpu.memory_space<vmem>>) offsets(%dma_start3A_540 : memref<128xi32, #tpu.memory_space<vmem>>) semaphore(%arg22 : memref<!tpu.dma_semaphore, #tpu.memory_space<semaphore_mem>>)
    %dma_start3A_544 = arith.constant 1 : i32
    %dma_start3A_545 = arith.constant 128 : i32
    %dma_start3A_546 = arith.constant 0 : i32
    %dma_start3A_547 = tpu.memref_slice %arg20[%dma_start3A_545, %dma_start3A_546] : memref<256x128xf32, #tpu.memory_space<vmem>> -> memref<128x128xf32, #tpu.memory_space<vmem>>
    %dma_start3A_548 = arith.constant 0 : i32
    %dma_start3A_549 = tpu.memref_slice %arg19[%dma_start3A_544, %dma_start3A_548] : memref<2x128xi32, #tpu.memory_space<vmem>> -> memref<1x128xi32, #tpu.memory_space<vmem>>
    %dma_start3A_550 = tpu.memref_squeeze %dma_start3A_549 : memref<1x128xi32, #tpu.memory_space<vmem>> -> memref<128xi32, #tpu.memory_space<vmem>>
    %dma_start3A_551 = arith.constant 0 : i32
    %dma_start3A_552 = arith.constant 0 : i32
    %dma_start3A_553 = tpu.memref_slice %arg9[%dma_start3A_551, %dma_start3A_552] : memref<8192x128xf32, #tpu.memory_space<hbm>> -> memref<8192x128xf32, #tpu.memory_space<hbm>>
    tpu.enqueue_indirect_dma source(%dma_start3A_553 : memref<8192x128xf32, #tpu.memory_space<hbm>>) target(%dma_start3A_547 : memref<128x128xf32, #tpu.memory_space<vmem>>) offsets(%dma_start3A_550 : memref<128xi32, #tpu.memory_space<vmem>>) semaphore(%arg22 : memref<!tpu.dma_semaphore, #tpu.memory_space<semaphore_mem>>)
    %dma_wait3A_554 = arith.constant 0 : i32
    %dma_wait3A_555 = arith.constant 0 : i32
    %dma_wait3A_556 = arith.constant 0 : i32
    %dma_wait3A_557 = tpu.memref_slice %arg20[%dma_wait3A_555, %dma_wait3A_556] : memref<256x128xf32, #tpu.memory_space<vmem>> -> memref<128x128xf32, #tpu.memory_space<vmem>>
    %dma_wait3A_558 = arith.constant 0 : i32
    %dma_wait3A_559 = tpu.memref_slice %arg19[%dma_wait3A_554, %dma_wait3A_558] : memref<2x128xi32, #tpu.memory_space<vmem>> -> memref<1x128xi32, #tpu.memory_space<vmem>>
    %dma_wait3A_560 = tpu.memref_squeeze %dma_wait3A_559 : memref<1x128xi32, #tpu.memory_space<vmem>> -> memref<128xi32, #tpu.memory_space<vmem>>
    %dma_wait3A_561 = arith.constant 0 : i32
    %dma_wait3A_562 = arith.constant 0 : i32
    %dma_wait3A_563 = tpu.memref_slice %arg9[%dma_wait3A_561, %dma_wait3A_562] : memref<8192x128xf32, #tpu.memory_space<hbm>> -> memref<8192x128xf32, #tpu.memory_space<hbm>>
    tpu.wait_indirect_dma semaphore(%arg22 : memref<!tpu.dma_semaphore, #tpu.memory_space<semaphore_mem>>) src(%dma_wait3A_563 : memref<8192x128xf32, #tpu.memory_space<hbm>>) dst(%dma_wait3A_557 : memref<128x128xf32, #tpu.memory_space<vmem>>)
    %dma_wait3A_564 = arith.constant 1 : i32
    %dma_wait3A_565 = arith.constant 128 : i32
    %dma_wait3A_566 = arith.constant 0 : i32
    %dma_wait3A_567 = tpu.memref_slice %arg20[%dma_wait3A_565, %dma_wait3A_566] : memref<256x128xf32, #tpu.memory_space<vmem>> -> memref<128x128xf32, #tpu.memory_space<vmem>>
    %dma_wait3A_568 = arith.constant 0 : i32
    %dma_wait3A_569 = tpu.memref_slice %arg19[%dma_wait3A_564, %dma_wait3A_568] : memref<2x128xi32, #tpu.memory_space<vmem>> -> memref<1x128xi32, #tpu.memory_space<vmem>>
    %dma_wait3A_570 = tpu.memref_squeeze %dma_wait3A_569 : memref<1x128xi32, #tpu.memory_space<vmem>> -> memref<128xi32, #tpu.memory_space<vmem>>
    %dma_wait3A_571 = arith.constant 0 : i32
    %dma_wait3A_572 = arith.constant 0 : i32
    %dma_wait3A_573 = tpu.memref_slice %arg9[%dma_wait3A_571, %dma_wait3A_572] : memref<8192x128xf32, #tpu.memory_space<hbm>> -> memref<8192x128xf32, #tpu.memory_space<hbm>>
    tpu.wait_indirect_dma semaphore(%arg22 : memref<!tpu.dma_semaphore, #tpu.memory_space<semaphore_mem>>) src(%dma_wait3A_573 : memref<8192x128xf32, #tpu.memory_space<hbm>>) dst(%dma_wait3A_567 : memref<128x128xf32, #tpu.memory_space<vmem>>)
    %mul3A_574 = arith.constant 256 : i32
    %mul3A_575 = arith.muli %add3A_385, %mul3A_574 : i32
    %dma_start3A_576 = arith.constant 0 : i32
    %dma_start3A_577 = tpu.memref_slice %arg10[%mul3A_575, %dma_start3A_576] : memref<65536x128xf32, #tpu.memory_space<hbm>> -> memref<256x128xf32, #tpu.memory_space<hbm>>
    %dma_start3A_578 = arith.constant 0 : i32
    %dma_start3A_579 = tpu.memref_slice %arg10[%mul3A_575, %dma_start3A_578] : memref<65536x128xf32, #tpu.memory_space<hbm>> -> memref<256x128xf32, #tpu.memory_space<hbm>>
    tpu.enqueue_dma source(%arg20 : memref<256x128xf32, #tpu.memory_space<vmem>>) target(%dma_start3A_579 : memref<256x128xf32, #tpu.memory_space<hbm>>) target_semaphore(%arg23 : memref<!tpu.dma_semaphore, #tpu.memory_space<semaphore_mem>>)
    %mul3A_580 = arith.constant 8 : i32
    %mul3A_581 = arith.muli %add3A, %mul3A_580 : i32
    %add3A_582 = arith.constant 3 : i32
    %add3A_583 = arith.addi %mul3A_581, %add3A_582 : i32
    %broadcast_in_dim3A_584 = vector.broadcast %add3A_583 : i32 to vector<16xi32>
    %gather3A_585 = tpu.vector_load_idx %arg14[%broadcast_in_dim3A_584] : memref<256xf32, #tpu.memory_space<vmem>>[vector<16xi32>], vector<16xf32>,
    %gather3A_586 = tpu.vector_load_idx %arg15[%broadcast_in_dim3A_584] : memref<256xf32, #tpu.memory_space<vmem>>[vector<16xi32>], vector<16xf32>,
    %gather3A_587 = tpu.vector_load_idx %arg16[%broadcast_in_dim3A_584] : memref<256xf32, #tpu.memory_space<vmem>>[vector<16xi32>], vector<16xf32>,
    %gather3A_588 = tpu.vector_load_idx %arg17[%broadcast_in_dim3A_584] : memref<256xi32, #tpu.memory_space<vmem>>[vector<16xi32>], vector<16xi32>,
    %swap3A_589 = arith.constant 0 : index
    %swap3A_590 = tpu.vector_load %arg18[%swap3A_589] {strides = array<i32>} : memref<288xi32, #tpu.memory_space<vmem>>, vector<16xi32>,
    tpu.vector_store %arg18[%swap3A_589], %gather3A_588 {strides = array<i32>} : memref<288xi32, #tpu.memory_space<vmem>>, vector<16xi32>,
    %swap3A_591 = arith.constant 16 : index
    %swap3A_592 = tpu.vector_load %arg18[%swap3A_591] {strides = array<i32>} : memref<288xi32, #tpu.memory_space<vmem>>, vector<16xi32>,
    tpu.vector_store %arg18[%swap3A_591], %gather3A_588 {strides = array<i32>} : memref<288xi32, #tpu.memory_space<vmem>>, vector<16xi32>,
    %swap3A_593 = arith.constant 32 : index
    %swap3A_594 = tpu.vector_load %arg18[%swap3A_593] {strides = array<i32>} : memref<288xi32, #tpu.memory_space<vmem>>, vector<16xi32>,
    tpu.vector_store %arg18[%swap3A_593], %gather3A_588 {strides = array<i32>} : memref<288xi32, #tpu.memory_space<vmem>>, vector<16xi32>,
    %swap3A_595 = arith.constant 48 : index
    %swap3A_596 = tpu.vector_load %arg18[%swap3A_595] {strides = array<i32>} : memref<288xi32, #tpu.memory_space<vmem>>, vector<16xi32>,
    tpu.vector_store %arg18[%swap3A_595], %gather3A_588 {strides = array<i32>} : memref<288xi32, #tpu.memory_space<vmem>>, vector<16xi32>,
    %swap3A_597 = arith.constant 64 : index
    %swap3A_598 = tpu.vector_load %arg18[%swap3A_597] {strides = array<i32>} : memref<288xi32, #tpu.memory_space<vmem>>, vector<16xi32>,
    tpu.vector_store %arg18[%swap3A_597], %gather3A_588 {strides = array<i32>} : memref<288xi32, #tpu.memory_space<vmem>>, vector<16xi32>,
    %swap3A_599 = arith.constant 80 : index
    %swap3A_600 = tpu.vector_load %arg18[%swap3A_599] {strides = array<i32>} : memref<288xi32, #tpu.memory_space<vmem>>, vector<16xi32>,
    tpu.vector_store %arg18[%swap3A_599], %gather3A_588 {strides = array<i32>} : memref<288xi32, #tpu.memory_space<vmem>>, vector<16xi32>,
    %swap3A_601 = arith.constant 96 : index
    %swap3A_602 = tpu.vector_load %arg18[%swap3A_601] {strides = array<i32>} : memref<288xi32, #tpu.memory_space<vmem>>, vector<16xi32>,
    tpu.vector_store %arg18[%swap3A_601], %gather3A_588 {strides = array<i32>} : memref<288xi32, #tpu.memory_space<vmem>>, vector<16xi32>,
    %swap3A_603 = arith.constant 112 : index
    %swap3A_604 = tpu.vector_load %arg18[%swap3A_603] {strides = array<i32>} : memref<288xi32, #tpu.memory_space<vmem>>, vector<16xi32>,
    tpu.vector_store %arg18[%swap3A_603], %gather3A_588 {strides = array<i32>} : memref<288xi32, #tpu.memory_space<vmem>>, vector<16xi32>,
    %swap3A_605 = arith.constant 128 : index
    %swap3A_606 = tpu.vector_load %arg18[%swap3A_605] {strides = array<i32>} : memref<288xi32, #tpu.memory_space<vmem>>, vector<16xi32>,
    tpu.vector_store %arg18[%swap3A_605], %gather3A_588 {strides = array<i32>} : memref<288xi32, #tpu.memory_space<vmem>>, vector<16xi32>,
    %swap3A_607 = arith.constant 144 : index
    %swap3A_608 = tpu.vector_load %arg18[%swap3A_607] {strides = array<i32>} : memref<288xi32, #tpu.memory_space<vmem>>, vector<16xi32>,
    tpu.vector_store %arg18[%swap3A_607], %gather3A_588 {strides = array<i32>} : memref<288xi32, #tpu.memory_space<vmem>>, vector<16xi32>,
    %swap3A_609 = arith.constant 160 : index
    %swap3A_610 = tpu.vector_load %arg18[%swap3A_609] {strides = array<i32>} : memref<288xi32, #tpu.memory_space<vmem>>, vector<16xi32>,
    tpu.vector_store %arg18[%swap3A_609], %gather3A_588 {strides = array<i32>} : memref<288xi32, #tpu.memory_space<vmem>>, vector<16xi32>,
    %swap3A_611 = arith.constant 176 : index
    %swap3A_612 = tpu.vector_load %arg18[%swap3A_611] {strides = array<i32>} : memref<288xi32, #tpu.memory_space<vmem>>, vector<16xi32>,
    tpu.vector_store %arg18[%swap3A_611], %gather3A_588 {strides = array<i32>} : memref<288xi32, #tpu.memory_space<vmem>>, vector<16xi32>,
    %swap3A_613 = arith.constant 192 : index
    %swap3A_614 = tpu.vector_load %arg18[%swap3A_613] {strides = array<i32>} : memref<288xi32, #tpu.memory_space<vmem>>, vector<16xi32>,
    tpu.vector_store %arg18[%swap3A_613], %gather3A_588 {strides = array<i32>} : memref<288xi32, #tpu.memory_space<vmem>>, vector<16xi32>,
    %swap3A_615 = arith.constant 208 : index
    %swap3A_616 = tpu.vector_load %arg18[%swap3A_615] {strides = array<i32>} : memref<288xi32, #tpu.memory_space<vmem>>, vector<16xi32>,
    tpu.vector_store %arg18[%swap3A_615], %gather3A_588 {strides = array<i32>} : memref<288xi32, #tpu.memory_space<vmem>>, vector<16xi32>,
    %swap3A_617 = arith.constant 224 : index
    %swap3A_618 = tpu.vector_load %arg18[%swap3A_617] {strides = array<i32>} : memref<288xi32, #tpu.memory_space<vmem>>, vector<16xi32>,
    tpu.vector_store %arg18[%swap3A_617], %gather3A_588 {strides = array<i32>} : memref<288xi32, #tpu.memory_space<vmem>>, vector<16xi32>,
    %swap3A_619 = arith.constant 240 : index
    %swap3A_620 = tpu.vector_load %arg18[%swap3A_619] {strides = array<i32>} : memref<288xi32, #tpu.memory_space<vmem>>, vector<16xi32>,
    tpu.vector_store %arg18[%swap3A_619], %gather3A_588 {strides = array<i32>} : memref<288xi32, #tpu.memory_space<vmem>>, vector<16xi32>,
    %swap3A_621 = arith.constant 256 : index
    %swap3A_622 = tpu.vector_load %arg18[%swap3A_621] {strides = array<i32>} : memref<288xi32, #tpu.memory_space<vmem>>, vector<16xi32>,
    tpu.vector_store %arg18[%swap3A_621], %gather3A_588 {strides = array<i32>} : memref<288xi32, #tpu.memory_space<vmem>>, vector<16xi32>,
    %swap3A_623 = arith.constant 272 : index
    %swap3A_624 = tpu.vector_load %arg18[%swap3A_623] {strides = array<i32>} : memref<288xi32, #tpu.memory_space<vmem>>, vector<16xi32>,
    tpu.vector_store %arg18[%swap3A_623], %gather3A_588 {strides = array<i32>} : memref<288xi32, #tpu.memory_space<vmem>>, vector<16xi32>,
    %scan3A_625 = arith.constant 0 : i32
    %scan3A_626 = arith.constant 0 : i32
    %scan3A_627 = arith.constant 512 : i32
    %scan3A_628 = arith.addi %scan3A_626, %scan3A_627 : i32
    %scan3A_629 = arith.constant 4 : i32
    %scan3A_630 = scf.for %scan3A_1578 = %scan3A_626 to %scan3A_628 step %scan3A_629 iter_args(%scan3A_1579 = %scan3A_625) -> (i32)  : i32 {
      %mul3A_1580 = arith.constant 16 : i32
      %mul3A_1581 = arith.muli %scan3A_1578, %mul3A_1580 : i32
      %get3A_1582 = arith.index_cast %mul3A_1581 : i32 to index
      %get3A_1583 = tpu.vector_load %arg11[%get3A_1582] {strides = array<i32>} : memref<8192xf32, #tpu.memory_space<vmem>>, vector<16xf32>,
      %get3A_1584 = arith.index_cast %mul3A_1581 : i32 to index
      %get3A_1585 = tpu.vector_load %arg12[%get3A_1584] {strides = array<i32>} : memref<8192xf32, #tpu.memory_space<vmem>>, vector<16xf32>,
      %get3A_1586 = arith.index_cast %mul3A_1581 : i32 to index
      %get3A_1587 = tpu.vector_load %arg13[%get3A_1586] {strides = array<i32>} : memref<8192xf32, #tpu.memory_space<vmem>>, vector<16xf32>,
      %sub3A = arith.subf %get3A_1583, %gather3A_585 : vector<16xf32>
      %sub3A_1588 = arith.subf %get3A_1585, %gather3A_586 : vector<16xf32>
      %sub3A_1589 = arith.subf %get3A_1587, %gather3A_587 : vector<16xf32>
      %mul3A_1590 = arith.mulf %sub3A, %sub3A : vector<16xf32>
      %mul3A_1591 = arith.mulf %sub3A_1588, %sub3A_1588 : vector<16xf32>
      %add3A_1592 = arith.addf %mul3A_1590, %mul3A_1591 : vector<16xf32>
      %mul3A_1593 = arith.mulf %sub3A_1589, %sub3A_1589 : vector<16xf32>
      %add3A_1594 = arith.addf %add3A_1592, %mul3A_1593 : vector<16xf32>
      %le3A = arith.constant 0.160000011 : f32
      %le3A_1595 = vector.broadcast %le3A : f32 to vector<16xf32>
      %le3A_1596 = arith.cmpf ole, %add3A_1594, %le3A_1595 : vector<16xf32>
      %min3A = arith.constant 256 : i32
      %min3A_1597 = arith.minsi %scan3A_1579, %min3A : i32
      %add3A_1598 = vector.broadcast %mul3A_1581 : i32 to vector<16xi32>
      %add3A_1599 = arith.addi %add3A_1598, %iota3A : vector<16xi32>
      %swap3A_1600 = arith.index_cast %min3A_1597 : i32 to index
      %swap3A_1601 = tpu.vector_load %arg18[%swap3A_1600] masked %le3A_1596 {strides = array<i32>} : memref<288xi32, #tpu.memory_space<vmem>>, vector<16xi32>, vector<16xi1>
      tpu.vector_store %arg18[%swap3A_1600], %add3A_1599 masked %le3A_1596 {strides = array<i32>} : memref<288xi32, #tpu.memory_space<vmem>>, vector<16xi32>, vector<16xi1>
      %all_reduce_population_count3A = tpu.all_reduce %le3A_1596 {dim = 0 : i64, kind = #tpu.reduction_kind<sum>} : vector<16xi1> -> vector<16xi32>
      %slice3A = vector.extract_strided_slice %all_reduce_population_count3A {offsets = [0], sizes = [1], strides = [1]} : vector<16xi32> to vector<1xi32>
      %squeeze3A = vector.extract %slice3A[0] : i32 from vector<1xi32>
      %add3A_1602 = arith.addi %scan3A_1579, %squeeze3A : i32
      %scan3A_1603 = arith.constant 1 : i32
      %scan3A_1604 = arith.addi %scan3A_1578, %scan3A_1603 : i32
      %mul3A_1605 = arith.constant 16 : i32
      %mul3A_1606 = arith.muli %scan3A_1604, %mul3A_1605 : i32
      %get3A_1607 = arith.index_cast %mul3A_1606 : i32 to index
      %get3A_1608 = tpu.vector_load %arg11[%get3A_1607] {strides = array<i32>} : memref<8192xf32, #tpu.memory_space<vmem>>, vector<16xf32>,
      %get3A_1609 = arith.index_cast %mul3A_1606 : i32 to index
      %get3A_1610 = tpu.vector_load %arg12[%get3A_1609] {strides = array<i32>} : memref<8192xf32, #tpu.memory_space<vmem>>, vector<16xf32>,
      %get3A_1611 = arith.index_cast %mul3A_1606 : i32 to index
      %get3A_1612 = tpu.vector_load %arg13[%get3A_1611] {strides = array<i32>} : memref<8192xf32, #tpu.memory_space<vmem>>, vector<16xf32>,
      %sub3A_1613 = arith.subf %get3A_1608, %gather3A_585 : vector<16xf32>
      %sub3A_1614 = arith.subf %get3A_1610, %gather3A_586 : vector<16xf32>
      %sub3A_1615 = arith.subf %get3A_1612, %gather3A_587 : vector<16xf32>
      %mul3A_1616 = arith.mulf %sub3A_1613, %sub3A_1613 : vector<16xf32>
      %mul3A_1617 = arith.mulf %sub3A_1614, %sub3A_1614 : vector<16xf32>
      %add3A_1618 = arith.addf %mul3A_1616, %mul3A_1617 : vector<16xf32>
      %mul3A_1619 = arith.mulf %sub3A_1615, %sub3A_1615 : vector<16xf32>
      %add3A_1620 = arith.addf %add3A_1618, %mul3A_1619 : vector<16xf32>
      %le3A_1621 = arith.constant 0.160000011 : f32
      %le3A_1622 = vector.broadcast %le3A_1621 : f32 to vector<16xf32>
      %le3A_1623 = arith.cmpf ole, %add3A_1620, %le3A_1622 : vector<16xf32>
      %min3A_1624 = arith.constant 256 : i32
      %min3A_1625 = arith.minsi %add3A_1602, %min3A_1624 : i32
      %add3A_1626 = vector.broadcast %mul3A_1606 : i32 to vector<16xi32>
      %add3A_1627 = arith.addi %add3A_1626, %iota3A : vector<16xi32>
      %swap3A_1628 = arith.index_cast %min3A_1625 : i32 to index
      %swap3A_1629 = tpu.vector_load %arg18[%swap3A_1628] masked %le3A_1623 {strides = array<i32>} : memref<288xi32, #tpu.memory_space<vmem>>, vector<16xi32>, vector<16xi1>
      tpu.vector_store %arg18[%swap3A_1628], %add3A_1627 masked %le3A_1623 {strides = array<i32>} : memref<288xi32, #tpu.memory_space<vmem>>, vector<16xi32>, vector<16xi1>
      %all_reduce_population_count3A_1630 = tpu.all_reduce %le3A_1623 {dim = 0 : i64, kind = #tpu.reduction_kind<sum>} : vector<16xi1> -> vector<16xi32>
      %slice3A_1631 = vector.extract_strided_slice %all_reduce_population_count3A_1630 {offsets = [0], sizes = [1], strides = [1]} : vector<16xi32> to vector<1xi32>
      %squeeze3A_1632 = vector.extract %slice3A_1631[0] : i32 from vector<1xi32>
      %add3A_1633 = arith.addi %add3A_1602, %squeeze3A_1632 : i32
      %scan3A_1634 = arith.constant 2 : i32
      %scan3A_1635 = arith.addi %scan3A_1578, %scan3A_1634 : i32
      %mul3A_1636 = arith.constant 16 : i32
      %mul3A_1637 = arith.muli %scan3A_1635, %mul3A_1636 : i32
      %get3A_1638 = arith.index_cast %mul3A_1637 : i32 to index
      %get3A_1639 = tpu.vector_load %arg11[%get3A_1638] {strides = array<i32>} : memref<8192xf32, #tpu.memory_space<vmem>>, vector<16xf32>,
      %get3A_1640 = arith.index_cast %mul3A_1637 : i32 to index
      %get3A_1641 = tpu.vector_load %arg12[%get3A_1640] {strides = array<i32>} : memref<8192xf32, #tpu.memory_space<vmem>>, vector<16xf32>,
      %get3A_1642 = arith.index_cast %mul3A_1637 : i32 to index
      %get3A_1643 = tpu.vector_load %arg13[%get3A_1642] {strides = array<i32>} : memref<8192xf32, #tpu.memory_space<vmem>>, vector<16xf32>,
      %sub3A_1644 = arith.subf %get3A_1639, %gather3A_585 : vector<16xf32>
      %sub3A_1645 = arith.subf %get3A_1641, %gather3A_586 : vector<16xf32>
      %sub3A_1646 = arith.subf %get3A_1643, %gather3A_587 : vector<16xf32>
      %mul3A_1647 = arith.mulf %sub3A_1644, %sub3A_1644 : vector<16xf32>
      %mul3A_1648 = arith.mulf %sub3A_1645, %sub3A_1645 : vector<16xf32>
      %add3A_1649 = arith.addf %mul3A_1647, %mul3A_1648 : vector<16xf32>
      %mul3A_1650 = arith.mulf %sub3A_1646, %sub3A_1646 : vector<16xf32>
      %add3A_1651 = arith.addf %add3A_1649, %mul3A_1650 : vector<16xf32>
      %le3A_1652 = arith.constant 0.160000011 : f32
      %le3A_1653 = vector.broadcast %le3A_1652 : f32 to vector<16xf32>
      %le3A_1654 = arith.cmpf ole, %add3A_1651, %le3A_1653 : vector<16xf32>
      %min3A_1655 = arith.constant 256 : i32
      %min3A_1656 = arith.minsi %add3A_1633, %min3A_1655 : i32
      %add3A_1657 = vector.broadcast %mul3A_1637 : i32 to vector<16xi32>
      %add3A_1658 = arith.addi %add3A_1657, %iota3A : vector<16xi32>
      %swap3A_1659 = arith.index_cast %min3A_1656 : i32 to index
      %swap3A_1660 = tpu.vector_load %arg18[%swap3A_1659] masked %le3A_1654 {strides = array<i32>} : memref<288xi32, #tpu.memory_space<vmem>>, vector<16xi32>, vector<16xi1>
      tpu.vector_store %arg18[%swap3A_1659], %add3A_1658 masked %le3A_1654 {strides = array<i32>} : memref<288xi32, #tpu.memory_space<vmem>>, vector<16xi32>, vector<16xi1>
      %all_reduce_population_count3A_1661 = tpu.all_reduce %le3A_1654 {dim = 0 : i64, kind = #tpu.reduction_kind<sum>} : vector<16xi1> -> vector<16xi32>
      %slice3A_1662 = vector.extract_strided_slice %all_reduce_population_count3A_1661 {offsets = [0], sizes = [1], strides = [1]} : vector<16xi32> to vector<1xi32>
      %squeeze3A_1663 = vector.extract %slice3A_1662[0] : i32 from vector<1xi32>
      %add3A_1664 = arith.addi %add3A_1633, %squeeze3A_1663 : i32
      %scan3A_1665 = arith.constant 3 : i32
      %scan3A_1666 = arith.addi %scan3A_1578, %scan3A_1665 : i32
      %mul3A_1667 = arith.constant 16 : i32
      %mul3A_1668 = arith.muli %scan3A_1666, %mul3A_1667 : i32
      %get3A_1669 = arith.index_cast %mul3A_1668 : i32 to index
      %get3A_1670 = tpu.vector_load %arg11[%get3A_1669] {strides = array<i32>} : memref<8192xf32, #tpu.memory_space<vmem>>, vector<16xf32>,
      %get3A_1671 = arith.index_cast %mul3A_1668 : i32 to index
      %get3A_1672 = tpu.vector_load %arg12[%get3A_1671] {strides = array<i32>} : memref<8192xf32, #tpu.memory_space<vmem>>, vector<16xf32>,
      %get3A_1673 = arith.index_cast %mul3A_1668 : i32 to index
      %get3A_1674 = tpu.vector_load %arg13[%get3A_1673] {strides = array<i32>} : memref<8192xf32, #tpu.memory_space<vmem>>, vector<16xf32>,
      %sub3A_1675 = arith.subf %get3A_1670, %gather3A_585 : vector<16xf32>
      %sub3A_1676 = arith.subf %get3A_1672, %gather3A_586 : vector<16xf32>
      %sub3A_1677 = arith.subf %get3A_1674, %gather3A_587 : vector<16xf32>
      %mul3A_1678 = arith.mulf %sub3A_1675, %sub3A_1675 : vector<16xf32>
      %mul3A_1679 = arith.mulf %sub3A_1676, %sub3A_1676 : vector<16xf32>
      %add3A_1680 = arith.addf %mul3A_1678, %mul3A_1679 : vector<16xf32>
      %mul3A_1681 = arith.mulf %sub3A_1677, %sub3A_1677 : vector<16xf32>
      %add3A_1682 = arith.addf %add3A_1680, %mul3A_1681 : vector<16xf32>
      %le3A_1683 = arith.constant 0.160000011 : f32
      %le3A_1684 = vector.broadcast %le3A_1683 : f32 to vector<16xf32>
      %le3A_1685 = arith.cmpf ole, %add3A_1682, %le3A_1684 : vector<16xf32>
      %min3A_1686 = arith.constant 256 : i32
      %min3A_1687 = arith.minsi %add3A_1664, %min3A_1686 : i32
      %add3A_1688 = vector.broadcast %mul3A_1668 : i32 to vector<16xi32>
      %add3A_1689 = arith.addi %add3A_1688, %iota3A : vector<16xi32>
      %swap3A_1690 = arith.index_cast %min3A_1687 : i32 to index
      %swap3A_1691 = tpu.vector_load %arg18[%swap3A_1690] masked %le3A_1685 {strides = array<i32>} : memref<288xi32, #tpu.memory_space<vmem>>, vector<16xi32>, vector<16xi1>
      tpu.vector_store %arg18[%swap3A_1690], %add3A_1689 masked %le3A_1685 {strides = array<i32>} : memref<288xi32, #tpu.memory_space<vmem>>, vector<16xi32>, vector<16xi1>
      %all_reduce_population_count3A_1692 = tpu.all_reduce %le3A_1685 {dim = 0 : i64, kind = #tpu.reduction_kind<sum>} : vector<16xi1> -> vector<16xi32>
      %slice3A_1693 = vector.extract_strided_slice %all_reduce_population_count3A_1692 {offsets = [0], sizes = [1], strides = [1]} : vector<16xi32> to vector<1xi32>
      %squeeze3A_1694 = vector.extract %slice3A_1693[0] : i32 from vector<1xi32>
      %add3A_1695 = arith.addi %add3A_1664, %squeeze3A_1694 : i32
      scf.yield %add3A_1695 : i32
    }
    %scan3A_631 = arith.constant 512 : i32
    %get3A_632 = arith.constant 0 : index
    %get3A_633 = tpu.vector_load %arg18[%get3A_632] {strides = array<i32>} : memref<288xi32, #tpu.memory_space<vmem>>, vector<16xi32>,
    %swap3A_634 = arith.constant 0 : i32
    %swap3A_635 = arith.index_cast %swap3A_634 : i32 to index
    %swap3A_636 = arith.constant 0 : index
    %swap3A_637 = tpu.vector_load %arg19[%swap3A_635, %swap3A_636] {strides = array<i32>} : memref<2x128xi32, #tpu.memory_space<vmem>>, vector<16xi32>,
    tpu.vector_store %arg19[%swap3A_635, %swap3A_636], %get3A_633 {strides = array<i32>} : memref<2x128xi32, #tpu.memory_space<vmem>>, vector<16xi32>,
    %get3A_638 = arith.constant 16 : index
    %get3A_639 = tpu.vector_load %arg18[%get3A_638] {strides = array<i32>} : memref<288xi32, #tpu.memory_space<vmem>>, vector<16xi32>,
    %swap3A_640 = arith.constant 0 : i32
    %swap3A_641 = arith.index_cast %swap3A_640 : i32 to index
    %swap3A_642 = arith.constant 16 : index
    %swap3A_643 = tpu.vector_load %arg19[%swap3A_641, %swap3A_642] {strides = array<i32>} : memref<2x128xi32, #tpu.memory_space<vmem>>, vector<16xi32>,
    tpu.vector_store %arg19[%swap3A_641, %swap3A_642], %get3A_639 {strides = array<i32>} : memref<2x128xi32, #tpu.memory_space<vmem>>, vector<16xi32>,
    %get3A_644 = arith.constant 32 : index
    %get3A_645 = tpu.vector_load %arg18[%get3A_644] {strides = array<i32>} : memref<288xi32, #tpu.memory_space<vmem>>, vector<16xi32>,
    %swap3A_646 = arith.constant 0 : i32
    %swap3A_647 = arith.index_cast %swap3A_646 : i32 to index
    %swap3A_648 = arith.constant 32 : index
    %swap3A_649 = tpu.vector_load %arg19[%swap3A_647, %swap3A_648] {strides = array<i32>} : memref<2x128xi32, #tpu.memory_space<vmem>>, vector<16xi32>,
    tpu.vector_store %arg19[%swap3A_647, %swap3A_648], %get3A_645 {strides = array<i32>} : memref<2x128xi32, #tpu.memory_space<vmem>>, vector<16xi32>,
    %get3A_650 = arith.constant 48 : index
    %get3A_651 = tpu.vector_load %arg18[%get3A_650] {strides = array<i32>} : memref<288xi32, #tpu.memory_space<vmem>>, vector<16xi32>,
    %swap3A_652 = arith.constant 0 : i32
    %swap3A_653 = arith.index_cast %swap3A_652 : i32 to index
    %swap3A_654 = arith.constant 48 : index
    %swap3A_655 = tpu.vector_load %arg19[%swap3A_653, %swap3A_654] {strides = array<i32>} : memref<2x128xi32, #tpu.memory_space<vmem>>, vector<16xi32>,
    tpu.vector_store %arg19[%swap3A_653, %swap3A_654], %get3A_651 {strides = array<i32>} : memref<2x128xi32, #tpu.memory_space<vmem>>, vector<16xi32>,
    %get3A_656 = arith.constant 64 : index
    %get3A_657 = tpu.vector_load %arg18[%get3A_656] {strides = array<i32>} : memref<288xi32, #tpu.memory_space<vmem>>, vector<16xi32>,
    %swap3A_658 = arith.constant 0 : i32
    %swap3A_659 = arith.index_cast %swap3A_658 : i32 to index
    %swap3A_660 = arith.constant 64 : index
    %swap3A_661 = tpu.vector_load %arg19[%swap3A_659, %swap3A_660] {strides = array<i32>} : memref<2x128xi32, #tpu.memory_space<vmem>>, vector<16xi32>,
    tpu.vector_store %arg19[%swap3A_659, %swap3A_660], %get3A_657 {strides = array<i32>} : memref<2x128xi32, #tpu.memory_space<vmem>>, vector<16xi32>,
    %get3A_662 = arith.constant 80 : index
    %get3A_663 = tpu.vector_load %arg18[%get3A_662] {strides = array<i32>} : memref<288xi32, #tpu.memory_space<vmem>>, vector<16xi32>,
    %swap3A_664 = arith.constant 0 : i32
    %swap3A_665 = arith.index_cast %swap3A_664 : i32 to index
    %swap3A_666 = arith.constant 80 : index
    %swap3A_667 = tpu.vector_load %arg19[%swap3A_665, %swap3A_666] {strides = array<i32>} : memref<2x128xi32, #tpu.memory_space<vmem>>, vector<16xi32>,
    tpu.vector_store %arg19[%swap3A_665, %swap3A_666], %get3A_663 {strides = array<i32>} : memref<2x128xi32, #tpu.memory_space<vmem>>, vector<16xi32>,
    %get3A_668 = arith.constant 96 : index
    %get3A_669 = tpu.vector_load %arg18[%get3A_668] {strides = array<i32>} : memref<288xi32, #tpu.memory_space<vmem>>, vector<16xi32>,
    %swap3A_670 = arith.constant 0 : i32
    %swap3A_671 = arith.index_cast %swap3A_670 : i32 to index
    %swap3A_672 = arith.constant 96 : index
    %swap3A_673 = tpu.vector_load %arg19[%swap3A_671, %swap3A_672] {strides = array<i32>} : memref<2x128xi32, #tpu.memory_space<vmem>>, vector<16xi32>,
    tpu.vector_store %arg19[%swap3A_671, %swap3A_672], %get3A_669 {strides = array<i32>} : memref<2x128xi32, #tpu.memory_space<vmem>>, vector<16xi32>,
    %get3A_674 = arith.constant 112 : index
    %get3A_675 = tpu.vector_load %arg18[%get3A_674] {strides = array<i32>} : memref<288xi32, #tpu.memory_space<vmem>>, vector<16xi32>,
    %swap3A_676 = arith.constant 0 : i32
    %swap3A_677 = arith.index_cast %swap3A_676 : i32 to index
    %swap3A_678 = arith.constant 112 : index
    %swap3A_679 = tpu.vector_load %arg19[%swap3A_677, %swap3A_678] {strides = array<i32>} : memref<2x128xi32, #tpu.memory_space<vmem>>, vector<16xi32>,
    tpu.vector_store %arg19[%swap3A_677, %swap3A_678], %get3A_675 {strides = array<i32>} : memref<2x128xi32, #tpu.memory_space<vmem>>, vector<16xi32>,
    %get3A_680 = arith.constant 128 : index
    %get3A_681 = tpu.vector_load %arg18[%get3A_680] {strides = array<i32>} : memref<288xi32, #tpu.memory_space<vmem>>, vector<16xi32>,
    %swap3A_682 = arith.constant 1 : i32
    %swap3A_683 = arith.index_cast %swap3A_682 : i32 to index
    %swap3A_684 = arith.constant 0 : index
    %swap3A_685 = tpu.vector_load %arg19[%swap3A_683, %swap3A_684] {strides = array<i32>} : memref<2x128xi32, #tpu.memory_space<vmem>>, vector<16xi32>,
    tpu.vector_store %arg19[%swap3A_683, %swap3A_684], %get3A_681 {strides = array<i32>} : memref<2x128xi32, #tpu.memory_space<vmem>>, vector<16xi32>,
    %get3A_686 = arith.constant 144 : index
    %get3A_687 = tpu.vector_load %arg18[%get3A_686] {strides = array<i32>} : memref<288xi32, #tpu.memory_space<vmem>>, vector<16xi32>,
    %swap3A_688 = arith.constant 1 : i32
    %swap3A_689 = arith.index_cast %swap3A_688 : i32 to index
    %swap3A_690 = arith.constant 16 : index
    %swap3A_691 = tpu.vector_load %arg19[%swap3A_689, %swap3A_690] {strides = array<i32>} : memref<2x128xi32, #tpu.memory_space<vmem>>, vector<16xi32>,
    tpu.vector_store %arg19[%swap3A_689, %swap3A_690], %get3A_687 {strides = array<i32>} : memref<2x128xi32, #tpu.memory_space<vmem>>, vector<16xi32>,
    %get3A_692 = arith.constant 160 : index
    %get3A_693 = tpu.vector_load %arg18[%get3A_692] {strides = array<i32>} : memref<288xi32, #tpu.memory_space<vmem>>, vector<16xi32>,
    %swap3A_694 = arith.constant 1 : i32
    %swap3A_695 = arith.index_cast %swap3A_694 : i32 to index
    %swap3A_696 = arith.constant 32 : index
    %swap3A_697 = tpu.vector_load %arg19[%swap3A_695, %swap3A_696] {strides = array<i32>} : memref<2x128xi32, #tpu.memory_space<vmem>>, vector<16xi32>,
    tpu.vector_store %arg19[%swap3A_695, %swap3A_696], %get3A_693 {strides = array<i32>} : memref<2x128xi32, #tpu.memory_space<vmem>>, vector<16xi32>,
    %get3A_698 = arith.constant 176 : index
    %get3A_699 = tpu.vector_load %arg18[%get3A_698] {strides = array<i32>} : memref<288xi32, #tpu.memory_space<vmem>>, vector<16xi32>,
    %swap3A_700 = arith.constant 1 : i32
    %swap3A_701 = arith.index_cast %swap3A_700 : i32 to index
    %swap3A_702 = arith.constant 48 : index
    %swap3A_703 = tpu.vector_load %arg19[%swap3A_701, %swap3A_702] {strides = array<i32>} : memref<2x128xi32, #tpu.memory_space<vmem>>, vector<16xi32>,
    tpu.vector_store %arg19[%swap3A_701, %swap3A_702], %get3A_699 {strides = array<i32>} : memref<2x128xi32, #tpu.memory_space<vmem>>, vector<16xi32>,
    %get3A_704 = arith.constant 192 : index
    %get3A_705 = tpu.vector_load %arg18[%get3A_704] {strides = array<i32>} : memref<288xi32, #tpu.memory_space<vmem>>, vector<16xi32>,
    %swap3A_706 = arith.constant 1 : i32
    %swap3A_707 = arith.index_cast %swap3A_706 : i32 to index
    %swap3A_708 = arith.constant 64 : index
    %swap3A_709 = tpu.vector_load %arg19[%swap3A_707, %swap3A_708] {strides = array<i32>} : memref<2x128xi32, #tpu.memory_space<vmem>>, vector<16xi32>,
    tpu.vector_store %arg19[%swap3A_707, %swap3A_708], %get3A_705 {strides = array<i32>} : memref<2x128xi32, #tpu.memory_space<vmem>>, vector<16xi32>,
    %get3A_710 = arith.constant 208 : index
    %get3A_711 = tpu.vector_load %arg18[%get3A_710] {strides = array<i32>} : memref<288xi32, #tpu.memory_space<vmem>>, vector<16xi32>,
    %swap3A_712 = arith.constant 1 : i32
    %swap3A_713 = arith.index_cast %swap3A_712 : i32 to index
    %swap3A_714 = arith.constant 80 : index
    %swap3A_715 = tpu.vector_load %arg19[%swap3A_713, %swap3A_714] {strides = array<i32>} : memref<2x128xi32, #tpu.memory_space<vmem>>, vector<16xi32>,
    tpu.vector_store %arg19[%swap3A_713, %swap3A_714], %get3A_711 {strides = array<i32>} : memref<2x128xi32, #tpu.memory_space<vmem>>, vector<16xi32>,
    %get3A_716 = arith.constant 224 : index
    %get3A_717 = tpu.vector_load %arg18[%get3A_716] {strides = array<i32>} : memref<288xi32, #tpu.memory_space<vmem>>, vector<16xi32>,
    %swap3A_718 = arith.constant 1 : i32
    %swap3A_719 = arith.index_cast %swap3A_718 : i32 to index
    %swap3A_720 = arith.constant 96 : index
    %swap3A_721 = tpu.vector_load %arg19[%swap3A_719, %swap3A_720] {strides = array<i32>} : memref<2x128xi32, #tpu.memory_space<vmem>>, vector<16xi32>,
    tpu.vector_store %arg19[%swap3A_719, %swap3A_720], %get3A_717 {strides = array<i32>} : memref<2x128xi32, #tpu.memory_space<vmem>>, vector<16xi32>,
    %get3A_722 = arith.constant 240 : index
    %get3A_723 = tpu.vector_load %arg18[%get3A_722] {strides = array<i32>} : memref<288xi32, #tpu.memory_space<vmem>>, vector<16xi32>,
    %swap3A_724 = arith.constant 1 : i32
    %swap3A_725 = arith.index_cast %swap3A_724 : i32 to index
    %swap3A_726 = arith.constant 112 : index
    %swap3A_727 = tpu.vector_load %arg19[%swap3A_725, %swap3A_726] {strides = array<i32>} : memref<2x128xi32, #tpu.memory_space<vmem>>, vector<16xi32>,
    tpu.vector_store %arg19[%swap3A_725, %swap3A_726], %get3A_723 {strides = array<i32>} : memref<2x128xi32, #tpu.memory_space<vmem>>, vector<16xi32>,
    %dma_wait3A_728 = arith.constant 0 : i32
    %dma_wait3A_729 = tpu.memref_slice %arg10[%mul3A_377, %dma_wait3A_728] : memref<65536x128xf32, #tpu.memory_space<hbm>> -> memref<256x128xf32, #tpu.memory_space<hbm>>
    %dma_wait3A_730 = arith.constant 0 : i32
    %dma_wait3A_731 = tpu.memref_slice %arg10[%mul3A_377, %dma_wait3A_730] : memref<65536x128xf32, #tpu.memory_space<hbm>> -> memref<256x128xf32, #tpu.memory_space<hbm>>
    tpu.wait_dma2 semaphore(%arg23 : memref<!tpu.dma_semaphore, #tpu.memory_space<semaphore_mem>>) src(%arg21 : memref<256x128xf32, #tpu.memory_space<vmem>>) dst(%dma_wait3A_731 : memref<256x128xf32, #tpu.memory_space<hbm>>)
    %dma_start3A_732 = arith.constant 0 : i32
    %dma_start3A_733 = arith.constant 0 : i32
    %dma_start3A_734 = arith.constant 0 : i32
    %dma_start3A_735 = tpu.memref_slice %arg21[%dma_start3A_733, %dma_start3A_734] : memref<256x128xf32, #tpu.memory_space<vmem>> -> memref<128x128xf32, #tpu.memory_space<vmem>>
    %dma_start3A_736 = arith.constant 0 : i32
    %dma_start3A_737 = tpu.memref_slice %arg19[%dma_start3A_732, %dma_start3A_736] : memref<2x128xi32, #tpu.memory_space<vmem>> -> memref<1x128xi32, #tpu.memory_space<vmem>>
    %dma_start3A_738 = tpu.memref_squeeze %dma_start3A_737 : memref<1x128xi32, #tpu.memory_space<vmem>> -> memref<128xi32, #tpu.memory_space<vmem>>
    %dma_start3A_739 = arith.constant 0 : i32
    %dma_start3A_740 = arith.constant 0 : i32
    %dma_start3A_741 = tpu.memref_slice %arg9[%dma_start3A_739, %dma_start3A_740] : memref<8192x128xf32, #tpu.memory_space<hbm>> -> memref<8192x128xf32, #tpu.memory_space<hbm>>
    tpu.enqueue_indirect_dma source(%dma_start3A_741 : memref<8192x128xf32, #tpu.memory_space<hbm>>) target(%dma_start3A_735 : memref<128x128xf32, #tpu.memory_space<vmem>>) offsets(%dma_start3A_738 : memref<128xi32, #tpu.memory_space<vmem>>) semaphore(%arg22 : memref<!tpu.dma_semaphore, #tpu.memory_space<semaphore_mem>>)
    %dma_start3A_742 = arith.constant 1 : i32
    %dma_start3A_743 = arith.constant 128 : i32
    %dma_start3A_744 = arith.constant 0 : i32
    %dma_start3A_745 = tpu.memref_slice %arg21[%dma_start3A_743, %dma_start3A_744] : memref<256x128xf32, #tpu.memory_space<vmem>> -> memref<128x128xf32, #tpu.memory_space<vmem>>
    %dma_start3A_746 = arith.constant 0 : i32
    %dma_start3A_747 = tpu.memref_slice %arg19[%dma_start3A_742, %dma_start3A_746] : memref<2x128xi32, #tpu.memory_space<vmem>> -> memref<1x128xi32, #tpu.memory_space<vmem>>
    %dma_start3A_748 = tpu.memref_squeeze %dma_start3A_747 : memref<1x128xi32, #tpu.memory_space<vmem>> -> memref<128xi32, #tpu.memory_space<vmem>>
    %dma_start3A_749 = arith.constant 0 : i32
    %dma_start3A_750 = arith.constant 0 : i32
    %dma_start3A_751 = tpu.memref_slice %arg9[%dma_start3A_749, %dma_start3A_750] : memref<8192x128xf32, #tpu.memory_space<hbm>> -> memref<8192x128xf32, #tpu.memory_space<hbm>>
    tpu.enqueue_indirect_dma source(%dma_start3A_751 : memref<8192x128xf32, #tpu.memory_space<hbm>>) target(%dma_start3A_745 : memref<128x128xf32, #tpu.memory_space<vmem>>) offsets(%dma_start3A_748 : memref<128xi32, #tpu.memory_space<vmem>>) semaphore(%arg22 : memref<!tpu.dma_semaphore, #tpu.memory_space<semaphore_mem>>)
    %dma_wait3A_752 = arith.constant 0 : i32
    %dma_wait3A_753 = arith.constant 0 : i32
    %dma_wait3A_754 = arith.constant 0 : i32
    %dma_wait3A_755 = tpu.memref_slice %arg21[%dma_wait3A_753, %dma_wait3A_754] : memref<256x128xf32, #tpu.memory_space<vmem>> -> memref<128x128xf32, #tpu.memory_space<vmem>>
    %dma_wait3A_756 = arith.constant 0 : i32
    %dma_wait3A_757 = tpu.memref_slice %arg19[%dma_wait3A_752, %dma_wait3A_756] : memref<2x128xi32, #tpu.memory_space<vmem>> -> memref<1x128xi32, #tpu.memory_space<vmem>>
    %dma_wait3A_758 = tpu.memref_squeeze %dma_wait3A_757 : memref<1x128xi32, #tpu.memory_space<vmem>> -> memref<128xi32, #tpu.memory_space<vmem>>
    %dma_wait3A_759 = arith.constant 0 : i32
    %dma_wait3A_760 = arith.constant 0 : i32
    %dma_wait3A_761 = tpu.memref_slice %arg9[%dma_wait3A_759, %dma_wait3A_760] : memref<8192x128xf32, #tpu.memory_space<hbm>> -> memref<8192x128xf32, #tpu.memory_space<hbm>>
    tpu.wait_indirect_dma semaphore(%arg22 : memref<!tpu.dma_semaphore, #tpu.memory_space<semaphore_mem>>) src(%dma_wait3A_761 : memref<8192x128xf32, #tpu.memory_space<hbm>>) dst(%dma_wait3A_755 : memref<128x128xf32, #tpu.memory_space<vmem>>)
    %dma_wait3A_762 = arith.constant 1 : i32
    %dma_wait3A_763 = arith.constant 128 : i32
    %dma_wait3A_764 = arith.constant 0 : i32
    %dma_wait3A_765 = tpu.memref_slice %arg21[%dma_wait3A_763, %dma_wait3A_764] : memref<256x128xf32, #tpu.memory_space<vmem>> -> memref<128x128xf32, #tpu.memory_space<vmem>>
    %dma_wait3A_766 = arith.constant 0 : i32
    %dma_wait3A_767 = tpu.memref_slice %arg19[%dma_wait3A_762, %dma_wait3A_766] : memref<2x128xi32, #tpu.memory_space<vmem>> -> memref<1x128xi32, #tpu.memory_space<vmem>>
    %dma_wait3A_768 = tpu.memref_squeeze %dma_wait3A_767 : memref<1x128xi32, #tpu.memory_space<vmem>> -> memref<128xi32, #tpu.memory_space<vmem>>
    %dma_wait3A_769 = arith.constant 0 : i32
    %dma_wait3A_770 = arith.constant 0 : i32
    %dma_wait3A_771 = tpu.memref_slice %arg9[%dma_wait3A_769, %dma_wait3A_770] : memref<8192x128xf32, #tpu.memory_space<hbm>> -> memref<8192x128xf32, #tpu.memory_space<hbm>>
    tpu.wait_indirect_dma semaphore(%arg22 : memref<!tpu.dma_semaphore, #tpu.memory_space<semaphore_mem>>) src(%dma_wait3A_771 : memref<8192x128xf32, #tpu.memory_space<hbm>>) dst(%dma_wait3A_765 : memref<128x128xf32, #tpu.memory_space<vmem>>)
    %mul3A_772 = arith.constant 256 : i32
    %mul3A_773 = arith.muli %add3A_583, %mul3A_772 : i32
    %dma_start3A_774 = arith.constant 0 : i32
    %dma_start3A_775 = tpu.memref_slice %arg10[%mul3A_773, %dma_start3A_774] : memref<65536x128xf32, #tpu.memory_space<hbm>> -> memref<256x128xf32, #tpu.memory_space<hbm>>
    %dma_start3A_776 = arith.constant 0 : i32
    %dma_start3A_777 = tpu.memref_slice %arg10[%mul3A_773, %dma_start3A_776] : memref<65536x128xf32, #tpu.memory_space<hbm>> -> memref<256x128xf32, #tpu.memory_space<hbm>>
    tpu.enqueue_dma source(%arg21 : memref<256x128xf32, #tpu.memory_space<vmem>>) target(%dma_start3A_777 : memref<256x128xf32, #tpu.memory_space<hbm>>) target_semaphore(%arg23 : memref<!tpu.dma_semaphore, #tpu.memory_space<semaphore_mem>>)
    %mul3A_778 = arith.constant 8 : i32
    %mul3A_779 = arith.muli %add3A, %mul3A_778 : i32
    %add3A_780 = arith.constant 4 : i32
    %add3A_781 = arith.addi %mul3A_779, %add3A_780 : i32
    %broadcast_in_dim3A_782 = vector.broadcast %add3A_781 : i32 to vector<16xi32>
    %gather3A_783 = tpu.vector_load_idx %arg14[%broadcast_in_dim3A_782] : memref<256xf32, #tpu.memory_space<vmem>>[vector<16xi32>], vector<16xf32>,
    %gather3A_784 = tpu.vector_load_idx %arg15[%broadcast_in_dim3A_782] : memref<256xf32, #tpu.memory_space<vmem>>[vector<16xi32>], vector<16xf32>,
    %gather3A_785 = tpu.vector_load_idx %arg16[%broadcast_in_dim3A_782] : memref<256xf32, #tpu.memory_space<vmem>>[vector<16xi32>], vector<16xf32>,
    %gather3A_786 = tpu.vector_load_idx %arg17[%broadcast_in_dim3A_782] : memref<256xi32, #tpu.memory_space<vmem>>[vector<16xi32>], vector<16xi32>,
    %swap3A_787 = arith.constant 0 : index
    %swap3A_788 = tpu.vector_load %arg18[%swap3A_787] {strides = array<i32>} : memref<288xi32, #tpu.memory_space<vmem>>, vector<16xi32>,
    tpu.vector_store %arg18[%swap3A_787], %gather3A_786 {strides = array<i32>} : memref<288xi32, #tpu.memory_space<vmem>>, vector<16xi32>,
    %swap3A_789 = arith.constant 16 : index
    %swap3A_790 = tpu.vector_load %arg18[%swap3A_789] {strides = array<i32>} : memref<288xi32, #tpu.memory_space<vmem>>, vector<16xi32>,
    tpu.vector_store %arg18[%swap3A_789], %gather3A_786 {strides = array<i32>} : memref<288xi32, #tpu.memory_space<vmem>>, vector<16xi32>,
    %swap3A_791 = arith.constant 32 : index
    %swap3A_792 = tpu.vector_load %arg18[%swap3A_791] {strides = array<i32>} : memref<288xi32, #tpu.memory_space<vmem>>, vector<16xi32>,
    tpu.vector_store %arg18[%swap3A_791], %gather3A_786 {strides = array<i32>} : memref<288xi32, #tpu.memory_space<vmem>>, vector<16xi32>,
    %swap3A_793 = arith.constant 48 : index
    %swap3A_794 = tpu.vector_load %arg18[%swap3A_793] {strides = array<i32>} : memref<288xi32, #tpu.memory_space<vmem>>, vector<16xi32>,
    tpu.vector_store %arg18[%swap3A_793], %gather3A_786 {strides = array<i32>} : memref<288xi32, #tpu.memory_space<vmem>>, vector<16xi32>,
    %swap3A_795 = arith.constant 64 : index
    %swap3A_796 = tpu.vector_load %arg18[%swap3A_795] {strides = array<i32>} : memref<288xi32, #tpu.memory_space<vmem>>, vector<16xi32>,
    tpu.vector_store %arg18[%swap3A_795], %gather3A_786 {strides = array<i32>} : memref<288xi32, #tpu.memory_space<vmem>>, vector<16xi32>,
    %swap3A_797 = arith.constant 80 : index
    %swap3A_798 = tpu.vector_load %arg18[%swap3A_797] {strides = array<i32>} : memref<288xi32, #tpu.memory_space<vmem>>, vector<16xi32>,
    tpu.vector_store %arg18[%swap3A_797], %gather3A_786 {strides = array<i32>} : memref<288xi32, #tpu.memory_space<vmem>>, vector<16xi32>,
    %swap3A_799 = arith.constant 96 : index
    %swap3A_800 = tpu.vector_load %arg18[%swap3A_799] {strides = array<i32>} : memref<288xi32, #tpu.memory_space<vmem>>, vector<16xi32>,
    tpu.vector_store %arg18[%swap3A_799], %gather3A_786 {strides = array<i32>} : memref<288xi32, #tpu.memory_space<vmem>>, vector<16xi32>,
    %swap3A_801 = arith.constant 112 : index
    %swap3A_802 = tpu.vector_load %arg18[%swap3A_801] {strides = array<i32>} : memref<288xi32, #tpu.memory_space<vmem>>, vector<16xi32>,
    tpu.vector_store %arg18[%swap3A_801], %gather3A_786 {strides = array<i32>} : memref<288xi32, #tpu.memory_space<vmem>>, vector<16xi32>,
    %swap3A_803 = arith.constant 128 : index
    %swap3A_804 = tpu.vector_load %arg18[%swap3A_803] {strides = array<i32>} : memref<288xi32, #tpu.memory_space<vmem>>, vector<16xi32>,
    tpu.vector_store %arg18[%swap3A_803], %gather3A_786 {strides = array<i32>} : memref<288xi32, #tpu.memory_space<vmem>>, vector<16xi32>,
    %swap3A_805 = arith.constant 144 : index
    %swap3A_806 = tpu.vector_load %arg18[%swap3A_805] {strides = array<i32>} : memref<288xi32, #tpu.memory_space<vmem>>, vector<16xi32>,
    tpu.vector_store %arg18[%swap3A_805], %gather3A_786 {strides = array<i32>} : memref<288xi32, #tpu.memory_space<vmem>>, vector<16xi32>,
    %swap3A_807 = arith.constant 160 : index
    %swap3A_808 = tpu.vector_load %arg18[%swap3A_807] {strides = array<i32>} : memref<288xi32, #tpu.memory_space<vmem>>, vector<16xi32>,
    tpu.vector_store %arg18[%swap3A_807], %gather3A_786 {strides = array<i32>} : memref<288xi32, #tpu.memory_space<vmem>>, vector<16xi32>,
    %swap3A_809 = arith.constant 176 : index
    %swap3A_810 = tpu.vector_load %arg18[%swap3A_809] {strides = array<i32>} : memref<288xi32, #tpu.memory_space<vmem>>, vector<16xi32>,
    tpu.vector_store %arg18[%swap3A_809], %gather3A_786 {strides = array<i32>} : memref<288xi32, #tpu.memory_space<vmem>>, vector<16xi32>,
    %swap3A_811 = arith.constant 192 : index
    %swap3A_812 = tpu.vector_load %arg18[%swap3A_811] {strides = array<i32>} : memref<288xi32, #tpu.memory_space<vmem>>, vector<16xi32>,
    tpu.vector_store %arg18[%swap3A_811], %gather3A_786 {strides = array<i32>} : memref<288xi32, #tpu.memory_space<vmem>>, vector<16xi32>,
    %swap3A_813 = arith.constant 208 : index
    %swap3A_814 = tpu.vector_load %arg18[%swap3A_813] {strides = array<i32>} : memref<288xi32, #tpu.memory_space<vmem>>, vector<16xi32>,
    tpu.vector_store %arg18[%swap3A_813], %gather3A_786 {strides = array<i32>} : memref<288xi32, #tpu.memory_space<vmem>>, vector<16xi32>,
    %swap3A_815 = arith.constant 224 : index
    %swap3A_816 = tpu.vector_load %arg18[%swap3A_815] {strides = array<i32>} : memref<288xi32, #tpu.memory_space<vmem>>, vector<16xi32>,
    tpu.vector_store %arg18[%swap3A_815], %gather3A_786 {strides = array<i32>} : memref<288xi32, #tpu.memory_space<vmem>>, vector<16xi32>,
    %swap3A_817 = arith.constant 240 : index
    %swap3A_818 = tpu.vector_load %arg18[%swap3A_817] {strides = array<i32>} : memref<288xi32, #tpu.memory_space<vmem>>, vector<16xi32>,
    tpu.vector_store %arg18[%swap3A_817], %gather3A_786 {strides = array<i32>} : memref<288xi32, #tpu.memory_space<vmem>>, vector<16xi32>,
    %swap3A_819 = arith.constant 256 : index
    %swap3A_820 = tpu.vector_load %arg18[%swap3A_819] {strides = array<i32>} : memref<288xi32, #tpu.memory_space<vmem>>, vector<16xi32>,
    tpu.vector_store %arg18[%swap3A_819], %gather3A_786 {strides = array<i32>} : memref<288xi32, #tpu.memory_space<vmem>>, vector<16xi32>,
    %swap3A_821 = arith.constant 272 : index
    %swap3A_822 = tpu.vector_load %arg18[%swap3A_821] {strides = array<i32>} : memref<288xi32, #tpu.memory_space<vmem>>, vector<16xi32>,
    tpu.vector_store %arg18[%swap3A_821], %gather3A_786 {strides = array<i32>} : memref<288xi32, #tpu.memory_space<vmem>>, vector<16xi32>,
    %scan3A_823 = arith.constant 0 : i32
    %scan3A_824 = arith.constant 0 : i32
    %scan3A_825 = arith.constant 512 : i32
    %scan3A_826 = arith.addi %scan3A_824, %scan3A_825 : i32
    %scan3A_827 = arith.constant 4 : i32
    %scan3A_828 = scf.for %scan3A_1578 = %scan3A_824 to %scan3A_826 step %scan3A_827 iter_args(%scan3A_1579 = %scan3A_823) -> (i32)  : i32 {
      %mul3A_1580 = arith.constant 16 : i32
      %mul3A_1581 = arith.muli %scan3A_1578, %mul3A_1580 : i32
      %get3A_1582 = arith.index_cast %mul3A_1581 : i32 to index
      %get3A_1583 = tpu.vector_load %arg11[%get3A_1582] {strides = array<i32>} : memref<8192xf32, #tpu.memory_space<vmem>>, vector<16xf32>,
      %get3A_1584 = arith.index_cast %mul3A_1581 : i32 to index
      %get3A_1585 = tpu.vector_load %arg12[%get3A_1584] {strides = array<i32>} : memref<8192xf32, #tpu.memory_space<vmem>>, vector<16xf32>,
      %get3A_1586 = arith.index_cast %mul3A_1581 : i32 to index
      %get3A_1587 = tpu.vector_load %arg13[%get3A_1586] {strides = array<i32>} : memref<8192xf32, #tpu.memory_space<vmem>>, vector<16xf32>,
      %sub3A = arith.subf %get3A_1583, %gather3A_783 : vector<16xf32>
      %sub3A_1588 = arith.subf %get3A_1585, %gather3A_784 : vector<16xf32>
      %sub3A_1589 = arith.subf %get3A_1587, %gather3A_785 : vector<16xf32>
      %mul3A_1590 = arith.mulf %sub3A, %sub3A : vector<16xf32>
      %mul3A_1591 = arith.mulf %sub3A_1588, %sub3A_1588 : vector<16xf32>
      %add3A_1592 = arith.addf %mul3A_1590, %mul3A_1591 : vector<16xf32>
      %mul3A_1593 = arith.mulf %sub3A_1589, %sub3A_1589 : vector<16xf32>
      %add3A_1594 = arith.addf %add3A_1592, %mul3A_1593 : vector<16xf32>
      %le3A = arith.constant 0.160000011 : f32
      %le3A_1595 = vector.broadcast %le3A : f32 to vector<16xf32>
      %le3A_1596 = arith.cmpf ole, %add3A_1594, %le3A_1595 : vector<16xf32>
      %min3A = arith.constant 256 : i32
      %min3A_1597 = arith.minsi %scan3A_1579, %min3A : i32
      %add3A_1598 = vector.broadcast %mul3A_1581 : i32 to vector<16xi32>
      %add3A_1599 = arith.addi %add3A_1598, %iota3A : vector<16xi32>
      %swap3A_1600 = arith.index_cast %min3A_1597 : i32 to index
      %swap3A_1601 = tpu.vector_load %arg18[%swap3A_1600] masked %le3A_1596 {strides = array<i32>} : memref<288xi32, #tpu.memory_space<vmem>>, vector<16xi32>, vector<16xi1>
      tpu.vector_store %arg18[%swap3A_1600], %add3A_1599 masked %le3A_1596 {strides = array<i32>} : memref<288xi32, #tpu.memory_space<vmem>>, vector<16xi32>, vector<16xi1>
      %all_reduce_population_count3A = tpu.all_reduce %le3A_1596 {dim = 0 : i64, kind = #tpu.reduction_kind<sum>} : vector<16xi1> -> vector<16xi32>
      %slice3A = vector.extract_strided_slice %all_reduce_population_count3A {offsets = [0], sizes = [1], strides = [1]} : vector<16xi32> to vector<1xi32>
      %squeeze3A = vector.extract %slice3A[0] : i32 from vector<1xi32>
      %add3A_1602 = arith.addi %scan3A_1579, %squeeze3A : i32
      %scan3A_1603 = arith.constant 1 : i32
      %scan3A_1604 = arith.addi %scan3A_1578, %scan3A_1603 : i32
      %mul3A_1605 = arith.constant 16 : i32
      %mul3A_1606 = arith.muli %scan3A_1604, %mul3A_1605 : i32
      %get3A_1607 = arith.index_cast %mul3A_1606 : i32 to index
      %get3A_1608 = tpu.vector_load %arg11[%get3A_1607] {strides = array<i32>} : memref<8192xf32, #tpu.memory_space<vmem>>, vector<16xf32>,
      %get3A_1609 = arith.index_cast %mul3A_1606 : i32 to index
      %get3A_1610 = tpu.vector_load %arg12[%get3A_1609] {strides = array<i32>} : memref<8192xf32, #tpu.memory_space<vmem>>, vector<16xf32>,
      %get3A_1611 = arith.index_cast %mul3A_1606 : i32 to index
      %get3A_1612 = tpu.vector_load %arg13[%get3A_1611] {strides = array<i32>} : memref<8192xf32, #tpu.memory_space<vmem>>, vector<16xf32>,
      %sub3A_1613 = arith.subf %get3A_1608, %gather3A_783 : vector<16xf32>
      %sub3A_1614 = arith.subf %get3A_1610, %gather3A_784 : vector<16xf32>
      %sub3A_1615 = arith.subf %get3A_1612, %gather3A_785 : vector<16xf32>
      %mul3A_1616 = arith.mulf %sub3A_1613, %sub3A_1613 : vector<16xf32>
      %mul3A_1617 = arith.mulf %sub3A_1614, %sub3A_1614 : vector<16xf32>
      %add3A_1618 = arith.addf %mul3A_1616, %mul3A_1617 : vector<16xf32>
      %mul3A_1619 = arith.mulf %sub3A_1615, %sub3A_1615 : vector<16xf32>
      %add3A_1620 = arith.addf %add3A_1618, %mul3A_1619 : vector<16xf32>
      %le3A_1621 = arith.constant 0.160000011 : f32
      %le3A_1622 = vector.broadcast %le3A_1621 : f32 to vector<16xf32>
      %le3A_1623 = arith.cmpf ole, %add3A_1620, %le3A_1622 : vector<16xf32>
      %min3A_1624 = arith.constant 256 : i32
      %min3A_1625 = arith.minsi %add3A_1602, %min3A_1624 : i32
      %add3A_1626 = vector.broadcast %mul3A_1606 : i32 to vector<16xi32>
      %add3A_1627 = arith.addi %add3A_1626, %iota3A : vector<16xi32>
      %swap3A_1628 = arith.index_cast %min3A_1625 : i32 to index
      %swap3A_1629 = tpu.vector_load %arg18[%swap3A_1628] masked %le3A_1623 {strides = array<i32>} : memref<288xi32, #tpu.memory_space<vmem>>, vector<16xi32>, vector<16xi1>
      tpu.vector_store %arg18[%swap3A_1628], %add3A_1627 masked %le3A_1623 {strides = array<i32>} : memref<288xi32, #tpu.memory_space<vmem>>, vector<16xi32>, vector<16xi1>
      %all_reduce_population_count3A_1630 = tpu.all_reduce %le3A_1623 {dim = 0 : i64, kind = #tpu.reduction_kind<sum>} : vector<16xi1> -> vector<16xi32>
      %slice3A_1631 = vector.extract_strided_slice %all_reduce_population_count3A_1630 {offsets = [0], sizes = [1], strides = [1]} : vector<16xi32> to vector<1xi32>
      %squeeze3A_1632 = vector.extract %slice3A_1631[0] : i32 from vector<1xi32>
      %add3A_1633 = arith.addi %add3A_1602, %squeeze3A_1632 : i32
      %scan3A_1634 = arith.constant 2 : i32
      %scan3A_1635 = arith.addi %scan3A_1578, %scan3A_1634 : i32
      %mul3A_1636 = arith.constant 16 : i32
      %mul3A_1637 = arith.muli %scan3A_1635, %mul3A_1636 : i32
      %get3A_1638 = arith.index_cast %mul3A_1637 : i32 to index
      %get3A_1639 = tpu.vector_load %arg11[%get3A_1638] {strides = array<i32>} : memref<8192xf32, #tpu.memory_space<vmem>>, vector<16xf32>,
      %get3A_1640 = arith.index_cast %mul3A_1637 : i32 to index
      %get3A_1641 = tpu.vector_load %arg12[%get3A_1640] {strides = array<i32>} : memref<8192xf32, #tpu.memory_space<vmem>>, vector<16xf32>,
      %get3A_1642 = arith.index_cast %mul3A_1637 : i32 to index
      %get3A_1643 = tpu.vector_load %arg13[%get3A_1642] {strides = array<i32>} : memref<8192xf32, #tpu.memory_space<vmem>>, vector<16xf32>,
      %sub3A_1644 = arith.subf %get3A_1639, %gather3A_783 : vector<16xf32>
      %sub3A_1645 = arith.subf %get3A_1641, %gather3A_784 : vector<16xf32>
      %sub3A_1646 = arith.subf %get3A_1643, %gather3A_785 : vector<16xf32>
      %mul3A_1647 = arith.mulf %sub3A_1644, %sub3A_1644 : vector<16xf32>
      %mul3A_1648 = arith.mulf %sub3A_1645, %sub3A_1645 : vector<16xf32>
      %add3A_1649 = arith.addf %mul3A_1647, %mul3A_1648 : vector<16xf32>
      %mul3A_1650 = arith.mulf %sub3A_1646, %sub3A_1646 : vector<16xf32>
      %add3A_1651 = arith.addf %add3A_1649, %mul3A_1650 : vector<16xf32>
      %le3A_1652 = arith.constant 0.160000011 : f32
      %le3A_1653 = vector.broadcast %le3A_1652 : f32 to vector<16xf32>
      %le3A_1654 = arith.cmpf ole, %add3A_1651, %le3A_1653 : vector<16xf32>
      %min3A_1655 = arith.constant 256 : i32
      %min3A_1656 = arith.minsi %add3A_1633, %min3A_1655 : i32
      %add3A_1657 = vector.broadcast %mul3A_1637 : i32 to vector<16xi32>
      %add3A_1658 = arith.addi %add3A_1657, %iota3A : vector<16xi32>
      %swap3A_1659 = arith.index_cast %min3A_1656 : i32 to index
      %swap3A_1660 = tpu.vector_load %arg18[%swap3A_1659] masked %le3A_1654 {strides = array<i32>} : memref<288xi32, #tpu.memory_space<vmem>>, vector<16xi32>, vector<16xi1>
      tpu.vector_store %arg18[%swap3A_1659], %add3A_1658 masked %le3A_1654 {strides = array<i32>} : memref<288xi32, #tpu.memory_space<vmem>>, vector<16xi32>, vector<16xi1>
      %all_reduce_population_count3A_1661 = tpu.all_reduce %le3A_1654 {dim = 0 : i64, kind = #tpu.reduction_kind<sum>} : vector<16xi1> -> vector<16xi32>
      %slice3A_1662 = vector.extract_strided_slice %all_reduce_population_count3A_1661 {offsets = [0], sizes = [1], strides = [1]} : vector<16xi32> to vector<1xi32>
      %squeeze3A_1663 = vector.extract %slice3A_1662[0] : i32 from vector<1xi32>
      %add3A_1664 = arith.addi %add3A_1633, %squeeze3A_1663 : i32
      %scan3A_1665 = arith.constant 3 : i32
      %scan3A_1666 = arith.addi %scan3A_1578, %scan3A_1665 : i32
      %mul3A_1667 = arith.constant 16 : i32
      %mul3A_1668 = arith.muli %scan3A_1666, %mul3A_1667 : i32
      %get3A_1669 = arith.index_cast %mul3A_1668 : i32 to index
      %get3A_1670 = tpu.vector_load %arg11[%get3A_1669] {strides = array<i32>} : memref<8192xf32, #tpu.memory_space<vmem>>, vector<16xf32>,
      %get3A_1671 = arith.index_cast %mul3A_1668 : i32 to index
      %get3A_1672 = tpu.vector_load %arg12[%get3A_1671] {strides = array<i32>} : memref<8192xf32, #tpu.memory_space<vmem>>, vector<16xf32>,
      %get3A_1673 = arith.index_cast %mul3A_1668 : i32 to index
      %get3A_1674 = tpu.vector_load %arg13[%get3A_1673] {strides = array<i32>} : memref<8192xf32, #tpu.memory_space<vmem>>, vector<16xf32>,
      %sub3A_1675 = arith.subf %get3A_1670, %gather3A_783 : vector<16xf32>
      %sub3A_1676 = arith.subf %get3A_1672, %gather3A_784 : vector<16xf32>
      %sub3A_1677 = arith.subf %get3A_1674, %gather3A_785 : vector<16xf32>
      %mul3A_1678 = arith.mulf %sub3A_1675, %sub3A_1675 : vector<16xf32>
      %mul3A_1679 = arith.mulf %sub3A_1676, %sub3A_1676 : vector<16xf32>
      %add3A_1680 = arith.addf %mul3A_1678, %mul3A_1679 : vector<16xf32>
      %mul3A_1681 = arith.mulf %sub3A_1677, %sub3A_1677 : vector<16xf32>
      %add3A_1682 = arith.addf %add3A_1680, %mul3A_1681 : vector<16xf32>
      %le3A_1683 = arith.constant 0.160000011 : f32
      %le3A_1684 = vector.broadcast %le3A_1683 : f32 to vector<16xf32>
      %le3A_1685 = arith.cmpf ole, %add3A_1682, %le3A_1684 : vector<16xf32>
      %min3A_1686 = arith.constant 256 : i32
      %min3A_1687 = arith.minsi %add3A_1664, %min3A_1686 : i32
      %add3A_1688 = vector.broadcast %mul3A_1668 : i32 to vector<16xi32>
      %add3A_1689 = arith.addi %add3A_1688, %iota3A : vector<16xi32>
      %swap3A_1690 = arith.index_cast %min3A_1687 : i32 to index
      %swap3A_1691 = tpu.vector_load %arg18[%swap3A_1690] masked %le3A_1685 {strides = array<i32>} : memref<288xi32, #tpu.memory_space<vmem>>, vector<16xi32>, vector<16xi1>
      tpu.vector_store %arg18[%swap3A_1690], %add3A_1689 masked %le3A_1685 {strides = array<i32>} : memref<288xi32, #tpu.memory_space<vmem>>, vector<16xi32>, vector<16xi1>
      %all_reduce_population_count3A_1692 = tpu.all_reduce %le3A_1685 {dim = 0 : i64, kind = #tpu.reduction_kind<sum>} : vector<16xi1> -> vector<16xi32>
      %slice3A_1693 = vector.extract_strided_slice %all_reduce_population_count3A_1692 {offsets = [0], sizes = [1], strides = [1]} : vector<16xi32> to vector<1xi32>
      %squeeze3A_1694 = vector.extract %slice3A_1693[0] : i32 from vector<1xi32>
      %add3A_1695 = arith.addi %add3A_1664, %squeeze3A_1694 : i32
      scf.yield %add3A_1695 : i32
    }
    %scan3A_829 = arith.constant 512 : i32
    %get3A_830 = arith.constant 0 : index
    %get3A_831 = tpu.vector_load %arg18[%get3A_830] {strides = array<i32>} : memref<288xi32, #tpu.memory_space<vmem>>, vector<16xi32>,
    %swap3A_832 = arith.constant 0 : i32
    %swap3A_833 = arith.index_cast %swap3A_832 : i32 to index
    %swap3A_834 = arith.constant 0 : index
    %swap3A_835 = tpu.vector_load %arg19[%swap3A_833, %swap3A_834] {strides = array<i32>} : memref<2x128xi32, #tpu.memory_space<vmem>>, vector<16xi32>,
    tpu.vector_store %arg19[%swap3A_833, %swap3A_834], %get3A_831 {strides = array<i32>} : memref<2x128xi32, #tpu.memory_space<vmem>>, vector<16xi32>,
    %get3A_836 = arith.constant 16 : index
    %get3A_837 = tpu.vector_load %arg18[%get3A_836] {strides = array<i32>} : memref<288xi32, #tpu.memory_space<vmem>>, vector<16xi32>,
    %swap3A_838 = arith.constant 0 : i32
    %swap3A_839 = arith.index_cast %swap3A_838 : i32 to index
    %swap3A_840 = arith.constant 16 : index
    %swap3A_841 = tpu.vector_load %arg19[%swap3A_839, %swap3A_840] {strides = array<i32>} : memref<2x128xi32, #tpu.memory_space<vmem>>, vector<16xi32>,
    tpu.vector_store %arg19[%swap3A_839, %swap3A_840], %get3A_837 {strides = array<i32>} : memref<2x128xi32, #tpu.memory_space<vmem>>, vector<16xi32>,
    %get3A_842 = arith.constant 32 : index
    %get3A_843 = tpu.vector_load %arg18[%get3A_842] {strides = array<i32>} : memref<288xi32, #tpu.memory_space<vmem>>, vector<16xi32>,
    %swap3A_844 = arith.constant 0 : i32
    %swap3A_845 = arith.index_cast %swap3A_844 : i32 to index
    %swap3A_846 = arith.constant 32 : index
    %swap3A_847 = tpu.vector_load %arg19[%swap3A_845, %swap3A_846] {strides = array<i32>} : memref<2x128xi32, #tpu.memory_space<vmem>>, vector<16xi32>,
    tpu.vector_store %arg19[%swap3A_845, %swap3A_846], %get3A_843 {strides = array<i32>} : memref<2x128xi32, #tpu.memory_space<vmem>>, vector<16xi32>,
    %get3A_848 = arith.constant 48 : index
    %get3A_849 = tpu.vector_load %arg18[%get3A_848] {strides = array<i32>} : memref<288xi32, #tpu.memory_space<vmem>>, vector<16xi32>,
    %swap3A_850 = arith.constant 0 : i32
    %swap3A_851 = arith.index_cast %swap3A_850 : i32 to index
    %swap3A_852 = arith.constant 48 : index
    %swap3A_853 = tpu.vector_load %arg19[%swap3A_851, %swap3A_852] {strides = array<i32>} : memref<2x128xi32, #tpu.memory_space<vmem>>, vector<16xi32>,
    tpu.vector_store %arg19[%swap3A_851, %swap3A_852], %get3A_849 {strides = array<i32>} : memref<2x128xi32, #tpu.memory_space<vmem>>, vector<16xi32>,
    %get3A_854 = arith.constant 64 : index
    %get3A_855 = tpu.vector_load %arg18[%get3A_854] {strides = array<i32>} : memref<288xi32, #tpu.memory_space<vmem>>, vector<16xi32>,
    %swap3A_856 = arith.constant 0 : i32
    %swap3A_857 = arith.index_cast %swap3A_856 : i32 to index
    %swap3A_858 = arith.constant 64 : index
    %swap3A_859 = tpu.vector_load %arg19[%swap3A_857, %swap3A_858] {strides = array<i32>} : memref<2x128xi32, #tpu.memory_space<vmem>>, vector<16xi32>,
    tpu.vector_store %arg19[%swap3A_857, %swap3A_858], %get3A_855 {strides = array<i32>} : memref<2x128xi32, #tpu.memory_space<vmem>>, vector<16xi32>,
    %get3A_860 = arith.constant 80 : index
    %get3A_861 = tpu.vector_load %arg18[%get3A_860] {strides = array<i32>} : memref<288xi32, #tpu.memory_space<vmem>>, vector<16xi32>,
    %swap3A_862 = arith.constant 0 : i32
    %swap3A_863 = arith.index_cast %swap3A_862 : i32 to index
    %swap3A_864 = arith.constant 80 : index
    %swap3A_865 = tpu.vector_load %arg19[%swap3A_863, %swap3A_864] {strides = array<i32>} : memref<2x128xi32, #tpu.memory_space<vmem>>, vector<16xi32>,
    tpu.vector_store %arg19[%swap3A_863, %swap3A_864], %get3A_861 {strides = array<i32>} : memref<2x128xi32, #tpu.memory_space<vmem>>, vector<16xi32>,
    %get3A_866 = arith.constant 96 : index
    %get3A_867 = tpu.vector_load %arg18[%get3A_866] {strides = array<i32>} : memref<288xi32, #tpu.memory_space<vmem>>, vector<16xi32>,
    %swap3A_868 = arith.constant 0 : i32
    %swap3A_869 = arith.index_cast %swap3A_868 : i32 to index
    %swap3A_870 = arith.constant 96 : index
    %swap3A_871 = tpu.vector_load %arg19[%swap3A_869, %swap3A_870] {strides = array<i32>} : memref<2x128xi32, #tpu.memory_space<vmem>>, vector<16xi32>,
    tpu.vector_store %arg19[%swap3A_869, %swap3A_870], %get3A_867 {strides = array<i32>} : memref<2x128xi32, #tpu.memory_space<vmem>>, vector<16xi32>,
    %get3A_872 = arith.constant 112 : index
    %get3A_873 = tpu.vector_load %arg18[%get3A_872] {strides = array<i32>} : memref<288xi32, #tpu.memory_space<vmem>>, vector<16xi32>,
    %swap3A_874 = arith.constant 0 : i32
    %swap3A_875 = arith.index_cast %swap3A_874 : i32 to index
    %swap3A_876 = arith.constant 112 : index
    %swap3A_877 = tpu.vector_load %arg19[%swap3A_875, %swap3A_876] {strides = array<i32>} : memref<2x128xi32, #tpu.memory_space<vmem>>, vector<16xi32>,
    tpu.vector_store %arg19[%swap3A_875, %swap3A_876], %get3A_873 {strides = array<i32>} : memref<2x128xi32, #tpu.memory_space<vmem>>, vector<16xi32>,
    %get3A_878 = arith.constant 128 : index
    %get3A_879 = tpu.vector_load %arg18[%get3A_878] {strides = array<i32>} : memref<288xi32, #tpu.memory_space<vmem>>, vector<16xi32>,
    %swap3A_880 = arith.constant 1 : i32
    %swap3A_881 = arith.index_cast %swap3A_880 : i32 to index
    %swap3A_882 = arith.constant 0 : index
    %swap3A_883 = tpu.vector_load %arg19[%swap3A_881, %swap3A_882] {strides = array<i32>} : memref<2x128xi32, #tpu.memory_space<vmem>>, vector<16xi32>,
    tpu.vector_store %arg19[%swap3A_881, %swap3A_882], %get3A_879 {strides = array<i32>} : memref<2x128xi32, #tpu.memory_space<vmem>>, vector<16xi32>,
    %get3A_884 = arith.constant 144 : index
    %get3A_885 = tpu.vector_load %arg18[%get3A_884] {strides = array<i32>} : memref<288xi32, #tpu.memory_space<vmem>>, vector<16xi32>,
    %swap3A_886 = arith.constant 1 : i32
    %swap3A_887 = arith.index_cast %swap3A_886 : i32 to index
    %swap3A_888 = arith.constant 16 : index
    %swap3A_889 = tpu.vector_load %arg19[%swap3A_887, %swap3A_888] {strides = array<i32>} : memref<2x128xi32, #tpu.memory_space<vmem>>, vector<16xi32>,
    tpu.vector_store %arg19[%swap3A_887, %swap3A_888], %get3A_885 {strides = array<i32>} : memref<2x128xi32, #tpu.memory_space<vmem>>, vector<16xi32>,
    %get3A_890 = arith.constant 160 : index
    %get3A_891 = tpu.vector_load %arg18[%get3A_890] {strides = array<i32>} : memref<288xi32, #tpu.memory_space<vmem>>, vector<16xi32>,
    %swap3A_892 = arith.constant 1 : i32
    %swap3A_893 = arith.index_cast %swap3A_892 : i32 to index
    %swap3A_894 = arith.constant 32 : index
    %swap3A_895 = tpu.vector_load %arg19[%swap3A_893, %swap3A_894] {strides = array<i32>} : memref<2x128xi32, #tpu.memory_space<vmem>>, vector<16xi32>,
    tpu.vector_store %arg19[%swap3A_893, %swap3A_894], %get3A_891 {strides = array<i32>} : memref<2x128xi32, #tpu.memory_space<vmem>>, vector<16xi32>,
    %get3A_896 = arith.constant 176 : index
    %get3A_897 = tpu.vector_load %arg18[%get3A_896] {strides = array<i32>} : memref<288xi32, #tpu.memory_space<vmem>>, vector<16xi32>,
    %swap3A_898 = arith.constant 1 : i32
    %swap3A_899 = arith.index_cast %swap3A_898 : i32 to index
    %swap3A_900 = arith.constant 48 : index
    %swap3A_901 = tpu.vector_load %arg19[%swap3A_899, %swap3A_900] {strides = array<i32>} : memref<2x128xi32, #tpu.memory_space<vmem>>, vector<16xi32>,
    tpu.vector_store %arg19[%swap3A_899, %swap3A_900], %get3A_897 {strides = array<i32>} : memref<2x128xi32, #tpu.memory_space<vmem>>, vector<16xi32>,
    %get3A_902 = arith.constant 192 : index
    %get3A_903 = tpu.vector_load %arg18[%get3A_902] {strides = array<i32>} : memref<288xi32, #tpu.memory_space<vmem>>, vector<16xi32>,
    %swap3A_904 = arith.constant 1 : i32
    %swap3A_905 = arith.index_cast %swap3A_904 : i32 to index
    %swap3A_906 = arith.constant 64 : index
    %swap3A_907 = tpu.vector_load %arg19[%swap3A_905, %swap3A_906] {strides = array<i32>} : memref<2x128xi32, #tpu.memory_space<vmem>>, vector<16xi32>,
    tpu.vector_store %arg19[%swap3A_905, %swap3A_906], %get3A_903 {strides = array<i32>} : memref<2x128xi32, #tpu.memory_space<vmem>>, vector<16xi32>,
    %get3A_908 = arith.constant 208 : index
    %get3A_909 = tpu.vector_load %arg18[%get3A_908] {strides = array<i32>} : memref<288xi32, #tpu.memory_space<vmem>>, vector<16xi32>,
    %swap3A_910 = arith.constant 1 : i32
    %swap3A_911 = arith.index_cast %swap3A_910 : i32 to index
    %swap3A_912 = arith.constant 80 : index
    %swap3A_913 = tpu.vector_load %arg19[%swap3A_911, %swap3A_912] {strides = array<i32>} : memref<2x128xi32, #tpu.memory_space<vmem>>, vector<16xi32>,
    tpu.vector_store %arg19[%swap3A_911, %swap3A_912], %get3A_909 {strides = array<i32>} : memref<2x128xi32, #tpu.memory_space<vmem>>, vector<16xi32>,
    %get3A_914 = arith.constant 224 : index
    %get3A_915 = tpu.vector_load %arg18[%get3A_914] {strides = array<i32>} : memref<288xi32, #tpu.memory_space<vmem>>, vector<16xi32>,
    %swap3A_916 = arith.constant 1 : i32
    %swap3A_917 = arith.index_cast %swap3A_916 : i32 to index
    %swap3A_918 = arith.constant 96 : index
    %swap3A_919 = tpu.vector_load %arg19[%swap3A_917, %swap3A_918] {strides = array<i32>} : memref<2x128xi32, #tpu.memory_space<vmem>>, vector<16xi32>,
    tpu.vector_store %arg19[%swap3A_917, %swap3A_918], %get3A_915 {strides = array<i32>} : memref<2x128xi32, #tpu.memory_space<vmem>>, vector<16xi32>,
    %get3A_920 = arith.constant 240 : index
    %get3A_921 = tpu.vector_load %arg18[%get3A_920] {strides = array<i32>} : memref<288xi32, #tpu.memory_space<vmem>>, vector<16xi32>,
    %swap3A_922 = arith.constant 1 : i32
    %swap3A_923 = arith.index_cast %swap3A_922 : i32 to index
    %swap3A_924 = arith.constant 112 : index
    %swap3A_925 = tpu.vector_load %arg19[%swap3A_923, %swap3A_924] {strides = array<i32>} : memref<2x128xi32, #tpu.memory_space<vmem>>, vector<16xi32>,
    tpu.vector_store %arg19[%swap3A_923, %swap3A_924], %get3A_921 {strides = array<i32>} : memref<2x128xi32, #tpu.memory_space<vmem>>, vector<16xi32>,
    %dma_wait3A_926 = arith.constant 0 : i32
    %dma_wait3A_927 = tpu.memref_slice %arg10[%mul3A_575, %dma_wait3A_926] : memref<65536x128xf32, #tpu.memory_space<hbm>> -> memref<256x128xf32, #tpu.memory_space<hbm>>
    %dma_wait3A_928 = arith.constant 0 : i32
    %dma_wait3A_929 = tpu.memref_slice %arg10[%mul3A_575, %dma_wait3A_928] : memref<65536x128xf32, #tpu.memory_space<hbm>> -> memref<256x128xf32, #tpu.memory_space<hbm>>
    tpu.wait_dma2 semaphore(%arg23 : memref<!tpu.dma_semaphore, #tpu.memory_space<semaphore_mem>>) src(%arg20 : memref<256x128xf32, #tpu.memory_space<vmem>>) dst(%dma_wait3A_929 : memref<256x128xf32, #tpu.memory_space<hbm>>)
    %dma_start3A_930 = arith.constant 0 : i32
    %dma_start3A_931 = arith.constant 0 : i32
    %dma_start3A_932 = arith.constant 0 : i32
    %dma_start3A_933 = tpu.memref_slice %arg20[%dma_start3A_931, %dma_start3A_932] : memref<256x128xf32, #tpu.memory_space<vmem>> -> memref<128x128xf32, #tpu.memory_space<vmem>>
    %dma_start3A_934 = arith.constant 0 : i32
    %dma_start3A_935 = tpu.memref_slice %arg19[%dma_start3A_930, %dma_start3A_934] : memref<2x128xi32, #tpu.memory_space<vmem>> -> memref<1x128xi32, #tpu.memory_space<vmem>>
    %dma_start3A_936 = tpu.memref_squeeze %dma_start3A_935 : memref<1x128xi32, #tpu.memory_space<vmem>> -> memref<128xi32, #tpu.memory_space<vmem>>
    %dma_start3A_937 = arith.constant 0 : i32
    %dma_start3A_938 = arith.constant 0 : i32
    %dma_start3A_939 = tpu.memref_slice %arg9[%dma_start3A_937, %dma_start3A_938] : memref<8192x128xf32, #tpu.memory_space<hbm>> -> memref<8192x128xf32, #tpu.memory_space<hbm>>
    tpu.enqueue_indirect_dma source(%dma_start3A_939 : memref<8192x128xf32, #tpu.memory_space<hbm>>) target(%dma_start3A_933 : memref<128x128xf32, #tpu.memory_space<vmem>>) offsets(%dma_start3A_936 : memref<128xi32, #tpu.memory_space<vmem>>) semaphore(%arg22 : memref<!tpu.dma_semaphore, #tpu.memory_space<semaphore_mem>>)
    %dma_start3A_940 = arith.constant 1 : i32
    %dma_start3A_941 = arith.constant 128 : i32
    %dma_start3A_942 = arith.constant 0 : i32
    %dma_start3A_943 = tpu.memref_slice %arg20[%dma_start3A_941, %dma_start3A_942] : memref<256x128xf32, #tpu.memory_space<vmem>> -> memref<128x128xf32, #tpu.memory_space<vmem>>
    %dma_start3A_944 = arith.constant 0 : i32
    %dma_start3A_945 = tpu.memref_slice %arg19[%dma_start3A_940, %dma_start3A_944] : memref<2x128xi32, #tpu.memory_space<vmem>> -> memref<1x128xi32, #tpu.memory_space<vmem>>
    %dma_start3A_946 = tpu.memref_squeeze %dma_start3A_945 : memref<1x128xi32, #tpu.memory_space<vmem>> -> memref<128xi32, #tpu.memory_space<vmem>>
    %dma_start3A_947 = arith.constant 0 : i32
    %dma_start3A_948 = arith.constant 0 : i32
    %dma_start3A_949 = tpu.memref_slice %arg9[%dma_start3A_947, %dma_start3A_948] : memref<8192x128xf32, #tpu.memory_space<hbm>> -> memref<8192x128xf32, #tpu.memory_space<hbm>>
    tpu.enqueue_indirect_dma source(%dma_start3A_949 : memref<8192x128xf32, #tpu.memory_space<hbm>>) target(%dma_start3A_943 : memref<128x128xf32, #tpu.memory_space<vmem>>) offsets(%dma_start3A_946 : memref<128xi32, #tpu.memory_space<vmem>>) semaphore(%arg22 : memref<!tpu.dma_semaphore, #tpu.memory_space<semaphore_mem>>)
    %dma_wait3A_950 = arith.constant 0 : i32
    %dma_wait3A_951 = arith.constant 0 : i32
    %dma_wait3A_952 = arith.constant 0 : i32
    %dma_wait3A_953 = tpu.memref_slice %arg20[%dma_wait3A_951, %dma_wait3A_952] : memref<256x128xf32, #tpu.memory_space<vmem>> -> memref<128x128xf32, #tpu.memory_space<vmem>>
    %dma_wait3A_954 = arith.constant 0 : i32
    %dma_wait3A_955 = tpu.memref_slice %arg19[%dma_wait3A_950, %dma_wait3A_954] : memref<2x128xi32, #tpu.memory_space<vmem>> -> memref<1x128xi32, #tpu.memory_space<vmem>>
    %dma_wait3A_956 = tpu.memref_squeeze %dma_wait3A_955 : memref<1x128xi32, #tpu.memory_space<vmem>> -> memref<128xi32, #tpu.memory_space<vmem>>
    %dma_wait3A_957 = arith.constant 0 : i32
    %dma_wait3A_958 = arith.constant 0 : i32
    %dma_wait3A_959 = tpu.memref_slice %arg9[%dma_wait3A_957, %dma_wait3A_958] : memref<8192x128xf32, #tpu.memory_space<hbm>> -> memref<8192x128xf32, #tpu.memory_space<hbm>>
    tpu.wait_indirect_dma semaphore(%arg22 : memref<!tpu.dma_semaphore, #tpu.memory_space<semaphore_mem>>) src(%dma_wait3A_959 : memref<8192x128xf32, #tpu.memory_space<hbm>>) dst(%dma_wait3A_953 : memref<128x128xf32, #tpu.memory_space<vmem>>)
    %dma_wait3A_960 = arith.constant 1 : i32
    %dma_wait3A_961 = arith.constant 128 : i32
    %dma_wait3A_962 = arith.constant 0 : i32
    %dma_wait3A_963 = tpu.memref_slice %arg20[%dma_wait3A_961, %dma_wait3A_962] : memref<256x128xf32, #tpu.memory_space<vmem>> -> memref<128x128xf32, #tpu.memory_space<vmem>>
    %dma_wait3A_964 = arith.constant 0 : i32
    %dma_wait3A_965 = tpu.memref_slice %arg19[%dma_wait3A_960, %dma_wait3A_964] : memref<2x128xi32, #tpu.memory_space<vmem>> -> memref<1x128xi32, #tpu.memory_space<vmem>>
    %dma_wait3A_966 = tpu.memref_squeeze %dma_wait3A_965 : memref<1x128xi32, #tpu.memory_space<vmem>> -> memref<128xi32, #tpu.memory_space<vmem>>
    %dma_wait3A_967 = arith.constant 0 : i32
    %dma_wait3A_968 = arith.constant 0 : i32
    %dma_wait3A_969 = tpu.memref_slice %arg9[%dma_wait3A_967, %dma_wait3A_968] : memref<8192x128xf32, #tpu.memory_space<hbm>> -> memref<8192x128xf32, #tpu.memory_space<hbm>>
    tpu.wait_indirect_dma semaphore(%arg22 : memref<!tpu.dma_semaphore, #tpu.memory_space<semaphore_mem>>) src(%dma_wait3A_969 : memref<8192x128xf32, #tpu.memory_space<hbm>>) dst(%dma_wait3A_963 : memref<128x128xf32, #tpu.memory_space<vmem>>)
    %mul3A_970 = arith.constant 256 : i32
    %mul3A_971 = arith.muli %add3A_781, %mul3A_970 : i32
    %dma_start3A_972 = arith.constant 0 : i32
    %dma_start3A_973 = tpu.memref_slice %arg10[%mul3A_971, %dma_start3A_972] : memref<65536x128xf32, #tpu.memory_space<hbm>> -> memref<256x128xf32, #tpu.memory_space<hbm>>
    %dma_start3A_974 = arith.constant 0 : i32
    %dma_start3A_975 = tpu.memref_slice %arg10[%mul3A_971, %dma_start3A_974] : memref<65536x128xf32, #tpu.memory_space<hbm>> -> memref<256x128xf32, #tpu.memory_space<hbm>>
    tpu.enqueue_dma source(%arg20 : memref<256x128xf32, #tpu.memory_space<vmem>>) target(%dma_start3A_975 : memref<256x128xf32, #tpu.memory_space<hbm>>) target_semaphore(%arg23 : memref<!tpu.dma_semaphore, #tpu.memory_space<semaphore_mem>>)
    %mul3A_976 = arith.constant 8 : i32
    %mul3A_977 = arith.muli %add3A, %mul3A_976 : i32
    %add3A_978 = arith.constant 5 : i32
    %add3A_979 = arith.addi %mul3A_977, %add3A_978 : i32
    %broadcast_in_dim3A_980 = vector.broadcast %add3A_979 : i32 to vector<16xi32>
    %gather3A_981 = tpu.vector_load_idx %arg14[%broadcast_in_dim3A_980] : memref<256xf32, #tpu.memory_space<vmem>>[vector<16xi32>], vector<16xf32>,
    %gather3A_982 = tpu.vector_load_idx %arg15[%broadcast_in_dim3A_980] : memref<256xf32, #tpu.memory_space<vmem>>[vector<16xi32>], vector<16xf32>,
    %gather3A_983 = tpu.vector_load_idx %arg16[%broadcast_in_dim3A_980] : memref<256xf32, #tpu.memory_space<vmem>>[vector<16xi32>], vector<16xf32>,
    %gather3A_984 = tpu.vector_load_idx %arg17[%broadcast_in_dim3A_980] : memref<256xi32, #tpu.memory_space<vmem>>[vector<16xi32>], vector<16xi32>,
    %swap3A_985 = arith.constant 0 : index
    %swap3A_986 = tpu.vector_load %arg18[%swap3A_985] {strides = array<i32>} : memref<288xi32, #tpu.memory_space<vmem>>, vector<16xi32>,
    tpu.vector_store %arg18[%swap3A_985], %gather3A_984 {strides = array<i32>} : memref<288xi32, #tpu.memory_space<vmem>>, vector<16xi32>,
    %swap3A_987 = arith.constant 16 : index
    %swap3A_988 = tpu.vector_load %arg18[%swap3A_987] {strides = array<i32>} : memref<288xi32, #tpu.memory_space<vmem>>, vector<16xi32>,
    tpu.vector_store %arg18[%swap3A_987], %gather3A_984 {strides = array<i32>} : memref<288xi32, #tpu.memory_space<vmem>>, vector<16xi32>,
    %swap3A_989 = arith.constant 32 : index
    %swap3A_990 = tpu.vector_load %arg18[%swap3A_989] {strides = array<i32>} : memref<288xi32, #tpu.memory_space<vmem>>, vector<16xi32>,
    tpu.vector_store %arg18[%swap3A_989], %gather3A_984 {strides = array<i32>} : memref<288xi32, #tpu.memory_space<vmem>>, vector<16xi32>,
    %swap3A_991 = arith.constant 48 : index
    %swap3A_992 = tpu.vector_load %arg18[%swap3A_991] {strides = array<i32>} : memref<288xi32, #tpu.memory_space<vmem>>, vector<16xi32>,
    tpu.vector_store %arg18[%swap3A_991], %gather3A_984 {strides = array<i32>} : memref<288xi32, #tpu.memory_space<vmem>>, vector<16xi32>,
    %swap3A_993 = arith.constant 64 : index
    %swap3A_994 = tpu.vector_load %arg18[%swap3A_993] {strides = array<i32>} : memref<288xi32, #tpu.memory_space<vmem>>, vector<16xi32>,
    tpu.vector_store %arg18[%swap3A_993], %gather3A_984 {strides = array<i32>} : memref<288xi32, #tpu.memory_space<vmem>>, vector<16xi32>,
    %swap3A_995 = arith.constant 80 : index
    %swap3A_996 = tpu.vector_load %arg18[%swap3A_995] {strides = array<i32>} : memref<288xi32, #tpu.memory_space<vmem>>, vector<16xi32>,
    tpu.vector_store %arg18[%swap3A_995], %gather3A_984 {strides = array<i32>} : memref<288xi32, #tpu.memory_space<vmem>>, vector<16xi32>,
    %swap3A_997 = arith.constant 96 : index
    %swap3A_998 = tpu.vector_load %arg18[%swap3A_997] {strides = array<i32>} : memref<288xi32, #tpu.memory_space<vmem>>, vector<16xi32>,
    tpu.vector_store %arg18[%swap3A_997], %gather3A_984 {strides = array<i32>} : memref<288xi32, #tpu.memory_space<vmem>>, vector<16xi32>,
    %swap3A_999 = arith.constant 112 : index
    %swap3A_1000 = tpu.vector_load %arg18[%swap3A_999] {strides = array<i32>} : memref<288xi32, #tpu.memory_space<vmem>>, vector<16xi32>,
    tpu.vector_store %arg18[%swap3A_999], %gather3A_984 {strides = array<i32>} : memref<288xi32, #tpu.memory_space<vmem>>, vector<16xi32>,
    %swap3A_1001 = arith.constant 128 : index
    %swap3A_1002 = tpu.vector_load %arg18[%swap3A_1001] {strides = array<i32>} : memref<288xi32, #tpu.memory_space<vmem>>, vector<16xi32>,
    tpu.vector_store %arg18[%swap3A_1001], %gather3A_984 {strides = array<i32>} : memref<288xi32, #tpu.memory_space<vmem>>, vector<16xi32>,
    %swap3A_1003 = arith.constant 144 : index
    %swap3A_1004 = tpu.vector_load %arg18[%swap3A_1003] {strides = array<i32>} : memref<288xi32, #tpu.memory_space<vmem>>, vector<16xi32>,
    tpu.vector_store %arg18[%swap3A_1003], %gather3A_984 {strides = array<i32>} : memref<288xi32, #tpu.memory_space<vmem>>, vector<16xi32>,
    %swap3A_1005 = arith.constant 160 : index
    %swap3A_1006 = tpu.vector_load %arg18[%swap3A_1005] {strides = array<i32>} : memref<288xi32, #tpu.memory_space<vmem>>, vector<16xi32>,
    tpu.vector_store %arg18[%swap3A_1005], %gather3A_984 {strides = array<i32>} : memref<288xi32, #tpu.memory_space<vmem>>, vector<16xi32>,
    %swap3A_1007 = arith.constant 176 : index
    %swap3A_1008 = tpu.vector_load %arg18[%swap3A_1007] {strides = array<i32>} : memref<288xi32, #tpu.memory_space<vmem>>, vector<16xi32>,
    tpu.vector_store %arg18[%swap3A_1007], %gather3A_984 {strides = array<i32>} : memref<288xi32, #tpu.memory_space<vmem>>, vector<16xi32>,
    %swap3A_1009 = arith.constant 192 : index
    %swap3A_1010 = tpu.vector_load %arg18[%swap3A_1009] {strides = array<i32>} : memref<288xi32, #tpu.memory_space<vmem>>, vector<16xi32>,
    tpu.vector_store %arg18[%swap3A_1009], %gather3A_984 {strides = array<i32>} : memref<288xi32, #tpu.memory_space<vmem>>, vector<16xi32>,
    %swap3A_1011 = arith.constant 208 : index
    %swap3A_1012 = tpu.vector_load %arg18[%swap3A_1011] {strides = array<i32>} : memref<288xi32, #tpu.memory_space<vmem>>, vector<16xi32>,
    tpu.vector_store %arg18[%swap3A_1011], %gather3A_984 {strides = array<i32>} : memref<288xi32, #tpu.memory_space<vmem>>, vector<16xi32>,
    %swap3A_1013 = arith.constant 224 : index
    %swap3A_1014 = tpu.vector_load %arg18[%swap3A_1013] {strides = array<i32>} : memref<288xi32, #tpu.memory_space<vmem>>, vector<16xi32>,
    tpu.vector_store %arg18[%swap3A_1013], %gather3A_984 {strides = array<i32>} : memref<288xi32, #tpu.memory_space<vmem>>, vector<16xi32>,
    %swap3A_1015 = arith.constant 240 : index
    %swap3A_1016 = tpu.vector_load %arg18[%swap3A_1015] {strides = array<i32>} : memref<288xi32, #tpu.memory_space<vmem>>, vector<16xi32>,
    tpu.vector_store %arg18[%swap3A_1015], %gather3A_984 {strides = array<i32>} : memref<288xi32, #tpu.memory_space<vmem>>, vector<16xi32>,
    %swap3A_1017 = arith.constant 256 : index
    %swap3A_1018 = tpu.vector_load %arg18[%swap3A_1017] {strides = array<i32>} : memref<288xi32, #tpu.memory_space<vmem>>, vector<16xi32>,
    tpu.vector_store %arg18[%swap3A_1017], %gather3A_984 {strides = array<i32>} : memref<288xi32, #tpu.memory_space<vmem>>, vector<16xi32>,
    %swap3A_1019 = arith.constant 272 : index
    %swap3A_1020 = tpu.vector_load %arg18[%swap3A_1019] {strides = array<i32>} : memref<288xi32, #tpu.memory_space<vmem>>, vector<16xi32>,
    tpu.vector_store %arg18[%swap3A_1019], %gather3A_984 {strides = array<i32>} : memref<288xi32, #tpu.memory_space<vmem>>, vector<16xi32>,
    %scan3A_1021 = arith.constant 0 : i32
    %scan3A_1022 = arith.constant 0 : i32
    %scan3A_1023 = arith.constant 512 : i32
    %scan3A_1024 = arith.addi %scan3A_1022, %scan3A_1023 : i32
    %scan3A_1025 = arith.constant 4 : i32
    %scan3A_1026 = scf.for %scan3A_1578 = %scan3A_1022 to %scan3A_1024 step %scan3A_1025 iter_args(%scan3A_1579 = %scan3A_1021) -> (i32)  : i32 {
      %mul3A_1580 = arith.constant 16 : i32
      %mul3A_1581 = arith.muli %scan3A_1578, %mul3A_1580 : i32
      %get3A_1582 = arith.index_cast %mul3A_1581 : i32 to index
      %get3A_1583 = tpu.vector_load %arg11[%get3A_1582] {strides = array<i32>} : memref<8192xf32, #tpu.memory_space<vmem>>, vector<16xf32>,
      %get3A_1584 = arith.index_cast %mul3A_1581 : i32 to index
      %get3A_1585 = tpu.vector_load %arg12[%get3A_1584] {strides = array<i32>} : memref<8192xf32, #tpu.memory_space<vmem>>, vector<16xf32>,
      %get3A_1586 = arith.index_cast %mul3A_1581 : i32 to index
      %get3A_1587 = tpu.vector_load %arg13[%get3A_1586] {strides = array<i32>} : memref<8192xf32, #tpu.memory_space<vmem>>, vector<16xf32>,
      %sub3A = arith.subf %get3A_1583, %gather3A_981 : vector<16xf32>
      %sub3A_1588 = arith.subf %get3A_1585, %gather3A_982 : vector<16xf32>
      %sub3A_1589 = arith.subf %get3A_1587, %gather3A_983 : vector<16xf32>
      %mul3A_1590 = arith.mulf %sub3A, %sub3A : vector<16xf32>
      %mul3A_1591 = arith.mulf %sub3A_1588, %sub3A_1588 : vector<16xf32>
      %add3A_1592 = arith.addf %mul3A_1590, %mul3A_1591 : vector<16xf32>
      %mul3A_1593 = arith.mulf %sub3A_1589, %sub3A_1589 : vector<16xf32>
      %add3A_1594 = arith.addf %add3A_1592, %mul3A_1593 : vector<16xf32>
      %le3A = arith.constant 0.160000011 : f32
      %le3A_1595 = vector.broadcast %le3A : f32 to vector<16xf32>
      %le3A_1596 = arith.cmpf ole, %add3A_1594, %le3A_1595 : vector<16xf32>
      %min3A = arith.constant 256 : i32
      %min3A_1597 = arith.minsi %scan3A_1579, %min3A : i32
      %add3A_1598 = vector.broadcast %mul3A_1581 : i32 to vector<16xi32>
      %add3A_1599 = arith.addi %add3A_1598, %iota3A : vector<16xi32>
      %swap3A_1600 = arith.index_cast %min3A_1597 : i32 to index
      %swap3A_1601 = tpu.vector_load %arg18[%swap3A_1600] masked %le3A_1596 {strides = array<i32>} : memref<288xi32, #tpu.memory_space<vmem>>, vector<16xi32>, vector<16xi1>
      tpu.vector_store %arg18[%swap3A_1600], %add3A_1599 masked %le3A_1596 {strides = array<i32>} : memref<288xi32, #tpu.memory_space<vmem>>, vector<16xi32>, vector<16xi1>
      %all_reduce_population_count3A = tpu.all_reduce %le3A_1596 {dim = 0 : i64, kind = #tpu.reduction_kind<sum>} : vector<16xi1> -> vector<16xi32>
      %slice3A = vector.extract_strided_slice %all_reduce_population_count3A {offsets = [0], sizes = [1], strides = [1]} : vector<16xi32> to vector<1xi32>
      %squeeze3A = vector.extract %slice3A[0] : i32 from vector<1xi32>
      %add3A_1602 = arith.addi %scan3A_1579, %squeeze3A : i32
      %scan3A_1603 = arith.constant 1 : i32
      %scan3A_1604 = arith.addi %scan3A_1578, %scan3A_1603 : i32
      %mul3A_1605 = arith.constant 16 : i32
      %mul3A_1606 = arith.muli %scan3A_1604, %mul3A_1605 : i32
      %get3A_1607 = arith.index_cast %mul3A_1606 : i32 to index
      %get3A_1608 = tpu.vector_load %arg11[%get3A_1607] {strides = array<i32>} : memref<8192xf32, #tpu.memory_space<vmem>>, vector<16xf32>,
      %get3A_1609 = arith.index_cast %mul3A_1606 : i32 to index
      %get3A_1610 = tpu.vector_load %arg12[%get3A_1609] {strides = array<i32>} : memref<8192xf32, #tpu.memory_space<vmem>>, vector<16xf32>,
      %get3A_1611 = arith.index_cast %mul3A_1606 : i32 to index
      %get3A_1612 = tpu.vector_load %arg13[%get3A_1611] {strides = array<i32>} : memref<8192xf32, #tpu.memory_space<vmem>>, vector<16xf32>,
      %sub3A_1613 = arith.subf %get3A_1608, %gather3A_981 : vector<16xf32>
      %sub3A_1614 = arith.subf %get3A_1610, %gather3A_982 : vector<16xf32>
      %sub3A_1615 = arith.subf %get3A_1612, %gather3A_983 : vector<16xf32>
      %mul3A_1616 = arith.mulf %sub3A_1613, %sub3A_1613 : vector<16xf32>
      %mul3A_1617 = arith.mulf %sub3A_1614, %sub3A_1614 : vector<16xf32>
      %add3A_1618 = arith.addf %mul3A_1616, %mul3A_1617 : vector<16xf32>
      %mul3A_1619 = arith.mulf %sub3A_1615, %sub3A_1615 : vector<16xf32>
      %add3A_1620 = arith.addf %add3A_1618, %mul3A_1619 : vector<16xf32>
      %le3A_1621 = arith.constant 0.160000011 : f32
      %le3A_1622 = vector.broadcast %le3A_1621 : f32 to vector<16xf32>
      %le3A_1623 = arith.cmpf ole, %add3A_1620, %le3A_1622 : vector<16xf32>
      %min3A_1624 = arith.constant 256 : i32
      %min3A_1625 = arith.minsi %add3A_1602, %min3A_1624 : i32
      %add3A_1626 = vector.broadcast %mul3A_1606 : i32 to vector<16xi32>
      %add3A_1627 = arith.addi %add3A_1626, %iota3A : vector<16xi32>
      %swap3A_1628 = arith.index_cast %min3A_1625 : i32 to index
      %swap3A_1629 = tpu.vector_load %arg18[%swap3A_1628] masked %le3A_1623 {strides = array<i32>} : memref<288xi32, #tpu.memory_space<vmem>>, vector<16xi32>, vector<16xi1>
      tpu.vector_store %arg18[%swap3A_1628], %add3A_1627 masked %le3A_1623 {strides = array<i32>} : memref<288xi32, #tpu.memory_space<vmem>>, vector<16xi32>, vector<16xi1>
      %all_reduce_population_count3A_1630 = tpu.all_reduce %le3A_1623 {dim = 0 : i64, kind = #tpu.reduction_kind<sum>} : vector<16xi1> -> vector<16xi32>
      %slice3A_1631 = vector.extract_strided_slice %all_reduce_population_count3A_1630 {offsets = [0], sizes = [1], strides = [1]} : vector<16xi32> to vector<1xi32>
      %squeeze3A_1632 = vector.extract %slice3A_1631[0] : i32 from vector<1xi32>
      %add3A_1633 = arith.addi %add3A_1602, %squeeze3A_1632 : i32
      %scan3A_1634 = arith.constant 2 : i32
      %scan3A_1635 = arith.addi %scan3A_1578, %scan3A_1634 : i32
      %mul3A_1636 = arith.constant 16 : i32
      %mul3A_1637 = arith.muli %scan3A_1635, %mul3A_1636 : i32
      %get3A_1638 = arith.index_cast %mul3A_1637 : i32 to index
      %get3A_1639 = tpu.vector_load %arg11[%get3A_1638] {strides = array<i32>} : memref<8192xf32, #tpu.memory_space<vmem>>, vector<16xf32>,
      %get3A_1640 = arith.index_cast %mul3A_1637 : i32 to index
      %get3A_1641 = tpu.vector_load %arg12[%get3A_1640] {strides = array<i32>} : memref<8192xf32, #tpu.memory_space<vmem>>, vector<16xf32>,
      %get3A_1642 = arith.index_cast %mul3A_1637 : i32 to index
      %get3A_1643 = tpu.vector_load %arg13[%get3A_1642] {strides = array<i32>} : memref<8192xf32, #tpu.memory_space<vmem>>, vector<16xf32>,
      %sub3A_1644 = arith.subf %get3A_1639, %gather3A_981 : vector<16xf32>
      %sub3A_1645 = arith.subf %get3A_1641, %gather3A_982 : vector<16xf32>
      %sub3A_1646 = arith.subf %get3A_1643, %gather3A_983 : vector<16xf32>
      %mul3A_1647 = arith.mulf %sub3A_1644, %sub3A_1644 : vector<16xf32>
      %mul3A_1648 = arith.mulf %sub3A_1645, %sub3A_1645 : vector<16xf32>
      %add3A_1649 = arith.addf %mul3A_1647, %mul3A_1648 : vector<16xf32>
      %mul3A_1650 = arith.mulf %sub3A_1646, %sub3A_1646 : vector<16xf32>
      %add3A_1651 = arith.addf %add3A_1649, %mul3A_1650 : vector<16xf32>
      %le3A_1652 = arith.constant 0.160000011 : f32
      %le3A_1653 = vector.broadcast %le3A_1652 : f32 to vector<16xf32>
      %le3A_1654 = arith.cmpf ole, %add3A_1651, %le3A_1653 : vector<16xf32>
      %min3A_1655 = arith.constant 256 : i32
      %min3A_1656 = arith.minsi %add3A_1633, %min3A_1655 : i32
      %add3A_1657 = vector.broadcast %mul3A_1637 : i32 to vector<16xi32>
      %add3A_1658 = arith.addi %add3A_1657, %iota3A : vector<16xi32>
      %swap3A_1659 = arith.index_cast %min3A_1656 : i32 to index
      %swap3A_1660 = tpu.vector_load %arg18[%swap3A_1659] masked %le3A_1654 {strides = array<i32>} : memref<288xi32, #tpu.memory_space<vmem>>, vector<16xi32>, vector<16xi1>
      tpu.vector_store %arg18[%swap3A_1659], %add3A_1658 masked %le3A_1654 {strides = array<i32>} : memref<288xi32, #tpu.memory_space<vmem>>, vector<16xi32>, vector<16xi1>
      %all_reduce_population_count3A_1661 = tpu.all_reduce %le3A_1654 {dim = 0 : i64, kind = #tpu.reduction_kind<sum>} : vector<16xi1> -> vector<16xi32>
      %slice3A_1662 = vector.extract_strided_slice %all_reduce_population_count3A_1661 {offsets = [0], sizes = [1], strides = [1]} : vector<16xi32> to vector<1xi32>
      %squeeze3A_1663 = vector.extract %slice3A_1662[0] : i32 from vector<1xi32>
      %add3A_1664 = arith.addi %add3A_1633, %squeeze3A_1663 : i32
      %scan3A_1665 = arith.constant 3 : i32
      %scan3A_1666 = arith.addi %scan3A_1578, %scan3A_1665 : i32
      %mul3A_1667 = arith.constant 16 : i32
      %mul3A_1668 = arith.muli %scan3A_1666, %mul3A_1667 : i32
      %get3A_1669 = arith.index_cast %mul3A_1668 : i32 to index
      %get3A_1670 = tpu.vector_load %arg11[%get3A_1669] {strides = array<i32>} : memref<8192xf32, #tpu.memory_space<vmem>>, vector<16xf32>,
      %get3A_1671 = arith.index_cast %mul3A_1668 : i32 to index
      %get3A_1672 = tpu.vector_load %arg12[%get3A_1671] {strides = array<i32>} : memref<8192xf32, #tpu.memory_space<vmem>>, vector<16xf32>,
      %get3A_1673 = arith.index_cast %mul3A_1668 : i32 to index
      %get3A_1674 = tpu.vector_load %arg13[%get3A_1673] {strides = array<i32>} : memref<8192xf32, #tpu.memory_space<vmem>>, vector<16xf32>,
      %sub3A_1675 = arith.subf %get3A_1670, %gather3A_981 : vector<16xf32>
      %sub3A_1676 = arith.subf %get3A_1672, %gather3A_982 : vector<16xf32>
      %sub3A_1677 = arith.subf %get3A_1674, %gather3A_983 : vector<16xf32>
      %mul3A_1678 = arith.mulf %sub3A_1675, %sub3A_1675 : vector<16xf32>
      %mul3A_1679 = arith.mulf %sub3A_1676, %sub3A_1676 : vector<16xf32>
      %add3A_1680 = arith.addf %mul3A_1678, %mul3A_1679 : vector<16xf32>
      %mul3A_1681 = arith.mulf %sub3A_1677, %sub3A_1677 : vector<16xf32>
      %add3A_1682 = arith.addf %add3A_1680, %mul3A_1681 : vector<16xf32>
      %le3A_1683 = arith.constant 0.160000011 : f32
      %le3A_1684 = vector.broadcast %le3A_1683 : f32 to vector<16xf32>
      %le3A_1685 = arith.cmpf ole, %add3A_1682, %le3A_1684 : vector<16xf32>
      %min3A_1686 = arith.constant 256 : i32
      %min3A_1687 = arith.minsi %add3A_1664, %min3A_1686 : i32
      %add3A_1688 = vector.broadcast %mul3A_1668 : i32 to vector<16xi32>
      %add3A_1689 = arith.addi %add3A_1688, %iota3A : vector<16xi32>
      %swap3A_1690 = arith.index_cast %min3A_1687 : i32 to index
      %swap3A_1691 = tpu.vector_load %arg18[%swap3A_1690] masked %le3A_1685 {strides = array<i32>} : memref<288xi32, #tpu.memory_space<vmem>>, vector<16xi32>, vector<16xi1>
      tpu.vector_store %arg18[%swap3A_1690], %add3A_1689 masked %le3A_1685 {strides = array<i32>} : memref<288xi32, #tpu.memory_space<vmem>>, vector<16xi32>, vector<16xi1>
      %all_reduce_population_count3A_1692 = tpu.all_reduce %le3A_1685 {dim = 0 : i64, kind = #tpu.reduction_kind<sum>} : vector<16xi1> -> vector<16xi32>
      %slice3A_1693 = vector.extract_strided_slice %all_reduce_population_count3A_1692 {offsets = [0], sizes = [1], strides = [1]} : vector<16xi32> to vector<1xi32>
      %squeeze3A_1694 = vector.extract %slice3A_1693[0] : i32 from vector<1xi32>
      %add3A_1695 = arith.addi %add3A_1664, %squeeze3A_1694 : i32
      scf.yield %add3A_1695 : i32
    }
    %scan3A_1027 = arith.constant 512 : i32
    %get3A_1028 = arith.constant 0 : index
    %get3A_1029 = tpu.vector_load %arg18[%get3A_1028] {strides = array<i32>} : memref<288xi32, #tpu.memory_space<vmem>>, vector<16xi32>,
    %swap3A_1030 = arith.constant 0 : i32
    %swap3A_1031 = arith.index_cast %swap3A_1030 : i32 to index
    %swap3A_1032 = arith.constant 0 : index
    %swap3A_1033 = tpu.vector_load %arg19[%swap3A_1031, %swap3A_1032] {strides = array<i32>} : memref<2x128xi32, #tpu.memory_space<vmem>>, vector<16xi32>,
    tpu.vector_store %arg19[%swap3A_1031, %swap3A_1032], %get3A_1029 {strides = array<i32>} : memref<2x128xi32, #tpu.memory_space<vmem>>, vector<16xi32>,
    %get3A_1034 = arith.constant 16 : index
    %get3A_1035 = tpu.vector_load %arg18[%get3A_1034] {strides = array<i32>} : memref<288xi32, #tpu.memory_space<vmem>>, vector<16xi32>,
    %swap3A_1036 = arith.constant 0 : i32
    %swap3A_1037 = arith.index_cast %swap3A_1036 : i32 to index
    %swap3A_1038 = arith.constant 16 : index
    %swap3A_1039 = tpu.vector_load %arg19[%swap3A_1037, %swap3A_1038] {strides = array<i32>} : memref<2x128xi32, #tpu.memory_space<vmem>>, vector<16xi32>,
    tpu.vector_store %arg19[%swap3A_1037, %swap3A_1038], %get3A_1035 {strides = array<i32>} : memref<2x128xi32, #tpu.memory_space<vmem>>, vector<16xi32>,
    %get3A_1040 = arith.constant 32 : index
    %get3A_1041 = tpu.vector_load %arg18[%get3A_1040] {strides = array<i32>} : memref<288xi32, #tpu.memory_space<vmem>>, vector<16xi32>,
    %swap3A_1042 = arith.constant 0 : i32
    %swap3A_1043 = arith.index_cast %swap3A_1042 : i32 to index
    %swap3A_1044 = arith.constant 32 : index
    %swap3A_1045 = tpu.vector_load %arg19[%swap3A_1043, %swap3A_1044] {strides = array<i32>} : memref<2x128xi32, #tpu.memory_space<vmem>>, vector<16xi32>,
    tpu.vector_store %arg19[%swap3A_1043, %swap3A_1044], %get3A_1041 {strides = array<i32>} : memref<2x128xi32, #tpu.memory_space<vmem>>, vector<16xi32>,
    %get3A_1046 = arith.constant 48 : index
    %get3A_1047 = tpu.vector_load %arg18[%get3A_1046] {strides = array<i32>} : memref<288xi32, #tpu.memory_space<vmem>>, vector<16xi32>,
    %swap3A_1048 = arith.constant 0 : i32
    %swap3A_1049 = arith.index_cast %swap3A_1048 : i32 to index
    %swap3A_1050 = arith.constant 48 : index
    %swap3A_1051 = tpu.vector_load %arg19[%swap3A_1049, %swap3A_1050] {strides = array<i32>} : memref<2x128xi32, #tpu.memory_space<vmem>>, vector<16xi32>,
    tpu.vector_store %arg19[%swap3A_1049, %swap3A_1050], %get3A_1047 {strides = array<i32>} : memref<2x128xi32, #tpu.memory_space<vmem>>, vector<16xi32>,
    %get3A_1052 = arith.constant 64 : index
    %get3A_1053 = tpu.vector_load %arg18[%get3A_1052] {strides = array<i32>} : memref<288xi32, #tpu.memory_space<vmem>>, vector<16xi32>,
    %swap3A_1054 = arith.constant 0 : i32
    %swap3A_1055 = arith.index_cast %swap3A_1054 : i32 to index
    %swap3A_1056 = arith.constant 64 : index
    %swap3A_1057 = tpu.vector_load %arg19[%swap3A_1055, %swap3A_1056] {strides = array<i32>} : memref<2x128xi32, #tpu.memory_space<vmem>>, vector<16xi32>,
    tpu.vector_store %arg19[%swap3A_1055, %swap3A_1056], %get3A_1053 {strides = array<i32>} : memref<2x128xi32, #tpu.memory_space<vmem>>, vector<16xi32>,
    %get3A_1058 = arith.constant 80 : index
    %get3A_1059 = tpu.vector_load %arg18[%get3A_1058] {strides = array<i32>} : memref<288xi32, #tpu.memory_space<vmem>>, vector<16xi32>,
    %swap3A_1060 = arith.constant 0 : i32
    %swap3A_1061 = arith.index_cast %swap3A_1060 : i32 to index
    %swap3A_1062 = arith.constant 80 : index
    %swap3A_1063 = tpu.vector_load %arg19[%swap3A_1061, %swap3A_1062] {strides = array<i32>} : memref<2x128xi32, #tpu.memory_space<vmem>>, vector<16xi32>,
    tpu.vector_store %arg19[%swap3A_1061, %swap3A_1062], %get3A_1059 {strides = array<i32>} : memref<2x128xi32, #tpu.memory_space<vmem>>, vector<16xi32>,
    %get3A_1064 = arith.constant 96 : index
    %get3A_1065 = tpu.vector_load %arg18[%get3A_1064] {strides = array<i32>} : memref<288xi32, #tpu.memory_space<vmem>>, vector<16xi32>,
    %swap3A_1066 = arith.constant 0 : i32
    %swap3A_1067 = arith.index_cast %swap3A_1066 : i32 to index
    %swap3A_1068 = arith.constant 96 : index
    %swap3A_1069 = tpu.vector_load %arg19[%swap3A_1067, %swap3A_1068] {strides = array<i32>} : memref<2x128xi32, #tpu.memory_space<vmem>>, vector<16xi32>,
    tpu.vector_store %arg19[%swap3A_1067, %swap3A_1068], %get3A_1065 {strides = array<i32>} : memref<2x128xi32, #tpu.memory_space<vmem>>, vector<16xi32>,
    %get3A_1070 = arith.constant 112 : index
    %get3A_1071 = tpu.vector_load %arg18[%get3A_1070] {strides = array<i32>} : memref<288xi32, #tpu.memory_space<vmem>>, vector<16xi32>,
    %swap3A_1072 = arith.constant 0 : i32
    %swap3A_1073 = arith.index_cast %swap3A_1072 : i32 to index
    %swap3A_1074 = arith.constant 112 : index
    %swap3A_1075 = tpu.vector_load %arg19[%swap3A_1073, %swap3A_1074] {strides = array<i32>} : memref<2x128xi32, #tpu.memory_space<vmem>>, vector<16xi32>,
    tpu.vector_store %arg19[%swap3A_1073, %swap3A_1074], %get3A_1071 {strides = array<i32>} : memref<2x128xi32, #tpu.memory_space<vmem>>, vector<16xi32>,
    %get3A_1076 = arith.constant 128 : index
    %get3A_1077 = tpu.vector_load %arg18[%get3A_1076] {strides = array<i32>} : memref<288xi32, #tpu.memory_space<vmem>>, vector<16xi32>,
    %swap3A_1078 = arith.constant 1 : i32
    %swap3A_1079 = arith.index_cast %swap3A_1078 : i32 to index
    %swap3A_1080 = arith.constant 0 : index
    %swap3A_1081 = tpu.vector_load %arg19[%swap3A_1079, %swap3A_1080] {strides = array<i32>} : memref<2x128xi32, #tpu.memory_space<vmem>>, vector<16xi32>,
    tpu.vector_store %arg19[%swap3A_1079, %swap3A_1080], %get3A_1077 {strides = array<i32>} : memref<2x128xi32, #tpu.memory_space<vmem>>, vector<16xi32>,
    %get3A_1082 = arith.constant 144 : index
    %get3A_1083 = tpu.vector_load %arg18[%get3A_1082] {strides = array<i32>} : memref<288xi32, #tpu.memory_space<vmem>>, vector<16xi32>,
    %swap3A_1084 = arith.constant 1 : i32
    %swap3A_1085 = arith.index_cast %swap3A_1084 : i32 to index
    %swap3A_1086 = arith.constant 16 : index
    %swap3A_1087 = tpu.vector_load %arg19[%swap3A_1085, %swap3A_1086] {strides = array<i32>} : memref<2x128xi32, #tpu.memory_space<vmem>>, vector<16xi32>,
    tpu.vector_store %arg19[%swap3A_1085, %swap3A_1086], %get3A_1083 {strides = array<i32>} : memref<2x128xi32, #tpu.memory_space<vmem>>, vector<16xi32>,
    %get3A_1088 = arith.constant 160 : index
    %get3A_1089 = tpu.vector_load %arg18[%get3A_1088] {strides = array<i32>} : memref<288xi32, #tpu.memory_space<vmem>>, vector<16xi32>,
    %swap3A_1090 = arith.constant 1 : i32
    %swap3A_1091 = arith.index_cast %swap3A_1090 : i32 to index
    %swap3A_1092 = arith.constant 32 : index
    %swap3A_1093 = tpu.vector_load %arg19[%swap3A_1091, %swap3A_1092] {strides = array<i32>} : memref<2x128xi32, #tpu.memory_space<vmem>>, vector<16xi32>,
    tpu.vector_store %arg19[%swap3A_1091, %swap3A_1092], %get3A_1089 {strides = array<i32>} : memref<2x128xi32, #tpu.memory_space<vmem>>, vector<16xi32>,
    %get3A_1094 = arith.constant 176 : index
    %get3A_1095 = tpu.vector_load %arg18[%get3A_1094] {strides = array<i32>} : memref<288xi32, #tpu.memory_space<vmem>>, vector<16xi32>,
    %swap3A_1096 = arith.constant 1 : i32
    %swap3A_1097 = arith.index_cast %swap3A_1096 : i32 to index
    %swap3A_1098 = arith.constant 48 : index
    %swap3A_1099 = tpu.vector_load %arg19[%swap3A_1097, %swap3A_1098] {strides = array<i32>} : memref<2x128xi32, #tpu.memory_space<vmem>>, vector<16xi32>,
    tpu.vector_store %arg19[%swap3A_1097, %swap3A_1098], %get3A_1095 {strides = array<i32>} : memref<2x128xi32, #tpu.memory_space<vmem>>, vector<16xi32>,
    %get3A_1100 = arith.constant 192 : index
    %get3A_1101 = tpu.vector_load %arg18[%get3A_1100] {strides = array<i32>} : memref<288xi32, #tpu.memory_space<vmem>>, vector<16xi32>,
    %swap3A_1102 = arith.constant 1 : i32
    %swap3A_1103 = arith.index_cast %swap3A_1102 : i32 to index
    %swap3A_1104 = arith.constant 64 : index
    %swap3A_1105 = tpu.vector_load %arg19[%swap3A_1103, %swap3A_1104] {strides = array<i32>} : memref<2x128xi32, #tpu.memory_space<vmem>>, vector<16xi32>,
    tpu.vector_store %arg19[%swap3A_1103, %swap3A_1104], %get3A_1101 {strides = array<i32>} : memref<2x128xi32, #tpu.memory_space<vmem>>, vector<16xi32>,
    %get3A_1106 = arith.constant 208 : index
    %get3A_1107 = tpu.vector_load %arg18[%get3A_1106] {strides = array<i32>} : memref<288xi32, #tpu.memory_space<vmem>>, vector<16xi32>,
    %swap3A_1108 = arith.constant 1 : i32
    %swap3A_1109 = arith.index_cast %swap3A_1108 : i32 to index
    %swap3A_1110 = arith.constant 80 : index
    %swap3A_1111 = tpu.vector_load %arg19[%swap3A_1109, %swap3A_1110] {strides = array<i32>} : memref<2x128xi32, #tpu.memory_space<vmem>>, vector<16xi32>,
    tpu.vector_store %arg19[%swap3A_1109, %swap3A_1110], %get3A_1107 {strides = array<i32>} : memref<2x128xi32, #tpu.memory_space<vmem>>, vector<16xi32>,
    %get3A_1112 = arith.constant 224 : index
    %get3A_1113 = tpu.vector_load %arg18[%get3A_1112] {strides = array<i32>} : memref<288xi32, #tpu.memory_space<vmem>>, vector<16xi32>,
    %swap3A_1114 = arith.constant 1 : i32
    %swap3A_1115 = arith.index_cast %swap3A_1114 : i32 to index
    %swap3A_1116 = arith.constant 96 : index
    %swap3A_1117 = tpu.vector_load %arg19[%swap3A_1115, %swap3A_1116] {strides = array<i32>} : memref<2x128xi32, #tpu.memory_space<vmem>>, vector<16xi32>,
    tpu.vector_store %arg19[%swap3A_1115, %swap3A_1116], %get3A_1113 {strides = array<i32>} : memref<2x128xi32, #tpu.memory_space<vmem>>, vector<16xi32>,
    %get3A_1118 = arith.constant 240 : index
    %get3A_1119 = tpu.vector_load %arg18[%get3A_1118] {strides = array<i32>} : memref<288xi32, #tpu.memory_space<vmem>>, vector<16xi32>,
    %swap3A_1120 = arith.constant 1 : i32
    %swap3A_1121 = arith.index_cast %swap3A_1120 : i32 to index
    %swap3A_1122 = arith.constant 112 : index
    %swap3A_1123 = tpu.vector_load %arg19[%swap3A_1121, %swap3A_1122] {strides = array<i32>} : memref<2x128xi32, #tpu.memory_space<vmem>>, vector<16xi32>,
    tpu.vector_store %arg19[%swap3A_1121, %swap3A_1122], %get3A_1119 {strides = array<i32>} : memref<2x128xi32, #tpu.memory_space<vmem>>, vector<16xi32>,
    %dma_wait3A_1124 = arith.constant 0 : i32
    %dma_wait3A_1125 = tpu.memref_slice %arg10[%mul3A_773, %dma_wait3A_1124] : memref<65536x128xf32, #tpu.memory_space<hbm>> -> memref<256x128xf32, #tpu.memory_space<hbm>>
    %dma_wait3A_1126 = arith.constant 0 : i32
    %dma_wait3A_1127 = tpu.memref_slice %arg10[%mul3A_773, %dma_wait3A_1126] : memref<65536x128xf32, #tpu.memory_space<hbm>> -> memref<256x128xf32, #tpu.memory_space<hbm>>
    tpu.wait_dma2 semaphore(%arg23 : memref<!tpu.dma_semaphore, #tpu.memory_space<semaphore_mem>>) src(%arg21 : memref<256x128xf32, #tpu.memory_space<vmem>>) dst(%dma_wait3A_1127 : memref<256x128xf32, #tpu.memory_space<hbm>>)
    %dma_start3A_1128 = arith.constant 0 : i32
    %dma_start3A_1129 = arith.constant 0 : i32
    %dma_start3A_1130 = arith.constant 0 : i32
    %dma_start3A_1131 = tpu.memref_slice %arg21[%dma_start3A_1129, %dma_start3A_1130] : memref<256x128xf32, #tpu.memory_space<vmem>> -> memref<128x128xf32, #tpu.memory_space<vmem>>
    %dma_start3A_1132 = arith.constant 0 : i32
    %dma_start3A_1133 = tpu.memref_slice %arg19[%dma_start3A_1128, %dma_start3A_1132] : memref<2x128xi32, #tpu.memory_space<vmem>> -> memref<1x128xi32, #tpu.memory_space<vmem>>
    %dma_start3A_1134 = tpu.memref_squeeze %dma_start3A_1133 : memref<1x128xi32, #tpu.memory_space<vmem>> -> memref<128xi32, #tpu.memory_space<vmem>>
    %dma_start3A_1135 = arith.constant 0 : i32
    %dma_start3A_1136 = arith.constant 0 : i32
    %dma_start3A_1137 = tpu.memref_slice %arg9[%dma_start3A_1135, %dma_start3A_1136] : memref<8192x128xf32, #tpu.memory_space<hbm>> -> memref<8192x128xf32, #tpu.memory_space<hbm>>
    tpu.enqueue_indirect_dma source(%dma_start3A_1137 : memref<8192x128xf32, #tpu.memory_space<hbm>>) target(%dma_start3A_1131 : memref<128x128xf32, #tpu.memory_space<vmem>>) offsets(%dma_start3A_1134 : memref<128xi32, #tpu.memory_space<vmem>>) semaphore(%arg22 : memref<!tpu.dma_semaphore, #tpu.memory_space<semaphore_mem>>)
    %dma_start3A_1138 = arith.constant 1 : i32
    %dma_start3A_1139 = arith.constant 128 : i32
    %dma_start3A_1140 = arith.constant 0 : i32
    %dma_start3A_1141 = tpu.memref_slice %arg21[%dma_start3A_1139, %dma_start3A_1140] : memref<256x128xf32, #tpu.memory_space<vmem>> -> memref<128x128xf32, #tpu.memory_space<vmem>>
    %dma_start3A_1142 = arith.constant 0 : i32
    %dma_start3A_1143 = tpu.memref_slice %arg19[%dma_start3A_1138, %dma_start3A_1142] : memref<2x128xi32, #tpu.memory_space<vmem>> -> memref<1x128xi32, #tpu.memory_space<vmem>>
    %dma_start3A_1144 = tpu.memref_squeeze %dma_start3A_1143 : memref<1x128xi32, #tpu.memory_space<vmem>> -> memref<128xi32, #tpu.memory_space<vmem>>
    %dma_start3A_1145 = arith.constant 0 : i32
    %dma_start3A_1146 = arith.constant 0 : i32
    %dma_start3A_1147 = tpu.memref_slice %arg9[%dma_start3A_1145, %dma_start3A_1146] : memref<8192x128xf32, #tpu.memory_space<hbm>> -> memref<8192x128xf32, #tpu.memory_space<hbm>>
    tpu.enqueue_indirect_dma source(%dma_start3A_1147 : memref<8192x128xf32, #tpu.memory_space<hbm>>) target(%dma_start3A_1141 : memref<128x128xf32, #tpu.memory_space<vmem>>) offsets(%dma_start3A_1144 : memref<128xi32, #tpu.memory_space<vmem>>) semaphore(%arg22 : memref<!tpu.dma_semaphore, #tpu.memory_space<semaphore_mem>>)
    %dma_wait3A_1148 = arith.constant 0 : i32
    %dma_wait3A_1149 = arith.constant 0 : i32
    %dma_wait3A_1150 = arith.constant 0 : i32
    %dma_wait3A_1151 = tpu.memref_slice %arg21[%dma_wait3A_1149, %dma_wait3A_1150] : memref<256x128xf32, #tpu.memory_space<vmem>> -> memref<128x128xf32, #tpu.memory_space<vmem>>
    %dma_wait3A_1152 = arith.constant 0 : i32
    %dma_wait3A_1153 = tpu.memref_slice %arg19[%dma_wait3A_1148, %dma_wait3A_1152] : memref<2x128xi32, #tpu.memory_space<vmem>> -> memref<1x128xi32, #tpu.memory_space<vmem>>
    %dma_wait3A_1154 = tpu.memref_squeeze %dma_wait3A_1153 : memref<1x128xi32, #tpu.memory_space<vmem>> -> memref<128xi32, #tpu.memory_space<vmem>>
    %dma_wait3A_1155 = arith.constant 0 : i32
    %dma_wait3A_1156 = arith.constant 0 : i32
    %dma_wait3A_1157 = tpu.memref_slice %arg9[%dma_wait3A_1155, %dma_wait3A_1156] : memref<8192x128xf32, #tpu.memory_space<hbm>> -> memref<8192x128xf32, #tpu.memory_space<hbm>>
    tpu.wait_indirect_dma semaphore(%arg22 : memref<!tpu.dma_semaphore, #tpu.memory_space<semaphore_mem>>) src(%dma_wait3A_1157 : memref<8192x128xf32, #tpu.memory_space<hbm>>) dst(%dma_wait3A_1151 : memref<128x128xf32, #tpu.memory_space<vmem>>)
    %dma_wait3A_1158 = arith.constant 1 : i32
    %dma_wait3A_1159 = arith.constant 128 : i32
    %dma_wait3A_1160 = arith.constant 0 : i32
    %dma_wait3A_1161 = tpu.memref_slice %arg21[%dma_wait3A_1159, %dma_wait3A_1160] : memref<256x128xf32, #tpu.memory_space<vmem>> -> memref<128x128xf32, #tpu.memory_space<vmem>>
    %dma_wait3A_1162 = arith.constant 0 : i32
    %dma_wait3A_1163 = tpu.memref_slice %arg19[%dma_wait3A_1158, %dma_wait3A_1162] : memref<2x128xi32, #tpu.memory_space<vmem>> -> memref<1x128xi32, #tpu.memory_space<vmem>>
    %dma_wait3A_1164 = tpu.memref_squeeze %dma_wait3A_1163 : memref<1x128xi32, #tpu.memory_space<vmem>> -> memref<128xi32, #tpu.memory_space<vmem>>
    %dma_wait3A_1165 = arith.constant 0 : i32
    %dma_wait3A_1166 = arith.constant 0 : i32
    %dma_wait3A_1167 = tpu.memref_slice %arg9[%dma_wait3A_1165, %dma_wait3A_1166] : memref<8192x128xf32, #tpu.memory_space<hbm>> -> memref<8192x128xf32, #tpu.memory_space<hbm>>
    tpu.wait_indirect_dma semaphore(%arg22 : memref<!tpu.dma_semaphore, #tpu.memory_space<semaphore_mem>>) src(%dma_wait3A_1167 : memref<8192x128xf32, #tpu.memory_space<hbm>>) dst(%dma_wait3A_1161 : memref<128x128xf32, #tpu.memory_space<vmem>>)
    %mul3A_1168 = arith.constant 256 : i32
    %mul3A_1169 = arith.muli %add3A_979, %mul3A_1168 : i32
    %dma_start3A_1170 = arith.constant 0 : i32
    %dma_start3A_1171 = tpu.memref_slice %arg10[%mul3A_1169, %dma_start3A_1170] : memref<65536x128xf32, #tpu.memory_space<hbm>> -> memref<256x128xf32, #tpu.memory_space<hbm>>
    %dma_start3A_1172 = arith.constant 0 : i32
    %dma_start3A_1173 = tpu.memref_slice %arg10[%mul3A_1169, %dma_start3A_1172] : memref<65536x128xf32, #tpu.memory_space<hbm>> -> memref<256x128xf32, #tpu.memory_space<hbm>>
    tpu.enqueue_dma source(%arg21 : memref<256x128xf32, #tpu.memory_space<vmem>>) target(%dma_start3A_1173 : memref<256x128xf32, #tpu.memory_space<hbm>>) target_semaphore(%arg23 : memref<!tpu.dma_semaphore, #tpu.memory_space<semaphore_mem>>)
    %mul3A_1174 = arith.constant 8 : i32
    %mul3A_1175 = arith.muli %add3A, %mul3A_1174 : i32
    %add3A_1176 = arith.constant 6 : i32
    %add3A_1177 = arith.addi %mul3A_1175, %add3A_1176 : i32
    %broadcast_in_dim3A_1178 = vector.broadcast %add3A_1177 : i32 to vector<16xi32>
    %gather3A_1179 = tpu.vector_load_idx %arg14[%broadcast_in_dim3A_1178] : memref<256xf32, #tpu.memory_space<vmem>>[vector<16xi32>], vector<16xf32>,
    %gather3A_1180 = tpu.vector_load_idx %arg15[%broadcast_in_dim3A_1178] : memref<256xf32, #tpu.memory_space<vmem>>[vector<16xi32>], vector<16xf32>,
    %gather3A_1181 = tpu.vector_load_idx %arg16[%broadcast_in_dim3A_1178] : memref<256xf32, #tpu.memory_space<vmem>>[vector<16xi32>], vector<16xf32>,
    %gather3A_1182 = tpu.vector_load_idx %arg17[%broadcast_in_dim3A_1178] : memref<256xi32, #tpu.memory_space<vmem>>[vector<16xi32>], vector<16xi32>,
    %swap3A_1183 = arith.constant 0 : index
    %swap3A_1184 = tpu.vector_load %arg18[%swap3A_1183] {strides = array<i32>} : memref<288xi32, #tpu.memory_space<vmem>>, vector<16xi32>,
    tpu.vector_store %arg18[%swap3A_1183], %gather3A_1182 {strides = array<i32>} : memref<288xi32, #tpu.memory_space<vmem>>, vector<16xi32>,
    %swap3A_1185 = arith.constant 16 : index
    %swap3A_1186 = tpu.vector_load %arg18[%swap3A_1185] {strides = array<i32>} : memref<288xi32, #tpu.memory_space<vmem>>, vector<16xi32>,
    tpu.vector_store %arg18[%swap3A_1185], %gather3A_1182 {strides = array<i32>} : memref<288xi32, #tpu.memory_space<vmem>>, vector<16xi32>,
    %swap3A_1187 = arith.constant 32 : index
    %swap3A_1188 = tpu.vector_load %arg18[%swap3A_1187] {strides = array<i32>} : memref<288xi32, #tpu.memory_space<vmem>>, vector<16xi32>,
    tpu.vector_store %arg18[%swap3A_1187], %gather3A_1182 {strides = array<i32>} : memref<288xi32, #tpu.memory_space<vmem>>, vector<16xi32>,
    %swap3A_1189 = arith.constant 48 : index
    %swap3A_1190 = tpu.vector_load %arg18[%swap3A_1189] {strides = array<i32>} : memref<288xi32, #tpu.memory_space<vmem>>, vector<16xi32>,
    tpu.vector_store %arg18[%swap3A_1189], %gather3A_1182 {strides = array<i32>} : memref<288xi32, #tpu.memory_space<vmem>>, vector<16xi32>,
    %swap3A_1191 = arith.constant 64 : index
    %swap3A_1192 = tpu.vector_load %arg18[%swap3A_1191] {strides = array<i32>} : memref<288xi32, #tpu.memory_space<vmem>>, vector<16xi32>,
    tpu.vector_store %arg18[%swap3A_1191], %gather3A_1182 {strides = array<i32>} : memref<288xi32, #tpu.memory_space<vmem>>, vector<16xi32>,
    %swap3A_1193 = arith.constant 80 : index
    %swap3A_1194 = tpu.vector_load %arg18[%swap3A_1193] {strides = array<i32>} : memref<288xi32, #tpu.memory_space<vmem>>, vector<16xi32>,
    tpu.vector_store %arg18[%swap3A_1193], %gather3A_1182 {strides = array<i32>} : memref<288xi32, #tpu.memory_space<vmem>>, vector<16xi32>,
    %swap3A_1195 = arith.constant 96 : index
    %swap3A_1196 = tpu.vector_load %arg18[%swap3A_1195] {strides = array<i32>} : memref<288xi32, #tpu.memory_space<vmem>>, vector<16xi32>,
    tpu.vector_store %arg18[%swap3A_1195], %gather3A_1182 {strides = array<i32>} : memref<288xi32, #tpu.memory_space<vmem>>, vector<16xi32>,
    %swap3A_1197 = arith.constant 112 : index
    %swap3A_1198 = tpu.vector_load %arg18[%swap3A_1197] {strides = array<i32>} : memref<288xi32, #tpu.memory_space<vmem>>, vector<16xi32>,
    tpu.vector_store %arg18[%swap3A_1197], %gather3A_1182 {strides = array<i32>} : memref<288xi32, #tpu.memory_space<vmem>>, vector<16xi32>,
    %swap3A_1199 = arith.constant 128 : index
    %swap3A_1200 = tpu.vector_load %arg18[%swap3A_1199] {strides = array<i32>} : memref<288xi32, #tpu.memory_space<vmem>>, vector<16xi32>,
    tpu.vector_store %arg18[%swap3A_1199], %gather3A_1182 {strides = array<i32>} : memref<288xi32, #tpu.memory_space<vmem>>, vector<16xi32>,
    %swap3A_1201 = arith.constant 144 : index
    %swap3A_1202 = tpu.vector_load %arg18[%swap3A_1201] {strides = array<i32>} : memref<288xi32, #tpu.memory_space<vmem>>, vector<16xi32>,
    tpu.vector_store %arg18[%swap3A_1201], %gather3A_1182 {strides = array<i32>} : memref<288xi32, #tpu.memory_space<vmem>>, vector<16xi32>,
    %swap3A_1203 = arith.constant 160 : index
    %swap3A_1204 = tpu.vector_load %arg18[%swap3A_1203] {strides = array<i32>} : memref<288xi32, #tpu.memory_space<vmem>>, vector<16xi32>,
    tpu.vector_store %arg18[%swap3A_1203], %gather3A_1182 {strides = array<i32>} : memref<288xi32, #tpu.memory_space<vmem>>, vector<16xi32>,
    %swap3A_1205 = arith.constant 176 : index
    %swap3A_1206 = tpu.vector_load %arg18[%swap3A_1205] {strides = array<i32>} : memref<288xi32, #tpu.memory_space<vmem>>, vector<16xi32>,
    tpu.vector_store %arg18[%swap3A_1205], %gather3A_1182 {strides = array<i32>} : memref<288xi32, #tpu.memory_space<vmem>>, vector<16xi32>,
    %swap3A_1207 = arith.constant 192 : index
    %swap3A_1208 = tpu.vector_load %arg18[%swap3A_1207] {strides = array<i32>} : memref<288xi32, #tpu.memory_space<vmem>>, vector<16xi32>,
    tpu.vector_store %arg18[%swap3A_1207], %gather3A_1182 {strides = array<i32>} : memref<288xi32, #tpu.memory_space<vmem>>, vector<16xi32>,
    %swap3A_1209 = arith.constant 208 : index
    %swap3A_1210 = tpu.vector_load %arg18[%swap3A_1209] {strides = array<i32>} : memref<288xi32, #tpu.memory_space<vmem>>, vector<16xi32>,
    tpu.vector_store %arg18[%swap3A_1209], %gather3A_1182 {strides = array<i32>} : memref<288xi32, #tpu.memory_space<vmem>>, vector<16xi32>,
    %swap3A_1211 = arith.constant 224 : index
    %swap3A_1212 = tpu.vector_load %arg18[%swap3A_1211] {strides = array<i32>} : memref<288xi32, #tpu.memory_space<vmem>>, vector<16xi32>,
    tpu.vector_store %arg18[%swap3A_1211], %gather3A_1182 {strides = array<i32>} : memref<288xi32, #tpu.memory_space<vmem>>, vector<16xi32>,
    %swap3A_1213 = arith.constant 240 : index
    %swap3A_1214 = tpu.vector_load %arg18[%swap3A_1213] {strides = array<i32>} : memref<288xi32, #tpu.memory_space<vmem>>, vector<16xi32>,
    tpu.vector_store %arg18[%swap3A_1213], %gather3A_1182 {strides = array<i32>} : memref<288xi32, #tpu.memory_space<vmem>>, vector<16xi32>,
    %swap3A_1215 = arith.constant 256 : index
    %swap3A_1216 = tpu.vector_load %arg18[%swap3A_1215] {strides = array<i32>} : memref<288xi32, #tpu.memory_space<vmem>>, vector<16xi32>,
    tpu.vector_store %arg18[%swap3A_1215], %gather3A_1182 {strides = array<i32>} : memref<288xi32, #tpu.memory_space<vmem>>, vector<16xi32>,
    %swap3A_1217 = arith.constant 272 : index
    %swap3A_1218 = tpu.vector_load %arg18[%swap3A_1217] {strides = array<i32>} : memref<288xi32, #tpu.memory_space<vmem>>, vector<16xi32>,
    tpu.vector_store %arg18[%swap3A_1217], %gather3A_1182 {strides = array<i32>} : memref<288xi32, #tpu.memory_space<vmem>>, vector<16xi32>,
    %scan3A_1219 = arith.constant 0 : i32
    %scan3A_1220 = arith.constant 0 : i32
    %scan3A_1221 = arith.constant 512 : i32
    %scan3A_1222 = arith.addi %scan3A_1220, %scan3A_1221 : i32
    %scan3A_1223 = arith.constant 4 : i32
    %scan3A_1224 = scf.for %scan3A_1578 = %scan3A_1220 to %scan3A_1222 step %scan3A_1223 iter_args(%scan3A_1579 = %scan3A_1219) -> (i32)  : i32 {
      %mul3A_1580 = arith.constant 16 : i32
      %mul3A_1581 = arith.muli %scan3A_1578, %mul3A_1580 : i32
      %get3A_1582 = arith.index_cast %mul3A_1581 : i32 to index
      %get3A_1583 = tpu.vector_load %arg11[%get3A_1582] {strides = array<i32>} : memref<8192xf32, #tpu.memory_space<vmem>>, vector<16xf32>,
      %get3A_1584 = arith.index_cast %mul3A_1581 : i32 to index
      %get3A_1585 = tpu.vector_load %arg12[%get3A_1584] {strides = array<i32>} : memref<8192xf32, #tpu.memory_space<vmem>>, vector<16xf32>,
      %get3A_1586 = arith.index_cast %mul3A_1581 : i32 to index
      %get3A_1587 = tpu.vector_load %arg13[%get3A_1586] {strides = array<i32>} : memref<8192xf32, #tpu.memory_space<vmem>>, vector<16xf32>,
      %sub3A = arith.subf %get3A_1583, %gather3A_1179 : vector<16xf32>
      %sub3A_1588 = arith.subf %get3A_1585, %gather3A_1180 : vector<16xf32>
      %sub3A_1589 = arith.subf %get3A_1587, %gather3A_1181 : vector<16xf32>
      %mul3A_1590 = arith.mulf %sub3A, %sub3A : vector<16xf32>
      %mul3A_1591 = arith.mulf %sub3A_1588, %sub3A_1588 : vector<16xf32>
      %add3A_1592 = arith.addf %mul3A_1590, %mul3A_1591 : vector<16xf32>
      %mul3A_1593 = arith.mulf %sub3A_1589, %sub3A_1589 : vector<16xf32>
      %add3A_1594 = arith.addf %add3A_1592, %mul3A_1593 : vector<16xf32>
      %le3A = arith.constant 0.160000011 : f32
      %le3A_1595 = vector.broadcast %le3A : f32 to vector<16xf32>
      %le3A_1596 = arith.cmpf ole, %add3A_1594, %le3A_1595 : vector<16xf32>
      %min3A = arith.constant 256 : i32
      %min3A_1597 = arith.minsi %scan3A_1579, %min3A : i32
      %add3A_1598 = vector.broadcast %mul3A_1581 : i32 to vector<16xi32>
      %add3A_1599 = arith.addi %add3A_1598, %iota3A : vector<16xi32>
      %swap3A_1600 = arith.index_cast %min3A_1597 : i32 to index
      %swap3A_1601 = tpu.vector_load %arg18[%swap3A_1600] masked %le3A_1596 {strides = array<i32>} : memref<288xi32, #tpu.memory_space<vmem>>, vector<16xi32>, vector<16xi1>
      tpu.vector_store %arg18[%swap3A_1600], %add3A_1599 masked %le3A_1596 {strides = array<i32>} : memref<288xi32, #tpu.memory_space<vmem>>, vector<16xi32>, vector<16xi1>
      %all_reduce_population_count3A = tpu.all_reduce %le3A_1596 {dim = 0 : i64, kind = #tpu.reduction_kind<sum>} : vector<16xi1> -> vector<16xi32>
      %slice3A = vector.extract_strided_slice %all_reduce_population_count3A {offsets = [0], sizes = [1], strides = [1]} : vector<16xi32> to vector<1xi32>
      %squeeze3A = vector.extract %slice3A[0] : i32 from vector<1xi32>
      %add3A_1602 = arith.addi %scan3A_1579, %squeeze3A : i32
      %scan3A_1603 = arith.constant 1 : i32
      %scan3A_1604 = arith.addi %scan3A_1578, %scan3A_1603 : i32
      %mul3A_1605 = arith.constant 16 : i32
      %mul3A_1606 = arith.muli %scan3A_1604, %mul3A_1605 : i32
      %get3A_1607 = arith.index_cast %mul3A_1606 : i32 to index
      %get3A_1608 = tpu.vector_load %arg11[%get3A_1607] {strides = array<i32>} : memref<8192xf32, #tpu.memory_space<vmem>>, vector<16xf32>,
      %get3A_1609 = arith.index_cast %mul3A_1606 : i32 to index
      %get3A_1610 = tpu.vector_load %arg12[%get3A_1609] {strides = array<i32>} : memref<8192xf32, #tpu.memory_space<vmem>>, vector<16xf32>,
      %get3A_1611 = arith.index_cast %mul3A_1606 : i32 to index
      %get3A_1612 = tpu.vector_load %arg13[%get3A_1611] {strides = array<i32>} : memref<8192xf32, #tpu.memory_space<vmem>>, vector<16xf32>,
      %sub3A_1613 = arith.subf %get3A_1608, %gather3A_1179 : vector<16xf32>
      %sub3A_1614 = arith.subf %get3A_1610, %gather3A_1180 : vector<16xf32>
      %sub3A_1615 = arith.subf %get3A_1612, %gather3A_1181 : vector<16xf32>
      %mul3A_1616 = arith.mulf %sub3A_1613, %sub3A_1613 : vector<16xf32>
      %mul3A_1617 = arith.mulf %sub3A_1614, %sub3A_1614 : vector<16xf32>
      %add3A_1618 = arith.addf %mul3A_1616, %mul3A_1617 : vector<16xf32>
      %mul3A_1619 = arith.mulf %sub3A_1615, %sub3A_1615 : vector<16xf32>
      %add3A_1620 = arith.addf %add3A_1618, %mul3A_1619 : vector<16xf32>
      %le3A_1621 = arith.constant 0.160000011 : f32
      %le3A_1622 = vector.broadcast %le3A_1621 : f32 to vector<16xf32>
      %le3A_1623 = arith.cmpf ole, %add3A_1620, %le3A_1622 : vector<16xf32>
      %min3A_1624 = arith.constant 256 : i32
      %min3A_1625 = arith.minsi %add3A_1602, %min3A_1624 : i32
      %add3A_1626 = vector.broadcast %mul3A_1606 : i32 to vector<16xi32>
      %add3A_1627 = arith.addi %add3A_1626, %iota3A : vector<16xi32>
      %swap3A_1628 = arith.index_cast %min3A_1625 : i32 to index
      %swap3A_1629 = tpu.vector_load %arg18[%swap3A_1628] masked %le3A_1623 {strides = array<i32>} : memref<288xi32, #tpu.memory_space<vmem>>, vector<16xi32>, vector<16xi1>
      tpu.vector_store %arg18[%swap3A_1628], %add3A_1627 masked %le3A_1623 {strides = array<i32>} : memref<288xi32, #tpu.memory_space<vmem>>, vector<16xi32>, vector<16xi1>
      %all_reduce_population_count3A_1630 = tpu.all_reduce %le3A_1623 {dim = 0 : i64, kind = #tpu.reduction_kind<sum>} : vector<16xi1> -> vector<16xi32>
      %slice3A_1631 = vector.extract_strided_slice %all_reduce_population_count3A_1630 {offsets = [0], sizes = [1], strides = [1]} : vector<16xi32> to vector<1xi32>
      %squeeze3A_1632 = vector.extract %slice3A_1631[0] : i32 from vector<1xi32>
      %add3A_1633 = arith.addi %add3A_1602, %squeeze3A_1632 : i32
      %scan3A_1634 = arith.constant 2 : i32
      %scan3A_1635 = arith.addi %scan3A_1578, %scan3A_1634 : i32
      %mul3A_1636 = arith.constant 16 : i32
      %mul3A_1637 = arith.muli %scan3A_1635, %mul3A_1636 : i32
      %get3A_1638 = arith.index_cast %mul3A_1637 : i32 to index
      %get3A_1639 = tpu.vector_load %arg11[%get3A_1638] {strides = array<i32>} : memref<8192xf32, #tpu.memory_space<vmem>>, vector<16xf32>,
      %get3A_1640 = arith.index_cast %mul3A_1637 : i32 to index
      %get3A_1641 = tpu.vector_load %arg12[%get3A_1640] {strides = array<i32>} : memref<8192xf32, #tpu.memory_space<vmem>>, vector<16xf32>,
      %get3A_1642 = arith.index_cast %mul3A_1637 : i32 to index
      %get3A_1643 = tpu.vector_load %arg13[%get3A_1642] {strides = array<i32>} : memref<8192xf32, #tpu.memory_space<vmem>>, vector<16xf32>,
      %sub3A_1644 = arith.subf %get3A_1639, %gather3A_1179 : vector<16xf32>
      %sub3A_1645 = arith.subf %get3A_1641, %gather3A_1180 : vector<16xf32>
      %sub3A_1646 = arith.subf %get3A_1643, %gather3A_1181 : vector<16xf32>
      %mul3A_1647 = arith.mulf %sub3A_1644, %sub3A_1644 : vector<16xf32>
      %mul3A_1648 = arith.mulf %sub3A_1645, %sub3A_1645 : vector<16xf32>
      %add3A_1649 = arith.addf %mul3A_1647, %mul3A_1648 : vector<16xf32>
      %mul3A_1650 = arith.mulf %sub3A_1646, %sub3A_1646 : vector<16xf32>
      %add3A_1651 = arith.addf %add3A_1649, %mul3A_1650 : vector<16xf32>
      %le3A_1652 = arith.constant 0.160000011 : f32
      %le3A_1653 = vector.broadcast %le3A_1652 : f32 to vector<16xf32>
      %le3A_1654 = arith.cmpf ole, %add3A_1651, %le3A_1653 : vector<16xf32>
      %min3A_1655 = arith.constant 256 : i32
      %min3A_1656 = arith.minsi %add3A_1633, %min3A_1655 : i32
      %add3A_1657 = vector.broadcast %mul3A_1637 : i32 to vector<16xi32>
      %add3A_1658 = arith.addi %add3A_1657, %iota3A : vector<16xi32>
      %swap3A_1659 = arith.index_cast %min3A_1656 : i32 to index
      %swap3A_1660 = tpu.vector_load %arg18[%swap3A_1659] masked %le3A_1654 {strides = array<i32>} : memref<288xi32, #tpu.memory_space<vmem>>, vector<16xi32>, vector<16xi1>
      tpu.vector_store %arg18[%swap3A_1659], %add3A_1658 masked %le3A_1654 {strides = array<i32>} : memref<288xi32, #tpu.memory_space<vmem>>, vector<16xi32>, vector<16xi1>
      %all_reduce_population_count3A_1661 = tpu.all_reduce %le3A_1654 {dim = 0 : i64, kind = #tpu.reduction_kind<sum>} : vector<16xi1> -> vector<16xi32>
      %slice3A_1662 = vector.extract_strided_slice %all_reduce_population_count3A_1661 {offsets = [0], sizes = [1], strides = [1]} : vector<16xi32> to vector<1xi32>
      %squeeze3A_1663 = vector.extract %slice3A_1662[0] : i32 from vector<1xi32>
      %add3A_1664 = arith.addi %add3A_1633, %squeeze3A_1663 : i32
      %scan3A_1665 = arith.constant 3 : i32
      %scan3A_1666 = arith.addi %scan3A_1578, %scan3A_1665 : i32
      %mul3A_1667 = arith.constant 16 : i32
      %mul3A_1668 = arith.muli %scan3A_1666, %mul3A_1667 : i32
      %get3A_1669 = arith.index_cast %mul3A_1668 : i32 to index
      %get3A_1670 = tpu.vector_load %arg11[%get3A_1669] {strides = array<i32>} : memref<8192xf32, #tpu.memory_space<vmem>>, vector<16xf32>,
      %get3A_1671 = arith.index_cast %mul3A_1668 : i32 to index
      %get3A_1672 = tpu.vector_load %arg12[%get3A_1671] {strides = array<i32>} : memref<8192xf32, #tpu.memory_space<vmem>>, vector<16xf32>,
      %get3A_1673 = arith.index_cast %mul3A_1668 : i32 to index
      %get3A_1674 = tpu.vector_load %arg13[%get3A_1673] {strides = array<i32>} : memref<8192xf32, #tpu.memory_space<vmem>>, vector<16xf32>,
      %sub3A_1675 = arith.subf %get3A_1670, %gather3A_1179 : vector<16xf32>
      %sub3A_1676 = arith.subf %get3A_1672, %gather3A_1180 : vector<16xf32>
      %sub3A_1677 = arith.subf %get3A_1674, %gather3A_1181 : vector<16xf32>
      %mul3A_1678 = arith.mulf %sub3A_1675, %sub3A_1675 : vector<16xf32>
      %mul3A_1679 = arith.mulf %sub3A_1676, %sub3A_1676 : vector<16xf32>
      %add3A_1680 = arith.addf %mul3A_1678, %mul3A_1679 : vector<16xf32>
      %mul3A_1681 = arith.mulf %sub3A_1677, %sub3A_1677 : vector<16xf32>
      %add3A_1682 = arith.addf %add3A_1680, %mul3A_1681 : vector<16xf32>
      %le3A_1683 = arith.constant 0.160000011 : f32
      %le3A_1684 = vector.broadcast %le3A_1683 : f32 to vector<16xf32>
      %le3A_1685 = arith.cmpf ole, %add3A_1682, %le3A_1684 : vector<16xf32>
      %min3A_1686 = arith.constant 256 : i32
      %min3A_1687 = arith.minsi %add3A_1664, %min3A_1686 : i32
      %add3A_1688 = vector.broadcast %mul3A_1668 : i32 to vector<16xi32>
      %add3A_1689 = arith.addi %add3A_1688, %iota3A : vector<16xi32>
      %swap3A_1690 = arith.index_cast %min3A_1687 : i32 to index
      %swap3A_1691 = tpu.vector_load %arg18[%swap3A_1690] masked %le3A_1685 {strides = array<i32>} : memref<288xi32, #tpu.memory_space<vmem>>, vector<16xi32>, vector<16xi1>
      tpu.vector_store %arg18[%swap3A_1690], %add3A_1689 masked %le3A_1685 {strides = array<i32>} : memref<288xi32, #tpu.memory_space<vmem>>, vector<16xi32>, vector<16xi1>
      %all_reduce_population_count3A_1692 = tpu.all_reduce %le3A_1685 {dim = 0 : i64, kind = #tpu.reduction_kind<sum>} : vector<16xi1> -> vector<16xi32>
      %slice3A_1693 = vector.extract_strided_slice %all_reduce_population_count3A_1692 {offsets = [0], sizes = [1], strides = [1]} : vector<16xi32> to vector<1xi32>
      %squeeze3A_1694 = vector.extract %slice3A_1693[0] : i32 from vector<1xi32>
      %add3A_1695 = arith.addi %add3A_1664, %squeeze3A_1694 : i32
      scf.yield %add3A_1695 : i32
    }
    %scan3A_1225 = arith.constant 512 : i32
    %get3A_1226 = arith.constant 0 : index
    %get3A_1227 = tpu.vector_load %arg18[%get3A_1226] {strides = array<i32>} : memref<288xi32, #tpu.memory_space<vmem>>, vector<16xi32>,
    %swap3A_1228 = arith.constant 0 : i32
    %swap3A_1229 = arith.index_cast %swap3A_1228 : i32 to index
    %swap3A_1230 = arith.constant 0 : index
    %swap3A_1231 = tpu.vector_load %arg19[%swap3A_1229, %swap3A_1230] {strides = array<i32>} : memref<2x128xi32, #tpu.memory_space<vmem>>, vector<16xi32>,
    tpu.vector_store %arg19[%swap3A_1229, %swap3A_1230], %get3A_1227 {strides = array<i32>} : memref<2x128xi32, #tpu.memory_space<vmem>>, vector<16xi32>,
    %get3A_1232 = arith.constant 16 : index
    %get3A_1233 = tpu.vector_load %arg18[%get3A_1232] {strides = array<i32>} : memref<288xi32, #tpu.memory_space<vmem>>, vector<16xi32>,
    %swap3A_1234 = arith.constant 0 : i32
    %swap3A_1235 = arith.index_cast %swap3A_1234 : i32 to index
    %swap3A_1236 = arith.constant 16 : index
    %swap3A_1237 = tpu.vector_load %arg19[%swap3A_1235, %swap3A_1236] {strides = array<i32>} : memref<2x128xi32, #tpu.memory_space<vmem>>, vector<16xi32>,
    tpu.vector_store %arg19[%swap3A_1235, %swap3A_1236], %get3A_1233 {strides = array<i32>} : memref<2x128xi32, #tpu.memory_space<vmem>>, vector<16xi32>,
    %get3A_1238 = arith.constant 32 : index
    %get3A_1239 = tpu.vector_load %arg18[%get3A_1238] {strides = array<i32>} : memref<288xi32, #tpu.memory_space<vmem>>, vector<16xi32>,
    %swap3A_1240 = arith.constant 0 : i32
    %swap3A_1241 = arith.index_cast %swap3A_1240 : i32 to index
    %swap3A_1242 = arith.constant 32 : index
    %swap3A_1243 = tpu.vector_load %arg19[%swap3A_1241, %swap3A_1242] {strides = array<i32>} : memref<2x128xi32, #tpu.memory_space<vmem>>, vector<16xi32>,
    tpu.vector_store %arg19[%swap3A_1241, %swap3A_1242], %get3A_1239 {strides = array<i32>} : memref<2x128xi32, #tpu.memory_space<vmem>>, vector<16xi32>,
    %get3A_1244 = arith.constant 48 : index
    %get3A_1245 = tpu.vector_load %arg18[%get3A_1244] {strides = array<i32>} : memref<288xi32, #tpu.memory_space<vmem>>, vector<16xi32>,
    %swap3A_1246 = arith.constant 0 : i32
    %swap3A_1247 = arith.index_cast %swap3A_1246 : i32 to index
    %swap3A_1248 = arith.constant 48 : index
    %swap3A_1249 = tpu.vector_load %arg19[%swap3A_1247, %swap3A_1248] {strides = array<i32>} : memref<2x128xi32, #tpu.memory_space<vmem>>, vector<16xi32>,
    tpu.vector_store %arg19[%swap3A_1247, %swap3A_1248], %get3A_1245 {strides = array<i32>} : memref<2x128xi32, #tpu.memory_space<vmem>>, vector<16xi32>,
    %get3A_1250 = arith.constant 64 : index
    %get3A_1251 = tpu.vector_load %arg18[%get3A_1250] {strides = array<i32>} : memref<288xi32, #tpu.memory_space<vmem>>, vector<16xi32>,
    %swap3A_1252 = arith.constant 0 : i32
    %swap3A_1253 = arith.index_cast %swap3A_1252 : i32 to index
    %swap3A_1254 = arith.constant 64 : index
    %swap3A_1255 = tpu.vector_load %arg19[%swap3A_1253, %swap3A_1254] {strides = array<i32>} : memref<2x128xi32, #tpu.memory_space<vmem>>, vector<16xi32>,
    tpu.vector_store %arg19[%swap3A_1253, %swap3A_1254], %get3A_1251 {strides = array<i32>} : memref<2x128xi32, #tpu.memory_space<vmem>>, vector<16xi32>,
    %get3A_1256 = arith.constant 80 : index
    %get3A_1257 = tpu.vector_load %arg18[%get3A_1256] {strides = array<i32>} : memref<288xi32, #tpu.memory_space<vmem>>, vector<16xi32>,
    %swap3A_1258 = arith.constant 0 : i32
    %swap3A_1259 = arith.index_cast %swap3A_1258 : i32 to index
    %swap3A_1260 = arith.constant 80 : index
    %swap3A_1261 = tpu.vector_load %arg19[%swap3A_1259, %swap3A_1260] {strides = array<i32>} : memref<2x128xi32, #tpu.memory_space<vmem>>, vector<16xi32>,
    tpu.vector_store %arg19[%swap3A_1259, %swap3A_1260], %get3A_1257 {strides = array<i32>} : memref<2x128xi32, #tpu.memory_space<vmem>>, vector<16xi32>,
    %get3A_1262 = arith.constant 96 : index
    %get3A_1263 = tpu.vector_load %arg18[%get3A_1262] {strides = array<i32>} : memref<288xi32, #tpu.memory_space<vmem>>, vector<16xi32>,
    %swap3A_1264 = arith.constant 0 : i32
    %swap3A_1265 = arith.index_cast %swap3A_1264 : i32 to index
    %swap3A_1266 = arith.constant 96 : index
    %swap3A_1267 = tpu.vector_load %arg19[%swap3A_1265, %swap3A_1266] {strides = array<i32>} : memref<2x128xi32, #tpu.memory_space<vmem>>, vector<16xi32>,
    tpu.vector_store %arg19[%swap3A_1265, %swap3A_1266], %get3A_1263 {strides = array<i32>} : memref<2x128xi32, #tpu.memory_space<vmem>>, vector<16xi32>,
    %get3A_1268 = arith.constant 112 : index
    %get3A_1269 = tpu.vector_load %arg18[%get3A_1268] {strides = array<i32>} : memref<288xi32, #tpu.memory_space<vmem>>, vector<16xi32>,
    %swap3A_1270 = arith.constant 0 : i32
    %swap3A_1271 = arith.index_cast %swap3A_1270 : i32 to index
    %swap3A_1272 = arith.constant 112 : index
    %swap3A_1273 = tpu.vector_load %arg19[%swap3A_1271, %swap3A_1272] {strides = array<i32>} : memref<2x128xi32, #tpu.memory_space<vmem>>, vector<16xi32>,
    tpu.vector_store %arg19[%swap3A_1271, %swap3A_1272], %get3A_1269 {strides = array<i32>} : memref<2x128xi32, #tpu.memory_space<vmem>>, vector<16xi32>,
    %get3A_1274 = arith.constant 128 : index
    %get3A_1275 = tpu.vector_load %arg18[%get3A_1274] {strides = array<i32>} : memref<288xi32, #tpu.memory_space<vmem>>, vector<16xi32>,
    %swap3A_1276 = arith.constant 1 : i32
    %swap3A_1277 = arith.index_cast %swap3A_1276 : i32 to index
    %swap3A_1278 = arith.constant 0 : index
    %swap3A_1279 = tpu.vector_load %arg19[%swap3A_1277, %swap3A_1278] {strides = array<i32>} : memref<2x128xi32, #tpu.memory_space<vmem>>, vector<16xi32>,
    tpu.vector_store %arg19[%swap3A_1277, %swap3A_1278], %get3A_1275 {strides = array<i32>} : memref<2x128xi32, #tpu.memory_space<vmem>>, vector<16xi32>,
    %get3A_1280 = arith.constant 144 : index
    %get3A_1281 = tpu.vector_load %arg18[%get3A_1280] {strides = array<i32>} : memref<288xi32, #tpu.memory_space<vmem>>, vector<16xi32>,
    %swap3A_1282 = arith.constant 1 : i32
    %swap3A_1283 = arith.index_cast %swap3A_1282 : i32 to index
    %swap3A_1284 = arith.constant 16 : index
    %swap3A_1285 = tpu.vector_load %arg19[%swap3A_1283, %swap3A_1284] {strides = array<i32>} : memref<2x128xi32, #tpu.memory_space<vmem>>, vector<16xi32>,
    tpu.vector_store %arg19[%swap3A_1283, %swap3A_1284], %get3A_1281 {strides = array<i32>} : memref<2x128xi32, #tpu.memory_space<vmem>>, vector<16xi32>,
    %get3A_1286 = arith.constant 160 : index
    %get3A_1287 = tpu.vector_load %arg18[%get3A_1286] {strides = array<i32>} : memref<288xi32, #tpu.memory_space<vmem>>, vector<16xi32>,
    %swap3A_1288 = arith.constant 1 : i32
    %swap3A_1289 = arith.index_cast %swap3A_1288 : i32 to index
    %swap3A_1290 = arith.constant 32 : index
    %swap3A_1291 = tpu.vector_load %arg19[%swap3A_1289, %swap3A_1290] {strides = array<i32>} : memref<2x128xi32, #tpu.memory_space<vmem>>, vector<16xi32>,
    tpu.vector_store %arg19[%swap3A_1289, %swap3A_1290], %get3A_1287 {strides = array<i32>} : memref<2x128xi32, #tpu.memory_space<vmem>>, vector<16xi32>,
    %get3A_1292 = arith.constant 176 : index
    %get3A_1293 = tpu.vector_load %arg18[%get3A_1292] {strides = array<i32>} : memref<288xi32, #tpu.memory_space<vmem>>, vector<16xi32>,
    %swap3A_1294 = arith.constant 1 : i32
    %swap3A_1295 = arith.index_cast %swap3A_1294 : i32 to index
    %swap3A_1296 = arith.constant 48 : index
    %swap3A_1297 = tpu.vector_load %arg19[%swap3A_1295, %swap3A_1296] {strides = array<i32>} : memref<2x128xi32, #tpu.memory_space<vmem>>, vector<16xi32>,
    tpu.vector_store %arg19[%swap3A_1295, %swap3A_1296], %get3A_1293 {strides = array<i32>} : memref<2x128xi32, #tpu.memory_space<vmem>>, vector<16xi32>,
    %get3A_1298 = arith.constant 192 : index
    %get3A_1299 = tpu.vector_load %arg18[%get3A_1298] {strides = array<i32>} : memref<288xi32, #tpu.memory_space<vmem>>, vector<16xi32>,
    %swap3A_1300 = arith.constant 1 : i32
    %swap3A_1301 = arith.index_cast %swap3A_1300 : i32 to index
    %swap3A_1302 = arith.constant 64 : index
    %swap3A_1303 = tpu.vector_load %arg19[%swap3A_1301, %swap3A_1302] {strides = array<i32>} : memref<2x128xi32, #tpu.memory_space<vmem>>, vector<16xi32>,
    tpu.vector_store %arg19[%swap3A_1301, %swap3A_1302], %get3A_1299 {strides = array<i32>} : memref<2x128xi32, #tpu.memory_space<vmem>>, vector<16xi32>,
    %get3A_1304 = arith.constant 208 : index
    %get3A_1305 = tpu.vector_load %arg18[%get3A_1304] {strides = array<i32>} : memref<288xi32, #tpu.memory_space<vmem>>, vector<16xi32>,
    %swap3A_1306 = arith.constant 1 : i32
    %swap3A_1307 = arith.index_cast %swap3A_1306 : i32 to index
    %swap3A_1308 = arith.constant 80 : index
    %swap3A_1309 = tpu.vector_load %arg19[%swap3A_1307, %swap3A_1308] {strides = array<i32>} : memref<2x128xi32, #tpu.memory_space<vmem>>, vector<16xi32>,
    tpu.vector_store %arg19[%swap3A_1307, %swap3A_1308], %get3A_1305 {strides = array<i32>} : memref<2x128xi32, #tpu.memory_space<vmem>>, vector<16xi32>,
    %get3A_1310 = arith.constant 224 : index
    %get3A_1311 = tpu.vector_load %arg18[%get3A_1310] {strides = array<i32>} : memref<288xi32, #tpu.memory_space<vmem>>, vector<16xi32>,
    %swap3A_1312 = arith.constant 1 : i32
    %swap3A_1313 = arith.index_cast %swap3A_1312 : i32 to index
    %swap3A_1314 = arith.constant 96 : index
    %swap3A_1315 = tpu.vector_load %arg19[%swap3A_1313, %swap3A_1314] {strides = array<i32>} : memref<2x128xi32, #tpu.memory_space<vmem>>, vector<16xi32>,
    tpu.vector_store %arg19[%swap3A_1313, %swap3A_1314], %get3A_1311 {strides = array<i32>} : memref<2x128xi32, #tpu.memory_space<vmem>>, vector<16xi32>,
    %get3A_1316 = arith.constant 240 : index
    %get3A_1317 = tpu.vector_load %arg18[%get3A_1316] {strides = array<i32>} : memref<288xi32, #tpu.memory_space<vmem>>, vector<16xi32>,
    %swap3A_1318 = arith.constant 1 : i32
    %swap3A_1319 = arith.index_cast %swap3A_1318 : i32 to index
    %swap3A_1320 = arith.constant 112 : index
    %swap3A_1321 = tpu.vector_load %arg19[%swap3A_1319, %swap3A_1320] {strides = array<i32>} : memref<2x128xi32, #tpu.memory_space<vmem>>, vector<16xi32>,
    tpu.vector_store %arg19[%swap3A_1319, %swap3A_1320], %get3A_1317 {strides = array<i32>} : memref<2x128xi32, #tpu.memory_space<vmem>>, vector<16xi32>,
    %dma_wait3A_1322 = arith.constant 0 : i32
    %dma_wait3A_1323 = tpu.memref_slice %arg10[%mul3A_971, %dma_wait3A_1322] : memref<65536x128xf32, #tpu.memory_space<hbm>> -> memref<256x128xf32, #tpu.memory_space<hbm>>
    %dma_wait3A_1324 = arith.constant 0 : i32
    %dma_wait3A_1325 = tpu.memref_slice %arg10[%mul3A_971, %dma_wait3A_1324] : memref<65536x128xf32, #tpu.memory_space<hbm>> -> memref<256x128xf32, #tpu.memory_space<hbm>>
    tpu.wait_dma2 semaphore(%arg23 : memref<!tpu.dma_semaphore, #tpu.memory_space<semaphore_mem>>) src(%arg20 : memref<256x128xf32, #tpu.memory_space<vmem>>) dst(%dma_wait3A_1325 : memref<256x128xf32, #tpu.memory_space<hbm>>)
    %dma_start3A_1326 = arith.constant 0 : i32
    %dma_start3A_1327 = arith.constant 0 : i32
    %dma_start3A_1328 = arith.constant 0 : i32
    %dma_start3A_1329 = tpu.memref_slice %arg20[%dma_start3A_1327, %dma_start3A_1328] : memref<256x128xf32, #tpu.memory_space<vmem>> -> memref<128x128xf32, #tpu.memory_space<vmem>>
    %dma_start3A_1330 = arith.constant 0 : i32
    %dma_start3A_1331 = tpu.memref_slice %arg19[%dma_start3A_1326, %dma_start3A_1330] : memref<2x128xi32, #tpu.memory_space<vmem>> -> memref<1x128xi32, #tpu.memory_space<vmem>>
    %dma_start3A_1332 = tpu.memref_squeeze %dma_start3A_1331 : memref<1x128xi32, #tpu.memory_space<vmem>> -> memref<128xi32, #tpu.memory_space<vmem>>
    %dma_start3A_1333 = arith.constant 0 : i32
    %dma_start3A_1334 = arith.constant 0 : i32
    %dma_start3A_1335 = tpu.memref_slice %arg9[%dma_start3A_1333, %dma_start3A_1334] : memref<8192x128xf32, #tpu.memory_space<hbm>> -> memref<8192x128xf32, #tpu.memory_space<hbm>>
    tpu.enqueue_indirect_dma source(%dma_start3A_1335 : memref<8192x128xf32, #tpu.memory_space<hbm>>) target(%dma_start3A_1329 : memref<128x128xf32, #tpu.memory_space<vmem>>) offsets(%dma_start3A_1332 : memref<128xi32, #tpu.memory_space<vmem>>) semaphore(%arg22 : memref<!tpu.dma_semaphore, #tpu.memory_space<semaphore_mem>>)
    %dma_start3A_1336 = arith.constant 1 : i32
    %dma_start3A_1337 = arith.constant 128 : i32
    %dma_start3A_1338 = arith.constant 0 : i32
    %dma_start3A_1339 = tpu.memref_slice %arg20[%dma_start3A_1337, %dma_start3A_1338] : memref<256x128xf32, #tpu.memory_space<vmem>> -> memref<128x128xf32, #tpu.memory_space<vmem>>
    %dma_start3A_1340 = arith.constant 0 : i32
    %dma_start3A_1341 = tpu.memref_slice %arg19[%dma_start3A_1336, %dma_start3A_1340] : memref<2x128xi32, #tpu.memory_space<vmem>> -> memref<1x128xi32, #tpu.memory_space<vmem>>
    %dma_start3A_1342 = tpu.memref_squeeze %dma_start3A_1341 : memref<1x128xi32, #tpu.memory_space<vmem>> -> memref<128xi32, #tpu.memory_space<vmem>>
    %dma_start3A_1343 = arith.constant 0 : i32
    %dma_start3A_1344 = arith.constant 0 : i32
    %dma_start3A_1345 = tpu.memref_slice %arg9[%dma_start3A_1343, %dma_start3A_1344] : memref<8192x128xf32, #tpu.memory_space<hbm>> -> memref<8192x128xf32, #tpu.memory_space<hbm>>
    tpu.enqueue_indirect_dma source(%dma_start3A_1345 : memref<8192x128xf32, #tpu.memory_space<hbm>>) target(%dma_start3A_1339 : memref<128x128xf32, #tpu.memory_space<vmem>>) offsets(%dma_start3A_1342 : memref<128xi32, #tpu.memory_space<vmem>>) semaphore(%arg22 : memref<!tpu.dma_semaphore, #tpu.memory_space<semaphore_mem>>)
    %dma_wait3A_1346 = arith.constant 0 : i32
    %dma_wait3A_1347 = arith.constant 0 : i32
    %dma_wait3A_1348 = arith.constant 0 : i32
    %dma_wait3A_1349 = tpu.memref_slice %arg20[%dma_wait3A_1347, %dma_wait3A_1348] : memref<256x128xf32, #tpu.memory_space<vmem>> -> memref<128x128xf32, #tpu.memory_space<vmem>>
    %dma_wait3A_1350 = arith.constant 0 : i32
    %dma_wait3A_1351 = tpu.memref_slice %arg19[%dma_wait3A_1346, %dma_wait3A_1350] : memref<2x128xi32, #tpu.memory_space<vmem>> -> memref<1x128xi32, #tpu.memory_space<vmem>>
    %dma_wait3A_1352 = tpu.memref_squeeze %dma_wait3A_1351 : memref<1x128xi32, #tpu.memory_space<vmem>> -> memref<128xi32, #tpu.memory_space<vmem>>
    %dma_wait3A_1353 = arith.constant 0 : i32
    %dma_wait3A_1354 = arith.constant 0 : i32
    %dma_wait3A_1355 = tpu.memref_slice %arg9[%dma_wait3A_1353, %dma_wait3A_1354] : memref<8192x128xf32, #tpu.memory_space<hbm>> -> memref<8192x128xf32, #tpu.memory_space<hbm>>
    tpu.wait_indirect_dma semaphore(%arg22 : memref<!tpu.dma_semaphore, #tpu.memory_space<semaphore_mem>>) src(%dma_wait3A_1355 : memref<8192x128xf32, #tpu.memory_space<hbm>>) dst(%dma_wait3A_1349 : memref<128x128xf32, #tpu.memory_space<vmem>>)
    %dma_wait3A_1356 = arith.constant 1 : i32
    %dma_wait3A_1357 = arith.constant 128 : i32
    %dma_wait3A_1358 = arith.constant 0 : i32
    %dma_wait3A_1359 = tpu.memref_slice %arg20[%dma_wait3A_1357, %dma_wait3A_1358] : memref<256x128xf32, #tpu.memory_space<vmem>> -> memref<128x128xf32, #tpu.memory_space<vmem>>
    %dma_wait3A_1360 = arith.constant 0 : i32
    %dma_wait3A_1361 = tpu.memref_slice %arg19[%dma_wait3A_1356, %dma_wait3A_1360] : memref<2x128xi32, #tpu.memory_space<vmem>> -> memref<1x128xi32, #tpu.memory_space<vmem>>
    %dma_wait3A_1362 = tpu.memref_squeeze %dma_wait3A_1361 : memref<1x128xi32, #tpu.memory_space<vmem>> -> memref<128xi32, #tpu.memory_space<vmem>>
    %dma_wait3A_1363 = arith.constant 0 : i32
    %dma_wait3A_1364 = arith.constant 0 : i32
    %dma_wait3A_1365 = tpu.memref_slice %arg9[%dma_wait3A_1363, %dma_wait3A_1364] : memref<8192x128xf32, #tpu.memory_space<hbm>> -> memref<8192x128xf32, #tpu.memory_space<hbm>>
    tpu.wait_indirect_dma semaphore(%arg22 : memref<!tpu.dma_semaphore, #tpu.memory_space<semaphore_mem>>) src(%dma_wait3A_1365 : memref<8192x128xf32, #tpu.memory_space<hbm>>) dst(%dma_wait3A_1359 : memref<128x128xf32, #tpu.memory_space<vmem>>)
    %mul3A_1366 = arith.constant 256 : i32
    %mul3A_1367 = arith.muli %add3A_1177, %mul3A_1366 : i32
    %dma_start3A_1368 = arith.constant 0 : i32
    %dma_start3A_1369 = tpu.memref_slice %arg10[%mul3A_1367, %dma_start3A_1368] : memref<65536x128xf32, #tpu.memory_space<hbm>> -> memref<256x128xf32, #tpu.memory_space<hbm>>
    %dma_start3A_1370 = arith.constant 0 : i32
    %dma_start3A_1371 = tpu.memref_slice %arg10[%mul3A_1367, %dma_start3A_1370] : memref<65536x128xf32, #tpu.memory_space<hbm>> -> memref<256x128xf32, #tpu.memory_space<hbm>>
    tpu.enqueue_dma source(%arg20 : memref<256x128xf32, #tpu.memory_space<vmem>>) target(%dma_start3A_1371 : memref<256x128xf32, #tpu.memory_space<hbm>>) target_semaphore(%arg23 : memref<!tpu.dma_semaphore, #tpu.memory_space<semaphore_mem>>)
    %mul3A_1372 = arith.constant 8 : i32
    %mul3A_1373 = arith.muli %add3A, %mul3A_1372 : i32
    %add3A_1374 = arith.constant 7 : i32
    %add3A_1375 = arith.addi %mul3A_1373, %add3A_1374 : i32
    %broadcast_in_dim3A_1376 = vector.broadcast %add3A_1375 : i32 to vector<16xi32>
    %gather3A_1377 = tpu.vector_load_idx %arg14[%broadcast_in_dim3A_1376] : memref<256xf32, #tpu.memory_space<vmem>>[vector<16xi32>], vector<16xf32>,
    %gather3A_1378 = tpu.vector_load_idx %arg15[%broadcast_in_dim3A_1376] : memref<256xf32, #tpu.memory_space<vmem>>[vector<16xi32>], vector<16xf32>,
    %gather3A_1379 = tpu.vector_load_idx %arg16[%broadcast_in_dim3A_1376] : memref<256xf32, #tpu.memory_space<vmem>>[vector<16xi32>], vector<16xf32>,
    %gather3A_1380 = tpu.vector_load_idx %arg17[%broadcast_in_dim3A_1376] : memref<256xi32, #tpu.memory_space<vmem>>[vector<16xi32>], vector<16xi32>,
    %swap3A_1381 = arith.constant 0 : index
    %swap3A_1382 = tpu.vector_load %arg18[%swap3A_1381] {strides = array<i32>} : memref<288xi32, #tpu.memory_space<vmem>>, vector<16xi32>,
    tpu.vector_store %arg18[%swap3A_1381], %gather3A_1380 {strides = array<i32>} : memref<288xi32, #tpu.memory_space<vmem>>, vector<16xi32>,
    %swap3A_1383 = arith.constant 16 : index
    %swap3A_1384 = tpu.vector_load %arg18[%swap3A_1383] {strides = array<i32>} : memref<288xi32, #tpu.memory_space<vmem>>, vector<16xi32>,
    tpu.vector_store %arg18[%swap3A_1383], %gather3A_1380 {strides = array<i32>} : memref<288xi32, #tpu.memory_space<vmem>>, vector<16xi32>,
    %swap3A_1385 = arith.constant 32 : index
    %swap3A_1386 = tpu.vector_load %arg18[%swap3A_1385] {strides = array<i32>} : memref<288xi32, #tpu.memory_space<vmem>>, vector<16xi32>,
    tpu.vector_store %arg18[%swap3A_1385], %gather3A_1380 {strides = array<i32>} : memref<288xi32, #tpu.memory_space<vmem>>, vector<16xi32>,
    %swap3A_1387 = arith.constant 48 : index
    %swap3A_1388 = tpu.vector_load %arg18[%swap3A_1387] {strides = array<i32>} : memref<288xi32, #tpu.memory_space<vmem>>, vector<16xi32>,
    tpu.vector_store %arg18[%swap3A_1387], %gather3A_1380 {strides = array<i32>} : memref<288xi32, #tpu.memory_space<vmem>>, vector<16xi32>,
    %swap3A_1389 = arith.constant 64 : index
    %swap3A_1390 = tpu.vector_load %arg18[%swap3A_1389] {strides = array<i32>} : memref<288xi32, #tpu.memory_space<vmem>>, vector<16xi32>,
    tpu.vector_store %arg18[%swap3A_1389], %gather3A_1380 {strides = array<i32>} : memref<288xi32, #tpu.memory_space<vmem>>, vector<16xi32>,
    %swap3A_1391 = arith.constant 80 : index
    %swap3A_1392 = tpu.vector_load %arg18[%swap3A_1391] {strides = array<i32>} : memref<288xi32, #tpu.memory_space<vmem>>, vector<16xi32>,
    tpu.vector_store %arg18[%swap3A_1391], %gather3A_1380 {strides = array<i32>} : memref<288xi32, #tpu.memory_space<vmem>>, vector<16xi32>,
    %swap3A_1393 = arith.constant 96 : index
    %swap3A_1394 = tpu.vector_load %arg18[%swap3A_1393] {strides = array<i32>} : memref<288xi32, #tpu.memory_space<vmem>>, vector<16xi32>,
    tpu.vector_store %arg18[%swap3A_1393], %gather3A_1380 {strides = array<i32>} : memref<288xi32, #tpu.memory_space<vmem>>, vector<16xi32>,
    %swap3A_1395 = arith.constant 112 : index
    %swap3A_1396 = tpu.vector_load %arg18[%swap3A_1395] {strides = array<i32>} : memref<288xi32, #tpu.memory_space<vmem>>, vector<16xi32>,
    tpu.vector_store %arg18[%swap3A_1395], %gather3A_1380 {strides = array<i32>} : memref<288xi32, #tpu.memory_space<vmem>>, vector<16xi32>,
    %swap3A_1397 = arith.constant 128 : index
    %swap3A_1398 = tpu.vector_load %arg18[%swap3A_1397] {strides = array<i32>} : memref<288xi32, #tpu.memory_space<vmem>>, vector<16xi32>,
    tpu.vector_store %arg18[%swap3A_1397], %gather3A_1380 {strides = array<i32>} : memref<288xi32, #tpu.memory_space<vmem>>, vector<16xi32>,
    %swap3A_1399 = arith.constant 144 : index
    %swap3A_1400 = tpu.vector_load %arg18[%swap3A_1399] {strides = array<i32>} : memref<288xi32, #tpu.memory_space<vmem>>, vector<16xi32>,
    tpu.vector_store %arg18[%swap3A_1399], %gather3A_1380 {strides = array<i32>} : memref<288xi32, #tpu.memory_space<vmem>>, vector<16xi32>,
    %swap3A_1401 = arith.constant 160 : index
    %swap3A_1402 = tpu.vector_load %arg18[%swap3A_1401] {strides = array<i32>} : memref<288xi32, #tpu.memory_space<vmem>>, vector<16xi32>,
    tpu.vector_store %arg18[%swap3A_1401], %gather3A_1380 {strides = array<i32>} : memref<288xi32, #tpu.memory_space<vmem>>, vector<16xi32>,
    %swap3A_1403 = arith.constant 176 : index
    %swap3A_1404 = tpu.vector_load %arg18[%swap3A_1403] {strides = array<i32>} : memref<288xi32, #tpu.memory_space<vmem>>, vector<16xi32>,
    tpu.vector_store %arg18[%swap3A_1403], %gather3A_1380 {strides = array<i32>} : memref<288xi32, #tpu.memory_space<vmem>>, vector<16xi32>,
    %swap3A_1405 = arith.constant 192 : index
    %swap3A_1406 = tpu.vector_load %arg18[%swap3A_1405] {strides = array<i32>} : memref<288xi32, #tpu.memory_space<vmem>>, vector<16xi32>,
    tpu.vector_store %arg18[%swap3A_1405], %gather3A_1380 {strides = array<i32>} : memref<288xi32, #tpu.memory_space<vmem>>, vector<16xi32>,
    %swap3A_1407 = arith.constant 208 : index
    %swap3A_1408 = tpu.vector_load %arg18[%swap3A_1407] {strides = array<i32>} : memref<288xi32, #tpu.memory_space<vmem>>, vector<16xi32>,
    tpu.vector_store %arg18[%swap3A_1407], %gather3A_1380 {strides = array<i32>} : memref<288xi32, #tpu.memory_space<vmem>>, vector<16xi32>,
    %swap3A_1409 = arith.constant 224 : index
    %swap3A_1410 = tpu.vector_load %arg18[%swap3A_1409] {strides = array<i32>} : memref<288xi32, #tpu.memory_space<vmem>>, vector<16xi32>,
    tpu.vector_store %arg18[%swap3A_1409], %gather3A_1380 {strides = array<i32>} : memref<288xi32, #tpu.memory_space<vmem>>, vector<16xi32>,
    %swap3A_1411 = arith.constant 240 : index
    %swap3A_1412 = tpu.vector_load %arg18[%swap3A_1411] {strides = array<i32>} : memref<288xi32, #tpu.memory_space<vmem>>, vector<16xi32>,
    tpu.vector_store %arg18[%swap3A_1411], %gather3A_1380 {strides = array<i32>} : memref<288xi32, #tpu.memory_space<vmem>>, vector<16xi32>,
    %swap3A_1413 = arith.constant 256 : index
    %swap3A_1414 = tpu.vector_load %arg18[%swap3A_1413] {strides = array<i32>} : memref<288xi32, #tpu.memory_space<vmem>>, vector<16xi32>,
    tpu.vector_store %arg18[%swap3A_1413], %gather3A_1380 {strides = array<i32>} : memref<288xi32, #tpu.memory_space<vmem>>, vector<16xi32>,
    %swap3A_1415 = arith.constant 272 : index
    %swap3A_1416 = tpu.vector_load %arg18[%swap3A_1415] {strides = array<i32>} : memref<288xi32, #tpu.memory_space<vmem>>, vector<16xi32>,
    tpu.vector_store %arg18[%swap3A_1415], %gather3A_1380 {strides = array<i32>} : memref<288xi32, #tpu.memory_space<vmem>>, vector<16xi32>,
    %scan3A_1417 = arith.constant 0 : i32
    %scan3A_1418 = arith.constant 0 : i32
    %scan3A_1419 = arith.constant 512 : i32
    %scan3A_1420 = arith.addi %scan3A_1418, %scan3A_1419 : i32
    %scan3A_1421 = arith.constant 4 : i32
    %scan3A_1422 = scf.for %scan3A_1578 = %scan3A_1418 to %scan3A_1420 step %scan3A_1421 iter_args(%scan3A_1579 = %scan3A_1417) -> (i32)  : i32 {
      %mul3A_1580 = arith.constant 16 : i32
      %mul3A_1581 = arith.muli %scan3A_1578, %mul3A_1580 : i32
      %get3A_1582 = arith.index_cast %mul3A_1581 : i32 to index
      %get3A_1583 = tpu.vector_load %arg11[%get3A_1582] {strides = array<i32>} : memref<8192xf32, #tpu.memory_space<vmem>>, vector<16xf32>,
      %get3A_1584 = arith.index_cast %mul3A_1581 : i32 to index
      %get3A_1585 = tpu.vector_load %arg12[%get3A_1584] {strides = array<i32>} : memref<8192xf32, #tpu.memory_space<vmem>>, vector<16xf32>,
      %get3A_1586 = arith.index_cast %mul3A_1581 : i32 to index
      %get3A_1587 = tpu.vector_load %arg13[%get3A_1586] {strides = array<i32>} : memref<8192xf32, #tpu.memory_space<vmem>>, vector<16xf32>,
      %sub3A = arith.subf %get3A_1583, %gather3A_1377 : vector<16xf32>
      %sub3A_1588 = arith.subf %get3A_1585, %gather3A_1378 : vector<16xf32>
      %sub3A_1589 = arith.subf %get3A_1587, %gather3A_1379 : vector<16xf32>
      %mul3A_1590 = arith.mulf %sub3A, %sub3A : vector<16xf32>
      %mul3A_1591 = arith.mulf %sub3A_1588, %sub3A_1588 : vector<16xf32>
      %add3A_1592 = arith.addf %mul3A_1590, %mul3A_1591 : vector<16xf32>
      %mul3A_1593 = arith.mulf %sub3A_1589, %sub3A_1589 : vector<16xf32>
      %add3A_1594 = arith.addf %add3A_1592, %mul3A_1593 : vector<16xf32>
      %le3A = arith.constant 0.160000011 : f32
      %le3A_1595 = vector.broadcast %le3A : f32 to vector<16xf32>
      %le3A_1596 = arith.cmpf ole, %add3A_1594, %le3A_1595 : vector<16xf32>
      %min3A = arith.constant 256 : i32
      %min3A_1597 = arith.minsi %scan3A_1579, %min3A : i32
      %add3A_1598 = vector.broadcast %mul3A_1581 : i32 to vector<16xi32>
      %add3A_1599 = arith.addi %add3A_1598, %iota3A : vector<16xi32>
      %swap3A_1600 = arith.index_cast %min3A_1597 : i32 to index
      %swap3A_1601 = tpu.vector_load %arg18[%swap3A_1600] masked %le3A_1596 {strides = array<i32>} : memref<288xi32, #tpu.memory_space<vmem>>, vector<16xi32>, vector<16xi1>
      tpu.vector_store %arg18[%swap3A_1600], %add3A_1599 masked %le3A_1596 {strides = array<i32>} : memref<288xi32, #tpu.memory_space<vmem>>, vector<16xi32>, vector<16xi1>
      %all_reduce_population_count3A = tpu.all_reduce %le3A_1596 {dim = 0 : i64, kind = #tpu.reduction_kind<sum>} : vector<16xi1> -> vector<16xi32>
      %slice3A = vector.extract_strided_slice %all_reduce_population_count3A {offsets = [0], sizes = [1], strides = [1]} : vector<16xi32> to vector<1xi32>
      %squeeze3A = vector.extract %slice3A[0] : i32 from vector<1xi32>
      %add3A_1602 = arith.addi %scan3A_1579, %squeeze3A : i32
      %scan3A_1603 = arith.constant 1 : i32
      %scan3A_1604 = arith.addi %scan3A_1578, %scan3A_1603 : i32
      %mul3A_1605 = arith.constant 16 : i32
      %mul3A_1606 = arith.muli %scan3A_1604, %mul3A_1605 : i32
      %get3A_1607 = arith.index_cast %mul3A_1606 : i32 to index
      %get3A_1608 = tpu.vector_load %arg11[%get3A_1607] {strides = array<i32>} : memref<8192xf32, #tpu.memory_space<vmem>>, vector<16xf32>,
      %get3A_1609 = arith.index_cast %mul3A_1606 : i32 to index
      %get3A_1610 = tpu.vector_load %arg12[%get3A_1609] {strides = array<i32>} : memref<8192xf32, #tpu.memory_space<vmem>>, vector<16xf32>,
      %get3A_1611 = arith.index_cast %mul3A_1606 : i32 to index
      %get3A_1612 = tpu.vector_load %arg13[%get3A_1611] {strides = array<i32>} : memref<8192xf32, #tpu.memory_space<vmem>>, vector<16xf32>,
      %sub3A_1613 = arith.subf %get3A_1608, %gather3A_1377 : vector<16xf32>
      %sub3A_1614 = arith.subf %get3A_1610, %gather3A_1378 : vector<16xf32>
      %sub3A_1615 = arith.subf %get3A_1612, %gather3A_1379 : vector<16xf32>
      %mul3A_1616 = arith.mulf %sub3A_1613, %sub3A_1613 : vector<16xf32>
      %mul3A_1617 = arith.mulf %sub3A_1614, %sub3A_1614 : vector<16xf32>
      %add3A_1618 = arith.addf %mul3A_1616, %mul3A_1617 : vector<16xf32>
      %mul3A_1619 = arith.mulf %sub3A_1615, %sub3A_1615 : vector<16xf32>
      %add3A_1620 = arith.addf %add3A_1618, %mul3A_1619 : vector<16xf32>
      %le3A_1621 = arith.constant 0.160000011 : f32
      %le3A_1622 = vector.broadcast %le3A_1621 : f32 to vector<16xf32>
      %le3A_1623 = arith.cmpf ole, %add3A_1620, %le3A_1622 : vector<16xf32>
      %min3A_1624 = arith.constant 256 : i32
      %min3A_1625 = arith.minsi %add3A_1602, %min3A_1624 : i32
      %add3A_1626 = vector.broadcast %mul3A_1606 : i32 to vector<16xi32>
      %add3A_1627 = arith.addi %add3A_1626, %iota3A : vector<16xi32>
      %swap3A_1628 = arith.index_cast %min3A_1625 : i32 to index
      %swap3A_1629 = tpu.vector_load %arg18[%swap3A_1628] masked %le3A_1623 {strides = array<i32>} : memref<288xi32, #tpu.memory_space<vmem>>, vector<16xi32>, vector<16xi1>
      tpu.vector_store %arg18[%swap3A_1628], %add3A_1627 masked %le3A_1623 {strides = array<i32>} : memref<288xi32, #tpu.memory_space<vmem>>, vector<16xi32>, vector<16xi1>
      %all_reduce_population_count3A_1630 = tpu.all_reduce %le3A_1623 {dim = 0 : i64, kind = #tpu.reduction_kind<sum>} : vector<16xi1> -> vector<16xi32>
      %slice3A_1631 = vector.extract_strided_slice %all_reduce_population_count3A_1630 {offsets = [0], sizes = [1], strides = [1]} : vector<16xi32> to vector<1xi32>
      %squeeze3A_1632 = vector.extract %slice3A_1631[0] : i32 from vector<1xi32>
      %add3A_1633 = arith.addi %add3A_1602, %squeeze3A_1632 : i32
      %scan3A_1634 = arith.constant 2 : i32
      %scan3A_1635 = arith.addi %scan3A_1578, %scan3A_1634 : i32
      %mul3A_1636 = arith.constant 16 : i32
      %mul3A_1637 = arith.muli %scan3A_1635, %mul3A_1636 : i32
      %get3A_1638 = arith.index_cast %mul3A_1637 : i32 to index
      %get3A_1639 = tpu.vector_load %arg11[%get3A_1638] {strides = array<i32>} : memref<8192xf32, #tpu.memory_space<vmem>>, vector<16xf32>,
      %get3A_1640 = arith.index_cast %mul3A_1637 : i32 to index
      %get3A_1641 = tpu.vector_load %arg12[%get3A_1640] {strides = array<i32>} : memref<8192xf32, #tpu.memory_space<vmem>>, vector<16xf32>,
      %get3A_1642 = arith.index_cast %mul3A_1637 : i32 to index
      %get3A_1643 = tpu.vector_load %arg13[%get3A_1642] {strides = array<i32>} : memref<8192xf32, #tpu.memory_space<vmem>>, vector<16xf32>,
      %sub3A_1644 = arith.subf %get3A_1639, %gather3A_1377 : vector<16xf32>
      %sub3A_1645 = arith.subf %get3A_1641, %gather3A_1378 : vector<16xf32>
      %sub3A_1646 = arith.subf %get3A_1643, %gather3A_1379 : vector<16xf32>
      %mul3A_1647 = arith.mulf %sub3A_1644, %sub3A_1644 : vector<16xf32>
      %mul3A_1648 = arith.mulf %sub3A_1645, %sub3A_1645 : vector<16xf32>
      %add3A_1649 = arith.addf %mul3A_1647, %mul3A_1648 : vector<16xf32>
      %mul3A_1650 = arith.mulf %sub3A_1646, %sub3A_1646 : vector<16xf32>
      %add3A_1651 = arith.addf %add3A_1649, %mul3A_1650 : vector<16xf32>
      %le3A_1652 = arith.constant 0.160000011 : f32
      %le3A_1653 = vector.broadcast %le3A_1652 : f32 to vector<16xf32>
      %le3A_1654 = arith.cmpf ole, %add3A_1651, %le3A_1653 : vector<16xf32>
      %min3A_1655 = arith.constant 256 : i32
      %min3A_1656 = arith.minsi %add3A_1633, %min3A_1655 : i32
      %add3A_1657 = vector.broadcast %mul3A_1637 : i32 to vector<16xi32>
      %add3A_1658 = arith.addi %add3A_1657, %iota3A : vector<16xi32>
      %swap3A_1659 = arith.index_cast %min3A_1656 : i32 to index
      %swap3A_1660 = tpu.vector_load %arg18[%swap3A_1659] masked %le3A_1654 {strides = array<i32>} : memref<288xi32, #tpu.memory_space<vmem>>, vector<16xi32>, vector<16xi1>
      tpu.vector_store %arg18[%swap3A_1659], %add3A_1658 masked %le3A_1654 {strides = array<i32>} : memref<288xi32, #tpu.memory_space<vmem>>, vector<16xi32>, vector<16xi1>
      %all_reduce_population_count3A_1661 = tpu.all_reduce %le3A_1654 {dim = 0 : i64, kind = #tpu.reduction_kind<sum>} : vector<16xi1> -> vector<16xi32>
      %slice3A_1662 = vector.extract_strided_slice %all_reduce_population_count3A_1661 {offsets = [0], sizes = [1], strides = [1]} : vector<16xi32> to vector<1xi32>
      %squeeze3A_1663 = vector.extract %slice3A_1662[0] : i32 from vector<1xi32>
      %add3A_1664 = arith.addi %add3A_1633, %squeeze3A_1663 : i32
      %scan3A_1665 = arith.constant 3 : i32
      %scan3A_1666 = arith.addi %scan3A_1578, %scan3A_1665 : i32
      %mul3A_1667 = arith.constant 16 : i32
      %mul3A_1668 = arith.muli %scan3A_1666, %mul3A_1667 : i32
      %get3A_1669 = arith.index_cast %mul3A_1668 : i32 to index
      %get3A_1670 = tpu.vector_load %arg11[%get3A_1669] {strides = array<i32>} : memref<8192xf32, #tpu.memory_space<vmem>>, vector<16xf32>,
      %get3A_1671 = arith.index_cast %mul3A_1668 : i32 to index
      %get3A_1672 = tpu.vector_load %arg12[%get3A_1671] {strides = array<i32>} : memref<8192xf32, #tpu.memory_space<vmem>>, vector<16xf32>,
      %get3A_1673 = arith.index_cast %mul3A_1668 : i32 to index
      %get3A_1674 = tpu.vector_load %arg13[%get3A_1673] {strides = array<i32>} : memref<8192xf32, #tpu.memory_space<vmem>>, vector<16xf32>,
      %sub3A_1675 = arith.subf %get3A_1670, %gather3A_1377 : vector<16xf32>
      %sub3A_1676 = arith.subf %get3A_1672, %gather3A_1378 : vector<16xf32>
      %sub3A_1677 = arith.subf %get3A_1674, %gather3A_1379 : vector<16xf32>
      %mul3A_1678 = arith.mulf %sub3A_1675, %sub3A_1675 : vector<16xf32>
      %mul3A_1679 = arith.mulf %sub3A_1676, %sub3A_1676 : vector<16xf32>
      %add3A_1680 = arith.addf %mul3A_1678, %mul3A_1679 : vector<16xf32>
      %mul3A_1681 = arith.mulf %sub3A_1677, %sub3A_1677 : vector<16xf32>
      %add3A_1682 = arith.addf %add3A_1680, %mul3A_1681 : vector<16xf32>
      %le3A_1683 = arith.constant 0.160000011 : f32
      %le3A_1684 = vector.broadcast %le3A_1683 : f32 to vector<16xf32>
      %le3A_1685 = arith.cmpf ole, %add3A_1682, %le3A_1684 : vector<16xf32>
      %min3A_1686 = arith.constant 256 : i32
      %min3A_1687 = arith.minsi %add3A_1664, %min3A_1686 : i32
      %add3A_1688 = vector.broadcast %mul3A_1668 : i32 to vector<16xi32>
      %add3A_1689 = arith.addi %add3A_1688, %iota3A : vector<16xi32>
      %swap3A_1690 = arith.index_cast %min3A_1687 : i32 to index
      %swap3A_1691 = tpu.vector_load %arg18[%swap3A_1690] masked %le3A_1685 {strides = array<i32>} : memref<288xi32, #tpu.memory_space<vmem>>, vector<16xi32>, vector<16xi1>
      tpu.vector_store %arg18[%swap3A_1690], %add3A_1689 masked %le3A_1685 {strides = array<i32>} : memref<288xi32, #tpu.memory_space<vmem>>, vector<16xi32>, vector<16xi1>
      %all_reduce_population_count3A_1692 = tpu.all_reduce %le3A_1685 {dim = 0 : i64, kind = #tpu.reduction_kind<sum>} : vector<16xi1> -> vector<16xi32>
      %slice3A_1693 = vector.extract_strided_slice %all_reduce_population_count3A_1692 {offsets = [0], sizes = [1], strides = [1]} : vector<16xi32> to vector<1xi32>
      %squeeze3A_1694 = vector.extract %slice3A_1693[0] : i32 from vector<1xi32>
      %add3A_1695 = arith.addi %add3A_1664, %squeeze3A_1694 : i32
      scf.yield %add3A_1695 : i32
    }
    %scan3A_1423 = arith.constant 512 : i32
    %get3A_1424 = arith.constant 0 : index
    %get3A_1425 = tpu.vector_load %arg18[%get3A_1424] {strides = array<i32>} : memref<288xi32, #tpu.memory_space<vmem>>, vector<16xi32>,
    %swap3A_1426 = arith.constant 0 : i32
    %swap3A_1427 = arith.index_cast %swap3A_1426 : i32 to index
    %swap3A_1428 = arith.constant 0 : index
    %swap3A_1429 = tpu.vector_load %arg19[%swap3A_1427, %swap3A_1428] {strides = array<i32>} : memref<2x128xi32, #tpu.memory_space<vmem>>, vector<16xi32>,
    tpu.vector_store %arg19[%swap3A_1427, %swap3A_1428], %get3A_1425 {strides = array<i32>} : memref<2x128xi32, #tpu.memory_space<vmem>>, vector<16xi32>,
    %get3A_1430 = arith.constant 16 : index
    %get3A_1431 = tpu.vector_load %arg18[%get3A_1430] {strides = array<i32>} : memref<288xi32, #tpu.memory_space<vmem>>, vector<16xi32>,
    %swap3A_1432 = arith.constant 0 : i32
    %swap3A_1433 = arith.index_cast %swap3A_1432 : i32 to index
    %swap3A_1434 = arith.constant 16 : index
    %swap3A_1435 = tpu.vector_load %arg19[%swap3A_1433, %swap3A_1434] {strides = array<i32>} : memref<2x128xi32, #tpu.memory_space<vmem>>, vector<16xi32>,
    tpu.vector_store %arg19[%swap3A_1433, %swap3A_1434], %get3A_1431 {strides = array<i32>} : memref<2x128xi32, #tpu.memory_space<vmem>>, vector<16xi32>,
    %get3A_1436 = arith.constant 32 : index
    %get3A_1437 = tpu.vector_load %arg18[%get3A_1436] {strides = array<i32>} : memref<288xi32, #tpu.memory_space<vmem>>, vector<16xi32>,
    %swap3A_1438 = arith.constant 0 : i32
    %swap3A_1439 = arith.index_cast %swap3A_1438 : i32 to index
    %swap3A_1440 = arith.constant 32 : index
    %swap3A_1441 = tpu.vector_load %arg19[%swap3A_1439, %swap3A_1440] {strides = array<i32>} : memref<2x128xi32, #tpu.memory_space<vmem>>, vector<16xi32>,
    tpu.vector_store %arg19[%swap3A_1439, %swap3A_1440], %get3A_1437 {strides = array<i32>} : memref<2x128xi32, #tpu.memory_space<vmem>>, vector<16xi32>,
    %get3A_1442 = arith.constant 48 : index
    %get3A_1443 = tpu.vector_load %arg18[%get3A_1442] {strides = array<i32>} : memref<288xi32, #tpu.memory_space<vmem>>, vector<16xi32>,
    %swap3A_1444 = arith.constant 0 : i32
    %swap3A_1445 = arith.index_cast %swap3A_1444 : i32 to index
    %swap3A_1446 = arith.constant 48 : index
    %swap3A_1447 = tpu.vector_load %arg19[%swap3A_1445, %swap3A_1446] {strides = array<i32>} : memref<2x128xi32, #tpu.memory_space<vmem>>, vector<16xi32>,
    tpu.vector_store %arg19[%swap3A_1445, %swap3A_1446], %get3A_1443 {strides = array<i32>} : memref<2x128xi32, #tpu.memory_space<vmem>>, vector<16xi32>,
    %get3A_1448 = arith.constant 64 : index
    %get3A_1449 = tpu.vector_load %arg18[%get3A_1448] {strides = array<i32>} : memref<288xi32, #tpu.memory_space<vmem>>, vector<16xi32>,
    %swap3A_1450 = arith.constant 0 : i32
    %swap3A_1451 = arith.index_cast %swap3A_1450 : i32 to index
    %swap3A_1452 = arith.constant 64 : index
    %swap3A_1453 = tpu.vector_load %arg19[%swap3A_1451, %swap3A_1452] {strides = array<i32>} : memref<2x128xi32, #tpu.memory_space<vmem>>, vector<16xi32>,
    tpu.vector_store %arg19[%swap3A_1451, %swap3A_1452], %get3A_1449 {strides = array<i32>} : memref<2x128xi32, #tpu.memory_space<vmem>>, vector<16xi32>,
    %get3A_1454 = arith.constant 80 : index
    %get3A_1455 = tpu.vector_load %arg18[%get3A_1454] {strides = array<i32>} : memref<288xi32, #tpu.memory_space<vmem>>, vector<16xi32>,
    %swap3A_1456 = arith.constant 0 : i32
    %swap3A_1457 = arith.index_cast %swap3A_1456 : i32 to index
    %swap3A_1458 = arith.constant 80 : index
    %swap3A_1459 = tpu.vector_load %arg19[%swap3A_1457, %swap3A_1458] {strides = array<i32>} : memref<2x128xi32, #tpu.memory_space<vmem>>, vector<16xi32>,
    tpu.vector_store %arg19[%swap3A_1457, %swap3A_1458], %get3A_1455 {strides = array<i32>} : memref<2x128xi32, #tpu.memory_space<vmem>>, vector<16xi32>,
    %get3A_1460 = arith.constant 96 : index
    %get3A_1461 = tpu.vector_load %arg18[%get3A_1460] {strides = array<i32>} : memref<288xi32, #tpu.memory_space<vmem>>, vector<16xi32>,
    %swap3A_1462 = arith.constant 0 : i32
    %swap3A_1463 = arith.index_cast %swap3A_1462 : i32 to index
    %swap3A_1464 = arith.constant 96 : index
    %swap3A_1465 = tpu.vector_load %arg19[%swap3A_1463, %swap3A_1464] {strides = array<i32>} : memref<2x128xi32, #tpu.memory_space<vmem>>, vector<16xi32>,
    tpu.vector_store %arg19[%swap3A_1463, %swap3A_1464], %get3A_1461 {strides = array<i32>} : memref<2x128xi32, #tpu.memory_space<vmem>>, vector<16xi32>,
    %get3A_1466 = arith.constant 112 : index
    %get3A_1467 = tpu.vector_load %arg18[%get3A_1466] {strides = array<i32>} : memref<288xi32, #tpu.memory_space<vmem>>, vector<16xi32>,
    %swap3A_1468 = arith.constant 0 : i32
    %swap3A_1469 = arith.index_cast %swap3A_1468 : i32 to index
    %swap3A_1470 = arith.constant 112 : index
    %swap3A_1471 = tpu.vector_load %arg19[%swap3A_1469, %swap3A_1470] {strides = array<i32>} : memref<2x128xi32, #tpu.memory_space<vmem>>, vector<16xi32>,
    tpu.vector_store %arg19[%swap3A_1469, %swap3A_1470], %get3A_1467 {strides = array<i32>} : memref<2x128xi32, #tpu.memory_space<vmem>>, vector<16xi32>,
    %get3A_1472 = arith.constant 128 : index
    %get3A_1473 = tpu.vector_load %arg18[%get3A_1472] {strides = array<i32>} : memref<288xi32, #tpu.memory_space<vmem>>, vector<16xi32>,
    %swap3A_1474 = arith.constant 1 : i32
    %swap3A_1475 = arith.index_cast %swap3A_1474 : i32 to index
    %swap3A_1476 = arith.constant 0 : index
    %swap3A_1477 = tpu.vector_load %arg19[%swap3A_1475, %swap3A_1476] {strides = array<i32>} : memref<2x128xi32, #tpu.memory_space<vmem>>, vector<16xi32>,
    tpu.vector_store %arg19[%swap3A_1475, %swap3A_1476], %get3A_1473 {strides = array<i32>} : memref<2x128xi32, #tpu.memory_space<vmem>>, vector<16xi32>,
    %get3A_1478 = arith.constant 144 : index
    %get3A_1479 = tpu.vector_load %arg18[%get3A_1478] {strides = array<i32>} : memref<288xi32, #tpu.memory_space<vmem>>, vector<16xi32>,
    %swap3A_1480 = arith.constant 1 : i32
    %swap3A_1481 = arith.index_cast %swap3A_1480 : i32 to index
    %swap3A_1482 = arith.constant 16 : index
    %swap3A_1483 = tpu.vector_load %arg19[%swap3A_1481, %swap3A_1482] {strides = array<i32>} : memref<2x128xi32, #tpu.memory_space<vmem>>, vector<16xi32>,
    tpu.vector_store %arg19[%swap3A_1481, %swap3A_1482], %get3A_1479 {strides = array<i32>} : memref<2x128xi32, #tpu.memory_space<vmem>>, vector<16xi32>,
    %get3A_1484 = arith.constant 160 : index
    %get3A_1485 = tpu.vector_load %arg18[%get3A_1484] {strides = array<i32>} : memref<288xi32, #tpu.memory_space<vmem>>, vector<16xi32>,
    %swap3A_1486 = arith.constant 1 : i32
    %swap3A_1487 = arith.index_cast %swap3A_1486 : i32 to index
    %swap3A_1488 = arith.constant 32 : index
    %swap3A_1489 = tpu.vector_load %arg19[%swap3A_1487, %swap3A_1488] {strides = array<i32>} : memref<2x128xi32, #tpu.memory_space<vmem>>, vector<16xi32>,
    tpu.vector_store %arg19[%swap3A_1487, %swap3A_1488], %get3A_1485 {strides = array<i32>} : memref<2x128xi32, #tpu.memory_space<vmem>>, vector<16xi32>,
    %get3A_1490 = arith.constant 176 : index
    %get3A_1491 = tpu.vector_load %arg18[%get3A_1490] {strides = array<i32>} : memref<288xi32, #tpu.memory_space<vmem>>, vector<16xi32>,
    %swap3A_1492 = arith.constant 1 : i32
    %swap3A_1493 = arith.index_cast %swap3A_1492 : i32 to index
    %swap3A_1494 = arith.constant 48 : index
    %swap3A_1495 = tpu.vector_load %arg19[%swap3A_1493, %swap3A_1494] {strides = array<i32>} : memref<2x128xi32, #tpu.memory_space<vmem>>, vector<16xi32>,
    tpu.vector_store %arg19[%swap3A_1493, %swap3A_1494], %get3A_1491 {strides = array<i32>} : memref<2x128xi32, #tpu.memory_space<vmem>>, vector<16xi32>,
    %get3A_1496 = arith.constant 192 : index
    %get3A_1497 = tpu.vector_load %arg18[%get3A_1496] {strides = array<i32>} : memref<288xi32, #tpu.memory_space<vmem>>, vector<16xi32>,
    %swap3A_1498 = arith.constant 1 : i32
    %swap3A_1499 = arith.index_cast %swap3A_1498 : i32 to index
    %swap3A_1500 = arith.constant 64 : index
    %swap3A_1501 = tpu.vector_load %arg19[%swap3A_1499, %swap3A_1500] {strides = array<i32>} : memref<2x128xi32, #tpu.memory_space<vmem>>, vector<16xi32>,
    tpu.vector_store %arg19[%swap3A_1499, %swap3A_1500], %get3A_1497 {strides = array<i32>} : memref<2x128xi32, #tpu.memory_space<vmem>>, vector<16xi32>,
    %get3A_1502 = arith.constant 208 : index
    %get3A_1503 = tpu.vector_load %arg18[%get3A_1502] {strides = array<i32>} : memref<288xi32, #tpu.memory_space<vmem>>, vector<16xi32>,
    %swap3A_1504 = arith.constant 1 : i32
    %swap3A_1505 = arith.index_cast %swap3A_1504 : i32 to index
    %swap3A_1506 = arith.constant 80 : index
    %swap3A_1507 = tpu.vector_load %arg19[%swap3A_1505, %swap3A_1506] {strides = array<i32>} : memref<2x128xi32, #tpu.memory_space<vmem>>, vector<16xi32>,
    tpu.vector_store %arg19[%swap3A_1505, %swap3A_1506], %get3A_1503 {strides = array<i32>} : memref<2x128xi32, #tpu.memory_space<vmem>>, vector<16xi32>,
    %get3A_1508 = arith.constant 224 : index
    %get3A_1509 = tpu.vector_load %arg18[%get3A_1508] {strides = array<i32>} : memref<288xi32, #tpu.memory_space<vmem>>, vector<16xi32>,
    %swap3A_1510 = arith.constant 1 : i32
    %swap3A_1511 = arith.index_cast %swap3A_1510 : i32 to index
    %swap3A_1512 = arith.constant 96 : index
    %swap3A_1513 = tpu.vector_load %arg19[%swap3A_1511, %swap3A_1512] {strides = array<i32>} : memref<2x128xi32, #tpu.memory_space<vmem>>, vector<16xi32>,
    tpu.vector_store %arg19[%swap3A_1511, %swap3A_1512], %get3A_1509 {strides = array<i32>} : memref<2x128xi32, #tpu.memory_space<vmem>>, vector<16xi32>,
    %get3A_1514 = arith.constant 240 : index
    %get3A_1515 = tpu.vector_load %arg18[%get3A_1514] {strides = array<i32>} : memref<288xi32, #tpu.memory_space<vmem>>, vector<16xi32>,
    %swap3A_1516 = arith.constant 1 : i32
    %swap3A_1517 = arith.index_cast %swap3A_1516 : i32 to index
    %swap3A_1518 = arith.constant 112 : index
    %swap3A_1519 = tpu.vector_load %arg19[%swap3A_1517, %swap3A_1518] {strides = array<i32>} : memref<2x128xi32, #tpu.memory_space<vmem>>, vector<16xi32>,
    tpu.vector_store %arg19[%swap3A_1517, %swap3A_1518], %get3A_1515 {strides = array<i32>} : memref<2x128xi32, #tpu.memory_space<vmem>>, vector<16xi32>,
    %dma_wait3A_1520 = arith.constant 0 : i32
    %dma_wait3A_1521 = tpu.memref_slice %arg10[%mul3A_1169, %dma_wait3A_1520] : memref<65536x128xf32, #tpu.memory_space<hbm>> -> memref<256x128xf32, #tpu.memory_space<hbm>>
    %dma_wait3A_1522 = arith.constant 0 : i32
    %dma_wait3A_1523 = tpu.memref_slice %arg10[%mul3A_1169, %dma_wait3A_1522] : memref<65536x128xf32, #tpu.memory_space<hbm>> -> memref<256x128xf32, #tpu.memory_space<hbm>>
    tpu.wait_dma2 semaphore(%arg23 : memref<!tpu.dma_semaphore, #tpu.memory_space<semaphore_mem>>) src(%arg21 : memref<256x128xf32, #tpu.memory_space<vmem>>) dst(%dma_wait3A_1523 : memref<256x128xf32, #tpu.memory_space<hbm>>)
    %dma_start3A_1524 = arith.constant 0 : i32
    %dma_start3A_1525 = arith.constant 0 : i32
    %dma_start3A_1526 = arith.constant 0 : i32
    %dma_start3A_1527 = tpu.memref_slice %arg21[%dma_start3A_1525, %dma_start3A_1526] : memref<256x128xf32, #tpu.memory_space<vmem>> -> memref<128x128xf32, #tpu.memory_space<vmem>>
    %dma_start3A_1528 = arith.constant 0 : i32
    %dma_start3A_1529 = tpu.memref_slice %arg19[%dma_start3A_1524, %dma_start3A_1528] : memref<2x128xi32, #tpu.memory_space<vmem>> -> memref<1x128xi32, #tpu.memory_space<vmem>>
    %dma_start3A_1530 = tpu.memref_squeeze %dma_start3A_1529 : memref<1x128xi32, #tpu.memory_space<vmem>> -> memref<128xi32, #tpu.memory_space<vmem>>
    %dma_start3A_1531 = arith.constant 0 : i32
    %dma_start3A_1532 = arith.constant 0 : i32
    %dma_start3A_1533 = tpu.memref_slice %arg9[%dma_start3A_1531, %dma_start3A_1532] : memref<8192x128xf32, #tpu.memory_space<hbm>> -> memref<8192x128xf32, #tpu.memory_space<hbm>>
    tpu.enqueue_indirect_dma source(%dma_start3A_1533 : memref<8192x128xf32, #tpu.memory_space<hbm>>) target(%dma_start3A_1527 : memref<128x128xf32, #tpu.memory_space<vmem>>) offsets(%dma_start3A_1530 : memref<128xi32, #tpu.memory_space<vmem>>) semaphore(%arg22 : memref<!tpu.dma_semaphore, #tpu.memory_space<semaphore_mem>>)
    %dma_start3A_1534 = arith.constant 1 : i32
    %dma_start3A_1535 = arith.constant 128 : i32
    %dma_start3A_1536 = arith.constant 0 : i32
    %dma_start3A_1537 = tpu.memref_slice %arg21[%dma_start3A_1535, %dma_start3A_1536] : memref<256x128xf32, #tpu.memory_space<vmem>> -> memref<128x128xf32, #tpu.memory_space<vmem>>
    %dma_start3A_1538 = arith.constant 0 : i32
    %dma_start3A_1539 = tpu.memref_slice %arg19[%dma_start3A_1534, %dma_start3A_1538] : memref<2x128xi32, #tpu.memory_space<vmem>> -> memref<1x128xi32, #tpu.memory_space<vmem>>
    %dma_start3A_1540 = tpu.memref_squeeze %dma_start3A_1539 : memref<1x128xi32, #tpu.memory_space<vmem>> -> memref<128xi32, #tpu.memory_space<vmem>>
    %dma_start3A_1541 = arith.constant 0 : i32
    %dma_start3A_1542 = arith.constant 0 : i32
    %dma_start3A_1543 = tpu.memref_slice %arg9[%dma_start3A_1541, %dma_start3A_1542] : memref<8192x128xf32, #tpu.memory_space<hbm>> -> memref<8192x128xf32, #tpu.memory_space<hbm>>
    tpu.enqueue_indirect_dma source(%dma_start3A_1543 : memref<8192x128xf32, #tpu.memory_space<hbm>>) target(%dma_start3A_1537 : memref<128x128xf32, #tpu.memory_space<vmem>>) offsets(%dma_start3A_1540 : memref<128xi32, #tpu.memory_space<vmem>>) semaphore(%arg22 : memref<!tpu.dma_semaphore, #tpu.memory_space<semaphore_mem>>)
    %dma_wait3A_1544 = arith.constant 0 : i32
    %dma_wait3A_1545 = arith.constant 0 : i32
    %dma_wait3A_1546 = arith.constant 0 : i32
    %dma_wait3A_1547 = tpu.memref_slice %arg21[%dma_wait3A_1545, %dma_wait3A_1546] : memref<256x128xf32, #tpu.memory_space<vmem>> -> memref<128x128xf32, #tpu.memory_space<vmem>>
    %dma_wait3A_1548 = arith.constant 0 : i32
    %dma_wait3A_1549 = tpu.memref_slice %arg19[%dma_wait3A_1544, %dma_wait3A_1548] : memref<2x128xi32, #tpu.memory_space<vmem>> -> memref<1x128xi32, #tpu.memory_space<vmem>>
    %dma_wait3A_1550 = tpu.memref_squeeze %dma_wait3A_1549 : memref<1x128xi32, #tpu.memory_space<vmem>> -> memref<128xi32, #tpu.memory_space<vmem>>
    %dma_wait3A_1551 = arith.constant 0 : i32
    %dma_wait3A_1552 = arith.constant 0 : i32
    %dma_wait3A_1553 = tpu.memref_slice %arg9[%dma_wait3A_1551, %dma_wait3A_1552] : memref<8192x128xf32, #tpu.memory_space<hbm>> -> memref<8192x128xf32, #tpu.memory_space<hbm>>
    tpu.wait_indirect_dma semaphore(%arg22 : memref<!tpu.dma_semaphore, #tpu.memory_space<semaphore_mem>>) src(%dma_wait3A_1553 : memref<8192x128xf32, #tpu.memory_space<hbm>>) dst(%dma_wait3A_1547 : memref<128x128xf32, #tpu.memory_space<vmem>>)
    %dma_wait3A_1554 = arith.constant 1 : i32
    %dma_wait3A_1555 = arith.constant 128 : i32
    %dma_wait3A_1556 = arith.constant 0 : i32
    %dma_wait3A_1557 = tpu.memref_slice %arg21[%dma_wait3A_1555, %dma_wait3A_1556] : memref<256x128xf32, #tpu.memory_space<vmem>> -> memref<128x128xf32, #tpu.memory_space<vmem>>
    %dma_wait3A_1558 = arith.constant 0 : i32
    %dma_wait3A_1559 = tpu.memref_slice %arg19[%dma_wait3A_1554, %dma_wait3A_1558] : memref<2x128xi32, #tpu.memory_space<vmem>> -> memref<1x128xi32, #tpu.memory_space<vmem>>
    %dma_wait3A_1560 = tpu.memref_squeeze %dma_wait3A_1559 : memref<1x128xi32, #tpu.memory_space<vmem>> -> memref<128xi32, #tpu.memory_space<vmem>>
    %dma_wait3A_1561 = arith.constant 0 : i32
    %dma_wait3A_1562 = arith.constant 0 : i32
    %dma_wait3A_1563 = tpu.memref_slice %arg9[%dma_wait3A_1561, %dma_wait3A_1562] : memref<8192x128xf32, #tpu.memory_space<hbm>> -> memref<8192x128xf32, #tpu.memory_space<hbm>>
    tpu.wait_indirect_dma semaphore(%arg22 : memref<!tpu.dma_semaphore, #tpu.memory_space<semaphore_mem>>) src(%dma_wait3A_1563 : memref<8192x128xf32, #tpu.memory_space<hbm>>) dst(%dma_wait3A_1557 : memref<128x128xf32, #tpu.memory_space<vmem>>)
    %mul3A_1564 = arith.constant 256 : i32
    %mul3A_1565 = arith.muli %add3A_1375, %mul3A_1564 : i32
    %dma_start3A_1566 = arith.constant 0 : i32
    %dma_start3A_1567 = tpu.memref_slice %arg10[%mul3A_1565, %dma_start3A_1566] : memref<65536x128xf32, #tpu.memory_space<hbm>> -> memref<256x128xf32, #tpu.memory_space<hbm>>
    %dma_start3A_1568 = arith.constant 0 : i32
    %dma_start3A_1569 = tpu.memref_slice %arg10[%mul3A_1565, %dma_start3A_1568] : memref<65536x128xf32, #tpu.memory_space<hbm>> -> memref<256x128xf32, #tpu.memory_space<hbm>>
    tpu.enqueue_dma source(%arg21 : memref<256x128xf32, #tpu.memory_space<vmem>>) target(%dma_start3A_1569 : memref<256x128xf32, #tpu.memory_space<hbm>>) target_semaphore(%arg23 : memref<!tpu.dma_semaphore, #tpu.memory_space<semaphore_mem>>)
    %dma_wait3A_1570 = arith.constant 0 : i32
    %dma_wait3A_1571 = tpu.memref_slice %arg10[%mul3A_1367, %dma_wait3A_1570] : memref<65536x128xf32, #tpu.memory_space<hbm>> -> memref<256x128xf32, #tpu.memory_space<hbm>>
    %dma_wait3A_1572 = arith.constant 0 : i32
    %dma_wait3A_1573 = tpu.memref_slice %arg10[%mul3A_1367, %dma_wait3A_1572] : memref<65536x128xf32, #tpu.memory_space<hbm>> -> memref<256x128xf32, #tpu.memory_space<hbm>>
    tpu.wait_dma2 semaphore(%arg23 : memref<!tpu.dma_semaphore, #tpu.memory_space<semaphore_mem>>) src(%arg20 : memref<256x128xf32, #tpu.memory_space<vmem>>) dst(%dma_wait3A_1573 : memref<256x128xf32, #tpu.memory_space<hbm>>)
    %dma_wait3A_1574 = arith.constant 0 : i32
    %dma_wait3A_1575 = tpu.memref_slice %arg10[%mul3A_1565, %dma_wait3A_1574] : memref<65536x128xf32, #tpu.memory_space<hbm>> -> memref<256x128xf32, #tpu.memory_space<hbm>>
    %dma_wait3A_1576 = arith.constant 0 : i32
    %dma_wait3A_1577 = tpu.memref_slice %arg10[%mul3A_1565, %dma_wait3A_1576] : memref<65536x128xf32, #tpu.memory_space<hbm>> -> memref<256x128xf32, #tpu.memory_space<hbm>>
    tpu.wait_dma2 semaphore(%arg23 : memref<!tpu.dma_semaphore, #tpu.memory_space<semaphore_mem>>) src(%arg21 : memref<256x128xf32, #tpu.memory_space<vmem>>) dst(%dma_wait3A_1577 : memref<256x128xf32, #tpu.memory_space<hbm>>)
    return
  }
}

module attributes {stable_mosaic.version = 14 : i64} {
  func.func @_mlp_body(%arg0: i32, %arg1: memref<2048x128xf32, #tpu.memory_space<vmem>>, %arg2: memref<8x128xf32, #tpu.memory_space<vmem>>, %arg3: memref<128x128xf32, #tpu.memory_space<vmem>>, %arg4: memref<128x128xf32, #tpu.memory_space<vmem>>, %arg5: memref<8x128xf32, #tpu.memory_space<vmem>>, %arg6: memref<128x128xf32, #tpu.memory_space<vmem>>, %arg7: memref<8x128xf32, #tpu.memory_space<vmem>>, %arg8: memref<128x256xf32, #tpu.memory_space<vmem>>, %arg9: memref<8x256xf32, #tpu.memory_space<vmem>>, %arg10: memref<8x256xf32, #tpu.memory_space<vmem>>) attributes {dimension_semantics = [#tpu.dimension_semantics<arbitrary>], iteration_bounds = array<i64: 32>, scalar_prefetch = 0 : i64, scratch_operands = 0 : i64, tpu.core_type = #tpu.core_type<tc>, window_params = [{transform_indices = @transform_0, window_bounds = array<i64: 2048, 128>}, {transform_indices = @transform_1, window_bounds = array<i64: 8, 128>}, {pipeline_mode = #tpu.pipeline_mode<synchronous>, transform_indices = @transform_2, window_bounds = array<i64: 128, 128>}, {pipeline_mode = #tpu.pipeline_mode<synchronous>, transform_indices = @transform_3, window_bounds = array<i64: 128, 128>}, {pipeline_mode = #tpu.pipeline_mode<synchronous>, transform_indices = @transform_4, window_bounds = array<i64: 8, 128>}, {pipeline_mode = #tpu.pipeline_mode<synchronous>, transform_indices = @transform_5, window_bounds = array<i64: 128, 128>}, {pipeline_mode = #tpu.pipeline_mode<synchronous>, transform_indices = @transform_6, window_bounds = array<i64: 8, 128>}, {pipeline_mode = #tpu.pipeline_mode<synchronous>, transform_indices = @transform_7, window_bounds = array<i64: 128, 256>}, {pipeline_mode = #tpu.pipeline_mode<synchronous>, transform_indices = @transform_8, window_bounds = array<i64: 8, 256>}, {transform_indices = @transform_9, window_bounds = array<i64: 8, 256>}]} {
    %get3A = arith.constant 0 : index
    %get3A_0 = arith.constant 0 : index
    %get3A_1 = vector.load %arg1[%get3A, %get3A_0] : memref<2048x128xf32, #tpu.memory_space<vmem>>, vector<2048x128xf32>
    %get3A_2 = arith.constant 0 : index
    %get3A_3 = arith.constant 0 : index
    %get3A_4 = vector.load %arg3[%get3A_2, %get3A_3] : memref<128x128xf32, #tpu.memory_space<vmem>>, vector<128x128xf32>
    %dot_general3A = arith.constant dense<0.000000e+00> : vector<2048x128xf32>
    %dot_general3A_5 = tpu.matmul %get3A_1, %get3A_4, %dot_general3A {dimension_numbers = #tpu.dot_dimension_numbers<[1], [0], [0], [1], [0, 0, 1, 1], [], []>, transpose_lhs_hint = false} : vector<2048x128xf32>, vector<128x128xf32>, vector<2048x128xf32> -> vector<2048x128xf32>
    %get3A_6 = arith.constant 0 : index
    %get3A_7 = arith.constant 0 : index
    %get3A_8 = vector.load %arg5[%get3A_6, %get3A_7] : memref<8x128xf32, #tpu.memory_space<vmem>>, vector<1x128xf32>
    %add3A = vector.broadcast %get3A_8 : vector<1x128xf32> to vector<2048x128xf32>
    %add3A_9 = arith.addf %dot_general3A_5, %add3A : vector<2048x128xf32>
    %get3A_10 = arith.constant 0 : index
    %get3A_11 = arith.constant 0 : index
    %get3A_12 = vector.load %arg2[%get3A_10, %get3A_11] : memref<8x128xf32, #tpu.memory_space<vmem>>, vector<8x128xf32>
    %get3A_13 = arith.constant 0 : index
    %get3A_14 = arith.constant 0 : index
    %get3A_15 = vector.load %arg4[%get3A_13, %get3A_14] : memref<128x128xf32, #tpu.memory_space<vmem>>, vector<128x128xf32>
    %dot_general3A_16 = arith.constant dense<0.000000e+00> : vector<8x128xf32>
    %dot_general3A_17 = tpu.matmul %get3A_12, %get3A_15, %dot_general3A_16 {dimension_numbers = #tpu.dot_dimension_numbers<[1], [0], [0], [1], [0, 0, 1, 1], [], []>, transpose_lhs_hint = false} : vector<8x128xf32>, vector<128x128xf32>, vector<8x128xf32> -> vector<8x128xf32>
    %slice3A = vector.extract_strided_slice %dot_general3A_17 {offsets = [0, 0], sizes = [1, 128], strides = [1, 1]} : vector<8x128xf32> to vector<1x128xf32>
    %broadcast_in_dim3A = vector.shape_cast %slice3A : vector<1x128xf32> to vector<1x128xf32>
    %broadcast_in_dim3A_18 = vector.broadcast %broadcast_in_dim3A : vector<1x128xf32> to vector<256x128xf32>
    %slice3A_19 = vector.extract_strided_slice %dot_general3A_17 {offsets = [1, 0], sizes = [1, 128], strides = [1, 1]} : vector<8x128xf32> to vector<1x128xf32>
    %broadcast_in_dim3A_20 = vector.shape_cast %slice3A_19 : vector<1x128xf32> to vector<1x128xf32>
    %broadcast_in_dim3A_21 = vector.broadcast %broadcast_in_dim3A_20 : vector<1x128xf32> to vector<256x128xf32>
    %slice3A_22 = vector.extract_strided_slice %dot_general3A_17 {offsets = [2, 0], sizes = [1, 128], strides = [1, 1]} : vector<8x128xf32> to vector<1x128xf32>
    %broadcast_in_dim3A_23 = vector.shape_cast %slice3A_22 : vector<1x128xf32> to vector<1x128xf32>
    %broadcast_in_dim3A_24 = vector.broadcast %broadcast_in_dim3A_23 : vector<1x128xf32> to vector<256x128xf32>
    %slice3A_25 = vector.extract_strided_slice %dot_general3A_17 {offsets = [3, 0], sizes = [1, 128], strides = [1, 1]} : vector<8x128xf32> to vector<1x128xf32>
    %broadcast_in_dim3A_26 = vector.shape_cast %slice3A_25 : vector<1x128xf32> to vector<1x128xf32>
    %broadcast_in_dim3A_27 = vector.broadcast %broadcast_in_dim3A_26 : vector<1x128xf32> to vector<256x128xf32>
    %slice3A_28 = vector.extract_strided_slice %dot_general3A_17 {offsets = [4, 0], sizes = [1, 128], strides = [1, 1]} : vector<8x128xf32> to vector<1x128xf32>
    %broadcast_in_dim3A_29 = vector.shape_cast %slice3A_28 : vector<1x128xf32> to vector<1x128xf32>
    %broadcast_in_dim3A_30 = vector.broadcast %broadcast_in_dim3A_29 : vector<1x128xf32> to vector<256x128xf32>
    %slice3A_31 = vector.extract_strided_slice %dot_general3A_17 {offsets = [5, 0], sizes = [1, 128], strides = [1, 1]} : vector<8x128xf32> to vector<1x128xf32>
    %broadcast_in_dim3A_32 = vector.shape_cast %slice3A_31 : vector<1x128xf32> to vector<1x128xf32>
    %broadcast_in_dim3A_33 = vector.broadcast %broadcast_in_dim3A_32 : vector<1x128xf32> to vector<256x128xf32>
    %slice3A_34 = vector.extract_strided_slice %dot_general3A_17 {offsets = [6, 0], sizes = [1, 128], strides = [1, 1]} : vector<8x128xf32> to vector<1x128xf32>
    %broadcast_in_dim3A_35 = vector.shape_cast %slice3A_34 : vector<1x128xf32> to vector<1x128xf32>
    %broadcast_in_dim3A_36 = vector.broadcast %broadcast_in_dim3A_35 : vector<1x128xf32> to vector<256x128xf32>
    %slice3A_37 = vector.extract_strided_slice %dot_general3A_17 {offsets = [7, 0], sizes = [1, 128], strides = [1, 1]} : vector<8x128xf32> to vector<1x128xf32>
    %broadcast_in_dim3A_38 = vector.shape_cast %slice3A_37 : vector<1x128xf32> to vector<1x128xf32>
    %broadcast_in_dim3A_39 = vector.broadcast %broadcast_in_dim3A_38 : vector<1x128xf32> to vector<256x128xf32>
    %concatenate3A = tpu.concatenate %broadcast_in_dim3A_18, %broadcast_in_dim3A_21, %broadcast_in_dim3A_24, %broadcast_in_dim3A_27, %broadcast_in_dim3A_30, %broadcast_in_dim3A_33, %broadcast_in_dim3A_36, %broadcast_in_dim3A_39 in 0 : vector<256x128xf32>, vector<256x128xf32>, vector<256x128xf32>, vector<256x128xf32>, vector<256x128xf32>, vector<256x128xf32>, vector<256x128xf32>, vector<256x128xf32> -> vector<2048x128xf32>
    %sub3A = arith.subf %add3A_9, %concatenate3A : vector<2048x128xf32>
    %max3A = arith.constant 0.000000e+00 : f32
    %max3A_40 = vector.broadcast %max3A : f32 to vector<2048x128xf32>
    %max3A_41 = arith.maximumf %sub3A, %max3A_40 : vector<2048x128xf32>
    %get3A_42 = arith.constant 0 : index
    %get3A_43 = arith.constant 0 : index
    %get3A_44 = vector.load %arg6[%get3A_42, %get3A_43] : memref<128x128xf32, #tpu.memory_space<vmem>>, vector<128x128xf32>
    %dot_general3A_45 = arith.constant dense<0.000000e+00> : vector<2048x128xf32>
    %dot_general3A_46 = tpu.matmul %max3A_41, %get3A_44, %dot_general3A_45 {dimension_numbers = #tpu.dot_dimension_numbers<[1], [0], [0], [1], [0, 0, 1, 1], [], []>, transpose_lhs_hint = false} : vector<2048x128xf32>, vector<128x128xf32>, vector<2048x128xf32> -> vector<2048x128xf32>
    %get3A_47 = arith.constant 0 : index
    %get3A_48 = arith.constant 0 : index
    %get3A_49 = vector.load %arg7[%get3A_47, %get3A_48] : memref<8x128xf32, #tpu.memory_space<vmem>>, vector<1x128xf32>
    %add3A_50 = vector.broadcast %get3A_49 : vector<1x128xf32> to vector<2048x128xf32>
    %add3A_51 = arith.addf %dot_general3A_46, %add3A_50 : vector<2048x128xf32>
    %max3A_52 = arith.constant 0.000000e+00 : f32
    %max3A_53 = vector.broadcast %max3A_52 : f32 to vector<2048x128xf32>
    %max3A_54 = arith.maximumf %add3A_51, %max3A_53 : vector<2048x128xf32>
    %get3A_55 = arith.constant 0 : index
    %get3A_56 = arith.constant 0 : index
    %get3A_57 = vector.load %arg8[%get3A_55, %get3A_56] : memref<128x256xf32, #tpu.memory_space<vmem>>, vector<128x256xf32>
    %dot_general3A_58 = arith.constant dense<0.000000e+00> : vector<2048x256xf32>
    %dot_general3A_59 = tpu.matmul %max3A_54, %get3A_57, %dot_general3A_58 {dimension_numbers = #tpu.dot_dimension_numbers<[1], [0], [0], [1], [0, 0, 1, 1], [], []>, transpose_lhs_hint = false} : vector<2048x128xf32>, vector<128x256xf32>, vector<2048x256xf32> -> vector<2048x256xf32>
    %get3A_60 = arith.constant 0 : index
    %get3A_61 = arith.constant 0 : index
    %get3A_62 = vector.load %arg9[%get3A_60, %get3A_61] : memref<8x256xf32, #tpu.memory_space<vmem>>, vector<1x256xf32>
    %add3A_63 = vector.broadcast %get3A_62 : vector<1x256xf32> to vector<2048x256xf32>
    %add3A_64 = arith.addf %dot_general3A_59, %add3A_63 : vector<2048x256xf32>
    %max3A_65 = arith.constant 0.000000e+00 : f32
    %max3A_66 = vector.broadcast %max3A_65 : f32 to vector<2048x256xf32>
    %max3A_67 = arith.maximumf %add3A_64, %max3A_66 : vector<2048x256xf32>
    %slice3A_68 = vector.extract_strided_slice %max3A_67 {offsets = [0, 0], sizes = [256, 256], strides = [1, 1]} : vector<2048x256xf32> to vector<256x256xf32>
    %reduce_max3A = arith.constant dense<0xFF800000> : vector<256xf32>
    %reduce_max3A_69 = vector.multi_reduction <maximumf>, %slice3A_68, %reduce_max3A [0] : vector<256x256xf32> to vector<256xf32>
    %broadcast_in_dim3A_70 = vector.shape_cast %reduce_max3A_69 : vector<256xf32> to vector<1x256xf32>
    %swap3A = arith.constant 0 : index
    %swap3A_71 = arith.constant 0 : index
    %swap3A_72 = vector.load %arg10[%swap3A, %swap3A_71] : memref<8x256xf32, #tpu.memory_space<vmem>>, vector<1x256xf32>
    tpu.vector_store %arg10[%swap3A, %swap3A_71], %broadcast_in_dim3A_70 {strides = array<i32>} : memref<8x256xf32, #tpu.memory_space<vmem>>, vector<1x256xf32>,
    %slice3A_73 = vector.extract_strided_slice %max3A_67 {offsets = [256, 0], sizes = [256, 256], strides = [1, 1]} : vector<2048x256xf32> to vector<256x256xf32>
    %reduce_max3A_74 = arith.constant dense<0xFF800000> : vector<256xf32>
    %reduce_max3A_75 = vector.multi_reduction <maximumf>, %slice3A_73, %reduce_max3A_74 [0] : vector<256x256xf32> to vector<256xf32>
    %broadcast_in_dim3A_76 = vector.shape_cast %reduce_max3A_75 : vector<256xf32> to vector<1x256xf32>
    %swap3A_77 = arith.constant 1 : index
    %swap3A_78 = arith.constant 0 : index
    %swap3A_79 = vector.load %arg10[%swap3A_77, %swap3A_78] : memref<8x256xf32, #tpu.memory_space<vmem>>, vector<1x256xf32>
    tpu.vector_store %arg10[%swap3A_77, %swap3A_78], %broadcast_in_dim3A_76 {strides = array<i32>} : memref<8x256xf32, #tpu.memory_space<vmem>>, vector<1x256xf32>,
    %slice3A_80 = vector.extract_strided_slice %max3A_67 {offsets = [512, 0], sizes = [256, 256], strides = [1, 1]} : vector<2048x256xf32> to vector<256x256xf32>
    %reduce_max3A_81 = arith.constant dense<0xFF800000> : vector<256xf32>
    %reduce_max3A_82 = vector.multi_reduction <maximumf>, %slice3A_80, %reduce_max3A_81 [0] : vector<256x256xf32> to vector<256xf32>
    %broadcast_in_dim3A_83 = vector.shape_cast %reduce_max3A_82 : vector<256xf32> to vector<1x256xf32>
    %swap3A_84 = arith.constant 2 : index
    %swap3A_85 = arith.constant 0 : index
    %swap3A_86 = vector.load %arg10[%swap3A_84, %swap3A_85] : memref<8x256xf32, #tpu.memory_space<vmem>>, vector<1x256xf32>
    tpu.vector_store %arg10[%swap3A_84, %swap3A_85], %broadcast_in_dim3A_83 {strides = array<i32>} : memref<8x256xf32, #tpu.memory_space<vmem>>, vector<1x256xf32>,
    %slice3A_87 = vector.extract_strided_slice %max3A_67 {offsets = [768, 0], sizes = [256, 256], strides = [1, 1]} : vector<2048x256xf32> to vector<256x256xf32>
    %reduce_max3A_88 = arith.constant dense<0xFF800000> : vector<256xf32>
    %reduce_max3A_89 = vector.multi_reduction <maximumf>, %slice3A_87, %reduce_max3A_88 [0] : vector<256x256xf32> to vector<256xf32>
    %broadcast_in_dim3A_90 = vector.shape_cast %reduce_max3A_89 : vector<256xf32> to vector<1x256xf32>
    %swap3A_91 = arith.constant 3 : index
    %swap3A_92 = arith.constant 0 : index
    %swap3A_93 = vector.load %arg10[%swap3A_91, %swap3A_92] : memref<8x256xf32, #tpu.memory_space<vmem>>, vector<1x256xf32>
    tpu.vector_store %arg10[%swap3A_91, %swap3A_92], %broadcast_in_dim3A_90 {strides = array<i32>} : memref<8x256xf32, #tpu.memory_space<vmem>>, vector<1x256xf32>,
    %slice3A_94 = vector.extract_strided_slice %max3A_67 {offsets = [1024, 0], sizes = [256, 256], strides = [1, 1]} : vector<2048x256xf32> to vector<256x256xf32>
    %reduce_max3A_95 = arith.constant dense<0xFF800000> : vector<256xf32>
    %reduce_max3A_96 = vector.multi_reduction <maximumf>, %slice3A_94, %reduce_max3A_95 [0] : vector<256x256xf32> to vector<256xf32>
    %broadcast_in_dim3A_97 = vector.shape_cast %reduce_max3A_96 : vector<256xf32> to vector<1x256xf32>
    %swap3A_98 = arith.constant 4 : index
    %swap3A_99 = arith.constant 0 : index
    %swap3A_100 = vector.load %arg10[%swap3A_98, %swap3A_99] : memref<8x256xf32, #tpu.memory_space<vmem>>, vector<1x256xf32>
    tpu.vector_store %arg10[%swap3A_98, %swap3A_99], %broadcast_in_dim3A_97 {strides = array<i32>} : memref<8x256xf32, #tpu.memory_space<vmem>>, vector<1x256xf32>,
    %slice3A_101 = vector.extract_strided_slice %max3A_67 {offsets = [1280, 0], sizes = [256, 256], strides = [1, 1]} : vector<2048x256xf32> to vector<256x256xf32>
    %reduce_max3A_102 = arith.constant dense<0xFF800000> : vector<256xf32>
    %reduce_max3A_103 = vector.multi_reduction <maximumf>, %slice3A_101, %reduce_max3A_102 [0] : vector<256x256xf32> to vector<256xf32>
    %broadcast_in_dim3A_104 = vector.shape_cast %reduce_max3A_103 : vector<256xf32> to vector<1x256xf32>
    %swap3A_105 = arith.constant 5 : index
    %swap3A_106 = arith.constant 0 : index
    %swap3A_107 = vector.load %arg10[%swap3A_105, %swap3A_106] : memref<8x256xf32, #tpu.memory_space<vmem>>, vector<1x256xf32>
    tpu.vector_store %arg10[%swap3A_105, %swap3A_106], %broadcast_in_dim3A_104 {strides = array<i32>} : memref<8x256xf32, #tpu.memory_space<vmem>>, vector<1x256xf32>,
    %slice3A_108 = vector.extract_strided_slice %max3A_67 {offsets = [1536, 0], sizes = [256, 256], strides = [1, 1]} : vector<2048x256xf32> to vector<256x256xf32>
    %reduce_max3A_109 = arith.constant dense<0xFF800000> : vector<256xf32>
    %reduce_max3A_110 = vector.multi_reduction <maximumf>, %slice3A_108, %reduce_max3A_109 [0] : vector<256x256xf32> to vector<256xf32>
    %broadcast_in_dim3A_111 = vector.shape_cast %reduce_max3A_110 : vector<256xf32> to vector<1x256xf32>
    %swap3A_112 = arith.constant 6 : index
    %swap3A_113 = arith.constant 0 : index
    %swap3A_114 = vector.load %arg10[%swap3A_112, %swap3A_113] : memref<8x256xf32, #tpu.memory_space<vmem>>, vector<1x256xf32>
    tpu.vector_store %arg10[%swap3A_112, %swap3A_113], %broadcast_in_dim3A_111 {strides = array<i32>} : memref<8x256xf32, #tpu.memory_space<vmem>>, vector<1x256xf32>,
    %slice3A_115 = vector.extract_strided_slice %max3A_67 {offsets = [1792, 0], sizes = [256, 256], strides = [1, 1]} : vector<2048x256xf32> to vector<256x256xf32>
    %reduce_max3A_116 = arith.constant dense<0xFF800000> : vector<256xf32>
    %reduce_max3A_117 = vector.multi_reduction <maximumf>, %slice3A_115, %reduce_max3A_116 [0] : vector<256x256xf32> to vector<256xf32>
    %broadcast_in_dim3A_118 = vector.shape_cast %reduce_max3A_117 : vector<256xf32> to vector<1x256xf32>
    %swap3A_119 = arith.constant 7 : index
    %swap3A_120 = arith.constant 0 : index
    %swap3A_121 = vector.load %arg10[%swap3A_119, %swap3A_120] : memref<8x256xf32, #tpu.memory_space<vmem>>, vector<1x256xf32>
    tpu.vector_store %arg10[%swap3A_119, %swap3A_120], %broadcast_in_dim3A_118 {strides = array<i32>} : memref<8x256xf32, #tpu.memory_space<vmem>>, vector<1x256xf32>,
    return
  }
  func.func @transform_0(%arg0: i32) -> (i32, i32) {
    %c0_i32 = arith.constant 0 : i32
    %c0_i32_0 = arith.constant 0 : i32
    return %arg0, %c0_i32 : i32, i32
  }
  func.func @transform_1(%arg0: i32) -> (i32, i32) {
    %c0_i32 = arith.constant 0 : i32
    %c0_i32_0 = arith.constant 0 : i32
    return %arg0, %c0_i32 : i32, i32
  }
  func.func @transform_2(%arg0: i32) -> (i32, i32) {
    %c0_i32 = arith.constant 0 : i32
    %c0_i32_0 = arith.constant 0 : i32
    %c0_i32_1 = arith.constant 0 : i32
    return %c0_i32, %c0_i32_0 : i32, i32
  }
  func.func @transform_3(%arg0: i32) -> (i32, i32) {
    %c0_i32 = arith.constant 0 : i32
    %c0_i32_0 = arith.constant 0 : i32
    %c0_i32_1 = arith.constant 0 : i32
    return %c0_i32, %c0_i32_0 : i32, i32
  }
  func.func @transform_4(%arg0: i32) -> (i32, i32) {
    %c0_i32 = arith.constant 0 : i32
    %c0_i32_0 = arith.constant 0 : i32
    %c0_i32_1 = arith.constant 0 : i32
    return %c0_i32, %c0_i32_0 : i32, i32
  }
  func.func @transform_5(%arg0: i32) -> (i32, i32) {
    %c0_i32 = arith.constant 0 : i32
    %c0_i32_0 = arith.constant 0 : i32
    %c0_i32_1 = arith.constant 0 : i32
    return %c0_i32, %c0_i32_0 : i32, i32
  }
  func.func @transform_6(%arg0: i32) -> (i32, i32) {
    %c0_i32 = arith.constant 0 : i32
    %c0_i32_0 = arith.constant 0 : i32
    %c0_i32_1 = arith.constant 0 : i32
    return %c0_i32, %c0_i32_0 : i32, i32
  }
  func.func @transform_7(%arg0: i32) -> (i32, i32) {
    %c0_i32 = arith.constant 0 : i32
    %c0_i32_0 = arith.constant 0 : i32
    %c0_i32_1 = arith.constant 0 : i32
    return %c0_i32, %c0_i32_0 : i32, i32
  }
  func.func @transform_8(%arg0: i32) -> (i32, i32) {
    %c0_i32 = arith.constant 0 : i32
    %c0_i32_0 = arith.constant 0 : i32
    %c0_i32_1 = arith.constant 0 : i32
    return %c0_i32, %c0_i32_0 : i32, i32
  }
  func.func @transform_9(%arg0: i32) -> (i32, i32) {
    %c0_i32 = arith.constant 0 : i32
    %c0_i32_0 = arith.constant 0 : i32
    return %arg0, %c0_i32 : i32, i32
  }
}

</mosaic_0001>

<sc_bundles>
// kernel: kernel.4.cloned.1.call-start
scs
__scs_entry_jumppad:
0x0: {  	(pc) =	sbr.rel $0x88, $3  }
0x1: {  	(tag) =	ssettag $0x0;
	lr =	simm.s32 $0x1  }
0x2: {  	[smem:$0x3F99] =	sst lr;
	_ =	strace $0xD0000000  }
0x3: {  	_ = 	snop  }
0x4: {  	_ = 	snop  }
0x5: {  	_ = 	snop  }
0x6: {  	_ = 	snop  }
0x7: {  	_ = 	snop  }
__scs_overlays_trampoline_lowered:
0x8: {  	[smem:$0x3FA8] =	sst s0  }
0x9: {  	[smem:$0x3FA9] =	sst s1  }
0xa: {  	[smem:$0x3FAA] =	sst s2  }
0xb: {  	[smem:$0x3FAB] =	sst s3  }
0xc: {  	[smem:$0x3FAC] =	sst s4  }
0xd: {  	[smem:$0x3FAD] =	sst s5  }
0xe: {  	[smem:$0x3FAE] =	sst s6  }
0xf: {  	[smem:$0x3FAF] =	sst s7  }
0x10: {  	[smem:$0x3FB0] =	sst s8  }
0x11: {  	[smem:$0x3FB1] =	sst s9;
	s0 =	simm.s32 @!p0 $0x0  }
0x12: {  	s1 =	sld [smem:$0x3F97];
	s0 =	simm.s32 @p0 $0x1  }
0x13: {  	[smem:$0x3FB2] =	sst s0;
	s0 =	simm.s32 @!p1 $0x0  }
0x14: {  	s2 =	sld [smem:$0x3F96];
	s0 =	simm.s32 @p1 $0x1  }
0x15: {  	[smem:$0x3FB3] =	sst s0;
	s0 =	simm.s32 @!p2 $0x0  }
0x16: {  	s3 =	sld [smem:$0x3FDB];
	s0 =	simm.s32 @p2 $0x1  }
0x17: {  	s4 =	simm.s32 $0x1BF5;
	[smem:$0x3FB5] =	sst s0  }
0x18: {  	s0 =	sld [smem:$0x3F98];
	_ =	swait.ge [sflag:s4], $0x0  }
0x19: {  	s7 =	sld [smem:$0x3F99]  }
0x1a: {  	s8 =	sadd.s32 $0xFFFFE003, lr  }
0x1b: {  	s9 =	sadd.s32 $0xFFFFFEF7, lr;
	s5 =	simm.s32 $0xFFFFFFFF;
	p2 =	slt.u32 s8, $0xFFFFF086  }
0x1c: {  	p1 =	slt.u32 s9, $0xF7A;
	s5 =	simm.s32 @!p2 $0x0  }
0x1d: {  	s5 =	simm.s32 @p1 $0x1;
	p0 =	seq.s32 s7, s2  }
0x1e: {  	s7 =	smul.u32 @!p0 $0xF7A, s2;
	p2 =	seq.s32 @!p0 s5, $0x0  }
0x1f: {  	s9 =	smul.u32 $0xF7A, s1;
	s8 =	simm.s32 @!p0 $0x1BF5;
	p2 =	por !p2, p0  }
0x20: {  	[sflag:s8] =	ssyncset.s32 @!p0 $0xFFFFF086;
	s6 =	sadd.s32 @!p0 s3, s7;
	s7 =	simm.s32 @!p0 $0x108  }
0x21: {  	s3 =	sadd.s32 s3, s9;
	s6 =	sadd.s32 @!p0 $0x88, s6;
	s7 =	simm.s32 @p2 $0x1082  }
0x22: {  	[simem:s7], [sflag:s8] =	dma.local @!p0 [hbm:s6], $0xF7A  }
0x23: {  	s9 =	sor.u32 $0xD0000000, s2;
	s6 =	simm.s32 $0x108;
	_ =	swait.ge @!p0 [sflag:s8], $0x0  }
0x24: {  	s3 =	sadd.s32 $0x88, s3;
	s6 =	simm.s32 @!p1 $0x1082;
	[sflag:s4] =	ssyncset.s32 $0xFFFFF086  }
0x25: {  	[simem:s6], [sflag:s4] =	dma.local [hbm:s3], $0xF7A  }
0x26: {  	[smem:$0x3F99] =	sst s1;
	(tag) =	ssettag s2;
	_ =	strace s9  }
0x27: {  	s1 =	sld [smem:$0x3FA9]  }
0x28: {  	s2 =	sld [smem:$0x3FAA]  }
0x29: {  	s4 =	sld [smem:$0x3FAC]  }
0x2a: {  	p0 =	seq.s32 s5, $0x0;
	s5 =	sld [smem:$0x3FAD]  }
0x2b: {  	s6 =	sld [smem:$0x3FAE]  }
0x2c: {  	s7 =	sld [smem:$0x3FAF]  }
0x2d: {  	s3 =	simm.s32 $0x108;
	s8 =	sld [smem:$0x3FB0]  }
0x2e: {  	s3 =	simm.s32 @!p0 $0x1082;
	s9 =	sld [smem:$0x3FB1]  }
0x2f: {  	lr =	sadd.s32 s0, s3;
	s0 =	sld [smem:$0x3FA8]  }
0x30: {  	s3 =	sld [smem:$0x3FAB]  }
0x31: {  	[smem:$0x3FB4] =	sst s10  }
0x32: {  	s10 =	sld [smem:$0x3FB2];
	_ =	sdelay $0x3  }
0x33: {  	p0 =	seq.s32 s10, $0x1;
	s10 =	sld [smem:$0x3FB4];
	_ =	sdelay $0x3  }
0x34: {  	[smem:$0x3FB4] =	sst s10  }
0x35: {  	s10 =	sld [smem:$0x3FB3];
	_ =	sdelay $0x3  }
0x36: {  	p1 =	seq.s32 s10, $0x1;
	s10 =	sld [smem:$0x3FB4];
	_ =	sdelay $0x3  }
0x37: {  	[smem:$0x3FB4] =	sst s10  }
0x38: {  	s10 =	sld [smem:$0x3FB5]  }
0x39: {  	_ = 	snop;
	(pc) =	sbr.ind lr, $3  }
0x3a: {  	_ = 	snop  }
0x3b: {  	_ = 	snop  }
0x3c: {  	p2 =	seq.s32 s10, $0x1;
	s10 =	sld [smem:$0x3FB4]  }
0x3d: {  	_ =	shalt  }
0x3e: {  	_ =	shalt  }
0x3f: {  	_ =	shalt  }
0x40: {  	_ =	shalt  }
0x41: {  	_ =	shalt  }
0x42: {  	_ =	shalt  }
0x43: {  	_ =	shalt  }
0x44: {  	_ =	shalt  }
0x45: {  	_ =	shalt  }
0x46: {  	_ =	shalt  }
0x47: {  	_ =	shalt  }
0x48: {  	_ =	shalt  }
0x49: {  	_ =	shalt  }
0x4a: {  	_ =	shalt  }
0x4b: {  	_ =	shalt  }
0x4c: {  	_ =	shalt  }
0x4d: {  	_ =	shalt  }
0x4e: {  	_ =	shalt  }
0x4f: {  	_ =	shalt  }
0x50: {  	_ =	shalt  }
0x51: {  	_ =	shalt  }
0x52: {  	_ =	shalt  }
0x53: {  	_ =	shalt  }
0x54: {  	_ =	shalt  }
0x55: {  	_ =	shalt  }
0x56: {  	_ =	shalt  }
0x57: {  	_ =	shalt  }
0x58: {  	_ =	shalt  }
0x59: {  	_ =	shalt  }
0x5a: {  	_ =	shalt  }
0x5b: {  	_ =	shalt  }
0x5c: {  	_ =	shalt  }
0x5d: {  	_ =	shalt  }
0x5e: {  	_ =	shalt  }
0x5f: {  	_ =	shalt  }
0x60: {  	_ =	shalt  }
0x61: {  	_ =	shalt  }
0x62: {  	_ =	shalt  }
0x63: {  	_ =	shalt  }
0x64: {  	_ =	shalt  }
0x65: {  	_ =	shalt  }
0x66: {  	_ =	shalt  }
0x67: {  	_ =	shalt  }
0x68: {  	_ =	shalt  }
0x69: {  	_ =	shalt  }
0x6a: {  	_ =	shalt  }
0x6b: {  	_ =	shalt  }
0x6c: {  	_ =	shalt  }
0x6d: {  	_ =	shalt  }
0x6e: {  	_ =	shalt  }
0x6f: {  	_ =	shalt  }
0x70: {  	_ =	shalt  }
0x71: {  	_ =	shalt  }
0x72: {  	_ =	shalt  }
0x73: {  	_ =	shalt  }
0x74: {  	_ =	shalt  }
0x75: {  	_ =	shalt  }
0x76: {  	_ =	shalt  }
0x77: {  	_ =	shalt  }
0x78: {  	_ =	shalt  }
0x79: {  	_ =	shalt  }
0x7a: {  	_ =	shalt  }
0x7b: {  	_ =	shalt  }
0x7c: {  	_ =	shalt  }
0x7d: {  	_ =	shalt  }
0x7e: {  	_ =	shalt  }
0x7f: {  	_ =	shalt  }
0x80: {  	_ =	shalt  }
0x81: {  	_ =	shalt  }
0x82: {  	_ =	shalt  }
0x83: {  	_ =	shalt  }
0x84: {  	_ =	shalt  }
0x85: {  	_ =	shalt  }
0x86: {  	_ =	shalt  }
0x87: {  	_ =	shalt  }
.Lfunc_end0:
.L_simem_size_0:
called_computation_lowered:
.L_overlay_start_0:
0x88: {  	s2 =	sld [smem:$0x3FD9]  }
0x89: {  	s3 =	sld [smem:$0x3FFE];
	_ =	sdelay $0x1  }
0x8a: {  	s1 =	srdreg.scid  }
0x8b: {  	s0 =	sand.u32 $0x1, s1  }
0x8c: {  	s17 =	sshll.u32 s0, $0xA;
	s2 =	sadd.s32 s3, s2  }
0x8d: {  	s2 =	sadd.s32 s2, s17  }
0x8e: {  	[smem:$0x3FC0] =	sst s2  }
0x8f: {  	_ = 	snop  }
0x90: {  	s2 =	sld [smem:$0x3FD0];
	(tm) =	ssettm $0x1  }
0x91: {  	s18 =	sld [smem:$0x3FFB];
	_ =	sdelay $0x3  }
0x92: {  	_ =	strace s18  }
0x93: {  	s3 =	sld [smem:$0x3FFC];
	_ =	sdelay $0x3  }
0x94: {  	_ =	strace s3  }
0x95: {  	s3 =	sld [smem:$0x3FFD];
	_ =	sdelay $0x3  }
0x96: {  	_ =	strace s3  }
0x97: {  	_ =	strace $0x8FFFFFFF  }
0x98: {  	s19 =	sld [smem:$0x3FDB];
	_ =	sdelay $0x1  }
0x99: {  	s4 =	simm.s32 $_scs_section_size  }
0x9a: {  	s5 =	simm.s32 $_size__tile_overlayer_lowered;
	s6 =	simm.s32 $_tile_overlayer_lowered  }
0x9b: {  	s22 =	simm.s32 $0x1BFF;
	s21 =	sshll.u32 s6, $0x1;
	s3 =	sadd.s32 s4, s19  }
0x9c: {  	s7 =	simm.s32 $0x0;
	s20 =	sshll.u32 s5, $0x1;
	s5 =	sadd.s32 s21, s3  }
0x9d: {  	[timem:s7], [sflag:s22] =	dma.local [hbm:s5], s20  }
0x9e: {  	_ =	swait.ge [sflag:s22], s20  }
0x9f: {  	s4 =	ssub.s32 $0x0, s20;
	[sflag:s22] =	ssyncset.done $0x0  }
0xa0: {  	[sflag:s22] =	ssyncadd.s32 s4;
	_ =	sdelay $0x1  }
0xa1: {  	s23 =	simm.s32 $0x1B8B  }
0xa2: {  	_ =	swait.ge [sflag:s23], $0x1  }
0xa3: {  	[sflag:s23] =	ssyncset.done $0x0  }
0xa4: {  	s25 =	simm.s32 $0x1B8E;
	s24 =	sld [smem:$0x3FFE];
	[sflag:s23] =	ssyncadd.s32 $0xFFFFFFFF  }
0xa5: {  	s26 =	simm.s32 $execute0_lowered;
	[smem:$0x3FD2] =	sst s25  }
0xa6: {  	s5 =	sshll.u32 s26, $0x1;
	_ =	strace $0x80000046;
	[dreg:$0x1] =	wrdreg $0xFFFFFFFF  }
0xa7: {  	s28 =	simm.s32 $_size_execute0_lowered;
	s3 =	sadd.s32 s3, s5;
	[dreg:$0x0] =	wrdreg $0x0  }
0xa8: {  	s5 =	sshll.u32 s28, $0x1;
	[dreg:$0x2] =	wrdreg s3  }
0xa9: {  	[dreg:$0x3] =	wrdreg s5  }
0xaa: {  	[dreg:$0x4] =	wrdreg $0xC0  }
0xab: {  	_ =	task [dreg:s7], $0x5FFFF  }
0xac: {  	[dreg:$0x1] =	wrdreg $0xFFFFFFFF  }
0xad: {  	[dreg:$0x0] =	wrdreg $0x60  }
0xae: {  	[dreg:$0x2] =	wrdreg s24  }
0xaf: {  	[dreg:$0x3] =	wrdreg s2  }
0xb0: {  	[dreg:$0x4] =	wrdreg $0x9  }
0xb1: {  	_ =	task.clear_ibuf [dreg:s7], $0x5FFFF;
	_ =	strace $0x90000046  }
0xb2: {  	s29 =	simm.s32 $0x9;
	_ =	strace $0x80000048  }
0xb3: {  	_ =	swait.ge [sflag:s29], $0x1  }
0xb4: {  	[sflag:s29] =	ssyncadd.s32 $0xFFFFFFFF  }
0xb5: {  	_ =	strace $0x90000048  }
0xb6: {  	_ =	sfence  }
0xb7: {  	s30 =	sld [smem:$0x0];
	_ =	sdelay $0x2  }
0xb8: {  	s31 =	sshll.u32 s1, $0xD;
	s1 =	sshrl.u32 s1, $0x2  }
0xb9: {  	s3 =	sand.u32 $0x4000, s31;
	s1 =	sadd.s32 s1, s30  }
0xba: {  	s0 =	sor.u32 s3, s0;
	s1 =	sshll.u32 s1, $0x11  }
0xbb: {  	s0 =	sor.u32 s1, s0  }
0xbc: {  	s0 =	sadd.s32 $0x8F2B, s0  }
0xbd: {  	[sflag:s0] =	ssyncadd.remote.s32 $0x1  }
0xbe: {  	_ =	sfence.sel $0xFFFF  }
0xbf: {  	[dreg:$0x0] =	wrdreg $0xFFFFFFFF;
	(pc) =	sbr.abs _section_cstart, $3  }
0xc0: {  	[dreg:$0x1] =	wrdreg $0xFFFFFFFF  }
0xc1: {  	_ =	task.clear_ibuf [dreg:s7], $0x2FFFF;
	_ =	strace $0x9FFFFFFF  }
0xc2: {  	(tm) =	ssettm $0x7FFFFFFF  }
0xc3: {  	_ =	shalt  }
tec
execute0_lowered:
.L_overlay_start_1:
0x0: {  	(tag) =	ssettag $0x1  }
0x1: {  	s14 =	rddreg [dreg:$0x0];
	s4 =	simm.s32 $0x0  }
0x2: {  	s0 =	srdreg.scid;
	s1 =	stileid.u32;
	s28 =	simm.s32 $0x80  }
0x3: {  	s29 =	simm.s32 $0x6580;
	s30 =	simm.s32 $0x6680;
	s31 =	simm.s32 $0x6600  }
0x4: {  	[smem:$0x7FF] =	sst s4;
	s0 =	sand.u32 $0x1, s0;
	s1 =	sshll.u32 s1, $0x1  }
0x5: {  	s2 =	sadd.s32 $0x1400, s14;
	s21 =	sadd.s32 $0x1000, s14;
	s22 =	sadd.s32 $0x600, s14  }
0x6: {  	s3 =	sadd.s32 $0x21800, s14;
	_ =	strace $0x80000047;
	[dreg:$0x3] =	wrdreg s2  }
0x7: {  	s18 =	sadd.s32 $0x200, s14;
	s1 =	sor.u32 s0, s1;
	[dreg:$0x4] =	wrdreg s21  }
0x8: {  	[dreg:$0x5] =	wrdreg s22;
	s0 =	ssub.s32 $0x2, s0;
	s2 =	simm.s32 $0x1  }
0x9: {  	s23 =	sshll.u32 s1, $0x3;
	s6 =	sshrl.u32 s0, $0x1;
	s7 =	sshll.u32 s1, $0xF  }
0xa: {  	s1 =	sshllo.u32 s1, $0x3;
	s5 =	sor.u32 $0x1, s23;
	s0 =	ssub.s32 s0, s6  }
0xb: {  	s26 =	sadd.s32 s3, s7;
	s15 =	sor.u32 $0x3, s23;
	s16 =	sor.u32 $0x4, s23  }
0xc: {  	s21 =	sor.u32 $0x5, s23;
	s22 =	sor.u32 $0x6, s23;
	s13 =	sshll.u32 s1, $0xC  }
0xd: {  	v3 =	vmov s1;
	s1 =	simm.s32 $0x0;
	s8 =	sshll.u32 s5, $0xC;
	[dreg:$0x6] =	wrdreg s26  }
0xe: {  	s10 =	sshll.u32 s15, $0xC;
	s11 =	sshll.u32 s16, $0xC;
	s24 =	sshll.u32 s21, $0xC  }
0xf: {  	s12 =	sshll.u32 s22, $0xC;
	s26 =	sadd.s32 $0x400, s14;
	s17 =	smax.u32 s0, $0x1  }
0x10: {  	v6 =	vmov s21;
	v7 =	vmov s22;
	s0 =	simm.s32 $0xA680;
	s21 =	simm.s32 $0x12680;
	s22 =	simm.s32 $0x2  }
0x11: {  	s7 =	sadd.s32 s3, s8;
	s8 =	sor.u32 $0x2, s23;
	[dreg:$0xe] =	wrdreg s26  }
0x12: {  	s19 =	sadd.s32 s3, s10;
	s20 =	sadd.s32 s3, s11;
	[dreg:$0x7] =	wrdreg s7  }
0x13: {  	s11 =	sadd.s32 s3, s24;
	s25 =	sadd.s32 s3, s12;
	[dreg:$0x9] =	wrdreg s19  }
0x14: {  	v0 =	vmov s23;
	s23 =	simm.s32 $0x6000;
	s24 =	simm.s32 $0x6100;
	[dreg:$0xa] =	wrdreg s20  }
0x15: {  	v1 =	vmov s5;
	v4 =	vmov s15;
	v0 =	vbroadcast v0, $0x0;
	s26 =	simm.s32 $0x6300;
	s9 =	sshll.u32 s8, $0xC;
	[dreg:$0xb] =	wrdreg s11  }
0x16: {  	v5 =	vmov s16;
	v1 =	vbroadcast v1, $0x0;
	v4 =	vbroadcast v4, $0x0;
	[dreg:$0xc] =	wrdreg s25;
	s19 =	sadd.s32 $0x1800, s14;
	s9 =	sadd.s32 s3, s9  }
0x17: {  	v5 =	vbroadcast v5, $0x0;
	v6 =	vbroadcast v6, $0x0;
	s20 =	simm.s32 $0x3;
	v2 =	vmov s8;
	s3 =	sadd.s32 s3, s13;
	[dreg:$0x8] =	wrdreg s9  }
0x18: {  	v8 =	vlaneseq.u32;
	v7 =	vbroadcast v7, $0x0;
	s25 =	simm.s32 $0x6200;
	v2 =	vbroadcast v2, $0x0;
	[dreg:$0xd] =	wrdreg s3;
	s3 =	simm.s32 $0xE680  }
.LBB2_1:
0x19: {  	s5 =	rddreg [dreg:$0x3]  }
0x1a: {  	[tilespmem:s4], [sflag:$0x3] =	stream.linear.gather [hbm4b:s5+s4], $0x2000, $0x38;
	[tilespmem:$0x16680] =	vst v63  }
0x1b: {  	_ =	swait.ge [sflag:s20], $0x2000  }
0x1c: {  	[sflag:s20] =	ssyncset.done $0x0  }
0x1d: {  	s6 =	simm.s32 $0x2000;
	s7 =	rddreg [dreg:$0x4];
	[sflag:s20] =	ssyncadd.s32 $0xFFFFE000  }
0x1e: {  	[tilespmem:s6], [sflag:$0x3] =	stream.linear.gather [hbm4b:s7+s4], $0x2000, $0x38;
	[tilespmem:$0x16680] =	vst v63  }
0x1f: {  	_ =	swait.ge [sflag:s20], $0x2000  }
0x20: {  	[sflag:s20] =	ssyncset.done $0x0  }
0x21: {  	[sflag:s20] =	ssyncadd.s32 $0xFFFFE000  }
0x22: {  	s9 =	simm.s32 $0x4000;
	s8 =	rddreg [dreg:$0x1]  }
0x23: {  	[tilespmem:s9], [sflag:$0x3] =	stream.linear.gather [hbm4b:s8+s4], $0x2000, $0x38;
	[tilespmem:$0x16680] =	vst v63  }
0x24: {  	_ =	swait.ge [sflag:s20], $0x2000  }
0x25: {  	[sflag:s20] =	ssyncset.done $0x0  }
0x26: {  	s10 =	rddreg [dreg:$0x5];
	[sflag:s20] =	ssyncadd.s32 $0xFFFFE000  }
0x27: {  	[tilespmem:s23], [sflag:$0x3] =	stream.linear.gather [hbm4b:s10+s4], $0x100, $0x38;
	[tilespmem:$0x16680] =	vst v63  }
0x28: {  	_ =	swait.ge [sflag:s20], $0x100  }
0x29: {  	[sflag:s20] =	ssyncset.done $0x0  }
0x2a: {  	s11 =	rddreg [dreg:$0xe];
	[sflag:s20] =	ssyncadd.s32 $0xFFFFFF00  }
0x2b: {  	[tilespmem:s24], [sflag:$0x3] =	stream.linear.gather [hbm4b:s11+s4], $0x100, $0x38;
	[tilespmem:$0x16680] =	vst v63  }
0x2c: {  	_ =	swait.ge [sflag:s20], $0x100  }
0x2d: {  	[sflag:s20] =	ssyncset.done $0x0  }
0x2e: {  	[sflag:s20] =	ssyncadd.s32 $0xFFFFFF00  }
0x2f: {  	[tilespmem:s25], [sflag:$0x3] =	stream.linear.gather [hbm4b:s18+s4], $0x100, $0x38;
	[tilespmem:$0x16680] =	vst v63  }
0x30: {  	_ =	swait.ge [sflag:s20], $0x100  }
0x31: {  	[sflag:s20] =	ssyncset.done $0x0  }
0x32: {  	[sflag:s20] =	ssyncadd.s32 $0xFFFFFF00  }
0x33: {  	s12 =	rddreg [dreg:$0x0]  }
0x34: {  	[tilespmem:s26], [sflag:$0x3] =	stream.linear.gather [hbm4b:s12+s4], $0x100, $0x38;
	[tilespmem:$0x16680] =	vst v63  }
0x35: {  	_ =	swait.ge [sflag:s20], $0x100  }
0x36: {  	[sflag:s20] =	ssyncset.done $0x0  }
0x37: {  	[sflag:s20] =	ssyncadd.s32 $0xFFFFFF00  }
0x38: {  	v12 =	vld.idx.msk [tilespmem:v0+s26+$0x0], $0xffff;
	_ =	sdelay $0x2  }
0x39: {  	v9 =	vld.idx.msk [tilespmem:v0+s23+$0x0], $0xffff  }
0x3a: {  	v11 =	vld.idx.msk [tilespmem:v0+s24+$0x0], $0xffff  }
0x3b: {  	v10 =	vld.idx.msk [tilespmem:v0+s25+$0x0], $0xffff;
	[tilespmem:$0x6400] =	vst v12  }
0x3c: {  	[tilespmem:$0x6410] =	vst v12  }
0x3d: {  	[tilespmem:$0x6420] =	vst v12  }
0x3e: {  	[tilespmem:$0x6430] =	vst v12  }
0x3f: {  	[tilespmem:$0x6440] =	vst v12  }
0x40: {  	[tilespmem:$0x6450] =	vst v12  }
0x41: {  	[tilespmem:$0x6460] =	vst v12  }
0x42: {  	[tilespmem:$0x6470] =	vst v12  }
0x43: {  	[tilespmem:$0x6480] =	vst v12  }
0x44: {  	[tilespmem:$0x6490] =	vst v12  }
0x45: {  	[tilespmem:$0x64A0] =	vst v12  }
0x46: {  	[tilespmem:$0x64B0] =	vst v12  }
0x47: {  	[tilespmem:$0x64C0] =	vst v12  }
0x48: {  	[tilespmem:$0x64D0] =	vst v12  }
0x49: {  	[tilespmem:$0x64E0] =	vst v12  }
0x4a: {  	[tilespmem:$0x64F0] =	vst v12  }
0x4b: {  	[tilespmem:$0x6500] =	vst v12  }
0x4c: {  	s9 =	simm.s32 $0x2020;
	[tilespmem:$0x6510] =	vst v12  }
0x4d: {  	s8 =	simm.s32 $0x20;
	v12 =	vld [tilespmem:s9+$0xFFFFFFE0]  }
0x4e: {  	v13 =	vld [tilespmem:s8+$0xFFFFFFE0]  }
0x4f: {  	s10 =	simm.s32 $0x4020  }
0x50: {  	v14 =	vld [tilespmem:s10+$0xFFFFFFE0];
	_ =	sdelay $0x2  }
0x51: {  	v12 =	vsub.f32 v12, v11;
	v13 =	vsub.f32 v13, v9;
	_ =	sdelay $0x1  }
0x52: {  	v14 =	vsub.f32 v14, v10;
	v13 =	vmul.f32 v13, v13;
	v12 =	vmul.f32 v12, v12;
	_ =	sdelay $0x1  }
0x53: {  	v54 =	vmul.f32 v14, v14;
	v12 =	vadd.f32 v12, v13;
	_ =	sdelay $0x1  }
0x54: {  	v12 =	vadd.f32 v54, v12;
	_ =	sdelay $0x1  }
0x55: {  	vm0 =	vle.f32 v12, $1.600000110e-01  }
0x56: {  	v12 =	vmpcnt.ones.xlane vm0  }
0x57: {  	p0 =	por $0x1, $0x1;
	s5 =	simm.s32 $0x0  }
0x58: {  	v55 =	vor.u32 s4, v8;
	s5 =	simm.s32 @!p0 $0x100;
	(v2sf) =	vpush v12, $0x0  }
0x59: {  	[tilespmem:s5+$0x6400] =	vst.msk vm0, v55  }
0x5a: {  	v56 =	vld [tilespmem:s8+$0xFFFFFFF0]  }
0x5b: {  	v13 =	vld [tilespmem:s9+$0xFFFFFFF0];
	_ =	sdelay $0x1  }
0x5c: {  	v57 =	vld [tilespmem:s10+$0xFFFFFFF0];
	_ =	sdelay $0x2  }
0x5d: {  	v12 =	vsub.f32 v56, v9;
	v13 =	vsub.f32 v13, v11;
	_ =	sdelay $0x1  }
0x5e: {  	v14 =	vsub.f32 v57, v10;
	v12 =	vmul.f32 v12, v12;
	v13 =	vmul.f32 v13, v13;
	_ =	sdelay $0x1  }
0x5f: {  	v58 =	vmul.f32 v14, v14;
	v12 =	vadd.f32 v13, v12;
	_ =	sdelay $0x1  }
0x60: {  	v12 =	vadd.f32 v58, v12  }
0x61: {  	s13 =	spop (v2sf)  }
0x62: {  	vm14 =	vle.f32 v12, $1.600000110e-01;
	s5 =	sadd.s32 $0x0, s13  }
0x63: {  	s14 =	simm.s32 $0x10;
	v12 =	vmpcnt.ones.xlane vm14;
	p0 =	slt.s32 s5, $0x100;
	s7 =	smov.u32 s5  }
0x64: {  	v59 =	vor.u32 s14, v8;
	s7 =	simm.s32 @!p0 $0x100  }
0x65: {  	(v2sf) =	vpush v12, $0x0;
	[tilespmem:s7+$0x6400] =	vst.msk vm14, v59  }
0x66: {  	v60 =	vld [tilespmem:s8+$0x0]  }
0x67: {  	v13 =	vld [tilespmem:s9+$0x0];
	_ =	sdelay $0x1  }
0x68: {  	v61 =	vld [tilespmem:s10+$0x0];
	_ =	sdelay $0x2  }
0x69: {  	v12 =	vsub.f32 v60, v9;
	v13 =	vsub.f32 v13, v11;
	_ =	sdelay $0x1  }
0x6a: {  	v14 =	vsub.f32 v61, v10;
	v12 =	vmul.f32 v12, v12;
	v13 =	vmul.f32 v13, v13;
	_ =	sdelay $0x1  }
0x6b: {  	v62 =	vmul.f32 v14, v14;
	v12 =	vadd.f32 v13, v12;
	_ =	sdelay $0x1  }
0x6c: {  	v12 =	vadd.f32 v62, v12;
	_ =	sdelay $0x1  }
0x6d: {  	s15 =	spop (v2sf);
	vm15 =	vle.f32 v12, $1.600000110e-01  }
0x6e: {  	s16 =	simm.s32 $0x20;
	s14 =	sadd.s32 s5, s15;
	v12 =	vmpcnt.ones.xlane vm15  }
0x6f: {  	s6 =	simm.s32 $0x4060;
	p0 =	slt.s32 s14, $0x100;
	s11 =	smov.u32 s14  }
0x70: {  	v63 =	vor.u32 s16, v8;
	s12 =	simm.s32 $0x30;
	s13 =	simm.s32 $0x4;
	s11 =	simm.s32 @!p0 $0x100;
	(v2sf) =	vpush v12, $0x0  }
0x71: {  	s7 =	simm.s32 $0x2060;
	s5 =	simm.s32 $0x60;
	[tilespmem:s11+$0x6400] =	vst.msk vm15, v63;
	s11 =	simm.s32 $0x0  }
.LBB2_2:
0x72: {  	s13 =	sadd.s32 $0x4, s13;
	v12 =	vld [tilespmem:s9+$0x10];
	s11 =	sadd.s32 $0x40, s11;
	s9 =	smov.u32 s7  }
0x73: {  	p0 =	slt.u32 s13, $0x1FC;
	s15 =	sadd.s32 $0x30, s11;
	v13 =	vld [tilespmem:s8+$0x10];
	s8 =	smov.u32 s5  }
0x74: {  	_ = 	snop  }
0x75: {  	v14 =	vld [tilespmem:s10+$0x10];
	s10 =	smov.u32 s6;
	_ =	sdelay $0x1  }
0x76: {  	v12 =	vsub.f32 v12, v11  }
0x77: {  	v13 =	vsub.f32 v13, v9  }
0x78: {  	v12 =	vmul.f32 v12, v12  }
0x79: {  	v14 =	vsub.f32 v14, v10;
	v13 =	vmul.f32 v13, v13;
	_ =	sdelay $0x1  }
0x7a: {  	v12 =	vadd.f32 v12, v13;
	v13 =	vmul.f32 v14, v14;
	_ =	sdelay $0x1  }
0x7b: {  	v12 =	vadd.f32 v13, v12  }
0x7c: {  	s16 =	spop (v2sf)  }
0x7d: {  	s14 =	sadd.s32 s14, s16;
	vm0 =	vle.f32 v12, $1.600000110e-01  }
0x7e: {  	p1 =	slt.s32 s14, $0x100;
	v12 =	vmpcnt.ones.xlane vm0;
	s16 =	smov.u32 s14  }
0x7f: {  	v13 =	vor.u32 s12, v8;
	s12 =	smov.u32 s15;
	s16 =	simm.s32 @!p1 $0x100  }
0x80: {  	[tilespmem:s16+$0x6400] =	vst.msk vm0, v13;
	(v2sf) =	vpush v12, $0x0  }
0x81: {  	v12 =	vld [tilespmem:s7+$0xFFFFFFE0]  }
0x82: {  	v13 =	vld [tilespmem:s5+$0xFFFFFFE0];
	_ =	sdelay $0x1  }
0x83: {  	v14 =	vld [tilespmem:s6+$0xFFFFFFE0];
	_ =	sdelay $0x1  }
0x84: {  	v12 =	vsub.f32 v12, v11  }
0x85: {  	v13 =	vsub.f32 v13, v9;
	_ =	sdelay $0x1  }
0x86: {  	v12 =	vmul.f32 v12, v12;
	v14 =	vsub.f32 v14, v10;
	v13 =	vmul.f32 v13, v13;
	_ =	sdelay $0x1  }
0x87: {  	v12 =	vadd.f32 v12, v13;
	v13 =	vmul.f32 v14, v14;
	_ =	sdelay $0x1  }
0x88: {  	v12 =	vadd.f32 v13, v12;
	_ =	sdelay $0x1  }
0x89: {  	vm0 =	vle.f32 v12, $1.600000110e-01;
	s15 =	spop (v2sf)  }
0x8a: {  	v12 =	vmpcnt.ones.xlane vm0;
	s14 =	sadd.s32 s14, s15  }
0x8b: {  	p1 =	slt.s32 s14, $0x100;
	s15 =	smov.u32 s14  }
0x8c: {  	v13 =	vor.u32 s11, v8;
	s15 =	simm.s32 @!p1 $0x100;
	(v2sf) =	vpush v12, $0x0  }
0x8d: {  	[tilespmem:s15+$0x6400] =	vst.msk vm0, v13  }
0x8e: {  	v12 =	vld [tilespmem:s5+$0xFFFFFFF0]  }
0x8f: {  	v13 =	vld [tilespmem:s7+$0xFFFFFFF0];
	_ =	sdelay $0x1  }
0x90: {  	v14 =	vld [tilespmem:s6+$0xFFFFFFF0];
	_ =	sdelay $0x1  }
0x91: {  	v12 =	vsub.f32 v12, v9  }
0x92: {  	v13 =	vsub.f32 v13, v11;
	_ =	sdelay $0x1  }
0x93: {  	v12 =	vmul.f32 v12, v12;
	v14 =	vsub.f32 v14, v10;
	v13 =	vmul.f32 v13, v13;
	_ =	sdelay $0x1  }
0x94: {  	v12 =	vadd.f32 v13, v12;
	v13 =	vmul.f32 v14, v14;
	_ =	sdelay $0x1  }
0x95: {  	v12 =	vadd.f32 v13, v12  }
0x96: {  	s15 =	spop (v2sf)  }
0x97: {  	s14 =	sadd.s32 s14, s15;
	vm0 =	vle.f32 v12, $1.600000110e-01  }
0x98: {  	s15 =	sadd.s32 $0x10, s11;
	p1 =	slt.s32 s14, $0x100;
	v12 =	vmpcnt.ones.xlane vm0;
	s16 =	smov.u32 s14  }
0x99: {  	v13 =	vor.u32 s15, v8;
	s16 =	simm.s32 @!p1 $0x100  }
0x9a: {  	[tilespmem:s16+$0x6400] =	vst.msk vm0, v13;
	(v2sf) =	vpush v12, $0x0  }
0x9b: {  	v12 =	vld [tilespmem:s5+$0x0]  }
0x9c: {  	v13 =	vld [tilespmem:s7+$0x0];
	_ =	sdelay $0x1  }
0x9d: {  	v14 =	vld [tilespmem:s6+$0x0];
	_ =	sdelay $0x1  }
0x9e: {  	v12 =	vsub.f32 v12, v9  }
0x9f: {  	v13 =	vsub.f32 v13, v11  }
0xa0: {  	s5 =	sadd.s32 $0x40, s5;
	v12 =	vmul.f32 v12, v12  }
0xa1: {  	v14 =	vsub.f32 v14, v10;
	v13 =	vmul.f32 v13, v13  }
0xa2: {  	s7 =	sadd.s32 $0x40, s7  }
0xa3: {  	v12 =	vadd.f32 v13, v12;
	v13 =	vmul.f32 v14, v14  }
0xa4: {  	s6 =	sadd.s32 $0x40, s6  }
0xa5: {  	v12 =	vadd.f32 v13, v12;
	_ =	sdelay $0x1  }
.Ltmp0:
0xa6: {  	vm0 =	vle.f32 v12, $1.600000110e-01;
	s15 =	spop (v2sf);
	(pc) =	sbr.rel @p0 .LBB2_2-.Ltmp0, $4  }
0xa7: {  	s14 =	sadd.s32 s14, s15;
	v12 =	vmpcnt.ones.xlane vm0  }
0xa8: {  	s15 =	sadd.s32 $0x20, s11;
	p1 =	slt.s32 s14, $0x100;
	s16 =	smov.u32 s14  }
0xa9: {  	v13 =	vor.u32 s15, v8;
	s16 =	simm.s32 @!p1 $0x100;
	(v2sf) =	vpush v12, $0x0  }
0xaa: {  	[tilespmem:s16+$0x6400] =	vst.msk vm0, v13  }
0xab: {  	_ =	sdelay $0x1  }
0xac: {  	v12 =	vld [tilespmem:s9+$0x10]  }
0xad: {  	v13 =	vld [tilespmem:s8+$0x10];
	_ =	sdelay $0x1  }
0xae: {  	v14 =	vld [tilespmem:s10+$0x10];
	_ =	sdelay $0x2  }
0xaf: {  	v12 =	vsub.f32 v12, v11;
	v13 =	vsub.f32 v13, v9;
	_ =	sdelay $0x1  }
0xb0: {  	v14 =	vsub.f32 v14, v10;
	v12 =	vmul.f32 v12, v12;
	v13 =	vmul.f32 v13, v13;
	_ =	sdelay $0x1  }
0xb1: {  	v26 =	vmul.f32 v14, v14;
	v12 =	vadd.f32 v12, v13  }
0xb2: {  	s9 =	spop (v2sf)  }
0xb3: {  	v12 =	vadd.f32 v26, v12;
	s8 =	sadd.s32 s14, s9  }
0xb4: {  	p0 =	slt.s32 s8, $0x100;
	s9 =	smov.u32 s8  }
0xb5: {  	v27 =	vor.u32 s12, v8;
	vm0 =	vle.f32 v12, $1.600000110e-01;
	s9 =	simm.s32 @!p0 $0x100  }
0xb6: {  	v28 =	vmpcnt.ones.xlane vm0;
	[tilespmem:s9+$0x6400] =	vst.msk vm0, v27  }
0xb7: {  	v12 =	vld [tilespmem:s7+$0xFFFFFFE0]  }
0xb8: {  	(v2sf) =	vpush v28, $0x0;
	v29 =	vld [tilespmem:s5+$0xFFFFFFE0];
	_ =	sdelay $0x1  }
0xb9: {  	v30 =	vld [tilespmem:s6+$0xFFFFFFE0];
	_ =	sdelay $0x2  }
0xba: {  	v12 =	vsub.f32 v12, v11;
	v13 =	vsub.f32 v29, v9;
	_ =	sdelay $0x1  }
0xbb: {  	v14 =	vsub.f32 v30, v10;
	v13 =	vmul.f32 v13, v13;
	v12 =	vmul.f32 v12, v12;
	_ =	sdelay $0x1  }
0xbc: {  	v31 =	vmul.f32 v14, v14;
	v12 =	vadd.f32 v12, v13;
	_ =	sdelay $0x1  }
0xbd: {  	v12 =	vadd.f32 v31, v12;
	_ =	sdelay $0x1  }
0xbe: {  	vm9 =	vle.f32 v12, $1.600000110e-01  }
0xbf: {  	v12 =	vmpcnt.ones.xlane vm9  }
0xc0: {  	s10 =	spop (v2sf)  }
0xc1: {  	s9 =	sadd.s32 s8, s10;
	(v2sf) =	vpush v12, $0x0  }
0xc2: {  	s12 =	sadd.s32 $0x40, s11;
	p0 =	slt.s32 s9, $0x100;
	s10 =	smov.u32 s9  }
0xc3: {  	v32 =	vor.u32 s12, v8;
	s10 =	simm.s32 @!p0 $0x100  }
0xc4: {  	[tilespmem:s10+$0x6400] =	vst.msk vm9, v32  }
0xc5: {  	v12 =	vld [tilespmem:s5+$0xFFFFFFF0]  }
0xc6: {  	v33 =	vld [tilespmem:s7+$0xFFFFFFF0];
	_ =	sdelay $0x1  }
0xc7: {  	v34 =	vld [tilespmem:s6+$0xFFFFFFF0];
	_ =	sdelay $0x2  }
0xc8: {  	v12 =	vsub.f32 v12, v9;
	v13 =	vsub.f32 v33, v11;
	_ =	sdelay $0x1  }
0xc9: {  	v14 =	vsub.f32 v34, v10;
	v12 =	vmul.f32 v12, v12;
	v13 =	vmul.f32 v13, v13;
	_ =	sdelay $0x1  }
0xca: {  	v35 =	vmul.f32 v14, v14;
	v12 =	vadd.f32 v13, v12  }
0xcb: {  	s13 =	spop (v2sf)  }
0xcc: {  	v12 =	vadd.f32 v35, v12;
	s9 =	sadd.s32 s9, s13  }
0xcd: {  	s14 =	sadd.s32 $0x10, s12;
	p0 =	slt.s32 s9, $0x100;
	s11 =	smov.u32 s9  }
0xce: {  	v36 =	vor.u32 s14, v8;
	vm10 =	vle.f32 v12, $1.600000110e-01;
	s11 =	simm.s32 @!p0 $0x100  }
0xcf: {  	v37 =	vmpcnt.ones.xlane vm10;
	[tilespmem:s11+$0x6400] =	vst.msk vm10, v36  }
0xd0: {  	v12 =	vld [tilespmem:s5+$0x0]  }
0xd1: {  	(v2sf) =	vpush v37, $0x0;
	v38 =	vld [tilespmem:s7+$0x0];
	_ =	sdelay $0x1  }
0xd2: {  	v39 =	vld [tilespmem:s6+$0x0];
	_ =	sdelay $0x2  }
0xd3: {  	v12 =	vsub.f32 v12, v9;
	v13 =	vsub.f32 v38, v11;
	_ =	sdelay $0x1  }
0xd4: {  	v14 =	vsub.f32 v39, v10;
	v12 =	vmul.f32 v12, v12;
	v13 =	vmul.f32 v13, v13;
	_ =	sdelay $0x1  }
0xd5: {  	v40 =	vmul.f32 v14, v14;
	v12 =	vadd.f32 v13, v12;
	_ =	sdelay $0x1  }
0xd6: {  	v12 =	vadd.f32 v40, v12;
	_ =	sdelay $0x1  }
0xd7: {  	vm11 =	vle.f32 v12, $1.600000110e-01  }
0xd8: {  	v12 =	vmpcnt.ones.xlane vm11  }
0xd9: {  	s15 =	spop (v2sf)  }
0xda: {  	s9 =	sadd.s32 s9, s15;
	(v2sf) =	vpush v12, $0x0  }
0xdb: {  	s16 =	sadd.s32 $0x20, s12;
	p0 =	slt.s32 s9, $0x100;
	s11 =	smov.u32 s9  }
0xdc: {  	v41 =	vor.u32 s16, v8;
	s11 =	simm.s32 @!p0 $0x100  }
0xdd: {  	[tilespmem:s11+$0x6400] =	vst.msk vm11, v41  }
0xde: {  	v12 =	vld [tilespmem:s7+$0x10]  }
0xdf: {  	v42 =	vld [tilespmem:s5+$0x10];
	_ =	sdelay $0x1  }
0xe0: {  	v43 =	vld [tilespmem:s6+$0x10];
	_ =	sdelay $0x2  }
0xe1: {  	v11 =	vsub.f32 v12, v11;
	v9 =	vsub.f32 v42, v9;
	_ =	sdelay $0x1  }
0xe2: {  	v10 =	vsub.f32 v43, v10;
	v11 =	vmul.f32 v11, v11;
	v9 =	vmul.f32 v9, v9;
	_ =	sdelay $0x1  }
0xe3: {  	v10 =	vmul.f32 v10, v10;
	v9 =	vadd.f32 v11, v9  }
0xe4: {  	s7 =	spop (v2sf)  }
0xe5: {  	v9 =	vadd.f32 v10, v9;
	s5 =	sadd.s32 s9, s7  }
0xe6: {  	s10 =	sadd.s32 $0x30, s12;
	p0 =	slt.s32 s5, $0x100  }
0xe7: {  	vm12 =	vle.f32 v9, $1.600000110e-01;
	v9 =	vor.u32 s10, v8;
	s5 =	simm.s32 @!p0 $0x100  }
0xe8: {  	[tilespmem:s5+$0x6400] =	vst.msk vm12, v9  }
0xe9: {  	v9 =	vld [tilespmem:$0x6400]  }
0xea: {  	v10 =	vld [tilespmem:$0x6410]  }
0xeb: {  	v11 =	vld [tilespmem:$0x6420]  }
0xec: {  	v44 =	vld [tilespmem:$0x6430]  }
0xed: {  	v45 =	vld [tilespmem:$0x6440]  }
0xee: {  	v46 =	vmpcnt.ones.xlane vm12;
	[tilespmem:$0x6580] =	vst v9;
	v9 =	vld [tilespmem:$0x6450]  }
0xef: {  	v47 =	vld [tilespmem:$0x6480];
	[tilespmem:$0x6590] =	vst v10  }
0xf0: {  	(v2sf) =	vpush v46, $0x0;
	v48 =	vld [tilespmem:$0x6490];
	[tilespmem:$0x65A0] =	vst v11  }
0xf1: {  	v10 =	vld [tilespmem:$0x6460];
	[tilespmem:$0x65B0] =	vst v44  }
0xf2: {  	v11 =	vld [tilespmem:$0x6470];
	[tilespmem:$0x65C0] =	vst v45  }
0xf3: {  	[tilespmem:$0x65D0] =	vst v9;
	v9 =	vld [tilespmem:$0x64A0]  }
0xf4: {  	v49 =	vld [tilespmem:$0x64D0];
	[tilespmem:$0x6600] =	vst v47  }
0xf5: {  	v50 =	vld [tilespmem:$0x64E0];
	[tilespmem:$0x6610] =	vst v48  }
0xf6: {  	[tilespmem:$0x65E0] =	vst v10;
	v10 =	vld [tilespmem:$0x64B0]  }
0xf7: {  	[tilespmem:$0x65F0] =	vst v11;
	v11 =	vld [tilespmem:$0x64C0]  }
0xf8: {  	[tilespmem:$0x6620] =	vst v9;
	v9 =	vld [tilespmem:$0x64F0]  }
0xf9: {  	[tilespmem:$0x6650] =	vst v49  }
0xfa: {  	[tilespmem:$0x6660] =	vst v50  }
0xfb: {  	[tilespmem:$0x6630] =	vst v10  }
0xfc: {  	[tilespmem:$0x6640] =	vst v11  }
0xfd: {  	[tilespmem:$0x6670] =	vst v9  }
0xfe: {  	[tilespmem:s30], [sflag:$0x1] =	stream.indirect.gather [hbm4b:s19+s28], $0x80, s29, s28, $0xb8;
	[tilespmem:$0x16680] =	vst v63  }
0xff: {  	s11 =	spop (v2sf)  }
0x100: {  	[tilespmem:s0], [sflag:$0x1] =	stream.indirect.gather [hbm4b:s19+s28], $0x80, s31, s28, $0xb8;
	[tilespmem:$0x16680] =	vst v63  }
0x101: {  	_ =	swait.ge [sflag:s2], $0x4000  }
0x102: {  	[sflag:s2] =	ssyncset.done $0x0  }
0x103: {  	[sflag:s2] =	ssyncadd.s32 $0xFFFFC000  }
0x104: {  	_ =	swait.ge [sflag:s2], $0x4000  }
0x105: {  	[sflag:s2] =	ssyncset.done $0x0  }
0x106: {  	s5 =	simm.s32 $0x0;
	s12 =	rddreg [dreg:$0x6];
	[sflag:s2] =	ssyncadd.s32 $0xFFFFC000  }
0x107: {  	[hbm4b:s12+s5] =	stream.linear.scatter [tilespmem:s30], [sflag:$0x2], $0x8000, $0x38;
	[tilespmem:$0x16680] =	vst v63  }
0x108: {  	v51 =	vld.idx.msk [tilespmem:v1+s26+$0x0], $0xffff;
	_ =	sdelay $0x2  }
0x109: {  	v9 =	vld.idx.msk [tilespmem:v1+s23+$0x0], $0xffff  }
0x10a: {  	v11 =	vld.idx.msk [tilespmem:v1+s24+$0x0], $0xffff  }
0x10b: {  	v10 =	vld.idx.msk [tilespmem:v1+s25+$0x0], $0xffff;
	[tilespmem:$0x6400] =	vst v51  }
0x10c: {  	[tilespmem:$0x6410] =	vst v51  }
0x10d: {  	[tilespmem:$0x6420] =	vst v51  }
0x10e: {  	[tilespmem:$0x6430] =	vst v51  }
0x10f: {  	[tilespmem:$0x6440] =	vst v51  }
0x110: {  	[tilespmem:$0x6450] =	vst v51  }
0x111: {  	[tilespmem:$0x6460] =	vst v51  }
0x112: {  	[tilespmem:$0x6470] =	vst v51  }
0x113: {  	[tilespmem:$0x6480] =	vst v51  }
0x114: {  	[tilespmem:$0x6490] =	vst v51  }
0x115: {  	[tilespmem:$0x64A0] =	vst v51  }
0x116: {  	[tilespmem:$0x64B0] =	vst v51  }
0x117: {  	[tilespmem:$0x64C0] =	vst v51  }
0x118: {  	[tilespmem:$0x64D0] =	vst v51  }
0x119: {  	[tilespmem:$0x64E0] =	vst v51  }
0x11a: {  	[tilespmem:$0x64F0] =	vst v51  }
0x11b: {  	[tilespmem:$0x6500] =	vst v51  }
0x11c: {  	s10 =	simm.s32 $0x2020;
	[tilespmem:$0x6510] =	vst v51  }
0x11d: {  	s9 =	simm.s32 $0x20;
	v12 =	vld [tilespmem:s10+$0xFFFFFFE0]  }
0x11e: {  	v52 =	vld [tilespmem:s9+$0xFFFFFFE0]  }
0x11f: {  	s11 =	simm.s32 $0x4020  }
0x120: {  	v53 =	vld [tilespmem:s11+$0xFFFFFFE0];
	_ =	sdelay $0x2  }
0x121: {  	v12 =	vsub.f32 v12, v11;
	v13 =	vsub.f32 v52, v9;
	_ =	sdelay $0x1  }
0x122: {  	v14 =	vsub.f32 v53, v10;
	v13 =	vmul.f32 v13, v13;
	v12 =	vmul.f32 v12, v12;
	_ =	sdelay $0x1  }
0x123: {  	v54 =	vmul.f32 v14, v14;
	v12 =	vadd.f32 v12, v13;
	_ =	sdelay $0x1  }
0x124: {  	v12 =	vadd.f32 v54, v12;
	_ =	sdelay $0x1  }
0x125: {  	vm13 =	vle.f32 v12, $1.600000110e-01  }
0x126: {  	v12 =	vmpcnt.ones.xlane vm13  }
0x127: {  	s6 =	simm.s32 $0x0;
	p0 =	por $0x1, $0x1  }
0x128: {  	s6 =	simm.s32 @!p0 $0x100;
	v55 =	vor.u32 s5, v8;
	(v2sf) =	vpush v12, $0x0  }
0x129: {  	[tilespmem:s6+$0x6400] =	vst.msk vm13, v55  }
0x12a: {  	v56 =	vld [tilespmem:s9+$0xFFFFFFF0]  }
0x12b: {  	v13 =	vld [tilespmem:s10+$0xFFFFFFF0];
	_ =	sdelay $0x1  }
0x12c: {  	v57 =	vld [tilespmem:s11+$0xFFFFFFF0];
	_ =	sdelay $0x2  }
0x12d: {  	v12 =	vsub.f32 v56, v9;
	v13 =	vsub.f32 v13, v11;
	_ =	sdelay $0x1  }
0x12e: {  	v14 =	vsub.f32 v57, v10;
	v12 =	vmul.f32 v12, v12;
	v13 =	vmul.f32 v13, v13;
	_ =	sdelay $0x1  }
0x12f: {  	v58 =	vmul.f32 v14, v14;
	v12 =	vadd.f32 v13, v12;
	_ =	sdelay $0x1  }
0x130: {  	v12 =	vadd.f32 v58, v12  }
0x131: {  	s13 =	spop (v2sf)  }
0x132: {  	vm14 =	vle.f32 v12, $1.600000110e-01;
	s6 =	sadd.s32 $0x0, s13  }
0x133: {  	s14 =	simm.s32 $0x10;
	v12 =	vmpcnt.ones.xlane vm14;
	p0 =	slt.s32 s6, $0x100;
	s8 =	smov.u32 s6  }
0x134: {  	v59 =	vor.u32 s14, v8;
	s8 =	simm.s32 @!p0 $0x100  }
0x135: {  	(v2sf) =	vpush v12, $0x0;
	[tilespmem:s8+$0x6400] =	vst.msk vm14, v59  }
0x136: {  	v60 =	vld [tilespmem:s9+$0x0]  }
0x137: {  	v13 =	vld [tilespmem:s10+$0x0];
	_ =	sdelay $0x1  }
0x138: {  	v61 =	vld [tilespmem:s11+$0x0];
	_ =	sdelay $0x2  }
0x139: {  	v12 =	vsub.f32 v60, v9;
	v13 =	vsub.f32 v13, v11;
	_ =	sdelay $0x1  }
0x13a: {  	v14 =	vsub.f32 v61, v10;
	v12 =	vmul.f32 v12, v12;
	v13 =	vmul.f32 v13, v13;
	_ =	sdelay $0x1  }
0x13b: {  	v62 =	vmul.f32 v14, v14;
	v12 =	vadd.f32 v13, v12;
	_ =	sdelay $0x1  }
0x13c: {  	v12 =	vadd.f32 v62, v12;
	_ =	sdelay $0x1  }
0x13d: {  	s15 =	spop (v2sf);
	vm15 =	vle.f32 v12, $1.600000110e-01  }
0x13e: {  	s14 =	sadd.s32 s6, s15;
	v12 =	vmpcnt.ones.xlane vm15  }
0x13f: {  	s16 =	simm.s32 $0x20;
	p0 =	slt.s32 s14, $0x100;
	s15 =	smov.u32 s14  }
0x140: {  	v63 =	vor.u32 s16, v8;
	s7 =	simm.s32 $0x4060;
	s12 =	simm.s32 $0x30;
	s15 =	simm.s32 @!p0 $0x100;
	(v2sf) =	vpush v12, $0x0  }
0x141: {  	s13 =	simm.s32 $0x4;
	s8 =	simm.s32 $0x2060;
	s6 =	simm.s32 $0x60;
	[tilespmem:s15+$0x6400] =	vst.msk vm15, v63  }
.LBB2_4:
0x142: {  	s13 =	sadd.s32 $0x4, s13;
	v12 =	vld [tilespmem:s10+$0x10];
	s5 =	sadd.s32 $0x40, s5;
	s10 =	smov.u32 s8  }
0x143: {  	p0 =	slt.u32 s13, $0x1FC;
	s15 =	sadd.s32 $0x30, s5;
	v13 =	vld [tilespmem:s9+$0x10];
	s9 =	smov.u32 s6  }
0x144: {  	_ = 	snop  }
0x145: {  	v14 =	vld [tilespmem:s11+$0x10];
	s11 =	smov.u32 s7;
	_ =	sdelay $0x1  }
0x146: {  	v12 =	vsub.f32 v12, v11  }
0x147: {  	v13 =	vsub.f32 v13, v9  }
0x148: {  	v12 =	vmul.f32 v12, v12  }
0x149: {  	v14 =	vsub.f32 v14, v10;
	v13 =	vmul.f32 v13, v13;
	_ =	sdelay $0x1  }
0x14a: {  	v12 =	vadd.f32 v12, v13;
	v13 =	vmul.f32 v14, v14;
	_ =	sdelay $0x1  }
0x14b: {  	v12 =	vadd.f32 v13, v12  }
0x14c: {  	s16 =	spop (v2sf)  }
0x14d: {  	s14 =	sadd.s32 s14, s16;
	vm0 =	vle.f32 v12, $1.600000110e-01  }
0x14e: {  	p1 =	slt.s32 s14, $0x100;
	v12 =	vmpcnt.ones.xlane vm0;
	s16 =	smov.u32 s14  }
0x14f: {  	v13 =	vor.u32 s12, v8;
	s12 =	smov.u32 s15;
	s16 =	simm.s32 @!p1 $0x100  }
0x150: {  	[tilespmem:s16+$0x6400] =	vst.msk vm0, v13;
	(v2sf) =	vpush v12, $0x0  }
0x151: {  	v12 =	vld [tilespmem:s8+$0xFFFFFFE0]  }
0x152: {  	v13 =	vld [tilespmem:s6+$0xFFFFFFE0];
	_ =	sdelay $0x1  }
0x153: {  	v14 =	vld [tilespmem:s7+$0xFFFFFFE0];
	_ =	sdelay $0x1  }
0x154: {  	v12 =	vsub.f32 v12, v11  }
0x155: {  	v13 =	vsub.f32 v13, v9;
	_ =	sdelay $0x1  }
0x156: {  	v12 =	vmul.f32 v12, v12;
	v14 =	vsub.f32 v14, v10;
	v13 =	vmul.f32 v13, v13;
	_ =	sdelay $0x1  }
0x157: {  	v12 =	vadd.f32 v12, v13;
	v13 =	vmul.f32 v14, v14;
	_ =	sdelay $0x1  }
0x158: {  	v12 =	vadd.f32 v13, v12;
	_ =	sdelay $0x1  }
0x159: {  	vm0 =	vle.f32 v12, $1.600000110e-01;
	s15 =	spop (v2sf)  }
0x15a: {  	v12 =	vmpcnt.ones.xlane vm0;
	s14 =	sadd.s32 s14, s15  }
0x15b: {  	p1 =	slt.s32 s14, $0x100;
	s15 =	smov.u32 s14  }
0x15c: {  	v13 =	vor.u32 s5, v8;
	s15 =	simm.s32 @!p1 $0x100;
	(v2sf) =	vpush v12, $0x0  }
0x15d: {  	[tilespmem:s15+$0x6400] =	vst.msk vm0, v13  }
0x15e: {  	v12 =	vld [tilespmem:s6+$0xFFFFFFF0]  }
0x15f: {  	v13 =	vld [tilespmem:s8+$0xFFFFFFF0];
	_ =	sdelay $0x1  }
0x160: {  	v14 =	vld [tilespmem:s7+$0xFFFFFFF0];
	_ =	sdelay $0x1  }
0x161: {  	v12 =	vsub.f32 v12, v9  }
0x162: {  	v13 =	vsub.f32 v13, v11;
	_ =	sdelay $0x1  }
0x163: {  	v12 =	vmul.f32 v12, v12;
	v14 =	vsub.f32 v14, v10;
	v13 =	vmul.f32 v13, v13;
	_ =	sdelay $0x1  }
0x164: {  	v12 =	vadd.f32 v13, v12;
	v13 =	vmul.f32 v14, v14;
	_ =	sdelay $0x1  }
0x165: {  	v12 =	vadd.f32 v13, v12  }
0x166: {  	s15 =	spop (v2sf)  }
0x167: {  	s14 =	sadd.s32 s14, s15;
	vm0 =	vle.f32 v12, $1.600000110e-01  }
0x168: {  	s15 =	sadd.s32 $0x10, s5;
	p1 =	slt.s32 s14, $0x100;
	v12 =	vmpcnt.ones.xlane vm0;
	s16 =	smov.u32 s14  }
0x169: {  	v13 =	vor.u32 s15, v8;
	s16 =	simm.s32 @!p1 $0x100  }
0x16a: {  	[tilespmem:s16+$0x6400] =	vst.msk vm0, v13;
	(v2sf) =	vpush v12, $0x0  }
0x16b: {  	v12 =	vld [tilespmem:s6+$0x0]  }
0x16c: {  	v13 =	vld [tilespmem:s8+$0x0];
	_ =	sdelay $0x1  }
0x16d: {  	v14 =	vld [tilespmem:s7+$0x0];
	_ =	sdelay $0x1  }
0x16e: {  	v12 =	vsub.f32 v12, v9  }
0x16f: {  	v13 =	vsub.f32 v13, v11  }
0x170: {  	s6 =	sadd.s32 $0x40, s6;
	v12 =	vmul.f32 v12, v12  }
0x171: {  	v14 =	vsub.f32 v14, v10;
	v13 =	vmul.f32 v13, v13  }
0x172: {  	s8 =	sadd.s32 $0x40, s8  }
0x173: {  	v12 =	vadd.f32 v13, v12;
	v13 =	vmul.f32 v14, v14  }
0x174: {  	s7 =	sadd.s32 $0x40, s7  }
0x175: {  	v12 =	vadd.f32 v13, v12;
	_ =	sdelay $0x1  }
.Ltmp1:
0x176: {  	vm0 =	vle.f32 v12, $1.600000110e-01;
	s15 =	spop (v2sf);
	(pc) =	sbr.rel @p0 .LBB2_4-.Ltmp1, $4  }
0x177: {  	s14 =	sadd.s32 s14, s15;
	v12 =	vmpcnt.ones.xlane vm0  }
0x178: {  	s15 =	sadd.s32 $0x20, s5;
	p1 =	slt.s32 s14, $0x100;
	s16 =	smov.u32 s14  }
0x179: {  	v13 =	vor.u32 s15, v8;
	s16 =	simm.s32 @!p1 $0x100;
	(v2sf) =	vpush v12, $0x0  }
0x17a: {  	[tilespmem:s16+$0x6400] =	vst.msk vm0, v13  }
0x17b: {  	_ =	sdelay $0x1  }
0x17c: {  	v12 =	vld [tilespmem:s10+$0x10]  }
0x17d: {  	v13 =	vld [tilespmem:s9+$0x10];
	_ =	sdelay $0x1  }
0x17e: {  	v14 =	vld [tilespmem:s11+$0x10];
	_ =	sdelay $0x2  }
0x17f: {  	v12 =	vsub.f32 v12, v11;
	v13 =	vsub.f32 v13, v9;
	_ =	sdelay $0x1  }
0x180: {  	v14 =	vsub.f32 v14, v10;
	v12 =	vmul.f32 v12, v12;
	v13 =	vmul.f32 v13, v13;
	_ =	sdelay $0x1  }
0x181: {  	v26 =	vmul.f32 v14, v14;
	v12 =	vadd.f32 v12, v13  }
0x182: {  	s11 =	spop (v2sf)  }
0x183: {  	v12 =	vadd.f32 v26, v12;
	s9 =	sadd.s32 s14, s11  }
0x184: {  	p0 =	slt.s32 s9, $0x100;
	s10 =	smov.u32 s9  }
0x185: {  	v27 =	vor.u32 s12, v8;
	vm0 =	vle.f32 v12, $1.600000110e-01;
	s10 =	simm.s32 @!p0 $0x100  }
0x186: {  	v28 =	vmpcnt.ones.xlane vm0;
	[tilespmem:s10+$0x6400] =	vst.msk vm0, v27  }
0x187: {  	v12 =	vld [tilespmem:s8+$0xFFFFFFE0]  }
0x188: {  	(v2sf) =	vpush v28, $0x0;
	v29 =	vld [tilespmem:s6+$0xFFFFFFE0];
	_ =	sdelay $0x1  }
0x189: {  	v30 =	vld [tilespmem:s7+$0xFFFFFFE0];
	_ =	sdelay $0x2  }
0x18a: {  	v12 =	vsub.f32 v12, v11;
	v13 =	vsub.f32 v29, v9;
	_ =	sdelay $0x1  }
0x18b: {  	v14 =	vsub.f32 v30, v10;
	v13 =	vmul.f32 v13, v13;
	v12 =	vmul.f32 v12, v12;
	_ =	sdelay $0x1  }
0x18c: {  	v31 =	vmul.f32 v14, v14;
	v12 =	vadd.f32 v12, v13;
	_ =	sdelay $0x1  }
0x18d: {  	v12 =	vadd.f32 v31, v12;
	_ =	sdelay $0x1  }
0x18e: {  	vm9 =	vle.f32 v12, $1.600000110e-01  }
0x18f: {  	v12 =	vmpcnt.ones.xlane vm9  }
0x190: {  	s12 =	spop (v2sf)  }
0x191: {  	s9 =	sadd.s32 s9, s12;
	(v2sf) =	vpush v12, $0x0  }
0x192: {  	s5 =	sadd.s32 $0x40, s5;
	p0 =	slt.s32 s9, $0x100;
	s10 =	smov.u32 s9  }
0x193: {  	v32 =	vor.u32 s5, v8;
	s10 =	simm.s32 @!p0 $0x100  }
0x194: {  	[tilespmem:s10+$0x6400] =	vst.msk vm9, v32  }
0x195: {  	v12 =	vld [tilespmem:s6+$0xFFFFFFF0]  }
0x196: {  	v33 =	vld [tilespmem:s8+$0xFFFFFFF0];
	_ =	sdelay $0x1  }
0x197: {  	v34 =	vld [tilespmem:s7+$0xFFFFFFF0];
	_ =	sdelay $0x2  }
0x198: {  	v12 =	vsub.f32 v12, v9;
	v13 =	vsub.f32 v33, v11;
	_ =	sdelay $0x1  }
0x199: {  	v14 =	vsub.f32 v34, v10;
	v12 =	vmul.f32 v12, v12;
	v13 =	vmul.f32 v13, v13;
	_ =	sdelay $0x1  }
0x19a: {  	v35 =	vmul.f32 v14, v14;
	v12 =	vadd.f32 v13, v12  }
0x19b: {  	s13 =	spop (v2sf)  }
0x19c: {  	v12 =	vadd.f32 v35, v12;
	s9 =	sadd.s32 s9, s13  }
0x19d: {  	s14 =	sadd.s32 $0x10, s5;
	p0 =	slt.s32 s9, $0x100;
	s11 =	smov.u32 s9  }
0x19e: {  	v36 =	vor.u32 s14, v8;
	vm10 =	vle.f32 v12, $1.600000110e-01;
	s11 =	simm.s32 @!p0 $0x100  }
0x19f: {  	v37 =	vmpcnt.ones.xlane vm10;
	[tilespmem:s11+$0x6400] =	vst.msk vm10, v36  }
0x1a0: {  	v12 =	vld [tilespmem:s6+$0x0]  }
0x1a1: {  	(v2sf) =	vpush v37, $0x0;
	v38 =	vld [tilespmem:s8+$0x0];
	_ =	sdelay $0x1  }
0x1a2: {  	v39 =	vld [tilespmem:s7+$0x0];
	_ =	sdelay $0x2  }
0x1a3: {  	v12 =	vsub.f32 v12, v9;
	v13 =	vsub.f32 v38, v11;
	_ =	sdelay $0x1  }
0x1a4: {  	v14 =	vsub.f32 v39, v10;
	v12 =	vmul.f32 v12, v12;
	v13 =	vmul.f32 v13, v13;
	_ =	sdelay $0x1  }
0x1a5: {  	v40 =	vmul.f32 v14, v14;
	v12 =	vadd.f32 v13, v12;
	_ =	sdelay $0x1  }
0x1a6: {  	v12 =	vadd.f32 v40, v12;
	_ =	sdelay $0x1  }
0x1a7: {  	vm11 =	vle.f32 v12, $1.600000110e-01  }
0x1a8: {  	v12 =	vmpcnt.ones.xlane vm11  }
0x1a9: {  	s15 =	spop (v2sf)  }
0x1aa: {  	s9 =	sadd.s32 s9, s15;
	(v2sf) =	vpush v12, $0x0  }
0x1ab: {  	s16 =	sadd.s32 $0x20, s5;
	p0 =	slt.s32 s9, $0x100;
	s11 =	smov.u32 s9  }
0x1ac: {  	v41 =	vor.u32 s16, v8;
	s11 =	simm.s32 @!p0 $0x100  }
0x1ad: {  	[tilespmem:s11+$0x6400] =	vst.msk vm11, v41  }
0x1ae: {  	v12 =	vld [tilespmem:s8+$0x10]  }
0x1af: {  	v42 =	vld [tilespmem:s6+$0x10];
	_ =	sdelay $0x1  }
0x1b0: {  	v43 =	vld [tilespmem:s7+$0x10];
	_ =	sdelay $0x2  }
0x1b1: {  	v11 =	vsub.f32 v12, v11;
	v9 =	vsub.f32 v42, v9;
	_ =	sdelay $0x1  }
0x1b2: {  	v10 =	vsub.f32 v43, v10;
	v11 =	vmul.f32 v11, v11;
	v9 =	vmul.f32 v9, v9;
	_ =	sdelay $0x1  }
0x1b3: {  	v10 =	vmul.f32 v10, v10;
	v9 =	vadd.f32 v11, v9  }
0x1b4: {  	s10 =	spop (v2sf)  }
0x1b5: {  	v9 =	vadd.f32 v10, v9;
	s6 =	sadd.s32 s9, s10  }
0x1b6: {  	s5 =	sadd.s32 $0x30, s5;
	p0 =	slt.s32 s6, $0x100  }
0x1b7: {  	vm12 =	vle.f32 v9, $1.600000110e-01;
	v9 =	vor.u32 s5, v8;
	s6 =	simm.s32 @!p0 $0x100  }
0x1b8: {  	[tilespmem:s6+$0x6400] =	vst.msk vm12, v9  }
0x1b9: {  	v9 =	vld [tilespmem:$0x6400]  }
0x1ba: {  	v10 =	vld [tilespmem:$0x6410]  }
0x1bb: {  	v11 =	vld [tilespmem:$0x6420]  }
0x1bc: {  	v44 =	vld [tilespmem:$0x6430]  }
0x1bd: {  	v45 =	vld [tilespmem:$0x6440]  }
0x1be: {  	v46 =	vmpcnt.ones.xlane vm12;
	[tilespmem:$0x6580] =	vst v9;
	v9 =	vld [tilespmem:$0x6450]  }
0x1bf: {  	v47 =	vld [tilespmem:$0x6480];
	[tilespmem:$0x6590] =	vst v10  }
0x1c0: {  	(v2sf) =	vpush v46, $0x0;
	v48 =	vld [tilespmem:$0x6490];
	[tilespmem:$0x65A0] =	vst v11  }
0x1c1: {  	v10 =	vld [tilespmem:$0x6460];
	[tilespmem:$0x65B0] =	vst v44  }
0x1c2: {  	v11 =	vld [tilespmem:$0x6470];
	[tilespmem:$0x65C0] =	vst v45  }
0x1c3: {  	[tilespmem:$0x65D0] =	vst v9;
	v9 =	vld [tilespmem:$0x64A0]  }
0x1c4: {  	v49 =	vld [tilespmem:$0x64D0];
	[tilespmem:$0x6600] =	vst v47  }
0x1c5: {  	v50 =	vld [tilespmem:$0x64E0];
	[tilespmem:$0x6610] =	vst v48  }
0x1c6: {  	[tilespmem:$0x65E0] =	vst v10;
	v10 =	vld [tilespmem:$0x64B0]  }
0x1c7: {  	[tilespmem:$0x65F0] =	vst v11;
	v11 =	vld [tilespmem:$0x64C0]  }
0x1c8: {  	[tilespmem:$0x6620] =	vst v9;
	v9 =	vld [tilespmem:$0x64F0]  }
0x1c9: {  	[tilespmem:$0x6650] =	vst v49  }
0x1ca: {  	[tilespmem:$0x6660] =	vst v50  }
0x1cb: {  	[tilespmem:$0x6630] =	vst v10  }
0x1cc: {  	[tilespmem:$0x6640] =	vst v11  }
0x1cd: {  	[tilespmem:$0x6670] =	vst v9  }
0x1ce: {  	[tilespmem:s3], [sflag:$0x1] =	stream.indirect.gather [hbm4b:s19+s28], $0x80, s29, s28, $0xb8;
	[tilespmem:$0x16680] =	vst v63  }
0x1cf: {  	s11 =	spop (v2sf)  }
0x1d0: {  	[tilespmem:s21], [sflag:$0x1] =	stream.indirect.gather [hbm4b:s19+s28], $0x80, s31, s28, $0xb8;
	[tilespmem:$0x16680] =	vst v63  }
0x1d1: {  	_ =	swait.ge [sflag:s2], $0x4000  }
0x1d2: {  	[sflag:s2] =	ssyncset.done $0x0  }
0x1d3: {  	[sflag:s2] =	ssyncadd.s32 $0xFFFFC000  }
0x1d4: {  	_ =	swait.ge [sflag:s2], $0x4000  }
0x1d5: {  	[sflag:s2] =	ssyncset.done $0x0  }
0x1d6: {  	s5 =	simm.s32 $0x0;
	s12 =	rddreg [dreg:$0x7];
	[sflag:s2] =	ssyncadd.s32 $0xFFFFC000  }
0x1d7: {  	[hbm4b:s12+s5] =	stream.linear.scatter [tilespmem:s3], [sflag:$0x2], $0x8000, $0x38;
	[tilespmem:$0x16680] =	vst v63  }
0x1d8: {  	v51 =	vld.idx.msk [tilespmem:v2+s26+$0x0], $0xffff;
	_ =	sdelay $0x2  }
0x1d9: {  	v9 =	vld.idx.msk [tilespmem:v2+s23+$0x0], $0xffff  }
0x1da: {  	v11 =	vld.idx.msk [tilespmem:v2+s24+$0x0], $0xffff  }
0x1db: {  	v10 =	vld.idx.msk [tilespmem:v2+s25+$0x0], $0xffff;
	[tilespmem:$0x6400] =	vst v51  }
0x1dc: {  	[tilespmem:$0x6410] =	vst v51  }
0x1dd: {  	[tilespmem:$0x6420] =	vst v51  }
0x1de: {  	[tilespmem:$0x6430] =	vst v51  }
0x1df: {  	[tilespmem:$0x6440] =	vst v51  }
0x1e0: {  	[tilespmem:$0x6450] =	vst v51  }
0x1e1: {  	[tilespmem:$0x6460] =	vst v51  }
0x1e2: {  	[tilespmem:$0x6470] =	vst v51  }
0x1e3: {  	[tilespmem:$0x6480] =	vst v51  }
0x1e4: {  	[tilespmem:$0x6490] =	vst v51  }
0x1e5: {  	[tilespmem:$0x64A0] =	vst v51  }
0x1e6: {  	[tilespmem:$0x64B0] =	vst v51  }
0x1e7: {  	[tilespmem:$0x64C0] =	vst v51  }
0x1e8: {  	[tilespmem:$0x64D0] =	vst v51  }
0x1e9: {  	[tilespmem:$0x64E0] =	vst v51  }
0x1ea: {  	[tilespmem:$0x64F0] =	vst v51  }
0x1eb: {  	[tilespmem:$0x6500] =	vst v51  }
0x1ec: {  	s10 =	simm.s32 $0x2020;
	[tilespmem:$0x6510] =	vst v51  }
0x1ed: {  	s9 =	simm.s32 $0x20;
	v12 =	vld [tilespmem:s10+$0xFFFFFFE0]  }
0x1ee: {  	v52 =	vld [tilespmem:s9+$0xFFFFFFE0]  }
0x1ef: {  	s11 =	simm.s32 $0x4020  }
0x1f0: {  	v53 =	vld [tilespmem:s11+$0xFFFFFFE0];
	_ =	sdelay $0x2  }
0x1f1: {  	v12 =	vsub.f32 v12, v11;
	v13 =	vsub.f32 v52, v9;
	_ =	sdelay $0x1  }
0x1f2: {  	v14 =	vsub.f32 v53, v10;
	v13 =	vmul.f32 v13, v13;
	v12 =	vmul.f32 v12, v12;
	_ =	sdelay $0x1  }
0x1f3: {  	v54 =	vmul.f32 v14, v14;
	v12 =	vadd.f32 v12, v13;
	_ =	sdelay $0x1  }
0x1f4: {  	v12 =	vadd.f32 v54, v12;
	_ =	sdelay $0x1  }
0x1f5: {  	vm13 =	vle.f32 v12, $1.600000110e-01  }
0x1f6: {  	v12 =	vmpcnt.ones.xlane vm13  }
0x1f7: {  	p0 =	por $0x1, $0x1;
	s6 =	simm.s32 $0x0  }
0x1f8: {  	v55 =	vor.u32 s5, v8;
	s6 =	simm.s32 @!p0 $0x100;
	(v2sf) =	vpush v12, $0x0  }
0x1f9: {  	[tilespmem:s6+$0x6400] =	vst.msk vm13, v55  }
0x1fa: {  	v56 =	vld [tilespmem:s9+$0xFFFFFFF0]  }
0x1fb: {  	v13 =	vld [tilespmem:s10+$0xFFFFFFF0];
	_ =	sdelay $0x1  }
0x1fc: {  	v57 =	vld [tilespmem:s11+$0xFFFFFFF0];
	_ =	sdelay $0x2  }
0x1fd: {  	v12 =	vsub.f32 v56, v9;
	v13 =	vsub.f32 v13, v11;
	_ =	sdelay $0x1  }
0x1fe: {  	v14 =	vsub.f32 v57, v10;
	v12 =	vmul.f32 v12, v12;
	v13 =	vmul.f32 v13, v13;
	_ =	sdelay $0x1  }
0x1ff: {  	v58 =	vmul.f32 v14, v14;
	v12 =	vadd.f32 v13, v12;
	_ =	sdelay $0x1  }
0x200: {  	v12 =	vadd.f32 v58, v12  }
0x201: {  	s13 =	spop (v2sf)  }
0x202: {  	vm14 =	vle.f32 v12, $1.600000110e-01;
	s6 =	sadd.s32 $0x0, s13  }
0x203: {  	s14 =	simm.s32 $0x10;
	v12 =	vmpcnt.ones.xlane vm14;
	p0 =	slt.s32 s6, $0x100;
	s8 =	smov.u32 s6  }
0x204: {  	v59 =	vor.u32 s14, v8;
	s8 =	simm.s32 @!p0 $0x100  }
0x205: {  	(v2sf) =	vpush v12, $0x0;
	[tilespmem:s8+$0x6400] =	vst.msk vm14, v59  }
0x206: {  	v60 =	vld [tilespmem:s9+$0x0]  }
0x207: {  	v13 =	vld [tilespmem:s10+$0x0];
	_ =	sdelay $0x1  }
0x208: {  	v61 =	vld [tilespmem:s11+$0x0];
	_ =	sdelay $0x2  }
0x209: {  	v12 =	vsub.f32 v60, v9;
	v13 =	vsub.f32 v13, v11;
	_ =	sdelay $0x1  }
0x20a: {  	v14 =	vsub.f32 v61, v10;
	v12 =	vmul.f32 v12, v12;
	v13 =	vmul.f32 v13, v13;
	_ =	sdelay $0x1  }
0x20b: {  	v62 =	vmul.f32 v14, v14;
	v12 =	vadd.f32 v13, v12;
	_ =	sdelay $0x1  }
0x20c: {  	v12 =	vadd.f32 v62, v12;
	_ =	sdelay $0x1  }
0x20d: {  	s15 =	spop (v2sf);
	vm15 =	vle.f32 v12, $1.600000110e-01  }
0x20e: {  	s14 =	sadd.s32 s6, s15;
	v12 =	vmpcnt.ones.xlane vm15  }
0x20f: {  	s16 =	simm.s32 $0x20;
	p0 =	slt.s32 s14, $0x100;
	s15 =	smov.u32 s14  }
0x210: {  	v63 =	vor.u32 s16, v8;
	s7 =	simm.s32 $0x4060;
	s12 =	simm.s32 $0x30;
	s15 =	simm.s32 @!p0 $0x100;
	(v2sf) =	vpush v12, $0x0  }
0x211: {  	s13 =	simm.s32 $0x4;
	s8 =	simm.s32 $0x2060;
	s6 =	simm.s32 $0x60;
	[tilespmem:s15+$0x6400] =	vst.msk vm15, v63  }
.LBB2_6:
0x212: {  	s13 =	sadd.s32 $0x4, s13;
	v12 =	vld [tilespmem:s10+$0x10];
	s5 =	sadd.s32 $0x40, s5;
	s10 =	smov.u32 s8  }
0x213: {  	p0 =	slt.u32 s13, $0x1FC;
	s15 =	sadd.s32 $0x30, s5;
	v13 =	vld [tilespmem:s9+$0x10];
	s9 =	smov.u32 s6  }
0x214: {  	_ = 	snop  }
0x215: {  	v14 =	vld [tilespmem:s11+$0x10];
	s11 =	smov.u32 s7;
	_ =	sdelay $0x1  }
0x216: {  	v12 =	vsub.f32 v12, v11  }
0x217: {  	v13 =	vsub.f32 v13, v9  }
0x218: {  	v12 =	vmul.f32 v12, v12  }
0x219: {  	v14 =	vsub.f32 v14, v10;
	v13 =	vmul.f32 v13, v13;
	_ =	sdelay $0x1  }
0x21a: {  	v12 =	vadd.f32 v12, v13;
	v13 =	vmul.f32 v14, v14;
	_ =	sdelay $0x1  }
0x21b: {  	v12 =	vadd.f32 v13, v12  }
0x21c: {  	s16 =	spop (v2sf)  }
0x21d: {  	s14 =	sadd.s32 s14, s16;
	vm0 =	vle.f32 v12, $1.600000110e-01  }
0x21e: {  	p1 =	slt.s32 s14, $0x100;
	v12 =	vmpcnt.ones.xlane vm0;
	s16 =	smov.u32 s14  }
0x21f: {  	v13 =	vor.u32 s12, v8;
	s12 =	smov.u32 s15;
	s16 =	simm.s32 @!p1 $0x100  }
0x220: {  	[tilespmem:s16+$0x6400] =	vst.msk vm0, v13;
	(v2sf) =	vpush v12, $0x0  }
0x221: {  	v12 =	vld [tilespmem:s8+$0xFFFFFFE0]  }
0x222: {  	v13 =	vld [tilespmem:s6+$0xFFFFFFE0];
	_ =	sdelay $0x1  }
0x223: {  	v14 =	vld [tilespmem:s7+$0xFFFFFFE0];
	_ =	sdelay $0x1  }
0x224: {  	v12 =	vsub.f32 v12, v11  }
0x225: {  	v13 =	vsub.f32 v13, v9;
	_ =	sdelay $0x1  }
0x226: {  	v12 =	vmul.f32 v12, v12;
	v14 =	vsub.f32 v14, v10;
	v13 =	vmul.f32 v13, v13;
	_ =	sdelay $0x1  }
0x227: {  	v12 =	vadd.f32 v12, v13;
	v13 =	vmul.f32 v14, v14;
	_ =	sdelay $0x1  }
0x228: {  	v12 =	vadd.f32 v13, v12;
	_ =	sdelay $0x1  }
0x229: {  	vm0 =	vle.f32 v12, $1.600000110e-01;
	s15 =	spop (v2sf)  }
0x22a: {  	v12 =	vmpcnt.ones.xlane vm0;
	s14 =	sadd.s32 s14, s15  }
0x22b: {  	p1 =	slt.s32 s14, $0x100;
	s15 =	smov.u32 s14  }
0x22c: {  	v13 =	vor.u32 s5, v8;
	s15 =	simm.s32 @!p1 $0x100;
	(v2sf) =	vpush v12, $0x0  }
0x22d: {  	[tilespmem:s15+$0x6400] =	vst.msk vm0, v13  }
0x22e: {  	v12 =	vld [tilespmem:s6+$0xFFFFFFF0]  }
0x22f: {  	v13 =	vld [tilespmem:s8+$0xFFFFFFF0];
	_ =	sdelay $0x1  }
0x230: {  	v14 =	vld [tilespmem:s7+$0xFFFFFFF0];
	_ =	sdelay $0x1  }
0x231: {  	v12 =	vsub.f32 v12, v9  }
0x232: {  	v13 =	vsub.f32 v13, v11;
	_ =	sdelay $0x1  }
0x233: {  	v12 =	vmul.f32 v12, v12;
	v14 =	vsub.f32 v14, v10;
	v13 =	vmul.f32 v13, v13;
	_ =	sdelay $0x1  }
0x234: {  	v12 =	vadd.f32 v13, v12;
	v13 =	vmul.f32 v14, v14;
	_ =	sdelay $0x1  }
0x235: {  	v12 =	vadd.f32 v13, v12  }
0x236: {  	s15 =	spop (v2sf)  }
0x237: {  	s14 =	sadd.s32 s14, s15;
	vm0 =	vle.f32 v12, $1.600000110e-01  }
0x238: {  	s15 =	sadd.s32 $0x10, s5;
	p1 =	slt.s32 s14, $0x100;
	v12 =	vmpcnt.ones.xlane vm0;
	s16 =	smov.u32 s14  }
0x239: {  	v13 =	vor.u32 s15, v8;
	s16 =	simm.s32 @!p1 $0x100  }
0x23a: {  	[tilespmem:s16+$0x6400] =	vst.msk vm0, v13;
	(v2sf) =	vpush v12, $0x0  }
0x23b: {  	v12 =	vld [tilespmem:s6+$0x0]  }
0x23c: {  	v13 =	vld [tilespmem:s8+$0x0];
	_ =	sdelay $0x1  }
0x23d: {  	v14 =	vld [tilespmem:s7+$0x0];
	_ =	sdelay $0x1  }
0x23e: {  	v12 =	vsub.f32 v12, v9  }
0x23f: {  	v13 =	vsub.f32 v13, v11  }
0x240: {  	s6 =	sadd.s32 $0x40, s6;
	v12 =	vmul.f32 v12, v12  }
0x241: {  	v14 =	vsub.f32 v14, v10;
	v13 =	vmul.f32 v13, v13  }
0x242: {  	s8 =	sadd.s32 $0x40, s8  }
0x243: {  	v12 =	vadd.f32 v13, v12;
	v13 =	vmul.f32 v14, v14  }
0x244: {  	s7 =	sadd.s32 $0x40, s7  }
0x245: {  	v12 =	vadd.f32 v13, v12;
	_ =	sdelay $0x1  }
.Ltmp2:
0x246: {  	vm0 =	vle.f32 v12, $1.600000110e-01;
	s15 =	spop (v2sf);
	(pc) =	sbr.rel @p0 .LBB2_6-.Ltmp2, $4  }
0x247: {  	s14 =	sadd.s32 s14, s15;
	v12 =	vmpcnt.ones.xlane vm0  }
0x248: {  	s15 =	sadd.s32 $0x20, s5;
	p1 =	slt.s32 s14, $0x100;
	s16 =	smov.u32 s14  }
0x249: {  	v13 =	vor.u32 s15, v8;
	s16 =	simm.s32 @!p1 $0x100;
	(v2sf) =	vpush v12, $0x0  }
0x24a: {  	[tilespmem:s16+$0x6400] =	vst.msk vm0, v13  }
0x24b: {  	_ =	sdelay $0x1  }
0x24c: {  	v12 =	vld [tilespmem:s10+$0x10]  }
0x24d: {  	v13 =	vld [tilespmem:s9+$0x10];
	_ =	sdelay $0x1  }
0x24e: {  	v14 =	vld [tilespmem:s11+$0x10];
	_ =	sdelay $0x2  }
0x24f: {  	v12 =	vsub.f32 v12, v11;
	v13 =	vsub.f32 v13, v9;
	_ =	sdelay $0x1  }
0x250: {  	v14 =	vsub.f32 v14, v10;
	v12 =	vmul.f32 v12, v12;
	v13 =	vmul.f32 v13, v13;
	_ =	sdelay $0x1  }
0x251: {  	v26 =	vmul.f32 v14, v14;
	v12 =	vadd.f32 v12, v13  }
0x252: {  	s11 =	spop (v2sf)  }
0x253: {  	v12 =	vadd.f32 v26, v12;
	s9 =	sadd.s32 s14, s11  }
0x254: {  	p0 =	slt.s32 s9, $0x100;
	s10 =	smov.u32 s9  }
0x255: {  	v27 =	vor.u32 s12, v8;
	vm0 =	vle.f32 v12, $1.600000110e-01;
	s10 =	simm.s32 @!p0 $0x100  }
0x256: {  	v28 =	vmpcnt.ones.xlane vm0;
	[tilespmem:s10+$0x6400] =	vst.msk vm0, v27  }
0x257: {  	v12 =	vld [tilespmem:s8+$0xFFFFFFE0]  }
0x258: {  	(v2sf) =	vpush v28, $0x0;
	v29 =	vld [tilespmem:s6+$0xFFFFFFE0];
	_ =	sdelay $0x1  }
0x259: {  	v30 =	vld [tilespmem:s7+$0xFFFFFFE0];
	_ =	sdelay $0x2  }
0x25a: {  	v12 =	vsub.f32 v12, v11;
	v13 =	vsub.f32 v29, v9;
	_ =	sdelay $0x1  }
0x25b: {  	v14 =	vsub.f32 v30, v10;
	v13 =	vmul.f32 v13, v13;
	v12 =	vmul.f32 v12, v12;
	_ =	sdelay $0x1  }
0x25c: {  	v31 =	vmul.f32 v14, v14;
	v12 =	vadd.f32 v12, v13;
	_ =	sdelay $0x1  }
0x25d: {  	v12 =	vadd.f32 v31, v12;
	_ =	sdelay $0x1  }
0x25e: {  	vm9 =	vle.f32 v12, $1.600000110e-01  }
0x25f: {  	v12 =	vmpcnt.ones.xlane vm9  }
0x260: {  	s12 =	spop (v2sf)  }
0x261: {  	s9 =	sadd.s32 s9, s12;
	(v2sf) =	vpush v12, $0x0  }
0x262: {  	s5 =	sadd.s32 $0x40, s5;
	p0 =	slt.s32 s9, $0x100;
	s10 =	smov.u32 s9  }
0x263: {  	v32 =	vor.u32 s5, v8;
	s10 =	simm.s32 @!p0 $0x100  }
0x264: {  	[tilespmem:s10+$0x6400] =	vst.msk vm9, v32  }
0x265: {  	v12 =	vld [tilespmem:s6+$0xFFFFFFF0]  }
0x266: {  	v33 =	vld [tilespmem:s8+$0xFFFFFFF0];
	_ =	sdelay $0x1  }
0x267: {  	v34 =	vld [tilespmem:s7+$0xFFFFFFF0];
	_ =	sdelay $0x2  }
0x268: {  	v12 =	vsub.f32 v12, v9;
	v13 =	vsub.f32 v33, v11;
	_ =	sdelay $0x1  }
0x269: {  	v14 =	vsub.f32 v34, v10;
	v12 =	vmul.f32 v12, v12;
	v13 =	vmul.f32 v13, v13;
	_ =	sdelay $0x1  }
0x26a: {  	v35 =	vmul.f32 v14, v14;
	v12 =	vadd.f32 v13, v12  }
0x26b: {  	s13 =	spop (v2sf)  }
0x26c: {  	v12 =	vadd.f32 v35, v12;
	s9 =	sadd.s32 s9, s13  }
0x26d: {  	s14 =	sadd.s32 $0x10, s5;
	p0 =	slt.s32 s9, $0x100;
	s11 =	smov.u32 s9  }
0x26e: {  	v36 =	vor.u32 s14, v8;
	vm10 =	vle.f32 v12, $1.600000110e-01;
	s11 =	simm.s32 @!p0 $0x100  }
0x26f: {  	v37 =	vmpcnt.ones.xlane vm10;
	[tilespmem:s11+$0x6400] =	vst.msk vm10, v36  }
0x270: {  	v12 =	vld [tilespmem:s6+$0x0]  }
0x271: {  	(v2sf) =	vpush v37, $0x0;
	v38 =	vld [tilespmem:s8+$0x0];
	_ =	sdelay $0x1  }
0x272: {  	v39 =	vld [tilespmem:s7+$0x0];
	_ =	sdelay $0x2  }
0x273: {  	v12 =	vsub.f32 v12, v9;
	v13 =	vsub.f32 v38, v11;
	_ =	sdelay $0x1  }
0x274: {  	v14 =	vsub.f32 v39, v10;
	v12 =	vmul.f32 v12, v12;
	v13 =	vmul.f32 v13, v13;
	_ =	sdelay $0x1  }
0x275: {  	v40 =	vmul.f32 v14, v14;
	v12 =	vadd.f32 v13, v12;
	_ =	sdelay $0x1  }
0x276: {  	v12 =	vadd.f32 v40, v12;
	_ =	sdelay $0x1  }
0x277: {  	vm11 =	vle.f32 v12, $1.600000110e-01  }
0x278: {  	v12 =	vmpcnt.ones.xlane vm11  }
0x279: {  	s15 =	spop (v2sf)  }
0x27a: {  	s9 =	sadd.s32 s9, s15;
	(v2sf) =	vpush v12, $0x0  }
0x27b: {  	s16 =	sadd.s32 $0x20, s5;
	p0 =	slt.s32 s9, $0x100;
	s11 =	smov.u32 s9  }
0x27c: {  	v41 =	vor.u32 s16, v8;
	s11 =	simm.s32 @!p0 $0x100  }
0x27d: {  	[tilespmem:s11+$0x6400] =	vst.msk vm11, v41  }
0x27e: {  	v12 =	vld [tilespmem:s8+$0x10]  }
0x27f: {  	v42 =	vld [tilespmem:s6+$0x10];
	_ =	sdelay $0x1  }
0x280: {  	v43 =	vld [tilespmem:s7+$0x10];
	_ =	sdelay $0x2  }
0x281: {  	v11 =	vsub.f32 v12, v11;
	v9 =	vsub.f32 v42, v9;
	_ =	sdelay $0x1  }
0x282: {  	v10 =	vsub.f32 v43, v10;
	v11 =	vmul.f32 v11, v11;
	v9 =	vmul.f32 v9, v9;
	_ =	sdelay $0x1  }
0x283: {  	v10 =	vmul.f32 v10, v10;
	v9 =	vadd.f32 v11, v9  }
0x284: {  	s10 =	spop (v2sf)  }
0x285: {  	v9 =	vadd.f32 v10, v9;
	s6 =	sadd.s32 s9, s10  }
0x286: {  	s5 =	sadd.s32 $0x30, s5;
	p0 =	slt.s32 s6, $0x100  }
0x287: {  	vm12 =	vle.f32 v9, $1.600000110e-01;
	v9 =	vor.u32 s5, v8;
	s6 =	simm.s32 @!p0 $0x100  }
0x288: {  	[tilespmem:s6+$0x6400] =	vst.msk vm12, v9  }
0x289: {  	v9 =	vld [tilespmem:$0x6400]  }
0x28a: {  	v10 =	vld [tilespmem:$0x6410]  }
0x28b: {  	v11 =	vld [tilespmem:$0x6420]  }
0x28c: {  	v44 =	vmpcnt.ones.xlane vm12;
	v45 =	vld [tilespmem:$0x6430]  }
0x28d: {  	v46 =	vld [tilespmem:$0x6440]  }
0x28e: {  	(v2sf) =	vpush v44, $0x0;
	[tilespmem:$0x6580] =	vst v9;
	v9 =	vld [tilespmem:$0x6450]  }
0x28f: {  	v47 =	vld [tilespmem:$0x6480];
	[tilespmem:$0x6590] =	vst v10  }
0x290: {  	v48 =	vld [tilespmem:$0x6490];
	[tilespmem:$0x65A0] =	vst v11  }
0x291: {  	v10 =	vld [tilespmem:$0x6460];
	[tilespmem:$0x65B0] =	vst v45  }
0x292: {  	v11 =	vld [tilespmem:$0x6470];
	[tilespmem:$0x65C0] =	vst v46  }
0x293: {  	[tilespmem:$0x65D0] =	vst v9;
	v9 =	vld [tilespmem:$0x64A0]  }
0x294: {  	v49 =	vld [tilespmem:$0x64D0];
	[tilespmem:$0x6600] =	vst v47  }
0x295: {  	v50 =	vld [tilespmem:$0x64E0];
	[tilespmem:$0x6610] =	vst v48  }
0x296: {  	[tilespmem:$0x65E0] =	vst v10;
	v10 =	vld [tilespmem:$0x64B0]  }
0x297: {  	[tilespmem:$0x65F0] =	vst v11;
	v11 =	vld [tilespmem:$0x64C0]  }
0x298: {  	[tilespmem:$0x6620] =	vst v9;
	v9 =	vld [tilespmem:$0x64F0]  }
0x299: {  	[tilespmem:$0x6650] =	vst v49  }
0x29a: {  	[tilespmem:$0x6660] =	vst v50  }
0x29b: {  	[tilespmem:$0x6630] =	vst v10  }
0x29c: {  	[tilespmem:$0x6640] =	vst v11  }
0x29d: {  	s11 =	spop (v2sf);
	[tilespmem:$0x6670] =	vst v9  }
0x29e: {  	_ =	swait.ge [sflag:s22], $0x8000  }
0x29f: {  	[sflag:s22] =	ssyncset.done $0x0  }
0x2a0: {  	[sflag:s22] =	ssyncadd.s32 $0xFFFF8000  }
0x2a1: {  	[tilespmem:s30], [sflag:$0x1] =	stream.indirect.gather [hbm4b:s19+s28], $0x80, s29, s28, $0xb8;
	[tilespmem:$0x16680] =	vst v63  }
0x2a2: {  	_ = 	snop  }
0x2a3: {  	[tilespmem:s0], [sflag:$0x1] =	stream.indirect.gather [hbm4b:s19+s28], $0x80, s31, s28, $0xb8;
	[tilespmem:$0x16680] =	vst v63  }
0x2a4: {  	_ =	swait.ge [sflag:s2], $0x4000  }
0x2a5: {  	[sflag:s2] =	ssyncset.done $0x0  }
0x2a6: {  	[sflag:s2] =	ssyncadd.s32 $0xFFFFC000  }
0x2a7: {  	_ =	swait.ge [sflag:s2], $0x4000  }
0x2a8: {  	[sflag:s2] =	ssyncset.done $0x0  }
0x2a9: {  	s5 =	simm.s32 $0x0;
	s12 =	rddreg [dreg:$0x8];
	[sflag:s2] =	ssyncadd.s32 $0xFFFFC000  }
0x2aa: {  	[hbm4b:s12+s5] =	stream.linear.scatter [tilespmem:s30], [sflag:$0x2], $0x8000, $0x38;
	[tilespmem:$0x16680] =	vst v63  }
0x2ab: {  	v51 =	vld.idx.msk [tilespmem:v4+s26+$0x0], $0xffff;
	_ =	sdelay $0x2  }
0x2ac: {  	v9 =	vld.idx.msk [tilespmem:v4+s23+$0x0], $0xffff  }
0x2ad: {  	v11 =	vld.idx.msk [tilespmem:v4+s24+$0x0], $0xffff  }
0x2ae: {  	v10 =	vld.idx.msk [tilespmem:v4+s25+$0x0], $0xffff;
	[tilespmem:$0x6400] =	vst v51  }
0x2af: {  	[tilespmem:$0x6410] =	vst v51  }
0x2b0: {  	[tilespmem:$0x6420] =	vst v51  }
0x2b1: {  	[tilespmem:$0x6430] =	vst v51  }
0x2b2: {  	[tilespmem:$0x6440] =	vst v51  }
0x2b3: {  	[tilespmem:$0x6450] =	vst v51  }
0x2b4: {  	[tilespmem:$0x6460] =	vst v51  }
0x2b5: {  	[tilespmem:$0x6470] =	vst v51  }
0x2b6: {  	[tilespmem:$0x6480] =	vst v51  }
0x2b7: {  	[tilespmem:$0x6490] =	vst v51  }
0x2b8: {  	[tilespmem:$0x64A0] =	vst v51  }
0x2b9: {  	[tilespmem:$0x64B0] =	vst v51  }
0x2ba: {  	[tilespmem:$0x64C0] =	vst v51  }
0x2bb: {  	[tilespmem:$0x64D0] =	vst v51  }
0x2bc: {  	[tilespmem:$0x64E0] =	vst v51  }
0x2bd: {  	[tilespmem:$0x64F0] =	vst v51  }
0x2be: {  	[tilespmem:$0x6500] =	vst v51  }
0x2bf: {  	s10 =	simm.s32 $0x2020;
	[tilespmem:$0x6510] =	vst v51  }
0x2c0: {  	s9 =	simm.s32 $0x20;
	v12 =	vld [tilespmem:s10+$0xFFFFFFE0]  }
0x2c1: {  	v52 =	vld [tilespmem:s9+$0xFFFFFFE0]  }
0x2c2: {  	s11 =	simm.s32 $0x4020  }
0x2c3: {  	v53 =	vld [tilespmem:s11+$0xFFFFFFE0];
	_ =	sdelay $0x2  }
0x2c4: {  	v12 =	vsub.f32 v12, v11;
	v13 =	vsub.f32 v52, v9;
	_ =	sdelay $0x1  }
0x2c5: {  	v14 =	vsub.f32 v53, v10;
	v13 =	vmul.f32 v13, v13;
	v12 =	vmul.f32 v12, v12;
	_ =	sdelay $0x1  }
0x2c6: {  	v54 =	vmul.f32 v14, v14;
	v12 =	vadd.f32 v12, v13;
	_ =	sdelay $0x1  }
0x2c7: {  	v12 =	vadd.f32 v54, v12;
	_ =	sdelay $0x1  }
0x2c8: {  	vm13 =	vle.f32 v12, $1.600000110e-01  }
0x2c9: {  	v12 =	vmpcnt.ones.xlane vm13  }
0x2ca: {  	p0 =	por $0x1, $0x1;
	s6 =	simm.s32 $0x0  }
0x2cb: {  	v55 =	vor.u32 s5, v8;
	s6 =	simm.s32 @!p0 $0x100;
	(v2sf) =	vpush v12, $0x0  }
0x2cc: {  	[tilespmem:s6+$0x6400] =	vst.msk vm13, v55  }
0x2cd: {  	v56 =	vld [tilespmem:s9+$0xFFFFFFF0]  }
0x2ce: {  	v13 =	vld [tilespmem:s10+$0xFFFFFFF0];
	_ =	sdelay $0x1  }
0x2cf: {  	v57 =	vld [tilespmem:s11+$0xFFFFFFF0];
	_ =	sdelay $0x2  }
0x2d0: {  	v12 =	vsub.f32 v56, v9;
	v13 =	vsub.f32 v13, v11;
	_ =	sdelay $0x1  }
0x2d1: {  	v14 =	vsub.f32 v57, v10;
	v12 =	vmul.f32 v12, v12;
	v13 =	vmul.f32 v13, v13;
	_ =	sdelay $0x1  }
0x2d2: {  	v58 =	vmul.f32 v14, v14;
	v12 =	vadd.f32 v13, v12;
	_ =	sdelay $0x1  }
0x2d3: {  	v12 =	vadd.f32 v58, v12  }
0x2d4: {  	s13 =	spop (v2sf)  }
0x2d5: {  	vm14 =	vle.f32 v12, $1.600000110e-01;
	s6 =	sadd.s32 $0x0, s13  }
0x2d6: {  	s14 =	simm.s32 $0x10;
	v12 =	vmpcnt.ones.xlane vm14;
	p0 =	slt.s32 s6, $0x100;
	s8 =	smov.u32 s6  }
0x2d7: {  	v59 =	vor.u32 s14, v8;
	s8 =	simm.s32 @!p0 $0x100  }
0x2d8: {  	(v2sf) =	vpush v12, $0x0;
	[tilespmem:s8+$0x6400] =	vst.msk vm14, v59  }
0x2d9: {  	v60 =	vld [tilespmem:s9+$0x0]  }
0x2da: {  	v13 =	vld [tilespmem:s10+$0x0];
	_ =	sdelay $0x1  }
0x2db: {  	v61 =	vld [tilespmem:s11+$0x0];
	_ =	sdelay $0x2  }
0x2dc: {  	v12 =	vsub.f32 v60, v9;
	v13 =	vsub.f32 v13, v11;
	_ =	sdelay $0x1  }
0x2dd: {  	v14 =	vsub.f32 v61, v10;
	v12 =	vmul.f32 v12, v12;
	v13 =	vmul.f32 v13, v13;
	_ =	sdelay $0x1  }
0x2de: {  	v62 =	vmul.f32 v14, v14;
	v12 =	vadd.f32 v13, v12;
	_ =	sdelay $0x1  }
0x2df: {  	v12 =	vadd.f32 v62, v12;
	_ =	sdelay $0x1  }
0x2e0: {  	s15 =	spop (v2sf);
	vm15 =	vle.f32 v12, $1.600000110e-01  }
0x2e1: {  	s14 =	sadd.s32 s6, s15;
	v12 =	vmpcnt.ones.xlane vm15  }
0x2e2: {  	s16 =	simm.s32 $0x20;
	p0 =	slt.s32 s14, $0x100;
	s15 =	smov.u32 s14  }
0x2e3: {  	v63 =	vor.u32 s16, v8;
	s7 =	simm.s32 $0x4060;
	s12 =	simm.s32 $0x30;
	s15 =	simm.s32 @!p0 $0x100;
	(v2sf) =	vpush v12, $0x0  }
0x2e4: {  	s13 =	simm.s32 $0x4;
	s8 =	simm.s32 $0x2060;
	s6 =	simm.s32 $0x60;
	[tilespmem:s15+$0x6400] =	vst.msk vm15, v63  }
.LBB2_8:
0x2e5: {  	s13 =	sadd.s32 $0x4, s13;
	v12 =	vld [tilespmem:s10+$0x10];
	s5 =	sadd.s32 $0x40, s5;
	s10 =	smov.u32 s8  }
0x2e6: {  	p0 =	slt.u32 s13, $0x1FC;
	s15 =	sadd.s32 $0x30, s5;
	v13 =	vld [tilespmem:s9+$0x10];
	s9 =	smov.u32 s6  }
0x2e7: {  	_ = 	snop  }
0x2e8: {  	v14 =	vld [tilespmem:s11+$0x10];
	s11 =	smov.u32 s7;
	_ =	sdelay $0x1  }
0x2e9: {  	v12 =	vsub.f32 v12, v11  }
0x2ea: {  	v13 =	vsub.f32 v13, v9  }
0x2eb: {  	v12 =	vmul.f32 v12, v12  }
0x2ec: {  	v14 =	vsub.f32 v14, v10;
	v13 =	vmul.f32 v13, v13;
	_ =	sdelay $0x1  }
0x2ed: {  	v12 =	vadd.f32 v12, v13;
	v13 =	vmul.f32 v14, v14;
	_ =	sdelay $0x1  }
0x2ee: {  	v12 =	vadd.f32 v13, v12  }
0x2ef: {  	s16 =	spop (v2sf)  }
0x2f0: {  	s14 =	sadd.s32 s14, s16;
	vm0 =	vle.f32 v12, $1.600000110e-01  }
0x2f1: {  	p1 =	slt.s32 s14, $0x100;
	v12 =	vmpcnt.ones.xlane vm0;
	s16 =	smov.u32 s14  }
0x2f2: {  	v13 =	vor.u32 s12, v8;
	s12 =	smov.u32 s15;
	s16 =	simm.s32 @!p1 $0x100  }
0x2f3: {  	[tilespmem:s16+$0x6400] =	vst.msk vm0, v13;
	(v2sf) =	vpush v12, $0x0  }
0x2f4: {  	v12 =	vld [tilespmem:s8+$0xFFFFFFE0]  }
0x2f5: {  	v13 =	vld [tilespmem:s6+$0xFFFFFFE0];
	_ =	sdelay $0x1  }
0x2f6: {  	v14 =	vld [tilespmem:s7+$0xFFFFFFE0];
	_ =	sdelay $0x1  }
0x2f7: {  	v12 =	vsub.f32 v12, v11  }
0x2f8: {  	v13 =	vsub.f32 v13, v9;
	_ =	sdelay $0x1  }
0x2f9: {  	v12 =	vmul.f32 v12, v12;
	v14 =	vsub.f32 v14, v10;
	v13 =	vmul.f32 v13, v13;
	_ =	sdelay $0x1  }
0x2fa: {  	v12 =	vadd.f32 v12, v13;
	v13 =	vmul.f32 v14, v14;
	_ =	sdelay $0x1  }
0x2fb: {  	v12 =	vadd.f32 v13, v12;
	_ =	sdelay $0x1  }
0x2fc: {  	vm0 =	vle.f32 v12, $1.600000110e-01;
	s15 =	spop (v2sf)  }
0x2fd: {  	v12 =	vmpcnt.ones.xlane vm0;
	s14 =	sadd.s32 s14, s15  }
0x2fe: {  	p1 =	slt.s32 s14, $0x100;
	s15 =	smov.u32 s14  }
0x2ff: {  	v13 =	vor.u32 s5, v8;
	s15 =	simm.s32 @!p1 $0x100;
	(v2sf) =	vpush v12, $0x0  }
0x300: {  	[tilespmem:s15+$0x6400] =	vst.msk vm0, v13  }
0x301: {  	v12 =	vld [tilespmem:s6+$0xFFFFFFF0]  }
0x302: {  	v13 =	vld [tilespmem:s8+$0xFFFFFFF0];
	_ =	sdelay $0x1  }
0x303: {  	v14 =	vld [tilespmem:s7+$0xFFFFFFF0];
	_ =	sdelay $0x1  }
0x304: {  	v12 =	vsub.f32 v12, v9  }
0x305: {  	v13 =	vsub.f32 v13, v11;
	_ =	sdelay $0x1  }
0x306: {  	v12 =	vmul.f32 v12, v12;
	v14 =	vsub.f32 v14, v10;
	v13 =	vmul.f32 v13, v13;
	_ =	sdelay $0x1  }
0x307: {  	v12 =	vadd.f32 v13, v12;
	v13 =	vmul.f32 v14, v14;
	_ =	sdelay $0x1  }
0x308: {  	v12 =	vadd.f32 v13, v12  }
0x309: {  	s15 =	spop (v2sf)  }
0x30a: {  	s14 =	sadd.s32 s14, s15;
	vm0 =	vle.f32 v12, $1.600000110e-01  }
0x30b: {  	s15 =	sadd.s32 $0x10, s5;
	p1 =	slt.s32 s14, $0x100;
	v12 =	vmpcnt.ones.xlane vm0;
	s16 =	smov.u32 s14  }
0x30c: {  	v13 =	vor.u32 s15, v8;
	s16 =	simm.s32 @!p1 $0x100  }
0x30d: {  	[tilespmem:s16+$0x6400] =	vst.msk vm0, v13;
	(v2sf) =	vpush v12, $0x0  }
0x30e: {  	v12 =	vld [tilespmem:s6+$0x0]  }
0x30f: {  	v13 =	vld [tilespmem:s8+$0x0];
	_ =	sdelay $0x1  }
0x310: {  	v14 =	vld [tilespmem:s7+$0x0];
	_ =	sdelay $0x1  }
0x311: {  	v12 =	vsub.f32 v12, v9  }
0x312: {  	v13 =	vsub.f32 v13, v11  }
0x313: {  	s6 =	sadd.s32 $0x40, s6;
	v12 =	vmul.f32 v12, v12  }
0x314: {  	v14 =	vsub.f32 v14, v10;
	v13 =	vmul.f32 v13, v13  }
0x315: {  	s8 =	sadd.s32 $0x40, s8  }
0x316: {  	v12 =	vadd.f32 v13, v12;
	v13 =	vmul.f32 v14, v14  }
0x317: {  	s7 =	sadd.s32 $0x40, s7  }
0x318: {  	v12 =	vadd.f32 v13, v12;
	_ =	sdelay $0x1  }
.Ltmp3:
0x319: {  	vm0 =	vle.f32 v12, $1.600000110e-01;
	s15 =	spop (v2sf);
	(pc) =	sbr.rel @p0 .LBB2_8-.Ltmp3, $4  }
0x31a: {  	s14 =	sadd.s32 s14, s15;
	v12 =	vmpcnt.ones.xlane vm0  }
0x31b: {  	s15 =	sadd.s32 $0x20, s5;
	p1 =	slt.s32 s14, $0x100;
	s16 =	smov.u32 s14  }
0x31c: {  	v13 =	vor.u32 s15, v8;
	s16 =	simm.s32 @!p1 $0x100;
	(v2sf) =	vpush v12, $0x0  }
0x31d: {  	[tilespmem:s16+$0x6400] =	vst.msk vm0, v13  }
0x31e: {  	_ =	sdelay $0x1  }
0x31f: {  	v12 =	vld [tilespmem:s10+$0x10]  }
0x320: {  	v13 =	vld [tilespmem:s9+$0x10];
	_ =	sdelay $0x1  }
0x321: {  	v14 =	vld [tilespmem:s11+$0x10];
	_ =	sdelay $0x2  }
0x322: {  	v12 =	vsub.f32 v12, v11;
	v13 =	vsub.f32 v13, v9;
	_ =	sdelay $0x1  }
0x323: {  	v14 =	vsub.f32 v14, v10;
	v12 =	vmul.f32 v12, v12;
	v13 =	vmul.f32 v13, v13;
	_ =	sdelay $0x1  }
0x324: {  	v26 =	vmul.f32 v14, v14;
	v12 =	vadd.f32 v12, v13  }
0x325: {  	s11 =	spop (v2sf)  }
0x326: {  	v12 =	vadd.f32 v26, v12;
	s9 =	sadd.s32 s14, s11  }
0x327: {  	p0 =	slt.s32 s9, $0x100;
	s10 =	smov.u32 s9  }
0x328: {  	v27 =	vor.u32 s12, v8;
	vm0 =	vle.f32 v12, $1.600000110e-01;
	s10 =	simm.s32 @!p0 $0x100  }
0x329: {  	v28 =	vmpcnt.ones.xlane vm0;
	[tilespmem:s10+$0x6400] =	vst.msk vm0, v27  }
0x32a: {  	v12 =	vld [tilespmem:s8+$0xFFFFFFE0]  }
0x32b: {  	(v2sf) =	vpush v28, $0x0;
	v29 =	vld [tilespmem:s6+$0xFFFFFFE0];
	_ =	sdelay $0x1  }
0x32c: {  	v30 =	vld [tilespmem:s7+$0xFFFFFFE0];
	_ =	sdelay $0x2  }
0x32d: {  	v12 =	vsub.f32 v12, v11;
	v13 =	vsub.f32 v29, v9;
	_ =	sdelay $0x1  }
0x32e: {  	v14 =	vsub.f32 v30, v10;
	v13 =	vmul.f32 v13, v13;
	v12 =	vmul.f32 v12, v12;
	_ =	sdelay $0x1  }
0x32f: {  	v31 =	vmul.f32 v14, v14;
	v12 =	vadd.f32 v12, v13;
	_ =	sdelay $0x1  }
0x330: {  	v12 =	vadd.f32 v31, v12;
	_ =	sdelay $0x1  }
0x331: {  	vm9 =	vle.f32 v12, $1.600000110e-01  }
0x332: {  	v12 =	vmpcnt.ones.xlane vm9  }
0x333: {  	s12 =	spop (v2sf)  }
0x334: {  	s9 =	sadd.s32 s9, s12;
	(v2sf) =	vpush v12, $0x0  }
0x335: {  	s5 =	sadd.s32 $0x40, s5;
	p0 =	slt.s32 s9, $0x100;
	s10 =	smov.u32 s9  }
0x336: {  	v32 =	vor.u32 s5, v8;
	s10 =	simm.s32 @!p0 $0x100  }
0x337: {  	[tilespmem:s10+$0x6400] =	vst.msk vm9, v32  }
0x338: {  	v12 =	vld [tilespmem:s6+$0xFFFFFFF0]  }
0x339: {  	v33 =	vld [tilespmem:s8+$0xFFFFFFF0];
	_ =	sdelay $0x1  }
0x33a: {  	v34 =	vld [tilespmem:s7+$0xFFFFFFF0];
	_ =	sdelay $0x2  }
0x33b: {  	v12 =	vsub.f32 v12, v9;
	v13 =	vsub.f32 v33, v11;
	_ =	sdelay $0x1  }
0x33c: {  	v14 =	vsub.f32 v34, v10;
	v12 =	vmul.f32 v12, v12;
	v13 =	vmul.f32 v13, v13;
	_ =	sdelay $0x1  }
0x33d: {  	v35 =	vmul.f32 v14, v14;
	v12 =	vadd.f32 v13, v12  }
0x33e: {  	s13 =	spop (v2sf)  }
0x33f: {  	v12 =	vadd.f32 v35, v12;
	s9 =	sadd.s32 s9, s13  }
0x340: {  	s14 =	sadd.s32 $0x10, s5;
	p0 =	slt.s32 s9, $0x100;
	s11 =	smov.u32 s9  }
0x341: {  	v36 =	vor.u32 s14, v8;
	vm10 =	vle.f32 v12, $1.600000110e-01;
	s11 =	simm.s32 @!p0 $0x100  }
0x342: {  	v37 =	vmpcnt.ones.xlane vm10;
	[tilespmem:s11+$0x6400] =	vst.msk vm10, v36  }
0x343: {  	v12 =	vld [tilespmem:s6+$0x0]  }
0x344: {  	(v2sf) =	vpush v37, $0x0;
	v38 =	vld [tilespmem:s8+$0x0];
	_ =	sdelay $0x1  }
0x345: {  	v39 =	vld [tilespmem:s7+$0x0];
	_ =	sdelay $0x2  }
0x346: {  	v12 =	vsub.f32 v12, v9;
	v13 =	vsub.f32 v38, v11;
	_ =	sdelay $0x1  }
0x347: {  	v14 =	vsub.f32 v39, v10;
	v12 =	vmul.f32 v12, v12;
	v13 =	vmul.f32 v13, v13;
	_ =	sdelay $0x1  }
0x348: {  	v40 =	vmul.f32 v14, v14;
	v12 =	vadd.f32 v13, v12;
	_ =	sdelay $0x1  }
0x349: {  	v12 =	vadd.f32 v40, v12;
	_ =	sdelay $0x1  }
0x34a: {  	vm11 =	vle.f32 v12, $1.600000110e-01  }
0x34b: {  	v12 =	vmpcnt.ones.xlane vm11  }
0x34c: {  	s15 =	spop (v2sf)  }
0x34d: {  	s9 =	sadd.s32 s9, s15;
	(v2sf) =	vpush v12, $0x0  }
0x34e: {  	s16 =	sadd.s32 $0x20, s5;
	p0 =	slt.s32 s9, $0x100;
	s11 =	smov.u32 s9  }
0x34f: {  	v41 =	vor.u32 s16, v8;
	s11 =	simm.s32 @!p0 $0x100  }
0x350: {  	[tilespmem:s11+$0x6400] =	vst.msk vm11, v41  }
0x351: {  	v12 =	vld [tilespmem:s8+$0x10]  }
0x352: {  	v42 =	vld [tilespmem:s6+$0x10];
	_ =	sdelay $0x1  }
0x353: {  	v43 =	vld [tilespmem:s7+$0x10];
	_ =	sdelay $0x2  }
0x354: {  	v11 =	vsub.f32 v12, v11;
	v9 =	vsub.f32 v42, v9;
	_ =	sdelay $0x1  }
0x355: {  	v10 =	vsub.f32 v43, v10;
	v11 =	vmul.f32 v11, v11;
	v9 =	vmul.f32 v9, v9;
	_ =	sdelay $0x1  }
0x356: {  	v10 =	vmul.f32 v10, v10;
	v9 =	vadd.f32 v11, v9  }
0x357: {  	s10 =	spop (v2sf)  }
0x358: {  	v9 =	vadd.f32 v10, v9;
	s6 =	sadd.s32 s9, s10  }
0x359: {  	s5 =	sadd.s32 $0x30, s5;
	p0 =	slt.s32 s6, $0x100  }
0x35a: {  	vm12 =	vle.f32 v9, $1.600000110e-01;
	v9 =	vor.u32 s5, v8;
	s6 =	simm.s32 @!p0 $0x100  }
0x35b: {  	[tilespmem:s6+$0x6400] =	vst.msk vm12, v9  }
0x35c: {  	v9 =	vld [tilespmem:$0x6400]  }
0x35d: {  	v10 =	vld [tilespmem:$0x6410]  }
0x35e: {  	v11 =	vld [tilespmem:$0x6420]  }
0x35f: {  	v44 =	vmpcnt.ones.xlane vm12;
	v45 =	vld [tilespmem:$0x6430]  }
0x360: {  	v46 =	vld [tilespmem:$0x6440]  }
0x361: {  	(v2sf) =	vpush v44, $0x0;
	[tilespmem:$0x6580] =	vst v9;
	v9 =	vld [tilespmem:$0x6450]  }
0x362: {  	v47 =	vld [tilespmem:$0x6480];
	[tilespmem:$0x6590] =	vst v10  }
0x363: {  	v48 =	vld [tilespmem:$0x6490];
	[tilespmem:$0x65A0] =	vst v11  }
0x364: {  	v10 =	vld [tilespmem:$0x6460];
	[tilespmem:$0x65B0] =	vst v45  }
0x365: {  	v11 =	vld [tilespmem:$0x6470];
	[tilespmem:$0x65C0] =	vst v46  }
0x366: {  	[tilespmem:$0x65D0] =	vst v9;
	v9 =	vld [tilespmem:$0x64A0]  }
0x367: {  	v49 =	vld [tilespmem:$0x64D0];
	[tilespmem:$0x6600] =	vst v47  }
0x368: {  	v50 =	vld [tilespmem:$0x64E0];
	[tilespmem:$0x6610] =	vst v48  }
0x369: {  	[tilespmem:$0x65E0] =	vst v10;
	v10 =	vld [tilespmem:$0x64B0]  }
0x36a: {  	[tilespmem:$0x65F0] =	vst v11;
	v11 =	vld [tilespmem:$0x64C0]  }
0x36b: {  	[tilespmem:$0x6620] =	vst v9;
	v9 =	vld [tilespmem:$0x64F0]  }
0x36c: {  	[tilespmem:$0x6650] =	vst v49  }
0x36d: {  	[tilespmem:$0x6660] =	vst v50  }
0x36e: {  	[tilespmem:$0x6630] =	vst v10  }
0x36f: {  	[tilespmem:$0x6640] =	vst v11  }
0x370: {  	s11 =	spop (v2sf);
	[tilespmem:$0x6670] =	vst v9  }
0x371: {  	_ =	swait.ge [sflag:s22], $0x8000  }
0x372: {  	[sflag:s22] =	ssyncset.done $0x0  }
0x373: {  	[sflag:s22] =	ssyncadd.s32 $0xFFFF8000  }
0x374: {  	[tilespmem:s3], [sflag:$0x1] =	stream.indirect.gather [hbm4b:s19+s28], $0x80, s29, s28, $0xb8;
	[tilespmem:$0x16680] =	vst v63  }
0x375: {  	_ = 	snop  }
0x376: {  	[tilespmem:s21], [sflag:$0x1] =	stream.indirect.gather [hbm4b:s19+s28], $0x80, s31, s28, $0xb8;
	[tilespmem:$0x16680] =	vst v63  }
0x377: {  	_ =	swait.ge [sflag:s2], $0x4000  }
0x378: {  	[sflag:s2] =	ssyncset.done $0x0  }
0x379: {  	[sflag:s2] =	ssyncadd.s32 $0xFFFFC000  }
0x37a: {  	_ =	swait.ge [sflag:s2], $0x4000  }
0x37b: {  	[sflag:s2] =	ssyncset.done $0x0  }
0x37c: {  	s5 =	simm.s32 $0x0;
	s12 =	rddreg [dreg:$0x9];
	[sflag:s2] =	ssyncadd.s32 $0xFFFFC000  }
0x37d: {  	[hbm4b:s12+s5] =	stream.linear.scatter [tilespmem:s3], [sflag:$0x2], $0x8000, $0x38;
	[tilespmem:$0x16680] =	vst v63  }
0x37e: {  	v51 =	vld.idx.msk [tilespmem:v5+s26+$0x0], $0xffff;
	_ =	sdelay $0x2  }
0x37f: {  	v9 =	vld.idx.msk [tilespmem:v5+s23+$0x0], $0xffff  }
0x380: {  	v11 =	vld.idx.msk [tilespmem:v5+s24+$0x0], $0xffff  }
0x381: {  	v10 =	vld.idx.msk [tilespmem:v5+s25+$0x0], $0xffff;
	[tilespmem:$0x6400] =	vst v51  }
0x382: {  	[tilespmem:$0x6410] =	vst v51  }
0x383: {  	[tilespmem:$0x6420] =	vst v51  }
0x384: {  	[tilespmem:$0x6430] =	vst v51  }
0x385: {  	[tilespmem:$0x6440] =	vst v51  }
0x386: {  	[tilespmem:$0x6450] =	vst v51  }
0x387: {  	[tilespmem:$0x6460] =	vst v51  }
0x388: {  	[tilespmem:$0x6470] =	vst v51  }
0x389: {  	[tilespmem:$0x6480] =	vst v51  }
0x38a: {  	[tilespmem:$0x6490] =	vst v51  }
0x38b: {  	[tilespmem:$0x64A0] =	vst v51  }
0x38c: {  	[tilespmem:$0x64B0] =	vst v51  }
0x38d: {  	[tilespmem:$0x64C0] =	vst v51  }
0x38e: {  	[tilespmem:$0x64D0] =	vst v51  }
0x38f: {  	[tilespmem:$0x64E0] =	vst v51  }
0x390: {  	[tilespmem:$0x64F0] =	vst v51  }
0x391: {  	[tilespmem:$0x6500] =	vst v51  }
0x392: {  	s10 =	simm.s32 $0x2020;
	[tilespmem:$0x6510] =	vst v51  }
0x393: {  	s9 =	simm.s32 $0x20;
	v12 =	vld [tilespmem:s10+$0xFFFFFFE0]  }
0x394: {  	v52 =	vld [tilespmem:s9+$0xFFFFFFE0]  }
0x395: {  	s11 =	simm.s32 $0x4020  }
0x396: {  	v53 =	vld [tilespmem:s11+$0xFFFFFFE0];
	_ =	sdelay $0x2  }
0x397: {  	v12 =	vsub.f32 v12, v11;
	v13 =	vsub.f32 v52, v9;
	_ =	sdelay $0x1  }
0x398: {  	v14 =	vsub.f32 v53, v10;
	v13 =	vmul.f32 v13, v13;
	v12 =	vmul.f32 v12, v12;
	_ =	sdelay $0x1  }
0x399: {  	v54 =	vmul.f32 v14, v14;
	v12 =	vadd.f32 v12, v13;
	_ =	sdelay $0x1  }
0x39a: {  	v12 =	vadd.f32 v54, v12;
	_ =	sdelay $0x1  }
0x39b: {  	vm13 =	vle.f32 v12, $1.600000110e-01  }
0x39c: {  	v12 =	vmpcnt.ones.xlane vm13  }
0x39d: {  	p0 =	por $0x1, $0x1;
	s6 =	simm.s32 $0x0  }
0x39e: {  	v55 =	vor.u32 s5, v8;
	s6 =	simm.s32 @!p0 $0x100;
	(v2sf) =	vpush v12, $0x0  }
0x39f: {  	[tilespmem:s6+$0x6400] =	vst.msk vm13, v55  }
0x3a0: {  	v56 =	vld [tilespmem:s9+$0xFFFFFFF0]  }
0x3a1: {  	v13 =	vld [tilespmem:s10+$0xFFFFFFF0];
	_ =	sdelay $0x1  }
0x3a2: {  	v57 =	vld [tilespmem:s11+$0xFFFFFFF0];
	_ =	sdelay $0x2  }
0x3a3: {  	v12 =	vsub.f32 v56, v9;
	v13 =	vsub.f32 v13, v11;
	_ =	sdelay $0x1  }
0x3a4: {  	v14 =	vsub.f32 v57, v10;
	v12 =	vmul.f32 v12, v12;
	v13 =	vmul.f32 v13, v13;
	_ =	sdelay $0x1  }
0x3a5: {  	v58 =	vmul.f32 v14, v14;
	v12 =	vadd.f32 v13, v12;
	_ =	sdelay $0x1  }
0x3a6: {  	v12 =	vadd.f32 v58, v12  }
0x3a7: {  	s13 =	spop (v2sf)  }
0x3a8: {  	vm14 =	vle.f32 v12, $1.600000110e-01;
	s6 =	sadd.s32 $0x0, s13  }
0x3a9: {  	s14 =	simm.s32 $0x10;
	v12 =	vmpcnt.ones.xlane vm14;
	p0 =	slt.s32 s6, $0x100;
	s8 =	smov.u32 s6  }
0x3aa: {  	v59 =	vor.u32 s14, v8;
	s8 =	simm.s32 @!p0 $0x100  }
0x3ab: {  	(v2sf) =	vpush v12, $0x0;
	[tilespmem:s8+$0x6400] =	vst.msk vm14, v59  }
0x3ac: {  	v60 =	vld [tilespmem:s9+$0x0]  }
0x3ad: {  	v13 =	vld [tilespmem:s10+$0x0];
	_ =	sdelay $0x1  }
0x3ae: {  	v61 =	vld [tilespmem:s11+$0x0];
	_ =	sdelay $0x2  }
0x3af: {  	v12 =	vsub.f32 v60, v9;
	v13 =	vsub.f32 v13, v11;
	_ =	sdelay $0x1  }
0x3b0: {  	v14 =	vsub.f32 v61, v10;
	v12 =	vmul.f32 v12, v12;
	v13 =	vmul.f32 v13, v13;
	_ =	sdelay $0x1  }
0x3b1: {  	v62 =	vmul.f32 v14, v14;
	v12 =	vadd.f32 v13, v12;
	_ =	sdelay $0x1  }
0x3b2: {  	v12 =	vadd.f32 v62, v12;
	_ =	sdelay $0x1  }
0x3b3: {  	s15 =	spop (v2sf);
	vm15 =	vle.f32 v12, $1.600000110e-01  }
0x3b4: {  	s14 =	sadd.s32 s6, s15;
	v12 =	vmpcnt.ones.xlane vm15  }
0x3b5: {  	s16 =	simm.s32 $0x20;
	p0 =	slt.s32 s14, $0x100;
	s15 =	smov.u32 s14  }
0x3b6: {  	v63 =	vor.u32 s16, v8;
	s7 =	simm.s32 $0x4060;
	s12 =	simm.s32 $0x30;
	s15 =	simm.s32 @!p0 $0x100;
	(v2sf) =	vpush v12, $0x0  }
0x3b7: {  	s13 =	simm.s32 $0x4;
	s8 =	simm.s32 $0x2060;
	s6 =	simm.s32 $0x60;
	[tilespmem:s15+$0x6400] =	vst.msk vm15, v63  }
.LBB2_10:
0x3b8: {  	s13 =	sadd.s32 $0x4, s13;
	v12 =	vld [tilespmem:s10+$0x10];
	s5 =	sadd.s32 $0x40, s5;
	s10 =	smov.u32 s8  }
0x3b9: {  	p0 =	slt.u32 s13, $0x1FC;
	s15 =	sadd.s32 $0x30, s5;
	v13 =	vld [tilespmem:s9+$0x10];
	s9 =	smov.u32 s6  }
0x3ba: {  	_ = 	snop  }
0x3bb: {  	v14 =	vld [tilespmem:s11+$0x10];
	s11 =	smov.u32 s7;
	_ =	sdelay $0x1  }
0x3bc: {  	v12 =	vsub.f32 v12, v11  }
0x3bd: {  	v13 =	vsub.f32 v13, v9  }
0x3be: {  	v12 =	vmul.f32 v12, v12  }
0x3bf: {  	v14 =	vsub.f32 v14, v10;
	v13 =	vmul.f32 v13, v13;
	_ =	sdelay $0x1  }
0x3c0: {  	v12 =	vadd.f32 v12, v13;
	v13 =	vmul.f32 v14, v14;
	_ =	sdelay $0x1  }
0x3c1: {  	v12 =	vadd.f32 v13, v12  }
0x3c2: {  	s16 =	spop (v2sf)  }
0x3c3: {  	s14 =	sadd.s32 s14, s16;
	vm0 =	vle.f32 v12, $1.600000110e-01  }
0x3c4: {  	p1 =	slt.s32 s14, $0x100;
	v12 =	vmpcnt.ones.xlane vm0;
	s16 =	smov.u32 s14  }
0x3c5: {  	v13 =	vor.u32 s12, v8;
	s12 =	smov.u32 s15;
	s16 =	simm.s32 @!p1 $0x100  }
0x3c6: {  	[tilespmem:s16+$0x6400] =	vst.msk vm0, v13;
	(v2sf) =	vpush v12, $0x0  }
0x3c7: {  	v12 =	vld [tilespmem:s8+$0xFFFFFFE0]  }
0x3c8: {  	v13 =	vld [tilespmem:s6+$0xFFFFFFE0];
	_ =	sdelay $0x1  }
0x3c9: {  	v14 =	vld [tilespmem:s7+$0xFFFFFFE0];
	_ =	sdelay $0x1  }
0x3ca: {  	v12 =	vsub.f32 v12, v11  }
0x3cb: {  	v13 =	vsub.f32 v13, v9;
	_ =	sdelay $0x1  }
0x3cc: {  	v12 =	vmul.f32 v12, v12;
	v14 =	vsub.f32 v14, v10;
	v13 =	vmul.f32 v13, v13;
	_ =	sdelay $0x1  }
0x3cd: {  	v12 =	vadd.f32 v12, v13;
	v13 =	vmul.f32 v14, v14;
	_ =	sdelay $0x1  }
0x3ce: {  	v12 =	vadd.f32 v13, v12;
	_ =	sdelay $0x1  }
0x3cf: {  	vm0 =	vle.f32 v12, $1.600000110e-01;
	s15 =	spop (v2sf)  }
0x3d0: {  	v12 =	vmpcnt.ones.xlane vm0;
	s14 =	sadd.s32 s14, s15  }
0x3d1: {  	p1 =	slt.s32 s14, $0x100;
	s15 =	smov.u32 s14  }
0x3d2: {  	v13 =	vor.u32 s5, v8;
	s15 =	simm.s32 @!p1 $0x100;
	(v2sf) =	vpush v12, $0x0  }
0x3d3: {  	[tilespmem:s15+$0x6400] =	vst.msk vm0, v13  }
0x3d4: {  	v12 =	vld [tilespmem:s6+$0xFFFFFFF0]  }
0x3d5: {  	v13 =	vld [tilespmem:s8+$0xFFFFFFF0];
	_ =	sdelay $0x1  }
0x3d6: {  	v14 =	vld [tilespmem:s7+$0xFFFFFFF0];
	_ =	sdelay $0x1  }
0x3d7: {  	v12 =	vsub.f32 v12, v9  }
0x3d8: {  	v13 =	vsub.f32 v13, v11;
	_ =	sdelay $0x1  }
0x3d9: {  	v12 =	vmul.f32 v12, v12;
	v14 =	vsub.f32 v14, v10;
	v13 =	vmul.f32 v13, v13;
	_ =	sdelay $0x1  }
0x3da: {  	v12 =	vadd.f32 v13, v12;
	v13 =	vmul.f32 v14, v14;
	_ =	sdelay $0x1  }
0x3db: {  	v12 =	vadd.f32 v13, v12  }
0x3dc: {  	s15 =	spop (v2sf)  }
0x3dd: {  	s14 =	sadd.s32 s14, s15;
	vm0 =	vle.f32 v12, $1.600000110e-01  }
0x3de: {  	s15 =	sadd.s32 $0x10, s5;
	p1 =	slt.s32 s14, $0x100;
	v12 =	vmpcnt.ones.xlane vm0;
	s16 =	smov.u32 s14  }
0x3df: {  	v13 =	vor.u32 s15, v8;
	s16 =	simm.s32 @!p1 $0x100  }
0x3e0: {  	[tilespmem:s16+$0x6400] =	vst.msk vm0, v13;
	(v2sf) =	vpush v12, $0x0  }
0x3e1: {  	v12 =	vld [tilespmem:s6+$0x0]  }
0x3e2: {  	v13 =	vld [tilespmem:s8+$0x0];
	_ =	sdelay $0x1  }
0x3e3: {  	v14 =	vld [tilespmem:s7+$0x0];
	_ =	sdelay $0x1  }
0x3e4: {  	v12 =	vsub.f32 v12, v9  }
0x3e5: {  	v13 =	vsub.f32 v13, v11  }
0x3e6: {  	s6 =	sadd.s32 $0x40, s6;
	v12 =	vmul.f32 v12, v12  }
0x3e7: {  	v14 =	vsub.f32 v14, v10;
	v13 =	vmul.f32 v13, v13  }
0x3e8: {  	s8 =	sadd.s32 $0x40, s8  }
0x3e9: {  	v12 =	vadd.f32 v13, v12;
	v13 =	vmul.f32 v14, v14  }
0x3ea: {  	s7 =	sadd.s32 $0x40, s7  }
0x3eb: {  	v12 =	vadd.f32 v13, v12;
	_ =	sdelay $0x1  }
.Ltmp4:
0x3ec: {  	vm0 =	vle.f32 v12, $1.600000110e-01;
	s15 =	spop (v2sf);
	(pc) =	sbr.rel @p0 .LBB2_10-.Ltmp4, $4  }
0x3ed: {  	s14 =	sadd.s32 s14, s15;
	v12 =	vmpcnt.ones.xlane vm0  }
0x3ee: {  	s15 =	sadd.s32 $0x20, s5;
	p1 =	slt.s32 s14, $0x100;
	s16 =	smov.u32 s14  }
0x3ef: {  	v13 =	vor.u32 s15, v8;
	s16 =	simm.s32 @!p1 $0x100;
	(v2sf) =	vpush v12, $0x0  }
0x3f0: {  	[tilespmem:s16+$0x6400] =	vst.msk vm0, v13  }
0x3f1: {  	_ =	sdelay $0x1  }
0x3f2: {  	v12 =	vld [tilespmem:s10+$0x10]  }
0x3f3: {  	v13 =	vld [tilespmem:s9+$0x10];
	_ =	sdelay $0x1  }
0x3f4: {  	v14 =	vld [tilespmem:s11+$0x10];
	_ =	sdelay $0x2  }
0x3f5: {  	v12 =	vsub.f32 v12, v11;
	v13 =	vsub.f32 v13, v9;
	_ =	sdelay $0x1  }
0x3f6: {  	v14 =	vsub.f32 v14, v10;
	v12 =	vmul.f32 v12, v12;
	v13 =	vmul.f32 v13, v13;
	_ =	sdelay $0x1  }
0x3f7: {  	v26 =	vmul.f32 v14, v14;
	v12 =	vadd.f32 v12, v13  }
0x3f8: {  	s11 =	spop (v2sf)  }
0x3f9: {  	v12 =	vadd.f32 v26, v12;
	s9 =	sadd.s32 s14, s11  }
0x3fa: {  	p0 =	slt.s32 s9, $0x100;
	s10 =	smov.u32 s9  }
0x3fb: {  	v27 =	vor.u32 s12, v8;
	vm0 =	vle.f32 v12, $1.600000110e-01;
	s10 =	simm.s32 @!p0 $0x100  }
0x3fc: {  	v28 =	vmpcnt.ones.xlane vm0;
	[tilespmem:s10+$0x6400] =	vst.msk vm0, v27  }
0x3fd: {  	v12 =	vld [tilespmem:s8+$0xFFFFFFE0]  }
0x3fe: {  	(v2sf) =	vpush v28, $0x0;
	v29 =	vld [tilespmem:s6+$0xFFFFFFE0];
	_ =	sdelay $0x1  }
0x3ff: {  	v30 =	vld [tilespmem:s7+$0xFFFFFFE0];
	_ =	sdelay $0x2  }
0x400: {  	v12 =	vsub.f32 v12, v11;
	v13 =	vsub.f32 v29, v9;
	_ =	sdelay $0x1  }
0x401: {  	v14 =	vsub.f32 v30, v10;
	v13 =	vmul.f32 v13, v13;
	v12 =	vmul.f32 v12, v12;
	_ =	sdelay $0x1  }
0x402: {  	v31 =	vmul.f32 v14, v14;
	v12 =	vadd.f32 v12, v13;
	_ =	sdelay $0x1  }
0x403: {  	v12 =	vadd.f32 v31, v12;
	_ =	sdelay $0x1  }
0x404: {  	vm9 =	vle.f32 v12, $1.600000110e-01  }
0x405: {  	v12 =	vmpcnt.ones.xlane vm9  }
0x406: {  	s12 =	spop (v2sf)  }
0x407: {  	s9 =	sadd.s32 s9, s12;
	(v2sf) =	vpush v12, $0x0  }
0x408: {  	s5 =	sadd.s32 $0x40, s5;
	p0 =	slt.s32 s9, $0x100;
	s10 =	smov.u32 s9  }
0x409: {  	v32 =	vor.u32 s5, v8;
	s10 =	simm.s32 @!p0 $0x100  }
0x40a: {  	[tilespmem:s10+$0x6400] =	vst.msk vm9, v32  }
0x40b: {  	v12 =	vld [tilespmem:s6+$0xFFFFFFF0]  }
0x40c: {  	v33 =	vld [tilespmem:s8+$0xFFFFFFF0];
	_ =	sdelay $0x1  }
0x40d: {  	v34 =	vld [tilespmem:s7+$0xFFFFFFF0];
	_ =	sdelay $0x2  }
0x40e: {  	v12 =	vsub.f32 v12, v9;
	v13 =	vsub.f32 v33, v11;
	_ =	sdelay $0x1  }
0x40f: {  	v14 =	vsub.f32 v34, v10;
	v12 =	vmul.f32 v12, v12;
	v13 =	vmul.f32 v13, v13;
	_ =	sdelay $0x1  }
0x410: {  	v35 =	vmul.f32 v14, v14;
	v12 =	vadd.f32 v13, v12  }
0x411: {  	s13 =	spop (v2sf)  }
0x412: {  	v12 =	vadd.f32 v35, v12;
	s9 =	sadd.s32 s9, s13  }
0x413: {  	s14 =	sadd.s32 $0x10, s5;
	p0 =	slt.s32 s9, $0x100;
	s11 =	smov.u32 s9  }
0x414: {  	v36 =	vor.u32 s14, v8;
	vm10 =	vle.f32 v12, $1.600000110e-01;
	s11 =	simm.s32 @!p0 $0x100  }
0x415: {  	v37 =	vmpcnt.ones.xlane vm10;
	[tilespmem:s11+$0x6400] =	vst.msk vm10, v36  }
0x416: {  	v12 =	vld [tilespmem:s6+$0x0]  }
0x417: {  	(v2sf) =	vpush v37, $0x0;
	v38 =	vld [tilespmem:s8+$0x0];
	_ =	sdelay $0x1  }
0x418: {  	v39 =	vld [tilespmem:s7+$0x0];
	_ =	sdelay $0x2  }
0x419: {  	v12 =	vsub.f32 v12, v9;
	v13 =	vsub.f32 v38, v11;
	_ =	sdelay $0x1  }
0x41a: {  	v14 =	vsub.f32 v39, v10;
	v12 =	vmul.f32 v12, v12;
	v13 =	vmul.f32 v13, v13;
	_ =	sdelay $0x1  }
0x41b: {  	v40 =	vmul.f32 v14, v14;
	v12 =	vadd.f32 v13, v12;
	_ =	sdelay $0x1  }
0x41c: {  	v12 =	vadd.f32 v40, v12;
	_ =	sdelay $0x1  }
0x41d: {  	vm11 =	vle.f32 v12, $1.600000110e-01  }
0x41e: {  	v12 =	vmpcnt.ones.xlane vm11  }
0x41f: {  	s15 =	spop (v2sf)  }
0x420: {  	s9 =	sadd.s32 s9, s15;
	(v2sf) =	vpush v12, $0x0  }
0x421: {  	s16 =	sadd.s32 $0x20, s5;
	p0 =	slt.s32 s9, $0x100;
	s11 =	smov.u32 s9  }
0x422: {  	v41 =	vor.u32 s16, v8;
	s11 =	simm.s32 @!p0 $0x100  }
0x423: {  	[tilespmem:s11+$0x6400] =	vst.msk vm11, v41  }
0x424: {  	v12 =	vld [tilespmem:s8+$0x10]  }
0x425: {  	v42 =	vld [tilespmem:s6+$0x10];
	_ =	sdelay $0x1  }
0x426: {  	v43 =	vld [tilespmem:s7+$0x10];
	_ =	sdelay $0x2  }
0x427: {  	v11 =	vsub.f32 v12, v11;
	v9 =	vsub.f32 v42, v9;
	_ =	sdelay $0x1  }
0x428: {  	v10 =	vsub.f32 v43, v10;
	v11 =	vmul.f32 v11, v11;
	v9 =	vmul.f32 v9, v9;
	_ =	sdelay $0x1  }
0x429: {  	v10 =	vmul.f32 v10, v10;
	v9 =	vadd.f32 v11, v9  }
0x42a: {  	s10 =	spop (v2sf)  }
0x42b: {  	v9 =	vadd.f32 v10, v9;
	s6 =	sadd.s32 s9, s10  }
0x42c: {  	s5 =	sadd.s32 $0x30, s5;
	p0 =	slt.s32 s6, $0x100  }
0x42d: {  	vm12 =	vle.f32 v9, $1.600000110e-01;
	v9 =	vor.u32 s5, v8;
	s6 =	simm.s32 @!p0 $0x100  }
0x42e: {  	[tilespmem:s6+$0x6400] =	vst.msk vm12, v9  }
0x42f: {  	v9 =	vld [tilespmem:$0x6400]  }
0x430: {  	v10 =	vld [tilespmem:$0x6410]  }
0x431: {  	v11 =	vld [tilespmem:$0x6420]  }
0x432: {  	v44 =	vmpcnt.ones.xlane vm12;
	v45 =	vld [tilespmem:$0x6430]  }
0x433: {  	v46 =	vld [tilespmem:$0x6440]  }
0x434: {  	(v2sf) =	vpush v44, $0x0;
	[tilespmem:$0x6580] =	vst v9;
	v9 =	vld [tilespmem:$0x6450]  }
0x435: {  	v47 =	vld [tilespmem:$0x6480];
	[tilespmem:$0x6590] =	vst v10  }
0x436: {  	v48 =	vld [tilespmem:$0x6490];
	[tilespmem:$0x65A0] =	vst v11  }
0x437: {  	v10 =	vld [tilespmem:$0x6460];
	[tilespmem:$0x65B0] =	vst v45  }
0x438: {  	v11 =	vld [tilespmem:$0x6470];
	[tilespmem:$0x65C0] =	vst v46  }
0x439: {  	[tilespmem:$0x65D0] =	vst v9;
	v9 =	vld [tilespmem:$0x64A0]  }
0x43a: {  	v49 =	vld [tilespmem:$0x64D0];
	[tilespmem:$0x6600] =	vst v47  }
0x43b: {  	v50 =	vld [tilespmem:$0x64E0];
	[tilespmem:$0x6610] =	vst v48  }
0x43c: {  	[tilespmem:$0x65E0] =	vst v10;
	v10 =	vld [tilespmem:$0x64B0]  }
0x43d: {  	[tilespmem:$0x65F0] =	vst v11;
	v11 =	vld [tilespmem:$0x64C0]  }
0x43e: {  	[tilespmem:$0x6620] =	vst v9;
	v9 =	vld [tilespmem:$0x64F0]  }
0x43f: {  	[tilespmem:$0x6650] =	vst v49  }
0x440: {  	[tilespmem:$0x6660] =	vst v50  }
0x441: {  	[tilespmem:$0x6630] =	vst v10  }
0x442: {  	[tilespmem:$0x6640] =	vst v11  }
0x443: {  	s11 =	spop (v2sf);
	[tilespmem:$0x6670] =	vst v9  }
0x444: {  	_ =	swait.ge [sflag:s22], $0x8000  }
0x445: {  	[sflag:s22] =	ssyncset.done $0x0  }
0x446: {  	[sflag:s22] =	ssyncadd.s32 $0xFFFF8000  }
0x447: {  	[tilespmem:s30], [sflag:$0x1] =	stream.indirect.gather [hbm4b:s19+s28], $0x80, s29, s28, $0xb8;
	[tilespmem:$0x16680] =	vst v63  }
0x448: {  	_ = 	snop  }
0x449: {  	[tilespmem:s0], [sflag:$0x1] =	stream.indirect.gather [hbm4b:s19+s28], $0x80, s31, s28, $0xb8;
	[tilespmem:$0x16680] =	vst v63  }
0x44a: {  	_ =	swait.ge [sflag:s2], $0x4000  }
0x44b: {  	[sflag:s2] =	ssyncset.done $0x0  }
0x44c: {  	[sflag:s2] =	ssyncadd.s32 $0xFFFFC000  }
0x44d: {  	_ =	swait.ge [sflag:s2], $0x4000  }
0x44e: {  	[sflag:s2] =	ssyncset.done $0x0  }
0x44f: {  	s5 =	simm.s32 $0x0;
	s12 =	rddreg [dreg:$0xa];
	[sflag:s2] =	ssyncadd.s32 $0xFFFFC000  }
0x450: {  	[hbm4b:s12+s5] =	stream.linear.scatter [tilespmem:s30], [sflag:$0x2], $0x8000, $0x38;
	[tilespmem:$0x16680] =	vst v63  }
0x451: {  	v51 =	vld.idx.msk [tilespmem:v6+s26+$0x0], $0xffff;
	_ =	sdelay $0x2  }
0x452: {  	v9 =	vld.idx.msk [tilespmem:v6+s23+$0x0], $0xffff  }
0x453: {  	v11 =	vld.idx.msk [tilespmem:v6+s24+$0x0], $0xffff  }
0x454: {  	v10 =	vld.idx.msk [tilespmem:v6+s25+$0x0], $0xffff;
	[tilespmem:$0x6400] =	vst v51  }
0x455: {  	[tilespmem:$0x6410] =	vst v51  }
0x456: {  	[tilespmem:$0x6420] =	vst v51  }
0x457: {  	[tilespmem:$0x6430] =	vst v51  }
0x458: {  	[tilespmem:$0x6440] =	vst v51  }
0x459: {  	[tilespmem:$0x6450] =	vst v51  }
0x45a: {  	[tilespmem:$0x6460] =	vst v51  }
0x45b: {  	[tilespmem:$0x6470] =	vst v51  }
0x45c: {  	[tilespmem:$0x6480] =	vst v51  }
0x45d: {  	[tilespmem:$0x6490] =	vst v51  }
0x45e: {  	[tilespmem:$0x64A0] =	vst v51  }
0x45f: {  	[tilespmem:$0x64B0] =	vst v51  }
0x460: {  	[tilespmem:$0x64C0] =	vst v51  }
0x461: {  	[tilespmem:$0x64D0] =	vst v51  }
0x462: {  	[tilespmem:$0x64E0] =	vst v51  }
0x463: {  	[tilespmem:$0x64F0] =	vst v51  }
0x464: {  	[tilespmem:$0x6500] =	vst v51  }
0x465: {  	s10 =	simm.s32 $0x2020;
	[tilespmem:$0x6510] =	vst v51  }
0x466: {  	s9 =	simm.s32 $0x20;
	v12 =	vld [tilespmem:s10+$0xFFFFFFE0]  }
0x467: {  	v52 =	vld [tilespmem:s9+$0xFFFFFFE0]  }
0x468: {  	s11 =	simm.s32 $0x4020  }
0x469: {  	v53 =	vld [tilespmem:s11+$0xFFFFFFE0];
	_ =	sdelay $0x2  }
0x46a: {  	v12 =	vsub.f32 v12, v11;
	v13 =	vsub.f32 v52, v9;
	_ =	sdelay $0x1  }
0x46b: {  	v14 =	vsub.f32 v53, v10;
	v13 =	vmul.f32 v13, v13;
	v12 =	vmul.f32 v12, v12;
	_ =	sdelay $0x1  }
0x46c: {  	v54 =	vmul.f32 v14, v14;
	v12 =	vadd.f32 v12, v13;
	_ =	sdelay $0x1  }
0x46d: {  	v12 =	vadd.f32 v54, v12;
	_ =	sdelay $0x1  }
0x46e: {  	vm13 =	vle.f32 v12, $1.600000110e-01  }
0x46f: {  	v12 =	vmpcnt.ones.xlane vm13  }
0x470: {  	p0 =	por $0x1, $0x1;
	s6 =	simm.s32 $0x0  }
0x471: {  	v55 =	vor.u32 s5, v8;
	s6 =	simm.s32 @!p0 $0x100;
	(v2sf) =	vpush v12, $0x0  }
0x472: {  	[tilespmem:s6+$0x6400] =	vst.msk vm13, v55  }
0x473: {  	v56 =	vld [tilespmem:s9+$0xFFFFFFF0]  }
0x474: {  	v13 =	vld [tilespmem:s10+$0xFFFFFFF0];
	_ =	sdelay $0x1  }
0x475: {  	v57 =	vld [tilespmem:s11+$0xFFFFFFF0];
	_ =	sdelay $0x2  }
0x476: {  	v12 =	vsub.f32 v56, v9;
	v13 =	vsub.f32 v13, v11;
	_ =	sdelay $0x1  }
0x477: {  	v14 =	vsub.f32 v57, v10;
	v12 =	vmul.f32 v12, v12;
	v13 =	vmul.f32 v13, v13;
	_ =	sdelay $0x1  }
0x478: {  	v58 =	vmul.f32 v14, v14;
	v12 =	vadd.f32 v13, v12;
	_ =	sdelay $0x1  }
0x479: {  	v12 =	vadd.f32 v58, v12  }
0x47a: {  	s13 =	spop (v2sf)  }
0x47b: {  	vm14 =	vle.f32 v12, $1.600000110e-01;
	s6 =	sadd.s32 $0x0, s13  }
0x47c: {  	s14 =	simm.s32 $0x10;
	v12 =	vmpcnt.ones.xlane vm14;
	p0 =	slt.s32 s6, $0x100;
	s8 =	smov.u32 s6  }
0x47d: {  	v59 =	vor.u32 s14, v8;
	s8 =	simm.s32 @!p0 $0x100  }
0x47e: {  	(v2sf) =	vpush v12, $0x0;
	[tilespmem:s8+$0x6400] =	vst.msk vm14, v59  }
0x47f: {  	v60 =	vld [tilespmem:s9+$0x0]  }
0x480: {  	v13 =	vld [tilespmem:s10+$0x0];
	_ =	sdelay $0x1  }
0x481: {  	v61 =	vld [tilespmem:s11+$0x0];
	_ =	sdelay $0x2  }
0x482: {  	v12 =	vsub.f32 v60, v9;
	v13 =	vsub.f32 v13, v11;
	_ =	sdelay $0x1  }
0x483: {  	v14 =	vsub.f32 v61, v10;
	v12 =	vmul.f32 v12, v12;
	v13 =	vmul.f32 v13, v13;
	_ =	sdelay $0x1  }
0x484: {  	v62 =	vmul.f32 v14, v14;
	v12 =	vadd.f32 v13, v12;
	_ =	sdelay $0x1  }
0x485: {  	v12 =	vadd.f32 v62, v12;
	_ =	sdelay $0x1  }
0x486: {  	s15 =	spop (v2sf);
	vm15 =	vle.f32 v12, $1.600000110e-01  }
0x487: {  	s14 =	sadd.s32 s6, s15;
	v12 =	vmpcnt.ones.xlane vm15  }
0x488: {  	s16 =	simm.s32 $0x20;
	p0 =	slt.s32 s14, $0x100;
	s15 =	smov.u32 s14  }
0x489: {  	v63 =	vor.u32 s16, v8;
	s7 =	simm.s32 $0x4060;
	s12 =	simm.s32 $0x30;
	s15 =	simm.s32 @!p0 $0x100;
	(v2sf) =	vpush v12, $0x0  }
0x48a: {  	s13 =	simm.s32 $0x4;
	s8 =	simm.s32 $0x2060;
	s6 =	simm.s32 $0x60;
	[tilespmem:s15+$0x6400] =	vst.msk vm15, v63  }
.LBB2_12:
0x48b: {  	s13 =	sadd.s32 $0x4, s13;
	v12 =	vld [tilespmem:s10+$0x10];
	s5 =	sadd.s32 $0x40, s5;
	s10 =	smov.u32 s8  }
0x48c: {  	p0 =	slt.u32 s13, $0x1FC;
	s15 =	sadd.s32 $0x30, s5;
	v13 =	vld [tilespmem:s9+$0x10];
	s9 =	smov.u32 s6  }
0x48d: {  	_ = 	snop  }
0x48e: {  	v14 =	vld [tilespmem:s11+$0x10];
	s11 =	smov.u32 s7;
	_ =	sdelay $0x1  }
0x48f: {  	v12 =	vsub.f32 v12, v11  }
0x490: {  	v13 =	vsub.f32 v13, v9  }
0x491: {  	v12 =	vmul.f32 v12, v12  }
0x492: {  	v14 =	vsub.f32 v14, v10;
	v13 =	vmul.f32 v13, v13;
	_ =	sdelay $0x1  }
0x493: {  	v12 =	vadd.f32 v12, v13;
	v13 =	vmul.f32 v14, v14;
	_ =	sdelay $0x1  }
0x494: {  	v12 =	vadd.f32 v13, v12  }
0x495: {  	s16 =	spop (v2sf)  }
0x496: {  	s14 =	sadd.s32 s14, s16;
	vm0 =	vle.f32 v12, $1.600000110e-01  }
0x497: {  	p1 =	slt.s32 s14, $0x100;
	v12 =	vmpcnt.ones.xlane vm0;
	s16 =	smov.u32 s14  }
0x498: {  	v13 =	vor.u32 s12, v8;
	s12 =	smov.u32 s15;
	s16 =	simm.s32 @!p1 $0x100  }
0x499: {  	[tilespmem:s16+$0x6400] =	vst.msk vm0, v13;
	(v2sf) =	vpush v12, $0x0  }
0x49a: {  	v12 =	vld [tilespmem:s8+$0xFFFFFFE0]  }
0x49b: {  	v13 =	vld [tilespmem:s6+$0xFFFFFFE0];
	_ =	sdelay $0x1  }
0x49c: {  	v14 =	vld [tilespmem:s7+$0xFFFFFFE0];
	_ =	sdelay $0x1  }
0x49d: {  	v12 =	vsub.f32 v12, v11  }
0x49e: {  	v13 =	vsub.f32 v13, v9;
	_ =	sdelay $0x1  }
0x49f: {  	v12 =	vmul.f32 v12, v12;
	v14 =	vsub.f32 v14, v10;
	v13 =	vmul.f32 v13, v13;
	_ =	sdelay $0x1  }
0x4a0: {  	v12 =	vadd.f32 v12, v13;
	v13 =	vmul.f32 v14, v14;
	_ =	sdelay $0x1  }
0x4a1: {  	v12 =	vadd.f32 v13, v12;
	_ =	sdelay $0x1  }
0x4a2: {  	vm0 =	vle.f32 v12, $1.600000110e-01;
	s15 =	spop (v2sf)  }
0x4a3: {  	v12 =	vmpcnt.ones.xlane vm0;
	s14 =	sadd.s32 s14, s15  }
0x4a4: {  	p1 =	slt.s32 s14, $0x100;
	s15 =	smov.u32 s14  }
0x4a5: {  	v13 =	vor.u32 s5, v8;
	s15 =	simm.s32 @!p1 $0x100;
	(v2sf) =	vpush v12, $0x0  }
0x4a6: {  	[tilespmem:s15+$0x6400] =	vst.msk vm0, v13  }
0x4a7: {  	v12 =	vld [tilespmem:s6+$0xFFFFFFF0]  }
0x4a8: {  	v13 =	vld [tilespmem:s8+$0xFFFFFFF0];
	_ =	sdelay $0x1  }
0x4a9: {  	v14 =	vld [tilespmem:s7+$0xFFFFFFF0];
	_ =	sdelay $0x1  }
0x4aa: {  	v12 =	vsub.f32 v12, v9  }
0x4ab: {  	v13 =	vsub.f32 v13, v11;
	_ =	sdelay $0x1  }
0x4ac: {  	v12 =	vmul.f32 v12, v12;
	v14 =	vsub.f32 v14, v10;
	v13 =	vmul.f32 v13, v13;
	_ =	sdelay $0x1  }
0x4ad: {  	v12 =	vadd.f32 v13, v12;
	v13 =	vmul.f32 v14, v14;
	_ =	sdelay $0x1  }
0x4ae: {  	v12 =	vadd.f32 v13, v12  }
0x4af: {  	s15 =	spop (v2sf)  }
0x4b0: {  	s14 =	sadd.s32 s14, s15;
	vm0 =	vle.f32 v12, $1.600000110e-01  }
0x4b1: {  	s15 =	sadd.s32 $0x10, s5;
	p1 =	slt.s32 s14, $0x100;
	v12 =	vmpcnt.ones.xlane vm0;
	s16 =	smov.u32 s14  }
0x4b2: {  	v13 =	vor.u32 s15, v8;
	s16 =	simm.s32 @!p1 $0x100  }
0x4b3: {  	[tilespmem:s16+$0x6400] =	vst.msk vm0, v13;
	(v2sf) =	vpush v12, $0x0  }
0x4b4: {  	v12 =	vld [tilespmem:s6+$0x0]  }
0x4b5: {  	v13 =	vld [tilespmem:s8+$0x0];
	_ =	sdelay $0x1  }
0x4b6: {  	v14 =	vld [tilespmem:s7+$0x0];
	_ =	sdelay $0x1  }
0x4b7: {  	v12 =	vsub.f32 v12, v9  }
0x4b8: {  	v13 =	vsub.f32 v13, v11  }
0x4b9: {  	s6 =	sadd.s32 $0x40, s6;
	v12 =	vmul.f32 v12, v12  }
0x4ba: {  	v14 =	vsub.f32 v14, v10;
	v13 =	vmul.f32 v13, v13  }
0x4bb: {  	s8 =	sadd.s32 $0x40, s8  }
0x4bc: {  	v12 =	vadd.f32 v13, v12;
	v13 =	vmul.f32 v14, v14  }
0x4bd: {  	s7 =	sadd.s32 $0x40, s7  }
0x4be: {  	v12 =	vadd.f32 v13, v12;
	_ =	sdelay $0x1  }
.Ltmp5:
0x4bf: {  	vm0 =	vle.f32 v12, $1.600000110e-01;
	s15 =	spop (v2sf);
	(pc) =	sbr.rel @p0 .LBB2_12-.Ltmp5, $4  }
0x4c0: {  	s14 =	sadd.s32 s14, s15;
	v12 =	vmpcnt.ones.xlane vm0  }
0x4c1: {  	s15 =	sadd.s32 $0x20, s5;
	p1 =	slt.s32 s14, $0x100;
	s16 =	smov.u32 s14  }
0x4c2: {  	v13 =	vor.u32 s15, v8;
	s16 =	simm.s32 @!p1 $0x100;
	(v2sf) =	vpush v12, $0x0  }
0x4c3: {  	[tilespmem:s16+$0x6400] =	vst.msk vm0, v13  }
0x4c4: {  	_ =	sdelay $0x1  }
0x4c5: {  	v12 =	vld [tilespmem:s10+$0x10]  }
0x4c6: {  	v13 =	vld [tilespmem:s9+$0x10];
	_ =	sdelay $0x1  }
0x4c7: {  	v14 =	vld [tilespmem:s11+$0x10];
	_ =	sdelay $0x2  }
0x4c8: {  	v12 =	vsub.f32 v12, v11;
	v13 =	vsub.f32 v13, v9;
	_ =	sdelay $0x1  }
0x4c9: {  	v14 =	vsub.f32 v14, v10;
	v12 =	vmul.f32 v12, v12;
	v13 =	vmul.f32 v13, v13;
	_ =	sdelay $0x1  }
0x4ca: {  	v26 =	vmul.f32 v14, v14;
	v12 =	vadd.f32 v12, v13  }
0x4cb: {  	s11 =	spop (v2sf)  }
0x4cc: {  	v12 =	vadd.f32 v26, v12;
	s9 =	sadd.s32 s14, s11  }
0x4cd: {  	p0 =	slt.s32 s9, $0x100;
	s10 =	smov.u32 s9  }
0x4ce: {  	v27 =	vor.u32 s12, v8;
	vm0 =	vle.f32 v12, $1.600000110e-01;
	s10 =	simm.s32 @!p0 $0x100  }
0x4cf: {  	v28 =	vmpcnt.ones.xlane vm0;
	[tilespmem:s10+$0x6400] =	vst.msk vm0, v27  }
0x4d0: {  	v12 =	vld [tilespmem:s8+$0xFFFFFFE0]  }
0x4d1: {  	(v2sf) =	vpush v28, $0x0;
	v29 =	vld [tilespmem:s6+$0xFFFFFFE0];
	_ =	sdelay $0x1  }
0x4d2: {  	v30 =	vld [tilespmem:s7+$0xFFFFFFE0];
	_ =	sdelay $0x2  }
0x4d3: {  	v12 =	vsub.f32 v12, v11;
	v13 =	vsub.f32 v29, v9;
	_ =	sdelay $0x1  }
0x4d4: {  	v14 =	vsub.f32 v30, v10;
	v13 =	vmul.f32 v13, v13;
	v12 =	vmul.f32 v12, v12;
	_ =	sdelay $0x1  }
0x4d5: {  	v31 =	vmul.f32 v14, v14;
	v12 =	vadd.f32 v12, v13;
	_ =	sdelay $0x1  }
0x4d6: {  	v12 =	vadd.f32 v31, v12;
	_ =	sdelay $0x1  }
0x4d7: {  	vm9 =	vle.f32 v12, $1.600000110e-01  }
0x4d8: {  	v12 =	vmpcnt.ones.xlane vm9  }
0x4d9: {  	s12 =	spop (v2sf)  }
0x4da: {  	s9 =	sadd.s32 s9, s12;
	(v2sf) =	vpush v12, $0x0  }
0x4db: {  	s5 =	sadd.s32 $0x40, s5;
	p0 =	slt.s32 s9, $0x100;
	s10 =	smov.u32 s9  }
0x4dc: {  	v32 =	vor.u32 s5, v8;
	s10 =	simm.s32 @!p0 $0x100  }
0x4dd: {  	[tilespmem:s10+$0x6400] =	vst.msk vm9, v32  }
0x4de: {  	v12 =	vld [tilespmem:s6+$0xFFFFFFF0]  }
0x4df: {  	v33 =	vld [tilespmem:s8+$0xFFFFFFF0];
	_ =	sdelay $0x1  }
0x4e0: {  	v34 =	vld [tilespmem:s7+$0xFFFFFFF0];
	_ =	sdelay $0x2  }
0x4e1: {  	v12 =	vsub.f32 v12, v9;
	v13 =	vsub.f32 v33, v11;
	_ =	sdelay $0x1  }
0x4e2: {  	v14 =	vsub.f32 v34, v10;
	v12 =	vmul.f32 v12, v12;
	v13 =	vmul.f32 v13, v13;
	_ =	sdelay $0x1  }
0x4e3: {  	v35 =	vmul.f32 v14, v14;
	v12 =	vadd.f32 v13, v12  }
0x4e4: {  	s13 =	spop (v2sf)  }
0x4e5: {  	v12 =	vadd.f32 v35, v12;
	s9 =	sadd.s32 s9, s13  }
0x4e6: {  	s14 =	sadd.s32 $0x10, s5;
	p0 =	slt.s32 s9, $0x100;
	s11 =	smov.u32 s9  }
0x4e7: {  	v36 =	vor.u32 s14, v8;
	vm10 =	vle.f32 v12, $1.600000110e-01;
	s11 =	simm.s32 @!p0 $0x100  }
0x4e8: {  	v37 =	vmpcnt.ones.xlane vm10;
	[tilespmem:s11+$0x6400] =	vst.msk vm10, v36  }
0x4e9: {  	v12 =	vld [tilespmem:s6+$0x0]  }
0x4ea: {  	(v2sf) =	vpush v37, $0x0;
	v38 =	vld [tilespmem:s8+$0x0];
	_ =	sdelay $0x1  }
0x4eb: {  	v39 =	vld [tilespmem:s7+$0x0];
	_ =	sdelay $0x2  }
0x4ec: {  	v12 =	vsub.f32 v12, v9;
	v13 =	vsub.f32 v38, v11;
	_ =	sdelay $0x1  }
0x4ed: {  	v14 =	vsub.f32 v39, v10;
	v12 =	vmul.f32 v12, v12;
	v13 =	vmul.f32 v13, v13;
	_ =	sdelay $0x1  }
0x4ee: {  	v40 =	vmul.f32 v14, v14;
	v12 =	vadd.f32 v13, v12;
	_ =	sdelay $0x1  }
0x4ef: {  	v12 =	vadd.f32 v40, v12;
	_ =	sdelay $0x1  }
0x4f0: {  	vm11 =	vle.f32 v12, $1.600000110e-01  }
0x4f1: {  	v12 =	vmpcnt.ones.xlane vm11  }
0x4f2: {  	s15 =	spop (v2sf)  }
0x4f3: {  	s9 =	sadd.s32 s9, s15;
	(v2sf) =	vpush v12, $0x0  }
0x4f4: {  	s16 =	sadd.s32 $0x20, s5;
	p0 =	slt.s32 s9, $0x100;
	s11 =	smov.u32 s9  }
0x4f5: {  	v41 =	vor.u32 s16, v8;
	s11 =	simm.s32 @!p0 $0x100  }
0x4f6: {  	[tilespmem:s11+$0x6400] =	vst.msk vm11, v41  }
0x4f7: {  	v12 =	vld [tilespmem:s8+$0x10]  }
0x4f8: {  	v42 =	vld [tilespmem:s6+$0x10];
	_ =	sdelay $0x1  }
0x4f9: {  	v43 =	vld [tilespmem:s7+$0x10];
	_ =	sdelay $0x2  }
0x4fa: {  	v11 =	vsub.f32 v12, v11;
	v9 =	vsub.f32 v42, v9;
	_ =	sdelay $0x1  }
0x4fb: {  	v10 =	vsub.f32 v43, v10;
	v11 =	vmul.f32 v11, v11;
	v9 =	vmul.f32 v9, v9;
	_ =	sdelay $0x1  }
0x4fc: {  	v10 =	vmul.f32 v10, v10;
	v9 =	vadd.f32 v11, v9  }
0x4fd: {  	s10 =	spop (v2sf)  }
0x4fe: {  	v9 =	vadd.f32 v10, v9;
	s6 =	sadd.s32 s9, s10  }
0x4ff: {  	s5 =	sadd.s32 $0x30, s5;
	p0 =	slt.s32 s6, $0x100  }
0x500: {  	vm12 =	vle.f32 v9, $1.600000110e-01;
	v9 =	vor.u32 s5, v8;
	s6 =	simm.s32 @!p0 $0x100  }
0x501: {  	[tilespmem:s6+$0x6400] =	vst.msk vm12, v9  }
0x502: {  	v9 =	vld [tilespmem:$0x6400]  }
0x503: {  	v10 =	vld [tilespmem:$0x6410]  }
0x504: {  	v11 =	vld [tilespmem:$0x6420]  }
0x505: {  	v44 =	vmpcnt.ones.xlane vm12;
	v45 =	vld [tilespmem:$0x6430]  }
0x506: {  	v46 =	vld [tilespmem:$0x6440]  }
0x507: {  	(v2sf) =	vpush v44, $0x0;
	[tilespmem:$0x6580] =	vst v9;
	v9 =	vld [tilespmem:$0x6450]  }
0x508: {  	v47 =	vld [tilespmem:$0x6480];
	[tilespmem:$0x6590] =	vst v10  }
0x509: {  	v48 =	vld [tilespmem:$0x6490];
	[tilespmem:$0x65A0] =	vst v11  }
0x50a: {  	v10 =	vld [tilespmem:$0x6460];
	[tilespmem:$0x65B0] =	vst v45  }
0x50b: {  	v11 =	vld [tilespmem:$0x6470];
	[tilespmem:$0x65C0] =	vst v46  }
0x50c: {  	[tilespmem:$0x65D0] =	vst v9;
	v9 =	vld [tilespmem:$0x64A0]  }
0x50d: {  	v49 =	vld [tilespmem:$0x64D0];
	[tilespmem:$0x6600] =	vst v47  }
0x50e: {  	v50 =	vld [tilespmem:$0x64E0];
	[tilespmem:$0x6610] =	vst v48  }
0x50f: {  	[tilespmem:$0x65E0] =	vst v10;
	v10 =	vld [tilespmem:$0x64B0]  }
0x510: {  	[tilespmem:$0x65F0] =	vst v11;
	v11 =	vld [tilespmem:$0x64C0]  }
0x511: {  	[tilespmem:$0x6620] =	vst v9;
	v9 =	vld [tilespmem:$0x64F0]  }
0x512: {  	[tilespmem:$0x6650] =	vst v49  }
0x513: {  	[tilespmem:$0x6660] =	vst v50  }
0x514: {  	[tilespmem:$0x6630] =	vst v10  }
0x515: {  	[tilespmem:$0x6640] =	vst v11  }
0x516: {  	s11 =	spop (v2sf);
	[tilespmem:$0x6670] =	vst v9  }
0x517: {  	_ =	swait.ge [sflag:s22], $0x8000  }
0x518: {  	[sflag:s22] =	ssyncset.done $0x0  }
0x519: {  	[sflag:s22] =	ssyncadd.s32 $0xFFFF8000  }
0x51a: {  	[tilespmem:s3], [sflag:$0x1] =	stream.indirect.gather [hbm4b:s19+s28], $0x80, s29, s28, $0xb8;
	[tilespmem:$0x16680] =	vst v63  }
0x51b: {  	_ = 	snop  }
0x51c: {  	[tilespmem:s21], [sflag:$0x1] =	stream.indirect.gather [hbm4b:s19+s28], $0x80, s31, s28, $0xb8;
	[tilespmem:$0x16680] =	vst v63  }
0x51d: {  	_ =	swait.ge [sflag:s2], $0x4000  }
0x51e: {  	[sflag:s2] =	ssyncset.done $0x0  }
0x51f: {  	[sflag:s2] =	ssyncadd.s32 $0xFFFFC000  }
0x520: {  	_ =	swait.ge [sflag:s2], $0x4000  }
0x521: {  	[sflag:s2] =	ssyncset.done $0x0  }
0x522: {  	s5 =	simm.s32 $0x0;
	s12 =	rddreg [dreg:$0xb];
	[sflag:s2] =	ssyncadd.s32 $0xFFFFC000  }
0x523: {  	[hbm4b:s12+s5] =	stream.linear.scatter [tilespmem:s3], [sflag:$0x2], $0x8000, $0x38;
	[tilespmem:$0x16680] =	vst v63  }
0x524: {  	v51 =	vld.idx.msk [tilespmem:v7+s26+$0x0], $0xffff;
	_ =	sdelay $0x2  }
0x525: {  	v9 =	vld.idx.msk [tilespmem:v7+s23+$0x0], $0xffff  }
0x526: {  	v11 =	vld.idx.msk [tilespmem:v7+s24+$0x0], $0xffff  }
0x527: {  	v10 =	vld.idx.msk [tilespmem:v7+s25+$0x0], $0xffff;
	[tilespmem:$0x6400] =	vst v51  }
0x528: {  	[tilespmem:$0x6410] =	vst v51  }
0x529: {  	[tilespmem:$0x6420] =	vst v51  }
0x52a: {  	[tilespmem:$0x6430] =	vst v51  }
0x52b: {  	[tilespmem:$0x6440] =	vst v51  }
0x52c: {  	[tilespmem:$0x6450] =	vst v51  }
0x52d: {  	[tilespmem:$0x6460] =	vst v51  }
0x52e: {  	[tilespmem:$0x6470] =	vst v51  }
0x52f: {  	[tilespmem:$0x6480] =	vst v51  }
0x530: {  	[tilespmem:$0x6490] =	vst v51  }
0x531: {  	[tilespmem:$0x64A0] =	vst v51  }
0x532: {  	[tilespmem:$0x64B0] =	vst v51  }
0x533: {  	[tilespmem:$0x64C0] =	vst v51  }
0x534: {  	[tilespmem:$0x64D0] =	vst v51  }
0x535: {  	[tilespmem:$0x64E0] =	vst v51  }
0x536: {  	[tilespmem:$0x64F0] =	vst v51  }
0x537: {  	[tilespmem:$0x6500] =	vst v51  }
0x538: {  	s10 =	simm.s32 $0x2020;
	[tilespmem:$0x6510] =	vst v51  }
0x539: {  	s9 =	simm.s32 $0x20;
	v12 =	vld [tilespmem:s10+$0xFFFFFFE0]  }
0x53a: {  	v52 =	vld [tilespmem:s9+$0xFFFFFFE0]  }
0x53b: {  	s11 =	simm.s32 $0x4020  }
0x53c: {  	v53 =	vld [tilespmem:s11+$0xFFFFFFE0];
	_ =	sdelay $0x2  }
0x53d: {  	v12 =	vsub.f32 v12, v11;
	v13 =	vsub.f32 v52, v9;
	_ =	sdelay $0x1  }
0x53e: {  	v14 =	vsub.f32 v53, v10;
	v13 =	vmul.f32 v13, v13;
	v12 =	vmul.f32 v12, v12;
	_ =	sdelay $0x1  }
0x53f: {  	v54 =	vmul.f32 v14, v14;
	v12 =	vadd.f32 v12, v13;
	_ =	sdelay $0x1  }
0x540: {  	v12 =	vadd.f32 v54, v12;
	_ =	sdelay $0x1  }
0x541: {  	vm13 =	vle.f32 v12, $1.600000110e-01  }
0x542: {  	v12 =	vmpcnt.ones.xlane vm13  }
0x543: {  	p0 =	por $0x1, $0x1;
	s6 =	simm.s32 $0x0  }
0x544: {  	v55 =	vor.u32 s5, v8;
	s6 =	simm.s32 @!p0 $0x100;
	(v2sf) =	vpush v12, $0x0  }
0x545: {  	[tilespmem:s6+$0x6400] =	vst.msk vm13, v55  }
0x546: {  	v56 =	vld [tilespmem:s9+$0xFFFFFFF0]  }
0x547: {  	v13 =	vld [tilespmem:s10+$0xFFFFFFF0];
	_ =	sdelay $0x1  }
0x548: {  	v57 =	vld [tilespmem:s11+$0xFFFFFFF0];
	_ =	sdelay $0x2  }
0x549: {  	v12 =	vsub.f32 v56, v9;
	v13 =	vsub.f32 v13, v11;
	_ =	sdelay $0x1  }
0x54a: {  	v14 =	vsub.f32 v57, v10;
	v12 =	vmul.f32 v12, v12;
	v13 =	vmul.f32 v13, v13;
	_ =	sdelay $0x1  }
0x54b: {  	v58 =	vmul.f32 v14, v14;
	v12 =	vadd.f32 v13, v12;
	_ =	sdelay $0x1  }
0x54c: {  	v12 =	vadd.f32 v58, v12  }
0x54d: {  	s13 =	spop (v2sf)  }
0x54e: {  	vm14 =	vle.f32 v12, $1.600000110e-01;
	s6 =	sadd.s32 $0x0, s13  }
0x54f: {  	s14 =	simm.s32 $0x10;
	v12 =	vmpcnt.ones.xlane vm14;
	p0 =	slt.s32 s6, $0x100;
	s8 =	smov.u32 s6  }
0x550: {  	v59 =	vor.u32 s14, v8;
	s8 =	simm.s32 @!p0 $0x100  }
0x551: {  	(v2sf) =	vpush v12, $0x0;
	[tilespmem:s8+$0x6400] =	vst.msk vm14, v59  }
0x552: {  	v60 =	vld [tilespmem:s9+$0x0]  }
0x553: {  	v13 =	vld [tilespmem:s10+$0x0];
	_ =	sdelay $0x1  }
0x554: {  	v61 =	vld [tilespmem:s11+$0x0];
	_ =	sdelay $0x2  }
0x555: {  	v12 =	vsub.f32 v60, v9;
	v13 =	vsub.f32 v13, v11;
	_ =	sdelay $0x1  }
0x556: {  	v14 =	vsub.f32 v61, v10;
	v12 =	vmul.f32 v12, v12;
	v13 =	vmul.f32 v13, v13;
	_ =	sdelay $0x1  }
0x557: {  	v62 =	vmul.f32 v14, v14;
	v12 =	vadd.f32 v13, v12;
	_ =	sdelay $0x1  }
0x558: {  	v12 =	vadd.f32 v62, v12;
	_ =	sdelay $0x1  }
0x559: {  	s15 =	spop (v2sf);
	vm15 =	vle.f32 v12, $1.600000110e-01  }
0x55a: {  	s14 =	sadd.s32 s6, s15;
	v12 =	vmpcnt.ones.xlane vm15  }
0x55b: {  	s16 =	simm.s32 $0x20;
	p0 =	slt.s32 s14, $0x100;
	s15 =	smov.u32 s14  }
0x55c: {  	v63 =	vor.u32 s16, v8;
	s7 =	simm.s32 $0x4060;
	s12 =	simm.s32 $0x30;
	s15 =	simm.s32 @!p0 $0x100;
	(v2sf) =	vpush v12, $0x0  }
0x55d: {  	s13 =	simm.s32 $0x4;
	s8 =	simm.s32 $0x2060;
	s6 =	simm.s32 $0x60;
	[tilespmem:s15+$0x6400] =	vst.msk vm15, v63  }
.LBB2_14:
0x55e: {  	s13 =	sadd.s32 $0x4, s13;
	v12 =	vld [tilespmem:s10+$0x10];
	s5 =	sadd.s32 $0x40, s5;
	s10 =	smov.u32 s8  }
0x55f: {  	p0 =	slt.u32 s13, $0x1FC;
	s15 =	sadd.s32 $0x30, s5;
	v13 =	vld [tilespmem:s9+$0x10];
	s9 =	smov.u32 s6  }
0x560: {  	_ = 	snop  }
0x561: {  	v14 =	vld [tilespmem:s11+$0x10];
	s11 =	smov.u32 s7;
	_ =	sdelay $0x1  }
0x562: {  	v12 =	vsub.f32 v12, v11  }
0x563: {  	v13 =	vsub.f32 v13, v9  }
0x564: {  	v12 =	vmul.f32 v12, v12  }
0x565: {  	v14 =	vsub.f32 v14, v10;
	v13 =	vmul.f32 v13, v13;
	_ =	sdelay $0x1  }
0x566: {  	v12 =	vadd.f32 v12, v13;
	v13 =	vmul.f32 v14, v14;
	_ =	sdelay $0x1  }
0x567: {  	v12 =	vadd.f32 v13, v12  }
0x568: {  	s16 =	spop (v2sf)  }
0x569: {  	s14 =	sadd.s32 s14, s16;
	vm0 =	vle.f32 v12, $1.600000110e-01  }
0x56a: {  	p1 =	slt.s32 s14, $0x100;
	v12 =	vmpcnt.ones.xlane vm0;
	s16 =	smov.u32 s14  }
0x56b: {  	v13 =	vor.u32 s12, v8;
	s12 =	smov.u32 s15;
	s16 =	simm.s32 @!p1 $0x100  }
0x56c: {  	[tilespmem:s16+$0x6400] =	vst.msk vm0, v13;
	(v2sf) =	vpush v12, $0x0  }
0x56d: {  	v12 =	vld [tilespmem:s8+$0xFFFFFFE0]  }
0x56e: {  	v13 =	vld [tilespmem:s6+$0xFFFFFFE0];
	_ =	sdelay $0x1  }
0x56f: {  	v14 =	vld [tilespmem:s7+$0xFFFFFFE0];
	_ =	sdelay $0x1  }
0x570: {  	v12 =	vsub.f32 v12, v11  }
0x571: {  	v13 =	vsub.f32 v13, v9;
	_ =	sdelay $0x1  }
0x572: {  	v12 =	vmul.f32 v12, v12;
	v14 =	vsub.f32 v14, v10;
	v13 =	vmul.f32 v13, v13;
	_ =	sdelay $0x1  }
0x573: {  	v12 =	vadd.f32 v12, v13;
	v13 =	vmul.f32 v14, v14;
	_ =	sdelay $0x1  }
0x574: {  	v12 =	vadd.f32 v13, v12;
	_ =	sdelay $0x1  }
0x575: {  	vm0 =	vle.f32 v12, $1.600000110e-01;
	s15 =	spop (v2sf)  }
0x576: {  	v12 =	vmpcnt.ones.xlane vm0;
	s14 =	sadd.s32 s14, s15  }
0x577: {  	p1 =	slt.s32 s14, $0x100;
	s15 =	smov.u32 s14  }
0x578: {  	v13 =	vor.u32 s5, v8;
	s15 =	simm.s32 @!p1 $0x100;
	(v2sf) =	vpush v12, $0x0  }
0x579: {  	[tilespmem:s15+$0x6400] =	vst.msk vm0, v13  }
0x57a: {  	v12 =	vld [tilespmem:s6+$0xFFFFFFF0]  }
0x57b: {  	v13 =	vld [tilespmem:s8+$0xFFFFFFF0];
	_ =	sdelay $0x1  }
0x57c: {  	v14 =	vld [tilespmem:s7+$0xFFFFFFF0];
	_ =	sdelay $0x1  }
0x57d: {  	v12 =	vsub.f32 v12, v9  }
0x57e: {  	v13 =	vsub.f32 v13, v11;
	_ =	sdelay $0x1  }
0x57f: {  	v12 =	vmul.f32 v12, v12;
	v14 =	vsub.f32 v14, v10;
	v13 =	vmul.f32 v13, v13;
	_ =	sdelay $0x1  }
0x580: {  	v12 =	vadd.f32 v13, v12;
	v13 =	vmul.f32 v14, v14;
	_ =	sdelay $0x1  }
0x581: {  	v12 =	vadd.f32 v13, v12  }
0x582: {  	s15 =	spop (v2sf)  }
0x583: {  	s14 =	sadd.s32 s14, s15;
	vm0 =	vle.f32 v12, $1.600000110e-01  }
0x584: {  	s15 =	sadd.s32 $0x10, s5;
	p1 =	slt.s32 s14, $0x100;
	v12 =	vmpcnt.ones.xlane vm0;
	s16 =	smov.u32 s14  }
0x585: {  	v13 =	vor.u32 s15, v8;
	s16 =	simm.s32 @!p1 $0x100  }
0x586: {  	[tilespmem:s16+$0x6400] =	vst.msk vm0, v13;
	(v2sf) =	vpush v12, $0x0  }
0x587: {  	v12 =	vld [tilespmem:s6+$0x0]  }
0x588: {  	v13 =	vld [tilespmem:s8+$0x0];
	_ =	sdelay $0x1  }
0x589: {  	v14 =	vld [tilespmem:s7+$0x0];
	_ =	sdelay $0x1  }
0x58a: {  	v12 =	vsub.f32 v12, v9  }
0x58b: {  	v13 =	vsub.f32 v13, v11  }
0x58c: {  	s6 =	sadd.s32 $0x40, s6;
	v12 =	vmul.f32 v12, v12  }
0x58d: {  	v14 =	vsub.f32 v14, v10;
	v13 =	vmul.f32 v13, v13  }
0x58e: {  	s8 =	sadd.s32 $0x40, s8  }
0x58f: {  	v12 =	vadd.f32 v13, v12;
	v13 =	vmul.f32 v14, v14  }
0x590: {  	s7 =	sadd.s32 $0x40, s7  }
0x591: {  	v12 =	vadd.f32 v13, v12;
	_ =	sdelay $0x1  }
.Ltmp6:
0x592: {  	vm0 =	vle.f32 v12, $1.600000110e-01;
	s15 =	spop (v2sf);
	(pc) =	sbr.rel @p0 .LBB2_14-.Ltmp6, $4  }
0x593: {  	s14 =	sadd.s32 s14, s15;
	v12 =	vmpcnt.ones.xlane vm0  }
0x594: {  	s15 =	sadd.s32 $0x20, s5;
	p1 =	slt.s32 s14, $0x100;
	s16 =	smov.u32 s14  }
0x595: {  	v13 =	vor.u32 s15, v8;
	s16 =	simm.s32 @!p1 $0x100;
	(v2sf) =	vpush v12, $0x0  }
0x596: {  	[tilespmem:s16+$0x6400] =	vst.msk vm0, v13  }
0x597: {  	_ =	sdelay $0x1  }
0x598: {  	v12 =	vld [tilespmem:s10+$0x10]  }
0x599: {  	v13 =	vld [tilespmem:s9+$0x10];
	_ =	sdelay $0x1  }
0x59a: {  	v14 =	vld [tilespmem:s11+$0x10];
	_ =	sdelay $0x2  }
0x59b: {  	v12 =	vsub.f32 v12, v11;
	v13 =	vsub.f32 v13, v9;
	_ =	sdelay $0x1  }
0x59c: {  	v14 =	vsub.f32 v14, v10;
	v12 =	vmul.f32 v12, v12;
	v13 =	vmul.f32 v13, v13;
	_ =	sdelay $0x1  }
0x59d: {  	v26 =	vmul.f32 v14, v14;
	v12 =	vadd.f32 v12, v13  }
0x59e: {  	s11 =	spop (v2sf)  }
0x59f: {  	v12 =	vadd.f32 v26, v12;
	s9 =	sadd.s32 s14, s11  }
0x5a0: {  	p0 =	slt.s32 s9, $0x100;
	s10 =	smov.u32 s9  }
0x5a1: {  	v27 =	vor.u32 s12, v8;
	vm0 =	vle.f32 v12, $1.600000110e-01;
	s10 =	simm.s32 @!p0 $0x100  }
0x5a2: {  	v28 =	vmpcnt.ones.xlane vm0;
	[tilespmem:s10+$0x6400] =	vst.msk vm0, v27  }
0x5a3: {  	v12 =	vld [tilespmem:s8+$0xFFFFFFE0]  }
0x5a4: {  	(v2sf) =	vpush v28, $0x0;
	v29 =	vld [tilespmem:s6+$0xFFFFFFE0];
	_ =	sdelay $0x1  }
0x5a5: {  	v30 =	vld [tilespmem:s7+$0xFFFFFFE0];
	_ =	sdelay $0x2  }
0x5a6: {  	v12 =	vsub.f32 v12, v11;
	v13 =	vsub.f32 v29, v9;
	_ =	sdelay $0x1  }
0x5a7: {  	v14 =	vsub.f32 v30, v10;
	v13 =	vmul.f32 v13, v13;
	v12 =	vmul.f32 v12, v12;
	_ =	sdelay $0x1  }
0x5a8: {  	v31 =	vmul.f32 v14, v14;
	v12 =	vadd.f32 v12, v13;
	_ =	sdelay $0x1  }
0x5a9: {  	v12 =	vadd.f32 v31, v12;
	_ =	sdelay $0x1  }
0x5aa: {  	vm9 =	vle.f32 v12, $1.600000110e-01  }
0x5ab: {  	v12 =	vmpcnt.ones.xlane vm9  }
0x5ac: {  	s12 =	spop (v2sf)  }
0x5ad: {  	s9 =	sadd.s32 s9, s12;
	(v2sf) =	vpush v12, $0x0  }
0x5ae: {  	s5 =	sadd.s32 $0x40, s5;
	p0 =	slt.s32 s9, $0x100;
	s10 =	smov.u32 s9  }
0x5af: {  	v32 =	vor.u32 s5, v8;
	s10 =	simm.s32 @!p0 $0x100  }
0x5b0: {  	[tilespmem:s10+$0x6400] =	vst.msk vm9, v32  }
0x5b1: {  	v12 =	vld [tilespmem:s6+$0xFFFFFFF0]  }
0x5b2: {  	v33 =	vld [tilespmem:s8+$0xFFFFFFF0];
	_ =	sdelay $0x1  }
0x5b3: {  	v34 =	vld [tilespmem:s7+$0xFFFFFFF0];
	_ =	sdelay $0x2  }
0x5b4: {  	v12 =	vsub.f32 v12, v9;
	v13 =	vsub.f32 v33, v11;
	_ =	sdelay $0x1  }
0x5b5: {  	v14 =	vsub.f32 v34, v10;
	v12 =	vmul.f32 v12, v12;
	v13 =	vmul.f32 v13, v13;
	_ =	sdelay $0x1  }
0x5b6: {  	v35 =	vmul.f32 v14, v14;
	v12 =	vadd.f32 v13, v12  }
0x5b7: {  	s13 =	spop (v2sf)  }
0x5b8: {  	v12 =	vadd.f32 v35, v12;
	s9 =	sadd.s32 s9, s13  }
0x5b9: {  	s14 =	sadd.s32 $0x10, s5;
	p0 =	slt.s32 s9, $0x100;
	s11 =	smov.u32 s9  }
0x5ba: {  	v36 =	vor.u32 s14, v8;
	vm10 =	vle.f32 v12, $1.600000110e-01;
	s11 =	simm.s32 @!p0 $0x100  }
0x5bb: {  	v37 =	vmpcnt.ones.xlane vm10;
	[tilespmem:s11+$0x6400] =	vst.msk vm10, v36  }
0x5bc: {  	v12 =	vld [tilespmem:s6+$0x0]  }
0x5bd: {  	(v2sf) =	vpush v37, $0x0;
	v38 =	vld [tilespmem:s8+$0x0];
	_ =	sdelay $0x1  }
0x5be: {  	v39 =	vld [tilespmem:s7+$0x0];
	_ =	sdelay $0x2  }
0x5bf: {  	v12 =	vsub.f32 v12, v9;
	v13 =	vsub.f32 v38, v11;
	_ =	sdelay $0x1  }
0x5c0: {  	v14 =	vsub.f32 v39, v10;
	v12 =	vmul.f32 v12, v12;
	v13 =	vmul.f32 v13, v13;
	_ =	sdelay $0x1  }
0x5c1: {  	v40 =	vmul.f32 v14, v14;
	v12 =	vadd.f32 v13, v12;
	_ =	sdelay $0x1  }
0x5c2: {  	v12 =	vadd.f32 v40, v12;
	_ =	sdelay $0x1  }
0x5c3: {  	vm11 =	vle.f32 v12, $1.600000110e-01  }
0x5c4: {  	v12 =	vmpcnt.ones.xlane vm11  }
0x5c5: {  	s15 =	spop (v2sf)  }
0x5c6: {  	s9 =	sadd.s32 s9, s15;
	(v2sf) =	vpush v12, $0x0  }
0x5c7: {  	s16 =	sadd.s32 $0x20, s5;
	p0 =	slt.s32 s9, $0x100;
	s11 =	smov.u32 s9  }
0x5c8: {  	v41 =	vor.u32 s16, v8;
	s11 =	simm.s32 @!p0 $0x100  }
0x5c9: {  	[tilespmem:s11+$0x6400] =	vst.msk vm11, v41  }
0x5ca: {  	v12 =	vld [tilespmem:s8+$0x10]  }
0x5cb: {  	v42 =	vld [tilespmem:s6+$0x10];
	_ =	sdelay $0x1  }
0x5cc: {  	v43 =	vld [tilespmem:s7+$0x10];
	_ =	sdelay $0x2  }
0x5cd: {  	v11 =	vsub.f32 v12, v11;
	v9 =	vsub.f32 v42, v9;
	_ =	sdelay $0x1  }
0x5ce: {  	v10 =	vsub.f32 v43, v10;
	v11 =	vmul.f32 v11, v11;
	v9 =	vmul.f32 v9, v9;
	_ =	sdelay $0x1  }
0x5cf: {  	v10 =	vmul.f32 v10, v10;
	v9 =	vadd.f32 v11, v9  }
0x5d0: {  	s10 =	spop (v2sf)  }
0x5d1: {  	v9 =	vadd.f32 v10, v9;
	s6 =	sadd.s32 s9, s10  }
0x5d2: {  	s5 =	sadd.s32 $0x30, s5;
	p0 =	slt.s32 s6, $0x100  }
0x5d3: {  	vm12 =	vle.f32 v9, $1.600000110e-01;
	v9 =	vor.u32 s5, v8;
	s6 =	simm.s32 @!p0 $0x100  }
0x5d4: {  	[tilespmem:s6+$0x6400] =	vst.msk vm12, v9  }
0x5d5: {  	v9 =	vld [tilespmem:$0x6400]  }
0x5d6: {  	v10 =	vld [tilespmem:$0x6410]  }
0x5d7: {  	v11 =	vld [tilespmem:$0x6420]  }
0x5d8: {  	v44 =	vmpcnt.ones.xlane vm12;
	v45 =	vld [tilespmem:$0x6430]  }
0x5d9: {  	v46 =	vld [tilespmem:$0x6440]  }
0x5da: {  	(v2sf) =	vpush v44, $0x0;
	[tilespmem:$0x6580] =	vst v9;
	v9 =	vld [tilespmem:$0x6450]  }
0x5db: {  	v47 =	vld [tilespmem:$0x6480];
	[tilespmem:$0x6590] =	vst v10  }
0x5dc: {  	v48 =	vld [tilespmem:$0x6490];
	[tilespmem:$0x65A0] =	vst v11  }
0x5dd: {  	v10 =	vld [tilespmem:$0x6460];
	[tilespmem:$0x65B0] =	vst v45  }
0x5de: {  	v11 =	vld [tilespmem:$0x6470];
	[tilespmem:$0x65C0] =	vst v46  }
0x5df: {  	[tilespmem:$0x65D0] =	vst v9;
	v9 =	vld [tilespmem:$0x64A0]  }
0x5e0: {  	v49 =	vld [tilespmem:$0x64D0];
	[tilespmem:$0x6600] =	vst v47  }
0x5e1: {  	v50 =	vld [tilespmem:$0x64E0];
	[tilespmem:$0x6610] =	vst v48  }
0x5e2: {  	[tilespmem:$0x65E0] =	vst v10;
	v10 =	vld [tilespmem:$0x64B0]  }
0x5e3: {  	[tilespmem:$0x65F0] =	vst v11;
	v11 =	vld [tilespmem:$0x64C0]  }
0x5e4: {  	[tilespmem:$0x6620] =	vst v9;
	v9 =	vld [tilespmem:$0x64F0]  }
0x5e5: {  	[tilespmem:$0x6650] =	vst v49  }
0x5e6: {  	[tilespmem:$0x6660] =	vst v50  }
0x5e7: {  	[tilespmem:$0x6630] =	vst v10  }
0x5e8: {  	[tilespmem:$0x6640] =	vst v11  }
0x5e9: {  	s11 =	spop (v2sf);
	[tilespmem:$0x6670] =	vst v9  }
0x5ea: {  	_ =	swait.ge [sflag:s22], $0x8000  }
0x5eb: {  	[sflag:s22] =	ssyncset.done $0x0  }
0x5ec: {  	[sflag:s22] =	ssyncadd.s32 $0xFFFF8000  }
0x5ed: {  	[tilespmem:s30], [sflag:$0x1] =	stream.indirect.gather [hbm4b:s19+s28], $0x80, s29, s28, $0xb8;
	[tilespmem:$0x16680] =	vst v63  }
0x5ee: {  	_ = 	snop  }
0x5ef: {  	[tilespmem:s0], [sflag:$0x1] =	stream.indirect.gather [hbm4b:s19+s28], $0x80, s31, s28, $0xb8;
	[tilespmem:$0x16680] =	vst v63  }
0x5f0: {  	_ =	swait.ge [sflag:s2], $0x4000  }
0x5f1: {  	[sflag:s2] =	ssyncset.done $0x0  }
0x5f2: {  	[sflag:s2] =	ssyncadd.s32 $0xFFFFC000  }
0x5f3: {  	_ =	swait.ge [sflag:s2], $0x4000  }
0x5f4: {  	[sflag:s2] =	ssyncset.done $0x0  }
0x5f5: {  	s5 =	simm.s32 $0x0;
	s12 =	rddreg [dreg:$0xc];
	[sflag:s2] =	ssyncadd.s32 $0xFFFFC000  }
0x5f6: {  	[hbm4b:s12+s5] =	stream.linear.scatter [tilespmem:s30], [sflag:$0x2], $0x8000, $0x38;
	[tilespmem:$0x16680] =	vst v63  }
0x5f7: {  	v51 =	vld.idx.msk [tilespmem:v3+s26+$0x0], $0xffff;
	_ =	sdelay $0x2  }
0x5f8: {  	v9 =	vld.idx.msk [tilespmem:v3+s23+$0x0], $0xffff  }
0x5f9: {  	v11 =	vld.idx.msk [tilespmem:v3+s24+$0x0], $0xffff  }
0x5fa: {  	v10 =	vld.idx.msk [tilespmem:v3+s25+$0x0], $0xffff;
	[tilespmem:$0x6400] =	vst v51  }
0x5fb: {  	[tilespmem:$0x6410] =	vst v51  }
0x5fc: {  	[tilespmem:$0x6420] =	vst v51  }
0x5fd: {  	[tilespmem:$0x6430] =	vst v51  }
0x5fe: {  	[tilespmem:$0x6440] =	vst v51  }
0x5ff: {  	[tilespmem:$0x6450] =	vst v51  }
0x600: {  	[tilespmem:$0x6460] =	vst v51  }
0x601: {  	[tilespmem:$0x6470] =	vst v51  }
0x602: {  	[tilespmem:$0x6480] =	vst v51  }
0x603: {  	[tilespmem:$0x6490] =	vst v51  }
0x604: {  	[tilespmem:$0x64A0] =	vst v51  }
0x605: {  	[tilespmem:$0x64B0] =	vst v51  }
0x606: {  	[tilespmem:$0x64C0] =	vst v51  }
0x607: {  	[tilespmem:$0x64D0] =	vst v51  }
0x608: {  	[tilespmem:$0x64E0] =	vst v51  }
0x609: {  	[tilespmem:$0x64F0] =	vst v51  }
0x60a: {  	[tilespmem:$0x6500] =	vst v51  }
0x60b: {  	s10 =	simm.s32 $0x2020;
	[tilespmem:$0x6510] =	vst v51  }
0x60c: {  	s9 =	simm.s32 $0x20;
	v12 =	vld [tilespmem:s10+$0xFFFFFFE0]  }
0x60d: {  	v52 =	vld [tilespmem:s9+$0xFFFFFFE0]  }
0x60e: {  	s11 =	simm.s32 $0x4020  }
0x60f: {  	v53 =	vld [tilespmem:s11+$0xFFFFFFE0];
	_ =	sdelay $0x2  }
0x610: {  	v12 =	vsub.f32 v12, v11;
	v13 =	vsub.f32 v52, v9;
	_ =	sdelay $0x1  }
0x611: {  	v14 =	vsub.f32 v53, v10;
	v13 =	vmul.f32 v13, v13;
	v12 =	vmul.f32 v12, v12;
	_ =	sdelay $0x1  }
0x612: {  	v54 =	vmul.f32 v14, v14;
	v12 =	vadd.f32 v12, v13;
	_ =	sdelay $0x1  }
0x613: {  	v12 =	vadd.f32 v54, v12;
	_ =	sdelay $0x1  }
0x614: {  	vm13 =	vle.f32 v12, $1.600000110e-01  }
0x615: {  	v12 =	vmpcnt.ones.xlane vm13  }
0x616: {  	p0 =	por $0x1, $0x1;
	s6 =	simm.s32 $0x0  }
0x617: {  	v55 =	vor.u32 s5, v8;
	s6 =	simm.s32 @!p0 $0x100;
	(v2sf) =	vpush v12, $0x0  }
0x618: {  	[tilespmem:s6+$0x6400] =	vst.msk vm13, v55  }
0x619: {  	v56 =	vld [tilespmem:s9+$0xFFFFFFF0]  }
0x61a: {  	v13 =	vld [tilespmem:s10+$0xFFFFFFF0];
	_ =	sdelay $0x1  }
0x61b: {  	v57 =	vld [tilespmem:s11+$0xFFFFFFF0];
	_ =	sdelay $0x2  }
0x61c: {  	v12 =	vsub.f32 v56, v9;
	v13 =	vsub.f32 v13, v11;
	_ =	sdelay $0x1  }
0x61d: {  	v14 =	vsub.f32 v57, v10;
	v12 =	vmul.f32 v12, v12;
	v13 =	vmul.f32 v13, v13;
	_ =	sdelay $0x1  }
0x61e: {  	v58 =	vmul.f32 v14, v14;
	v12 =	vadd.f32 v13, v12;
	_ =	sdelay $0x1  }
0x61f: {  	v12 =	vadd.f32 v58, v12  }
0x620: {  	s13 =	spop (v2sf)  }
0x621: {  	vm14 =	vle.f32 v12, $1.600000110e-01;
	s6 =	sadd.s32 $0x0, s13  }
0x622: {  	s14 =	simm.s32 $0x10;
	v12 =	vmpcnt.ones.xlane vm14;
	p0 =	slt.s32 s6, $0x100;
	s8 =	smov.u32 s6  }
0x623: {  	v59 =	vor.u32 s14, v8;
	s8 =	simm.s32 @!p0 $0x100  }
0x624: {  	(v2sf) =	vpush v12, $0x0;
	[tilespmem:s8+$0x6400] =	vst.msk vm14, v59  }
0x625: {  	v60 =	vld [tilespmem:s9+$0x0]  }
0x626: {  	v13 =	vld [tilespmem:s10+$0x0];
	_ =	sdelay $0x1  }
0x627: {  	v61 =	vld [tilespmem:s11+$0x0];
	_ =	sdelay $0x2  }
0x628: {  	v12 =	vsub.f32 v60, v9;
	v13 =	vsub.f32 v13, v11;
	_ =	sdelay $0x1  }
0x629: {  	v14 =	vsub.f32 v61, v10;
	v12 =	vmul.f32 v12, v12;
	v13 =	vmul.f32 v13, v13;
	_ =	sdelay $0x1  }
0x62a: {  	v62 =	vmul.f32 v14, v14;
	v12 =	vadd.f32 v13, v12;
	_ =	sdelay $0x1  }
0x62b: {  	v12 =	vadd.f32 v62, v12;
	_ =	sdelay $0x1  }
0x62c: {  	s15 =	spop (v2sf);
	vm15 =	vle.f32 v12, $1.600000110e-01  }
0x62d: {  	s14 =	sadd.s32 s6, s15;
	v12 =	vmpcnt.ones.xlane vm15  }
0x62e: {  	s16 =	simm.s32 $0x20;
	p0 =	slt.s32 s14, $0x100;
	s15 =	smov.u32 s14  }
0x62f: {  	v63 =	vor.u32 s16, v8;
	s7 =	simm.s32 $0x4060;
	s12 =	simm.s32 $0x30;
	s15 =	simm.s32 @!p0 $0x100;
	(v2sf) =	vpush v12, $0x0  }
0x630: {  	s13 =	simm.s32 $0x4;
	s8 =	simm.s32 $0x2060;
	s6 =	simm.s32 $0x60;
	[tilespmem:s15+$0x6400] =	vst.msk vm15, v63  }
.LBB2_16:
0x631: {  	s13 =	sadd.s32 $0x4, s13;
	v12 =	vld [tilespmem:s10+$0x10];
	s5 =	sadd.s32 $0x40, s5;
	s10 =	smov.u32 s8  }
0x632: {  	p0 =	slt.u32 s13, $0x1FC;
	s15 =	sadd.s32 $0x30, s5;
	v13 =	vld [tilespmem:s9+$0x10];
	s9 =	smov.u32 s6  }
0x633: {  	_ = 	snop  }
0x634: {  	v14 =	vld [tilespmem:s11+$0x10];
	s11 =	smov.u32 s7;
	_ =	sdelay $0x1  }
0x635: {  	v12 =	vsub.f32 v12, v11  }
0x636: {  	v13 =	vsub.f32 v13, v9  }
0x637: {  	v12 =	vmul.f32 v12, v12  }
0x638: {  	v14 =	vsub.f32 v14, v10;
	v13 =	vmul.f32 v13, v13;
	_ =	sdelay $0x1  }
0x639: {  	v12 =	vadd.f32 v12, v13;
	v13 =	vmul.f32 v14, v14;
	_ =	sdelay $0x1  }
0x63a: {  	v12 =	vadd.f32 v13, v12  }
0x63b: {  	s16 =	spop (v2sf)  }
0x63c: {  	s14 =	sadd.s32 s14, s16;
	vm0 =	vle.f32 v12, $1.600000110e-01  }
0x63d: {  	p1 =	slt.s32 s14, $0x100;
	v12 =	vmpcnt.ones.xlane vm0;
	s16 =	smov.u32 s14  }
0x63e: {  	v13 =	vor.u32 s12, v8;
	s12 =	smov.u32 s15;
	s16 =	simm.s32 @!p1 $0x100  }
0x63f: {  	[tilespmem:s16+$0x6400] =	vst.msk vm0, v13;
	(v2sf) =	vpush v12, $0x0  }
0x640: {  	v12 =	vld [tilespmem:s8+$0xFFFFFFE0]  }
0x641: {  	v13 =	vld [tilespmem:s6+$0xFFFFFFE0];
	_ =	sdelay $0x1  }
0x642: {  	v14 =	vld [tilespmem:s7+$0xFFFFFFE0];
	_ =	sdelay $0x1  }
0x643: {  	v12 =	vsub.f32 v12, v11  }
0x644: {  	v13 =	vsub.f32 v13, v9;
	_ =	sdelay $0x1  }
0x645: {  	v12 =	vmul.f32 v12, v12;
	v14 =	vsub.f32 v14, v10;
	v13 =	vmul.f32 v13, v13;
	_ =	sdelay $0x1  }
0x646: {  	v12 =	vadd.f32 v12, v13;
	v13 =	vmul.f32 v14, v14;
	_ =	sdelay $0x1  }
0x647: {  	v12 =	vadd.f32 v13, v12;
	_ =	sdelay $0x1  }
0x648: {  	vm0 =	vle.f32 v12, $1.600000110e-01;
	s15 =	spop (v2sf)  }
0x649: {  	v12 =	vmpcnt.ones.xlane vm0;
	s14 =	sadd.s32 s14, s15  }
0x64a: {  	p1 =	slt.s32 s14, $0x100;
	s15 =	smov.u32 s14  }
0x64b: {  	v13 =	vor.u32 s5, v8;
	s15 =	simm.s32 @!p1 $0x100;
	(v2sf) =	vpush v12, $0x0  }
0x64c: {  	[tilespmem:s15+$0x6400] =	vst.msk vm0, v13  }
0x64d: {  	v12 =	vld [tilespmem:s6+$0xFFFFFFF0]  }
0x64e: {  	v13 =	vld [tilespmem:s8+$0xFFFFFFF0];
	_ =	sdelay $0x1  }
0x64f: {  	v14 =	vld [tilespmem:s7+$0xFFFFFFF0];
	_ =	sdelay $0x1  }
0x650: {  	v12 =	vsub.f32 v12, v9  }
0x651: {  	v13 =	vsub.f32 v13, v11;
	_ =	sdelay $0x1  }
0x652: {  	v12 =	vmul.f32 v12, v12;
	v14 =	vsub.f32 v14, v10;
	v13 =	vmul.f32 v13, v13;
	_ =	sdelay $0x1  }
0x653: {  	v12 =	vadd.f32 v13, v12;
	v13 =	vmul.f32 v14, v14;
	_ =	sdelay $0x1  }
0x654: {  	v12 =	vadd.f32 v13, v12  }
0x655: {  	s15 =	spop (v2sf)  }
0x656: {  	s14 =	sadd.s32 s14, s15;
	vm0 =	vle.f32 v12, $1.600000110e-01  }
0x657: {  	s15 =	sadd.s32 $0x10, s5;
	p1 =	slt.s32 s14, $0x100;
	v12 =	vmpcnt.ones.xlane vm0;
	s16 =	smov.u32 s14  }
0x658: {  	v13 =	vor.u32 s15, v8;
	s16 =	simm.s32 @!p1 $0x100  }
0x659: {  	[tilespmem:s16+$0x6400] =	vst.msk vm0, v13;
	(v2sf) =	vpush v12, $0x0  }
0x65a: {  	v12 =	vld [tilespmem:s6+$0x0]  }
0x65b: {  	v13 =	vld [tilespmem:s8+$0x0];
	_ =	sdelay $0x1  }
0x65c: {  	v14 =	vld [tilespmem:s7+$0x0];
	_ =	sdelay $0x1  }
0x65d: {  	v12 =	vsub.f32 v12, v9  }
0x65e: {  	v13 =	vsub.f32 v13, v11  }
0x65f: {  	s6 =	sadd.s32 $0x40, s6;
	v12 =	vmul.f32 v12, v12  }
0x660: {  	v14 =	vsub.f32 v14, v10;
	v13 =	vmul.f32 v13, v13  }
0x661: {  	s8 =	sadd.s32 $0x40, s8  }
0x662: {  	v12 =	vadd.f32 v13, v12;
	v13 =	vmul.f32 v14, v14  }
0x663: {  	s7 =	sadd.s32 $0x40, s7  }
0x664: {  	v12 =	vadd.f32 v13, v12;
	_ =	sdelay $0x1  }
.Ltmp7:
0x665: {  	vm0 =	vle.f32 v12, $1.600000110e-01;
	s15 =	spop (v2sf);
	(pc) =	sbr.rel @p0 .LBB2_16-.Ltmp7, $4  }
0x666: {  	s14 =	sadd.s32 s14, s15;
	v12 =	vmpcnt.ones.xlane vm0  }
0x667: {  	s15 =	sadd.s32 $0x20, s5;
	p1 =	slt.s32 s14, $0x100;
	s16 =	smov.u32 s14  }
0x668: {  	v13 =	vor.u32 s15, v8;
	s16 =	simm.s32 @!p1 $0x100;
	(v2sf) =	vpush v12, $0x0  }
0x669: {  	[tilespmem:s16+$0x6400] =	vst.msk vm0, v13  }
0x66a: {  	_ =	sdelay $0x1  }
0x66b: {  	v12 =	vld [tilespmem:s10+$0x10]  }
0x66c: {  	v13 =	vld [tilespmem:s9+$0x10];
	_ =	sdelay $0x1  }
0x66d: {  	v14 =	vld [tilespmem:s11+$0x10];
	_ =	sdelay $0x2  }
0x66e: {  	v12 =	vsub.f32 v12, v11;
	v13 =	vsub.f32 v13, v9;
	_ =	sdelay $0x1  }
0x66f: {  	v14 =	vsub.f32 v14, v10;
	v12 =	vmul.f32 v12, v12;
	v13 =	vmul.f32 v13, v13;
	_ =	sdelay $0x1  }
0x670: {  	v39 =	vmul.f32 v14, v14;
	v12 =	vadd.f32 v12, v13  }
0x671: {  	s15 =	spop (v2sf)  }
0x672: {  	v12 =	vadd.f32 v39, v12;
	s9 =	sadd.s32 s14, s15  }
0x673: {  	p0 =	slt.s32 s9, $0x100;
	s10 =	smov.u32 s9  }
0x674: {  	v40 =	vor.u32 s12, v8;
	vm0 =	vle.f32 v12, $1.600000110e-01;
	s10 =	simm.s32 @!p0 $0x100  }
0x675: {  	v41 =	vmpcnt.ones.xlane vm0;
	[tilespmem:s10+$0x6400] =	vst.msk vm0, v40  }
0x676: {  	v12 =	vld [tilespmem:s8+$0xFFFFFFE0]  }
0x677: {  	(v2sf) =	vpush v41, $0x0;
	v42 =	vld [tilespmem:s6+$0xFFFFFFE0];
	_ =	sdelay $0x1  }
0x678: {  	v43 =	vld [tilespmem:s7+$0xFFFFFFE0];
	_ =	sdelay $0x2  }
0x679: {  	v12 =	vsub.f32 v12, v11;
	v13 =	vsub.f32 v42, v9;
	_ =	sdelay $0x1  }
0x67a: {  	v14 =	vsub.f32 v43, v10;
	v13 =	vmul.f32 v13, v13;
	v12 =	vmul.f32 v12, v12;
	_ =	sdelay $0x1  }
0x67b: {  	v44 =	vmul.f32 v14, v14;
	v12 =	vadd.f32 v12, v13;
	_ =	sdelay $0x1  }
0x67c: {  	v12 =	vadd.f32 v44, v12;
	_ =	sdelay $0x1  }
0x67d: {  	vm12 =	vle.f32 v12, $1.600000110e-01  }
0x67e: {  	v12 =	vmpcnt.ones.xlane vm12  }
0x67f: {  	s16 =	spop (v2sf)  }
0x680: {  	s9 =	sadd.s32 s9, s16;
	(v2sf) =	vpush v12, $0x0  }
0x681: {  	s5 =	sadd.s32 $0x40, s5;
	p0 =	slt.s32 s9, $0x100;
	s10 =	smov.u32 s9  }
0x682: {  	v45 =	vor.u32 s5, v8;
	s10 =	simm.s32 @!p0 $0x100  }
0x683: {  	[tilespmem:s10+$0x6400] =	vst.msk vm12, v45  }
0x684: {  	v12 =	vld [tilespmem:s6+$0xFFFFFFF0]  }
0x685: {  	v46 =	vld [tilespmem:s8+$0xFFFFFFF0];
	_ =	sdelay $0x1  }
0x686: {  	v47 =	vld [tilespmem:s7+$0xFFFFFFF0];
	_ =	sdelay $0x2  }
0x687: {  	v12 =	vsub.f32 v12, v9;
	v13 =	vsub.f32 v46, v11;
	_ =	sdelay $0x1  }
0x688: {  	v14 =	vsub.f32 v47, v10;
	v12 =	vmul.f32 v12, v12;
	v13 =	vmul.f32 v13, v13;
	_ =	sdelay $0x1  }
0x689: {  	v48 =	vmul.f32 v14, v14;
	v12 =	vadd.f32 v13, v12  }
0x68a: {  	s11 =	spop (v2sf)  }
0x68b: {  	v12 =	vadd.f32 v48, v12;
	s9 =	sadd.s32 s9, s11  }
0x68c: {  	s12 =	sadd.s32 $0x10, s5;
	p0 =	slt.s32 s9, $0x100;
	s11 =	smov.u32 s9  }
0x68d: {  	v49 =	vor.u32 s12, v8;
	vm13 =	vle.f32 v12, $1.600000110e-01;
	s11 =	simm.s32 @!p0 $0x100  }
0x68e: {  	v50 =	vmpcnt.ones.xlane vm13;
	[tilespmem:s11+$0x6400] =	vst.msk vm13, v49  }
0x68f: {  	v12 =	vld [tilespmem:s6+$0x0]  }
0x690: {  	(v2sf) =	vpush v50, $0x0;
	v51 =	vld [tilespmem:s8+$0x0];
	_ =	sdelay $0x1  }
0x691: {  	v52 =	vld [tilespmem:s7+$0x0];
	_ =	sdelay $0x2  }
0x692: {  	v12 =	vsub.f32 v12, v9;
	v13 =	vsub.f32 v51, v11;
	_ =	sdelay $0x1  }
0x693: {  	v14 =	vsub.f32 v52, v10;
	v12 =	vmul.f32 v12, v12;
	v13 =	vmul.f32 v13, v13;
	_ =	sdelay $0x1  }
0x694: {  	v53 =	vmul.f32 v14, v14;
	v12 =	vadd.f32 v13, v12;
	_ =	sdelay $0x1  }
0x695: {  	v12 =	vadd.f32 v53, v12;
	_ =	sdelay $0x1  }
0x696: {  	vm14 =	vle.f32 v12, $1.600000110e-01  }
0x697: {  	v12 =	vmpcnt.ones.xlane vm14  }
0x698: {  	s13 =	spop (v2sf)  }
0x699: {  	s9 =	sadd.s32 s9, s13;
	(v2sf) =	vpush v12, $0x0  }
0x69a: {  	s14 =	sadd.s32 $0x20, s5;
	p0 =	slt.s32 s9, $0x100;
	s11 =	smov.u32 s9  }
0x69b: {  	v54 =	vor.u32 s14, v8;
	s11 =	simm.s32 @!p0 $0x100  }
0x69c: {  	[tilespmem:s11+$0x6400] =	vst.msk vm14, v54  }
0x69d: {  	v12 =	vld [tilespmem:s8+$0x10]  }
0x69e: {  	v55 =	vld [tilespmem:s6+$0x10];
	_ =	sdelay $0x1  }
0x69f: {  	v56 =	vld [tilespmem:s7+$0x10];
	_ =	sdelay $0x2  }
0x6a0: {  	v11 =	vsub.f32 v12, v11;
	v9 =	vsub.f32 v55, v9;
	_ =	sdelay $0x1  }
0x6a1: {  	v10 =	vsub.f32 v56, v10;
	v11 =	vmul.f32 v11, v11;
	v9 =	vmul.f32 v9, v9;
	_ =	sdelay $0x1  }
0x6a2: {  	v10 =	vmul.f32 v10, v10;
	v9 =	vadd.f32 v11, v9  }
0x6a3: {  	s15 =	spop (v2sf)  }
0x6a4: {  	v9 =	vadd.f32 v10, v9;
	s6 =	sadd.s32 s9, s15  }
0x6a5: {  	s5 =	sadd.s32 $0x30, s5;
	p0 =	slt.s32 s6, $0x100  }
0x6a6: {  	vm15 =	vle.f32 v9, $1.600000110e-01;
	v9 =	vor.u32 s5, v8;
	s6 =	simm.s32 @!p0 $0x100  }
0x6a7: {  	[tilespmem:s6+$0x6400] =	vst.msk vm15, v9  }
0x6a8: {  	v9 =	vld [tilespmem:$0x6400]  }
0x6a9: {  	v10 =	vld [tilespmem:$0x6410]  }
0x6aa: {  	v11 =	vld [tilespmem:$0x6420]  }
0x6ab: {  	v57 =	vmpcnt.ones.xlane vm15;
	v58 =	vld [tilespmem:$0x6430]  }
0x6ac: {  	v59 =	vld [tilespmem:$0x6440]  }
0x6ad: {  	(v2sf) =	vpush v57, $0x0;
	[tilespmem:$0x6580] =	vst v9;
	v9 =	vld [tilespmem:$0x6450]  }
0x6ae: {  	v60 =	vld [tilespmem:$0x6480];
	[tilespmem:$0x6590] =	vst v10  }
0x6af: {  	v61 =	vld [tilespmem:$0x6490];
	[tilespmem:$0x65A0] =	vst v11  }
0x6b0: {  	v10 =	vld [tilespmem:$0x6460];
	[tilespmem:$0x65B0] =	vst v58  }
0x6b1: {  	v11 =	vld [tilespmem:$0x6470];
	[tilespmem:$0x65C0] =	vst v59  }
0x6b2: {  	[tilespmem:$0x65D0] =	vst v9;
	v9 =	vld [tilespmem:$0x64A0]  }
0x6b3: {  	v62 =	vld [tilespmem:$0x64D0];
	[tilespmem:$0x6600] =	vst v60  }
0x6b4: {  	v63 =	vld [tilespmem:$0x64E0];
	[tilespmem:$0x6610] =	vst v61  }
0x6b5: {  	[tilespmem:$0x65E0] =	vst v10;
	v10 =	vld [tilespmem:$0x64B0]  }
0x6b6: {  	[tilespmem:$0x65F0] =	vst v11;
	v11 =	vld [tilespmem:$0x64C0]  }
0x6b7: {  	[tilespmem:$0x6620] =	vst v9;
	v9 =	vld [tilespmem:$0x64F0]  }
0x6b8: {  	[tilespmem:$0x6650] =	vst v62  }
0x6b9: {  	[tilespmem:$0x6660] =	vst v63  }
0x6ba: {  	[tilespmem:$0x6630] =	vst v10  }
0x6bb: {  	[tilespmem:$0x6640] =	vst v11  }
0x6bc: {  	s16 =	spop (v2sf);
	[tilespmem:$0x6670] =	vst v9  }
0x6bd: {  	_ =	swait.ge [sflag:s22], $0x8000  }
0x6be: {  	[sflag:s22] =	ssyncset.done $0x0  }
0x6bf: {  	[sflag:s22] =	ssyncadd.s32 $0xFFFF8000  }
0x6c0: {  	[tilespmem:s3], [sflag:$0x1] =	stream.indirect.gather [hbm4b:s19+s28], $0x80, s29, s28, $0xb8;
	[tilespmem:$0x16680] =	vst v63  }
0x6c1: {  	_ = 	snop  }
0x6c2: {  	[tilespmem:s21], [sflag:$0x1] =	stream.indirect.gather [hbm4b:s19+s28], $0x80, s31, s28, $0xb8;
	[tilespmem:$0x16680] =	vst v63  }
0x6c3: {  	_ =	swait.ge [sflag:s2], $0x4000  }
0x6c4: {  	[sflag:s2] =	ssyncset.done $0x0  }
0x6c5: {  	[sflag:s2] =	ssyncadd.s32 $0xFFFFC000  }
0x6c6: {  	_ =	swait.ge [sflag:s2], $0x4000  }
0x6c7: {  	[sflag:s2] =	ssyncset.done $0x0  }
0x6c8: {  	s1 =	sadd.s32 $0x1, s1;
	s5 =	rddreg [dreg:$0xd];
	[sflag:s2] =	ssyncadd.s32 $0xFFFFC000  }
0x6c9: {  	[hbm4b:s5+s4] =	stream.linear.scatter [tilespmem:s3], [sflag:$0x2], $0x8000, $0x38;
	[tilespmem:$0x16680] =	vst v63  }
0x6ca: {  	p0 =	sne.s32 s1, s17;
	_ =	swait.ge [sflag:s22], $0x8000  }
.Ltmp8:
0x6cb: {  	[sflag:s22] =	ssyncset.done $0x0;
	(pc) =	sbr.rel @p0 .LBB2_1-.Ltmp8, $4  }
0x6cc: {  	[sflag:s22] =	ssyncadd.s32 $0xFFFF8000  }
0x6cd: {  	_ =	swait.ge [sflag:s22], $0x8000  }
0x6ce: {  	[sflag:s22] =	ssyncset.done $0x0  }
0x6cf: {  	[sflag:s22] =	ssyncadd.s32 $0xFFFF8000  }
0x6d0: {  	_ =	sfence.sel $0x180000  }
0x6d1: {  	[bflag:$0x0] =	sbarrier.arrive $0xFFFF  }
0x6d2: {  	_ =	strace $0x90000047  }
0x6d3: {  	s0 =	stileid.u32;
	[bflag:$0x2] =	sbarrier.arrive $0xFFFF  }
0x6d4: {  	p0 =	sne.s32 s0, $0x0;
	s0 =	rddreg [dreg:$0x2]  }
0x6d5: {  	s0 =	sadd.s32 @!p0 $0x100000, s0  }
0x6d6: {  	[sflag:s0] =	ssyncadd.tile.s32 @!p0 $0x1;
	_ =	shalt  }
.Lfunc_end2:
_tile_overlayer_lowered:
.L_overlay_start_2:
0x6d7: {  	(tag) =	ssettag $0x2  }
0x6d8: {  	s0 =	rddreg [dreg:$0x0];
	s2 =	stileid.u32  }
0x6d9: {  	s1 =	rddreg [dreg:$0x1];
	p0 =	sne.s32 s2, $0x0  }
0x6da: {  	s3 =	rddreg [dreg:$0x2];
	[bflag:$0x3] =	sbarrier.arrive $0xFFFF;
	s2 =	simm.s32 @!p0 $0x1C03  }
0x6db: {  	[timem:s3], [sflag:s2] =	dma.local @!p0 [hbm:s0], s1  }
0x6dc: {  	s0 =	simm.s32 @!p0 $0x3  }
0x6dd: {  	_ =	swait.ge @!p0 [sflag:s0], s1  }
0x6de: {  	s1 =	ssub.s32 @!p0 $0x0, s1;
	[sflag:s0] =	ssyncset.done @!p0 $0x0  }
0x6df: {  	[sflag:s0] =	ssyncadd.s32 @!p0 s1  }
0x6e0: {  	[bflag:$0x3] =	sbarrier.arrive $0xFFFF  }
0x6e1: {  	_ =	shalt  }

</sc_bundles>
